<compile_context>
chip_gen: v7x
topology: tpu7x:2x2x1
jax: 0.10.2.dev20260603
libtpu: 0.0.44.dev20260713+nightly
codegen_flags: <defaults>
</compile_context>

<pallas_src>
import jax
import jax.numpy as jnp
import numpy as np
from jax import lax
from jax.experimental import pallas as pl
from jax.experimental.pallas import tpu as pltpu
from jax.experimental.pallas import tpu_sc as plsc

_B = 8
_S = 1048576
_QS = _S // 4
_W = 32768
_NW = _QS // _W
_U = 8
_NB1, _NB2, _NB3 = 2048, 2048, 1024
_MINT = np.int32(-2147483648)


def _ukey(x):
    b = plsc.bitcast(x, jnp.int32)
    return b ^ (lax.shift_right_arithmetic(b, 31) | _MINT)


_HP = _NB1 + 1


def _sc_threshold_body(pred_hbm, r_hbm, out_hbm, wina, winb, hist, flat,
                       gbuf, rv, tstage, sema, semb, sh1, sh2, sh3):
    c = lax.axis_index("c")
    s = lax.axis_index("s")
    row = c * 4 + s // 4
    q = s % 4
    g = s // 4
    lane = lax.iota(jnp.int32, 16)
    laneoff = lane * _HP
    zeros16 = jnp.zeros((16,), jnp.int32)
    ones16 = jnp.ones((16,), jnp.int32)
    bufs = (wina, winb)
    sems = (sema, semb)

    pltpu.sync_copy(r_hbm, rv)
    r = rv[pl.ds(0, 16)][0]

    def zero_hist():
        @plsc.parallel_loop(0, 16 * _HP + 16, 16, unroll=8)
        def _(i):
            hist[pl.ds(i, 16)] = zeros16

    def src(w):
        return pred_hbm.at[row, pl.ds(q * _QS + w * _W, _W)]

    def full_scan(bucket_and_mask):
        def hist_window(win):
            @plsc.parallel_loop(0, _W, 16, unroll=_U)
            def _(i):
                x = win[pl.ds(i, 16)]
                uk = _ukey(x)
                bucket, mask = bucket_and_mask(uk)
                addr = laneoff + bucket
                if mask is None:
                    plsc.addupdate_scatter(hist, [addr], ones16)
                else:
                    plsc.addupdate_scatter(hist, [addr], ones16, mask=mask)

        copies = [pltpu.async_copy(src(0), bufs[0], sems[0]), None]
        for w in range(_NW):
            if w + 1 < _NW:
                copies[(w + 1) % 2] = pltpu.async_copy(
                    src(w + 1), bufs[(w + 1) % 2], sems[(w + 1) % 2])
            copies[w % 2].wait()
            hist_window(bufs[w % 2])

    def finish_pass(nb, shp, r):
        @plsc.parallel_loop(0, nb, 16, unroll=2)
        def _(o):
            acc = hist[pl.ds(o, 16)]
            for l in range(1, 16):
                acc = acc + hist[pl.ds(l * _HP + o, 16)]
            flat[pl.ds(o, 16)] = acc

        pltpu.sync_copy(flat.at[pl.ds(0, _NB1)], shp.at[s])
        plsc.subcore_barrier()
        pltpu.sync_copy(shp.at[pl.ds(g * 4, 4)], gbuf)

        def gsum(j, _):
            o = j * 16
            flat[pl.ds(o, 16)] = (
                gbuf[0, pl.ds(o, 16)] + gbuf[1, pl.ds(o, 16)]
                + gbuf[2, pl.ds(o, 16)] + gbuf[3, pl.ds(o, 16)])
            return 0
        lax.fori_loop(0, nb // 16, gsum, 0)

        rvec = jnp.broadcast_to(r, (16,))

        def ploop(j, carry):
            run, cnt, exm = carry
            v = flat[pl.ds(j * 16, 16)]
            cum = plsc.cumsum(v) + run
            m = cum <= rvec
            cnt = cnt + jnp.where(m, 1, 0)
            exm = jnp.maximum(exm, jnp.where(m, cum, 0))
            run = jnp.broadcast_to(jnp.max(cum), (16,))
            return run, cnt, exm
        _, cnt, exm = lax.fori_loop(0, nb // 16, ploop,
                                    (zeros16, zeros16, zeros16))
        return jnp.sum(cnt), r - jnp.max(exm)

    zero_hist()
    full_scan(lambda uk: (lax.shift_right_logical(uk, 21), None))
    b1, r = finish_pass(_NB1, sh1, r)
    b1v = jnp.broadcast_to(b1, (16,))

    zero_hist()
    full_scan(lambda uk: (lax.shift_right_logical(uk, 10) & jnp.int32(0x7FF),
                          lax.shift_right_logical(uk, 21) == b1v))
    b2, r = finish_pass(_NB2, sh2, r)
    p2v = jnp.broadcast_to(b1 * 2048 + b2, (16,))

    zero_hist()
    full_scan(lambda uk: (uk & jnp.int32(0x3FF),
                          lax.shift_right_logical(uk, 10) == p2v))
    b3, _ = finish_pass(_NB3, sh3, r)

    ukey = b1 * 2097152 + b2 * 1024 + b3
    key = ukey ^ _MINT
    bits = key ^ (lax.shift_right_arithmetic(key, 31)
                  & jnp.int32(0x7FFFFFFF))
    thr = plsc.bitcast(jnp.broadcast_to(bits, (16,)), jnp.float32)

    @pl.when(q == 0)
    def _():
        tstage[pl.ds(0, 16)] = thr
        pltpu.sync_copy(tstage, out_hbm.at[row])


def _sc_threshold(pred, r_arr):
    mesh = plsc.VectorSubcoreMesh(core_axis_name="c", subcore_axis_name="s")
    return pl.kernel(
        _sc_threshold_body,
        out_type=jax.ShapeDtypeStruct((_B, 16), jnp.float32),
        mesh=mesh,
        compiler_params=pltpu.CompilerParams(needs_layout_passes=False),
        scratch_types=[
            pltpu.VMEM((_W,), jnp.float32),
            pltpu.VMEM((_W,), jnp.float32),
            pltpu.VMEM((16 * _HP + 16,), jnp.int32),
            pltpu.VMEM((_NB1 + 16,), jnp.int32),
            pltpu.VMEM((4, _NB1), jnp.int32),
            pltpu.VMEM((16,), jnp.int32),
            pltpu.VMEM((16,), jnp.float32),
            pltpu.SemaphoreType.DMA,
            pltpu.SemaphoreType.DMA,
            pltpu.VMEM_SHARED((16, _NB1), jnp.int32),
            pltpu.VMEM_SHARED((16, _NB1), jnp.int32),
            pltpu.VMEM_SHARED((16, _NB1), jnp.int32),
        ],
    )(pred, r_arr)


def _mask_body(pred_ref, thr_ref, keep_ref, pruned_ref):
    x = pred_ref[...]
    m = x > thr_ref[:, 0:1]
    keep_ref[...] = m
    pruned_ref[...] = jnp.where(m, x, jnp.float32(0.0))


def _masked_outputs(pred, thr, interpret=False):
    B, S = pred.shape
    blk = min(S, 131072)
    return pl.pallas_call(
        _mask_body,
        grid=(S // blk,),
        in_specs=[
            pl.BlockSpec((B, blk), lambda j: (0, j)),
            pl.BlockSpec((B, thr.shape[1]), lambda j: (0, 0)),
        ],
        out_specs=[
            pl.BlockSpec((B, blk), lambda j: (0, j)),
            pl.BlockSpec((B, blk), lambda j: (0, j)),
        ],
        out_shape=[
            jax.ShapeDtypeStruct((B, S), jnp.bool_),
            jax.ShapeDtypeStruct((B, S), jnp.float32),
        ],
        interpret=interpret,
    )(pred, thr)


@jax.jit
def _run(pred, k):
    B, S = pred.shape
    r = jnp.int32(S - 1) - k.astype(jnp.int32)
    thr = _sc_threshold(pred, jnp.full((16,), r, jnp.int32))
    return _masked_outputs(pred, thr)


def kernel(pred, k):
    return _run(pred, jnp.asarray(k))

# --- scband reference (transcript-rebuilt; emitter-appended) ---
"""Pipeline reference for scband-generative-upsample-82944408420602 (READ-ONLY COPY).

The authoritative reference and input builder live on the scoring server;
editing this copy changes nothing except your own understanding.
"""

import jax, jax.numpy as jnp
import numpy as np

# Faithful JAX translation of GenerativeUpsample.get_keep (loss_type='BCE') plus the
# subsequent pruning step (MinkowskiPruning on the prediction tensor).
# The MinkowskiEngine sparse tensor is represented densely: pred[B, S] holds the
# per-point existence logits of B samples with S points each (equal decomposed sizes),
# mirroring pred.decomposed_features. For each sample, torch.kthvalue(sample, S - k)
# (1-indexed k-th smallest) gives the threshold so that exactly k points with the
# largest logits are kept; keep = pred > threshold. Pruning keeps features where
# keep is True (represented here as masking to 0, since dense layout cannot drop rows).

def setup_inputs(seed: int = 0) -> dict:
    key = jax.random.key(seed)
    pred = jax.random.normal(key, (8, 1048576), dtype=jnp.float32)
    return {"pred": pred, "k": 524288}


def reference(pred, k):
    S = pred.shape[1]
    # torch.kthvalue(sample, S - k).values == sorted_ascending[S - k - 1]
    sorted_pred = jnp.sort(pred, axis=1)
    threshold = sorted_pred[:, S - k - 1]  # [B]
    # threshold = threshold[pred.C[:, 0]] -> per-point broadcast of per-sample threshold
    keep = pred > threshold[:, None]  # [B, S] bool, exactly k True per row (no ties assumed)
    # self.pruning(pred, keep): keep selected logits (dense masking analogue)
    pruned_pred = jnp.where(keep, pred, jnp.float32(0.0))
    return keep, pruned_pred

if __name__ == "__main__":
    import jax
    _d = setup_inputs()
    print(jax.jit(kernel)(*tuple(_d.values())))

</pallas_src>

<mosaic_0001>
#map = affine_map<(d0, d1) -> (0, 0)>
#map1 = affine_map<(d0, d1) -> (0)>
module attributes {stable_mosaic.version = 14 : i64} {
  func.func @_sc_threshold_body(%arg0: i32, %arg1: i32, %arg2: memref<8x1048576xf32, #tpu.memory_space<hbm>>, %arg3: memref<16xi32, #tpu.memory_space<hbm>>, %arg4: memref<8x16xf32, #tpu.memory_space<hbm>>, %arg5: memref<32768xf32, #tpu.memory_space<vmem>>, %arg6: memref<32768xf32, #tpu.memory_space<vmem>>, %arg7: memref<32800xi32, #tpu.memory_space<vmem>>, %arg8: memref<2064xi32, #tpu.memory_space<vmem>>, %arg9: memref<4x2048xi32, #tpu.memory_space<vmem>>, %arg10: memref<16xi32, #tpu.memory_space<vmem>>, %arg11: memref<16xf32, #tpu.memory_space<vmem>>, %arg12: memref<!tpu.dma_semaphore, #tpu.memory_space<semaphore_mem>>, %arg13: memref<!tpu.dma_semaphore, #tpu.memory_space<semaphore_mem>>, %arg14: memref<16x2048xi32, #tpu.memory_space<vmem_shared>>, %arg15: memref<16x2048xi32, #tpu.memory_space<vmem_shared>>, %arg16: memref<16x2048xi32, #tpu.memory_space<vmem_shared>>) attributes {dimension_semantics = [#tpu.dimension_semantics<core_parallel>, #tpu.dimension_semantics<subcore_parallel>], iteration_bounds = array<i64: 2, 16>, scalar_prefetch = 0 : i64, scratch_operands = 12 : i64, tpu.core_type = #tpu.core_type<sc_vector_subcore>, window_params = [{transform_indices = #map}, {transform_indices = #map1}, {transform_indices = #map}]} {
    %mul3A = arith.constant 4 : i32
    %mul3A_0 = arith.muli %arg0, %mul3A : i32
    %jit3A = arith.constant 4 : i32
    %div3A = arith.divsi %arg1, %jit3A : i32
    %sign3A = arith.constant 0 : i32
    %sign3A_1 = arith.cmpi sgt, %arg1, %sign3A : i32
    %sign3A_2 = arith.extui %sign3A_1 : i1 to i32
    %sign3A_3 = arith.constant 0 : i32
    %sign3A_4 = arith.cmpi slt, %arg1, %sign3A_3 : i32
    %sign3A_5 = arith.extui %sign3A_4 : i1 to i32
    %sign3A_6 = arith.subi %sign3A_2, %sign3A_5 : i32
    %sign3A_7 = arith.constant 0 : i32
    %sign3A_8 = arith.cmpi sgt, %jit3A, %sign3A_7 : i32
    %sign3A_9 = arith.extui %sign3A_8 : i1 to i32
    %sign3A_10 = arith.constant 0 : i32
    %sign3A_11 = arith.cmpi slt, %jit3A, %sign3A_10 : i32
    %sign3A_12 = arith.extui %sign3A_11 : i1 to i32
    %sign3A_13 = arith.subi %sign3A_9, %sign3A_12 : i32
    %ne3A = arith.cmpi ne, %sign3A_6, %sign3A_13 : i32
    %rem3A = arith.remsi %arg1, %jit3A : i32
    %ne3A_14 = arith.constant 0 : i32
    %ne3A_15 = arith.cmpi ne, %rem3A, %ne3A_14 : i32
    %and3A = arith.andi %ne3A, %ne3A_15 : i1
    %sub3A = arith.constant 1 : i32
    %sub3A_16 = arith.subi %div3A, %sub3A : i32
    %select_n3A = arith.select %and3A, %sub3A_16, %div3A : i32
    %add3A = arith.addi %mul3A_0, %select_n3A : i32
    %jit3A_17 = arith.constant 4 : i32
    %eq3A = arith.constant 0 : i32
    %eq3A_18 = arith.cmpi eq, %jit3A_17, %eq3A : i32
    %jit3A_19 = arith.constant 1 : i32
    %select_n3A_20 = arith.select %eq3A_18, %jit3A_19, %jit3A_17 : i32
    %rem3A_21 = arith.remsi %arg1, %select_n3A_20 : i32
    %ne3A_22 = arith.constant 0 : i32
    %ne3A_23 = arith.cmpi ne, %rem3A_21, %ne3A_22 : i32
    %lt3A = arith.constant 0 : i32
    %lt3A_24 = arith.cmpi slt, %rem3A_21, %lt3A : i32
    %lt3A_25 = arith.constant 0 : i32
    %lt3A_26 = arith.cmpi slt, %select_n3A_20, %lt3A_25 : i32
    %ne3A_27 = arith.xori %lt3A_24, %lt3A_26 : i1
    %and3A_28 = arith.andi %ne3A_27, %ne3A_23 : i1
    %add3A_29 = arith.addi %rem3A_21, %select_n3A_20 : i32
    %select_n3A_30 = arith.select %and3A_28, %add3A_29, %rem3A_21 : i32
    %jit3A_31 = arith.constant 4 : i32
    %div3A_32 = arith.divsi %arg1, %jit3A_31 : i32
    %sign3A_33 = arith.constant 0 : i32
    %sign3A_34 = arith.cmpi sgt, %arg1, %sign3A_33 : i32
    %sign3A_35 = arith.extui %sign3A_34 : i1 to i32
    %sign3A_36 = arith.constant 0 : i32
    %sign3A_37 = arith.cmpi slt, %arg1, %sign3A_36 : i32
    %sign3A_38 = arith.extui %sign3A_37 : i1 to i32
    %sign3A_39 = arith.subi %sign3A_35, %sign3A_38 : i32
    %sign3A_40 = arith.constant 0 : i32
    %sign3A_41 = arith.cmpi sgt, %jit3A_31, %sign3A_40 : i32
    %sign3A_42 = arith.extui %sign3A_41 : i1 to i32
    %sign3A_43 = arith.constant 0 : i32
    %sign3A_44 = arith.cmpi slt, %jit3A_31, %sign3A_43 : i32
    %sign3A_45 = arith.extui %sign3A_44 : i1 to i32
    %sign3A_46 = arith.subi %sign3A_42, %sign3A_45 : i32
    %ne3A_47 = arith.cmpi ne, %sign3A_39, %sign3A_46 : i32
    %rem3A_48 = arith.remsi %arg1, %jit3A_31 : i32
    %ne3A_49 = arith.constant 0 : i32
    %ne3A_50 = arith.cmpi ne, %rem3A_48, %ne3A_49 : i32
    %and3A_51 = arith.andi %ne3A_47, %ne3A_50 : i1
    %sub3A_52 = arith.constant 1 : i32
    %sub3A_53 = arith.subi %div3A_32, %sub3A_52 : i32
    %select_n3A_54 = arith.select %and3A_51, %sub3A_53, %div3A_32 : i32
    %iota3A = tpu.iota {dimensions = array<i32: 0>} : vector<16xi32>
    %mul3A_55 = arith.constant 2049 : i32
    %mul3A_56 = vector.broadcast %mul3A_55 : i32 to vector<16xi32>
    %mul3A_57 = arith.muli %iota3A, %mul3A_56 : vector<16xi32>
    %broadcast_in_dim3A = arith.constant 0 : i32
    %broadcast_in_dim3A_58 = vector.broadcast %broadcast_in_dim3A : i32 to vector<16xi32>
    %broadcast_in_dim3A_59 = arith.constant 1 : i32
    %broadcast_in_dim3A_60 = vector.broadcast %broadcast_in_dim3A_59 : i32 to vector<16xi32>
    "tpu.region"() ({
      %run_scoped3A = tpu.sem_alloc : memref<!tpu.dma_semaphore, #tpu.memory_space<semaphore_mem>>
      tpu.enqueue_dma source(%arg3 : memref<16xi32, #tpu.memory_space<hbm>>) target(%arg10 : memref<16xi32, #tpu.memory_space<vmem>>) target_semaphore(%run_scoped3A : memref<!tpu.dma_semaphore, #tpu.memory_space<semaphore_mem>>)
      tpu.wait_dma2 semaphore(%run_scoped3A : memref<!tpu.dma_semaphore, #tpu.memory_space<semaphore_mem>>) src(%arg3 : memref<16xi32, #tpu.memory_space<hbm>>) dst(%arg10 : memref<16xi32, #tpu.memory_space<vmem>>)
      tpu.yield
    }) : () -> ()
    %get3A = arith.constant 0 : index
    %get3A_61 = tpu.vector_load %arg10[%get3A] {strides = array<i32>} : memref<16xi32, #tpu.memory_space<vmem>>, vector<16xi32>,
    %slice3A = vector.extract_strided_slice %get3A_61 {offsets = [0], sizes = [1], strides = [1]} : vector<16xi32> to vector<1xi32>
    %squeeze3A = vector.extract %slice3A[0] : i32 from vector<1xi32>
    %parallel_loop3A = arith.constant 0 : i32
    %parallel_loop3A_62 = arith.constant 32800 : i32
    %parallel_loop3A_63 = arith.constant 16 : i32
    scf.for %parallel_loop3A_543 = %parallel_loop3A to %parallel_loop3A_62 step %parallel_loop3A_63  : i32 {
      %parallel_loop3A_544 = arith.index_cast %parallel_loop3A_543 : i32 to index
      %parallel_loop3A_545 = tpu.vector_load %arg7[%parallel_loop3A_544] {strides = array<i32>} : memref<32800xi32, #tpu.memory_space<vmem>>, vector<16xi32>,
      tpu.vector_store %arg7[%parallel_loop3A_544], %broadcast_in_dim3A_58 {strides = array<i32>} : memref<32800xi32, #tpu.memory_space<vmem>>, vector<16xi32>,
    } {sc.loop_unroll_factor = 8 : i64, sc.parallel_access}
    %mul3A_64 = arith.constant 262144 : i32
    %mul3A_65 = arith.muli %select_n3A_30, %mul3A_64 : i32
    %add3A_66 = arith.constant 0 : i32
    %add3A_67 = arith.addi %mul3A_65, %add3A_66 : i32
    %dma_start3A = tpu.memref_slice %arg2[%add3A, %add3A_67] : memref<8x1048576xf32, #tpu.memory_space<hbm>> -> memref<1x32768xf32, #tpu.memory_space<hbm>>
    %dma_start3A_68 = tpu.memref_squeeze %dma_start3A : memref<1x32768xf32, #tpu.memory_space<hbm>> -> memref<32768xf32, #tpu.memory_space<hbm>>
    %dma_start3A_69 = tpu.memref_slice %arg2[%add3A, %add3A_67] : memref<8x1048576xf32, #tpu.memory_space<hbm>> -> memref<1x32768xf32, #tpu.memory_space<hbm>>
    %dma_start3A_70 = tpu.memref_squeeze %dma_start3A_69 : memref<1x32768xf32, #tpu.memory_space<hbm>> -> memref<32768xf32, #tpu.memory_space<hbm>>
    tpu.enqueue_dma source(%dma_start3A_70 : memref<32768xf32, #tpu.memory_space<hbm>>) target(%arg5 : memref<32768xf32, #tpu.memory_space<vmem>>) target_semaphore(%arg12 : memref<!tpu.dma_semaphore, #tpu.memory_space<semaphore_mem>>)
    %mul3A_71 = arith.constant 262144 : i32
    %mul3A_72 = arith.muli %select_n3A_30, %mul3A_71 : i32
    %add3A_73 = arith.constant 32768 : i32
    %add3A_74 = arith.addi %mul3A_72, %add3A_73 : i32
    %dma_start3A_75 = tpu.memref_slice %arg2[%add3A, %add3A_74] : memref<8x1048576xf32, #tpu.memory_space<hbm>> -> memref<1x32768xf32, #tpu.memory_space<hbm>>
    %dma_start3A_76 = tpu.memref_squeeze %dma_start3A_75 : memref<1x32768xf32, #tpu.memory_space<hbm>> -> memref<32768xf32, #tpu.memory_space<hbm>>
    %dma_start3A_77 = tpu.memref_slice %arg2[%add3A, %add3A_74] : memref<8x1048576xf32, #tpu.memory_space<hbm>> -> memref<1x32768xf32, #tpu.memory_space<hbm>>
    %dma_start3A_78 = tpu.memref_squeeze %dma_start3A_77 : memref<1x32768xf32, #tpu.memory_space<hbm>> -> memref<32768xf32, #tpu.memory_space<hbm>>
    tpu.enqueue_dma source(%dma_start3A_78 : memref<32768xf32, #tpu.memory_space<hbm>>) target(%arg6 : memref<32768xf32, #tpu.memory_space<vmem>>) target_semaphore(%arg13 : memref<!tpu.dma_semaphore, #tpu.memory_space<semaphore_mem>>)
    %dma_wait3A = tpu.memref_slice %arg2[%add3A, %add3A_67] : memref<8x1048576xf32, #tpu.memory_space<hbm>> -> memref<1x32768xf32, #tpu.memory_space<hbm>>
    %dma_wait3A_79 = tpu.memref_squeeze %dma_wait3A : memref<1x32768xf32, #tpu.memory_space<hbm>> -> memref<32768xf32, #tpu.memory_space<hbm>>
    %dma_wait3A_80 = tpu.memref_slice %arg2[%add3A, %add3A_67] : memref<8x1048576xf32, #tpu.memory_space<hbm>> -> memref<1x32768xf32, #tpu.memory_space<hbm>>
    %dma_wait3A_81 = tpu.memref_squeeze %dma_wait3A_80 : memref<1x32768xf32, #tpu.memory_space<hbm>> -> memref<32768xf32, #tpu.memory_space<hbm>>
    tpu.wait_dma2 semaphore(%arg12 : memref<!tpu.dma_semaphore, #tpu.memory_space<semaphore_mem>>) src(%dma_wait3A_81 : memref<32768xf32, #tpu.memory_space<hbm>>) dst(%arg5 : memref<32768xf32, #tpu.memory_space<vmem>>)
    %parallel_loop3A_82 = arith.constant 0 : i32
    %parallel_loop3A_83 = arith.constant 32768 : i32
    %parallel_loop3A_84 = arith.constant 16 : i32
    scf.for %parallel_loop3A_543 = %parallel_loop3A_82 to %parallel_loop3A_83 step %parallel_loop3A_84  : i32 {
      %parallel_loop3A_544 = arith.index_cast %parallel_loop3A_543 : i32 to index
      %parallel_loop3A_545 = tpu.vector_load %arg5[%parallel_loop3A_544] {strides = array<i32>} : memref<32768xf32, #tpu.memory_space<vmem>>, vector<16xf32>,
      %parallel_loop3A_546 = vector.bitcast %parallel_loop3A_545 : vector<16xf32> to vector<16xi32>
      %parallel_loop3A_547 = arith.constant 31 : i32
      %parallel_loop3A_548 = vector.broadcast %parallel_loop3A_547 : i32 to vector<16xi32>
      %parallel_loop3A_549 = arith.shrsi %parallel_loop3A_546, %parallel_loop3A_548 : vector<16xi32>
      %parallel_loop3A_550 = arith.constant -2147483648 : i32
      %parallel_loop3A_551 = vector.broadcast %parallel_loop3A_550 : i32 to vector<16xi32>
      %parallel_loop3A_552 = arith.ori %parallel_loop3A_549, %parallel_loop3A_551 : vector<16xi32>
      %parallel_loop3A_553 = arith.xori %parallel_loop3A_546, %parallel_loop3A_552 : vector<16xi32>
      %parallel_loop3A_554 = arith.constant 21 : i32
      %parallel_loop3A_555 = vector.broadcast %parallel_loop3A_554 : i32 to vector<16xi32>
      %parallel_loop3A_556 = arith.shrui %parallel_loop3A_553, %parallel_loop3A_555 : vector<16xi32>
      %parallel_loop3A_557 = arith.addi %mul3A_57, %parallel_loop3A_556 : vector<16xi32>
      tpu.vector_store_idx %arg7[%parallel_loop3A_557], %broadcast_in_dim3A_60 {add = true} : memref<32800xi32, #tpu.memory_space<vmem>>[vector<16xi32>], vector<16xi32>,
    } {sc.loop_unroll_factor = 8 : i64, sc.parallel_access}
    %mul3A_85 = arith.constant 262144 : i32
    %mul3A_86 = arith.muli %select_n3A_30, %mul3A_85 : i32
    %add3A_87 = arith.constant 65536 : i32
    %add3A_88 = arith.addi %mul3A_86, %add3A_87 : i32
    %dma_start3A_89 = tpu.memref_slice %arg2[%add3A, %add3A_88] : memref<8x1048576xf32, #tpu.memory_space<hbm>> -> memref<1x32768xf32, #tpu.memory_space<hbm>>
    %dma_start3A_90 = tpu.memref_squeeze %dma_start3A_89 : memref<1x32768xf32, #tpu.memory_space<hbm>> -> memref<32768xf32, #tpu.memory_space<hbm>>
    %dma_start3A_91 = tpu.memref_slice %arg2[%add3A, %add3A_88] : memref<8x1048576xf32, #tpu.memory_space<hbm>> -> memref<1x32768xf32, #tpu.memory_space<hbm>>
    %dma_start3A_92 = tpu.memref_squeeze %dma_start3A_91 : memref<1x32768xf32, #tpu.memory_space<hbm>> -> memref<32768xf32, #tpu.memory_space<hbm>>
    tpu.enqueue_dma source(%dma_start3A_92 : memref<32768xf32, #tpu.memory_space<hbm>>) target(%arg5 : memref<32768xf32, #tpu.memory_space<vmem>>) target_semaphore(%arg12 : memref<!tpu.dma_semaphore, #tpu.memory_space<semaphore_mem>>)
    %dma_wait3A_93 = tpu.memref_slice %arg2[%add3A, %add3A_74] : memref<8x1048576xf32, #tpu.memory_space<hbm>> -> memref<1x32768xf32, #tpu.memory_space<hbm>>
    %dma_wait3A_94 = tpu.memref_squeeze %dma_wait3A_93 : memref<1x32768xf32, #tpu.memory_space<hbm>> -> memref<32768xf32, #tpu.memory_space<hbm>>
    %dma_wait3A_95 = tpu.memref_slice %arg2[%add3A, %add3A_74] : memref<8x1048576xf32, #tpu.memory_space<hbm>> -> memref<1x32768xf32, #tpu.memory_space<hbm>>
    %dma_wait3A_96 = tpu.memref_squeeze %dma_wait3A_95 : memref<1x32768xf32, #tpu.memory_space<hbm>> -> memref<32768xf32, #tpu.memory_space<hbm>>
    tpu.wait_dma2 semaphore(%arg13 : memref<!tpu.dma_semaphore, #tpu.memory_space<semaphore_mem>>) src(%dma_wait3A_96 : memref<32768xf32, #tpu.memory_space<hbm>>) dst(%arg6 : memref<32768xf32, #tpu.memory_space<vmem>>)
    %parallel_loop3A_97 = arith.constant 0 : i32
    %parallel_loop3A_98 = arith.constant 32768 : i32
    %parallel_loop3A_99 = arith.constant 16 : i32
    scf.for %parallel_loop3A_543 = %parallel_loop3A_97 to %parallel_loop3A_98 step %parallel_loop3A_99  : i32 {
      %parallel_loop3A_544 = arith.index_cast %parallel_loop3A_543 : i32 to index
      %parallel_loop3A_545 = tpu.vector_load %arg6[%parallel_loop3A_544] {strides = array<i32>} : memref<32768xf32, #tpu.memory_space<vmem>>, vector<16xf32>,
      %parallel_loop3A_546 = vector.bitcast %parallel_loop3A_545 : vector<16xf32> to vector<16xi32>
      %parallel_loop3A_547 = arith.constant 31 : i32
      %parallel_loop3A_548 = vector.broadcast %parallel_loop3A_547 : i32 to vector<16xi32>
      %parallel_loop3A_549 = arith.shrsi %parallel_loop3A_546, %parallel_loop3A_548 : vector<16xi32>
      %parallel_loop3A_550 = arith.constant -2147483648 : i32
      %parallel_loop3A_551 = vector.broadcast %parallel_loop3A_550 : i32 to vector<16xi32>
      %parallel_loop3A_552 = arith.ori %parallel_loop3A_549, %parallel_loop3A_551 : vector<16xi32>
      %parallel_loop3A_553 = arith.xori %parallel_loop3A_546, %parallel_loop3A_552 : vector<16xi32>
      %parallel_loop3A_554 = arith.constant 21 : i32
      %parallel_loop3A_555 = vector.broadcast %parallel_loop3A_554 : i32 to vector<16xi32>
      %parallel_loop3A_556 = arith.shrui %parallel_loop3A_553, %parallel_loop3A_555 : vector<16xi32>
      %parallel_loop3A_557 = arith.addi %mul3A_57, %parallel_loop3A_556 : vector<16xi32>
      tpu.vector_store_idx %arg7[%parallel_loop3A_557], %broadcast_in_dim3A_60 {add = true} : memref<32800xi32, #tpu.memory_space<vmem>>[vector<16xi32>], vector<16xi32>,
    } {sc.loop_unroll_factor = 8 : i64, sc.parallel_access}
    %mul3A_100 = arith.constant 262144 : i32
    %mul3A_101 = arith.muli %select_n3A_30, %mul3A_100 : i32
    %add3A_102 = arith.constant 98304 : i32
    %add3A_103 = arith.addi %mul3A_101, %add3A_102 : i32
    %dma_start3A_104 = tpu.memref_slice %arg2[%add3A, %add3A_103] : memref<8x1048576xf32, #tpu.memory_space<hbm>> -> memref<1x32768xf32, #tpu.memory_space<hbm>>
    %dma_start3A_105 = tpu.memref_squeeze %dma_start3A_104 : memref<1x32768xf32, #tpu.memory_space<hbm>> -> memref<32768xf32, #tpu.memory_space<hbm>>
    %dma_start3A_106 = tpu.memref_slice %arg2[%add3A, %add3A_103] : memref<8x1048576xf32, #tpu.memory_space<hbm>> -> memref<1x32768xf32, #tpu.memory_space<hbm>>
    %dma_start3A_107 = tpu.memref_squeeze %dma_start3A_106 : memref<1x32768xf32, #tpu.memory_space<hbm>> -> memref<32768xf32, #tpu.memory_space<hbm>>
    tpu.enqueue_dma source(%dma_start3A_107 : memref<32768xf32, #tpu.memory_space<hbm>>) target(%arg6 : memref<32768xf32, #tpu.memory_space<vmem>>) target_semaphore(%arg13 : memref<!tpu.dma_semaphore, #tpu.memory_space<semaphore_mem>>)
    %dma_wait3A_108 = tpu.memref_slice %arg2[%add3A, %add3A_88] : memref<8x1048576xf32, #tpu.memory_space<hbm>> -> memref<1x32768xf32, #tpu.memory_space<hbm>>
    %dma_wait3A_109 = tpu.memref_squeeze %dma_wait3A_108 : memref<1x32768xf32, #tpu.memory_space<hbm>> -> memref<32768xf32, #tpu.memory_space<hbm>>
    %dma_wait3A_110 = tpu.memref_slice %arg2[%add3A, %add3A_88] : memref<8x1048576xf32, #tpu.memory_space<hbm>> -> memref<1x32768xf32, #tpu.memory_space<hbm>>
    %dma_wait3A_111 = tpu.memref_squeeze %dma_wait3A_110 : memref<1x32768xf32, #tpu.memory_space<hbm>> -> memref<32768xf32, #tpu.memory_space<hbm>>
    tpu.wait_dma2 semaphore(%arg12 : memref<!tpu.dma_semaphore, #tpu.memory_space<semaphore_mem>>) src(%dma_wait3A_111 : memref<32768xf32, #tpu.memory_space<hbm>>) dst(%arg5 : memref<32768xf32, #tpu.memory_space<vmem>>)
    %parallel_loop3A_112 = arith.constant 0 : i32
    %parallel_loop3A_113 = arith.constant 32768 : i32
    %parallel_loop3A_114 = arith.constant 16 : i32
    scf.for %parallel_loop3A_543 = %parallel_loop3A_112 to %parallel_loop3A_113 step %parallel_loop3A_114  : i32 {
      %parallel_loop3A_544 = arith.index_cast %parallel_loop3A_543 : i32 to index
      %parallel_loop3A_545 = tpu.vector_load %arg5[%parallel_loop3A_544] {strides = array<i32>} : memref<32768xf32, #tpu.memory_space<vmem>>, vector<16xf32>,
      %parallel_loop3A_546 = vector.bitcast %parallel_loop3A_545 : vector<16xf32> to vector<16xi32>
      %parallel_loop3A_547 = arith.constant 31 : i32
      %parallel_loop3A_548 = vector.broadcast %parallel_loop3A_547 : i32 to vector<16xi32>
      %parallel_loop3A_549 = arith.shrsi %parallel_loop3A_546, %parallel_loop3A_548 : vector<16xi32>
      %parallel_loop3A_550 = arith.constant -2147483648 : i32
      %parallel_loop3A_551 = vector.broadcast %parallel_loop3A_550 : i32 to vector<16xi32>
      %parallel_loop3A_552 = arith.ori %parallel_loop3A_549, %parallel_loop3A_551 : vector<16xi32>
      %parallel_loop3A_553 = arith.xori %parallel_loop3A_546, %parallel_loop3A_552 : vector<16xi32>
      %parallel_loop3A_554 = arith.constant 21 : i32
      %parallel_loop3A_555 = vector.broadcast %parallel_loop3A_554 : i32 to vector<16xi32>
      %parallel_loop3A_556 = arith.shrui %parallel_loop3A_553, %parallel_loop3A_555 : vector<16xi32>
      %parallel_loop3A_557 = arith.addi %mul3A_57, %parallel_loop3A_556 : vector<16xi32>
      tpu.vector_store_idx %arg7[%parallel_loop3A_557], %broadcast_in_dim3A_60 {add = true} : memref<32800xi32, #tpu.memory_space<vmem>>[vector<16xi32>], vector<16xi32>,
    } {sc.loop_unroll_factor = 8 : i64, sc.parallel_access}
    %mul3A_115 = arith.constant 262144 : i32
    %mul3A_116 = arith.muli %select_n3A_30, %mul3A_115 : i32
    %add3A_117 = arith.constant 131072 : i32
    %add3A_118 = arith.addi %mul3A_116, %add3A_117 : i32
    %dma_start3A_119 = tpu.memref_slice %arg2[%add3A, %add3A_118] : memref<8x1048576xf32, #tpu.memory_space<hbm>> -> memref<1x32768xf32, #tpu.memory_space<hbm>>
    %dma_start3A_120 = tpu.memref_squeeze %dma_start3A_119 : memref<1x32768xf32, #tpu.memory_space<hbm>> -> memref<32768xf32, #tpu.memory_space<hbm>>
    %dma_start3A_121 = tpu.memref_slice %arg2[%add3A, %add3A_118] : memref<8x1048576xf32, #tpu.memory_space<hbm>> -> memref<1x32768xf32, #tpu.memory_space<hbm>>
    %dma_start3A_122 = tpu.memref_squeeze %dma_start3A_121 : memref<1x32768xf32, #tpu.memory_space<hbm>> -> memref<32768xf32, #tpu.memory_space<hbm>>
    tpu.enqueue_dma source(%dma_start3A_122 : memref<32768xf32, #tpu.memory_space<hbm>>) target(%arg5 : memref<32768xf32, #tpu.memory_space<vmem>>) target_semaphore(%arg12 : memref<!tpu.dma_semaphore, #tpu.memory_space<semaphore_mem>>)
    %dma_wait3A_123 = tpu.memref_slice %arg2[%add3A, %add3A_103] : memref<8x1048576xf32, #tpu.memory_space<hbm>> -> memref<1x32768xf32, #tpu.memory_space<hbm>>
    %dma_wait3A_124 = tpu.memref_squeeze %dma_wait3A_123 : memref<1x32768xf32, #tpu.memory_space<hbm>> -> memref<32768xf32, #tpu.memory_space<hbm>>
    %dma_wait3A_125 = tpu.memref_slice %arg2[%add3A, %add3A_103] : memref<8x1048576xf32, #tpu.memory_space<hbm>> -> memref<1x32768xf32, #tpu.memory_space<hbm>>
    %dma_wait3A_126 = tpu.memref_squeeze %dma_wait3A_125 : memref<1x32768xf32, #tpu.memory_space<hbm>> -> memref<32768xf32, #tpu.memory_space<hbm>>
    tpu.wait_dma2 semaphore(%arg13 : memref<!tpu.dma_semaphore, #tpu.memory_space<semaphore_mem>>) src(%dma_wait3A_126 : memref<32768xf32, #tpu.memory_space<hbm>>) dst(%arg6 : memref<32768xf32, #tpu.memory_space<vmem>>)
    %parallel_loop3A_127 = arith.constant 0 : i32
    %parallel_loop3A_128 = arith.constant 32768 : i32
    %parallel_loop3A_129 = arith.constant 16 : i32
    scf.for %parallel_loop3A_543 = %parallel_loop3A_127 to %parallel_loop3A_128 step %parallel_loop3A_129  : i32 {
      %parallel_loop3A_544 = arith.index_cast %parallel_loop3A_543 : i32 to index
      %parallel_loop3A_545 = tpu.vector_load %arg6[%parallel_loop3A_544] {strides = array<i32>} : memref<32768xf32, #tpu.memory_space<vmem>>, vector<16xf32>,
      %parallel_loop3A_546 = vector.bitcast %parallel_loop3A_545 : vector<16xf32> to vector<16xi32>
      %parallel_loop3A_547 = arith.constant 31 : i32
      %parallel_loop3A_548 = vector.broadcast %parallel_loop3A_547 : i32 to vector<16xi32>
      %parallel_loop3A_549 = arith.shrsi %parallel_loop3A_546, %parallel_loop3A_548 : vector<16xi32>
      %parallel_loop3A_550 = arith.constant -2147483648 : i32
      %parallel_loop3A_551 = vector.broadcast %parallel_loop3A_550 : i32 to vector<16xi32>
      %parallel_loop3A_552 = arith.ori %parallel_loop3A_549, %parallel_loop3A_551 : vector<16xi32>
      %parallel_loop3A_553 = arith.xori %parallel_loop3A_546, %parallel_loop3A_552 : vector<16xi32>
      %parallel_loop3A_554 = arith.constant 21 : i32
      %parallel_loop3A_555 = vector.broadcast %parallel_loop3A_554 : i32 to vector<16xi32>
      %parallel_loop3A_556 = arith.shrui %parallel_loop3A_553, %parallel_loop3A_555 : vector<16xi32>
      %parallel_loop3A_557 = arith.addi %mul3A_57, %parallel_loop3A_556 : vector<16xi32>
      tpu.vector_store_idx %arg7[%parallel_loop3A_557], %broadcast_in_dim3A_60 {add = true} : memref<32800xi32, #tpu.memory_space<vmem>>[vector<16xi32>], vector<16xi32>,
    } {sc.loop_unroll_factor = 8 : i64, sc.parallel_access}
    %mul3A_130 = arith.constant 262144 : i32
    %mul3A_131 = arith.muli %select_n3A_30, %mul3A_130 : i32
    %add3A_132 = arith.constant 163840 : i32
    %add3A_133 = arith.addi %mul3A_131, %add3A_132 : i32
    %dma_start3A_134 = tpu.memref_slice %arg2[%add3A, %add3A_133] : memref<8x1048576xf32, #tpu.memory_space<hbm>> -> memref<1x32768xf32, #tpu.memory_space<hbm>>
    %dma_start3A_135 = tpu.memref_squeeze %dma_start3A_134 : memref<1x32768xf32, #tpu.memory_space<hbm>> -> memref<32768xf32, #tpu.memory_space<hbm>>
    %dma_start3A_136 = tpu.memref_slice %arg2[%add3A, %add3A_133] : memref<8x1048576xf32, #tpu.memory_space<hbm>> -> memref<1x32768xf32, #tpu.memory_space<hbm>>
    %dma_start3A_137 = tpu.memref_squeeze %dma_start3A_136 : memref<1x32768xf32, #tpu.memory_space<hbm>> -> memref<32768xf32, #tpu.memory_space<hbm>>
    tpu.enqueue_dma source(%dma_start3A_137 : memref<32768xf32, #tpu.memory_space<hbm>>) target(%arg6 : memref<32768xf32, #tpu.memory_space<vmem>>) target_semaphore(%arg13 : memref<!tpu.dma_semaphore, #tpu.memory_space<semaphore_mem>>)
    %dma_wait3A_138 = tpu.memref_slice %arg2[%add3A, %add3A_118] : memref<8x1048576xf32, #tpu.memory_space<hbm>> -> memref<1x32768xf32, #tpu.memory_space<hbm>>
    %dma_wait3A_139 = tpu.memref_squeeze %dma_wait3A_138 : memref<1x32768xf32, #tpu.memory_space<hbm>> -> memref<32768xf32, #tpu.memory_space<hbm>>
    %dma_wait3A_140 = tpu.memref_slice %arg2[%add3A, %add3A_118] : memref<8x1048576xf32, #tpu.memory_space<hbm>> -> memref<1x32768xf32, #tpu.memory_space<hbm>>
    %dma_wait3A_141 = tpu.memref_squeeze %dma_wait3A_140 : memref<1x32768xf32, #tpu.memory_space<hbm>> -> memref<32768xf32, #tpu.memory_space<hbm>>
    tpu.wait_dma2 semaphore(%arg12 : memref<!tpu.dma_semaphore, #tpu.memory_space<semaphore_mem>>) src(%dma_wait3A_141 : memref<32768xf32, #tpu.memory_space<hbm>>) dst(%arg5 : memref<32768xf32, #tpu.memory_space<vmem>>)
    %parallel_loop3A_142 = arith.constant 0 : i32
    %parallel_loop3A_143 = arith.constant 32768 : i32
    %parallel_loop3A_144 = arith.constant 16 : i32
    scf.for %parallel_loop3A_543 = %parallel_loop3A_142 to %parallel_loop3A_143 step %parallel_loop3A_144  : i32 {
      %parallel_loop3A_544 = arith.index_cast %parallel_loop3A_543 : i32 to index
      %parallel_loop3A_545 = tpu.vector_load %arg5[%parallel_loop3A_544] {strides = array<i32>} : memref<32768xf32, #tpu.memory_space<vmem>>, vector<16xf32>,
      %parallel_loop3A_546 = vector.bitcast %parallel_loop3A_545 : vector<16xf32> to vector<16xi32>
      %parallel_loop3A_547 = arith.constant 31 : i32
      %parallel_loop3A_548 = vector.broadcast %parallel_loop3A_547 : i32 to vector<16xi32>
      %parallel_loop3A_549 = arith.shrsi %parallel_loop3A_546, %parallel_loop3A_548 : vector<16xi32>
      %parallel_loop3A_550 = arith.constant -2147483648 : i32
      %parallel_loop3A_551 = vector.broadcast %parallel_loop3A_550 : i32 to vector<16xi32>
      %parallel_loop3A_552 = arith.ori %parallel_loop3A_549, %parallel_loop3A_551 : vector<16xi32>
      %parallel_loop3A_553 = arith.xori %parallel_loop3A_546, %parallel_loop3A_552 : vector<16xi32>
      %parallel_loop3A_554 = arith.constant 21 : i32
      %parallel_loop3A_555 = vector.broadcast %parallel_loop3A_554 : i32 to vector<16xi32>
      %parallel_loop3A_556 = arith.shrui %parallel_loop3A_553, %parallel_loop3A_555 : vector<16xi32>
      %parallel_loop3A_557 = arith.addi %mul3A_57, %parallel_loop3A_556 : vector<16xi32>
      tpu.vector_store_idx %arg7[%parallel_loop3A_557], %broadcast_in_dim3A_60 {add = true} : memref<32800xi32, #tpu.memory_space<vmem>>[vector<16xi32>], vector<16xi32>,
    } {sc.loop_unroll_factor = 8 : i64, sc.parallel_access}
    %mul3A_145 = arith.constant 262144 : i32
    %mul3A_146 = arith.muli %select_n3A_30, %mul3A_145 : i32
    %add3A_147 = arith.constant 196608 : i32
    %add3A_148 = arith.addi %mul3A_146, %add3A_147 : i32
    %dma_start3A_149 = tpu.memref_slice %arg2[%add3A, %add3A_148] : memref<8x1048576xf32, #tpu.memory_space<hbm>> -> memref<1x32768xf32, #tpu.memory_space<hbm>>
    %dma_start3A_150 = tpu.memref_squeeze %dma_start3A_149 : memref<1x32768xf32, #tpu.memory_space<hbm>> -> memref<32768xf32, #tpu.memory_space<hbm>>
    %dma_start3A_151 = tpu.memref_slice %arg2[%add3A, %add3A_148] : memref<8x1048576xf32, #tpu.memory_space<hbm>> -> memref<1x32768xf32, #tpu.memory_space<hbm>>
    %dma_start3A_152 = tpu.memref_squeeze %dma_start3A_151 : memref<1x32768xf32, #tpu.memory_space<hbm>> -> memref<32768xf32, #tpu.memory_space<hbm>>
    tpu.enqueue_dma source(%dma_start3A_152 : memref<32768xf32, #tpu.memory_space<hbm>>) target(%arg5 : memref<32768xf32, #tpu.memory_space<vmem>>) target_semaphore(%arg12 : memref<!tpu.dma_semaphore, #tpu.memory_space<semaphore_mem>>)
    %dma_wait3A_153 = tpu.memref_slice %arg2[%add3A, %add3A_133] : memref<8x1048576xf32, #tpu.memory_space<hbm>> -> memref<1x32768xf32, #tpu.memory_space<hbm>>
    %dma_wait3A_154 = tpu.memref_squeeze %dma_wait3A_153 : memref<1x32768xf32, #tpu.memory_space<hbm>> -> memref<32768xf32, #tpu.memory_space<hbm>>
    %dma_wait3A_155 = tpu.memref_slice %arg2[%add3A, %add3A_133] : memref<8x1048576xf32, #tpu.memory_space<hbm>> -> memref<1x32768xf32, #tpu.memory_space<hbm>>
    %dma_wait3A_156 = tpu.memref_squeeze %dma_wait3A_155 : memref<1x32768xf32, #tpu.memory_space<hbm>> -> memref<32768xf32, #tpu.memory_space<hbm>>
    tpu.wait_dma2 semaphore(%arg13 : memref<!tpu.dma_semaphore, #tpu.memory_space<semaphore_mem>>) src(%dma_wait3A_156 : memref<32768xf32, #tpu.memory_space<hbm>>) dst(%arg6 : memref<32768xf32, #tpu.memory_space<vmem>>)
    %parallel_loop3A_157 = arith.constant 0 : i32
    %parallel_loop3A_158 = arith.constant 32768 : i32
    %parallel_loop3A_159 = arith.constant 16 : i32
    scf.for %parallel_loop3A_543 = %parallel_loop3A_157 to %parallel_loop3A_158 step %parallel_loop3A_159  : i32 {
      %parallel_loop3A_544 = arith.index_cast %parallel_loop3A_543 : i32 to index
      %parallel_loop3A_545 = tpu.vector_load %arg6[%parallel_loop3A_544] {strides = array<i32>} : memref<32768xf32, #tpu.memory_space<vmem>>, vector<16xf32>,
      %parallel_loop3A_546 = vector.bitcast %parallel_loop3A_545 : vector<16xf32> to vector<16xi32>
      %parallel_loop3A_547 = arith.constant 31 : i32
      %parallel_loop3A_548 = vector.broadcast %parallel_loop3A_547 : i32 to vector<16xi32>
      %parallel_loop3A_549 = arith.shrsi %parallel_loop3A_546, %parallel_loop3A_548 : vector<16xi32>
      %parallel_loop3A_550 = arith.constant -2147483648 : i32
      %parallel_loop3A_551 = vector.broadcast %parallel_loop3A_550 : i32 to vector<16xi32>
      %parallel_loop3A_552 = arith.ori %parallel_loop3A_549, %parallel_loop3A_551 : vector<16xi32>
      %parallel_loop3A_553 = arith.xori %parallel_loop3A_546, %parallel_loop3A_552 : vector<16xi32>
      %parallel_loop3A_554 = arith.constant 21 : i32
      %parallel_loop3A_555 = vector.broadcast %parallel_loop3A_554 : i32 to vector<16xi32>
      %parallel_loop3A_556 = arith.shrui %parallel_loop3A_553, %parallel_loop3A_555 : vector<16xi32>
      %parallel_loop3A_557 = arith.addi %mul3A_57, %parallel_loop3A_556 : vector<16xi32>
      tpu.vector_store_idx %arg7[%parallel_loop3A_557], %broadcast_in_dim3A_60 {add = true} : memref<32800xi32, #tpu.memory_space<vmem>>[vector<16xi32>], vector<16xi32>,
    } {sc.loop_unroll_factor = 8 : i64, sc.parallel_access}
    %mul3A_160 = arith.constant 262144 : i32
    %mul3A_161 = arith.muli %select_n3A_30, %mul3A_160 : i32
    %add3A_162 = arith.constant 229376 : i32
    %add3A_163 = arith.addi %mul3A_161, %add3A_162 : i32
    %dma_start3A_164 = tpu.memref_slice %arg2[%add3A, %add3A_163] : memref<8x1048576xf32, #tpu.memory_space<hbm>> -> memref<1x32768xf32, #tpu.memory_space<hbm>>
    %dma_start3A_165 = tpu.memref_squeeze %dma_start3A_164 : memref<1x32768xf32, #tpu.memory_space<hbm>> -> memref<32768xf32, #tpu.memory_space<hbm>>
    %dma_start3A_166 = tpu.memref_slice %arg2[%add3A, %add3A_163] : memref<8x1048576xf32, #tpu.memory_space<hbm>> -> memref<1x32768xf32, #tpu.memory_space<hbm>>
    %dma_start3A_167 = tpu.memref_squeeze %dma_start3A_166 : memref<1x32768xf32, #tpu.memory_space<hbm>> -> memref<32768xf32, #tpu.memory_space<hbm>>
    tpu.enqueue_dma source(%dma_start3A_167 : memref<32768xf32, #tpu.memory_space<hbm>>) target(%arg6 : memref<32768xf32, #tpu.memory_space<vmem>>) target_semaphore(%arg13 : memref<!tpu.dma_semaphore, #tpu.memory_space<semaphore_mem>>)
    %dma_wait3A_168 = tpu.memref_slice %arg2[%add3A, %add3A_148] : memref<8x1048576xf32, #tpu.memory_space<hbm>> -> memref<1x32768xf32, #tpu.memory_space<hbm>>
    %dma_wait3A_169 = tpu.memref_squeeze %dma_wait3A_168 : memref<1x32768xf32, #tpu.memory_space<hbm>> -> memref<32768xf32, #tpu.memory_space<hbm>>
    %dma_wait3A_170 = tpu.memref_slice %arg2[%add3A, %add3A_148] : memref<8x1048576xf32, #tpu.memory_space<hbm>> -> memref<1x32768xf32, #tpu.memory_space<hbm>>
    %dma_wait3A_171 = tpu.memref_squeeze %dma_wait3A_170 : memref<1x32768xf32, #tpu.memory_space<hbm>> -> memref<32768xf32, #tpu.memory_space<hbm>>
    tpu.wait_dma2 semaphore(%arg12 : memref<!tpu.dma_semaphore, #tpu.memory_space<semaphore_mem>>) src(%dma_wait3A_171 : memref<32768xf32, #tpu.memory_space<hbm>>) dst(%arg5 : memref<32768xf32, #tpu.memory_space<vmem>>)
    %parallel_loop3A_172 = arith.constant 0 : i32
    %parallel_loop3A_173 = arith.constant 32768 : i32
    %parallel_loop3A_174 = arith.constant 16 : i32
    scf.for %parallel_loop3A_543 = %parallel_loop3A_172 to %parallel_loop3A_173 step %parallel_loop3A_174  : i32 {
      %parallel_loop3A_544 = arith.index_cast %parallel_loop3A_543 : i32 to index
      %parallel_loop3A_545 = tpu.vector_load %arg5[%parallel_loop3A_544] {strides = array<i32>} : memref<32768xf32, #tpu.memory_space<vmem>>, vector<16xf32>,
      %parallel_loop3A_546 = vector.bitcast %parallel_loop3A_545 : vector<16xf32> to vector<16xi32>
      %parallel_loop3A_547 = arith.constant 31 : i32
      %parallel_loop3A_548 = vector.broadcast %parallel_loop3A_547 : i32 to vector<16xi32>
      %parallel_loop3A_549 = arith.shrsi %parallel_loop3A_546, %parallel_loop3A_548 : vector<16xi32>
      %parallel_loop3A_550 = arith.constant -2147483648 : i32
      %parallel_loop3A_551 = vector.broadcast %parallel_loop3A_550 : i32 to vector<16xi32>
      %parallel_loop3A_552 = arith.ori %parallel_loop3A_549, %parallel_loop3A_551 : vector<16xi32>
      %parallel_loop3A_553 = arith.xori %parallel_loop3A_546, %parallel_loop3A_552 : vector<16xi32>
      %parallel_loop3A_554 = arith.constant 21 : i32
      %parallel_loop3A_555 = vector.broadcast %parallel_loop3A_554 : i32 to vector<16xi32>
      %parallel_loop3A_556 = arith.shrui %parallel_loop3A_553, %parallel_loop3A_555 : vector<16xi32>
      %parallel_loop3A_557 = arith.addi %mul3A_57, %parallel_loop3A_556 : vector<16xi32>
      tpu.vector_store_idx %arg7[%parallel_loop3A_557], %broadcast_in_dim3A_60 {add = true} : memref<32800xi32, #tpu.memory_space<vmem>>[vector<16xi32>], vector<16xi32>,
    } {sc.loop_unroll_factor = 8 : i64, sc.parallel_access}
    %dma_wait3A_175 = tpu.memref_slice %arg2[%add3A, %add3A_163] : memref<8x1048576xf32, #tpu.memory_space<hbm>> -> memref<1x32768xf32, #tpu.memory_space<hbm>>
    %dma_wait3A_176 = tpu.memref_squeeze %dma_wait3A_175 : memref<1x32768xf32, #tpu.memory_space<hbm>> -> memref<32768xf32, #tpu.memory_space<hbm>>
    %dma_wait3A_177 = tpu.memref_slice %arg2[%add3A, %add3A_163] : memref<8x1048576xf32, #tpu.memory_space<hbm>> -> memref<1x32768xf32, #tpu.memory_space<hbm>>
    %dma_wait3A_178 = tpu.memref_squeeze %dma_wait3A_177 : memref<1x32768xf32, #tpu.memory_space<hbm>> -> memref<32768xf32, #tpu.memory_space<hbm>>
    tpu.wait_dma2 semaphore(%arg13 : memref<!tpu.dma_semaphore, #tpu.memory_space<semaphore_mem>>) src(%dma_wait3A_178 : memref<32768xf32, #tpu.memory_space<hbm>>) dst(%arg6 : memref<32768xf32, #tpu.memory_space<vmem>>)
    %parallel_loop3A_179 = arith.constant 0 : i32
    %parallel_loop3A_180 = arith.constant 32768 : i32
    %parallel_loop3A_181 = arith.constant 16 : i32
    scf.for %parallel_loop3A_543 = %parallel_loop3A_179 to %parallel_loop3A_180 step %parallel_loop3A_181  : i32 {
      %parallel_loop3A_544 = arith.index_cast %parallel_loop3A_543 : i32 to index
      %parallel_loop3A_545 = tpu.vector_load %arg6[%parallel_loop3A_544] {strides = array<i32>} : memref<32768xf32, #tpu.memory_space<vmem>>, vector<16xf32>,
      %parallel_loop3A_546 = vector.bitcast %parallel_loop3A_545 : vector<16xf32> to vector<16xi32>
      %parallel_loop3A_547 = arith.constant 31 : i32
      %parallel_loop3A_548 = vector.broadcast %parallel_loop3A_547 : i32 to vector<16xi32>
      %parallel_loop3A_549 = arith.shrsi %parallel_loop3A_546, %parallel_loop3A_548 : vector<16xi32>
      %parallel_loop3A_550 = arith.constant -2147483648 : i32
      %parallel_loop3A_551 = vector.broadcast %parallel_loop3A_550 : i32 to vector<16xi32>
      %parallel_loop3A_552 = arith.ori %parallel_loop3A_549, %parallel_loop3A_551 : vector<16xi32>
      %parallel_loop3A_553 = arith.xori %parallel_loop3A_546, %parallel_loop3A_552 : vector<16xi32>
      %parallel_loop3A_554 = arith.constant 21 : i32
      %parallel_loop3A_555 = vector.broadcast %parallel_loop3A_554 : i32 to vector<16xi32>
      %parallel_loop3A_556 = arith.shrui %parallel_loop3A_553, %parallel_loop3A_555 : vector<16xi32>
      %parallel_loop3A_557 = arith.addi %mul3A_57, %parallel_loop3A_556 : vector<16xi32>
      tpu.vector_store_idx %arg7[%parallel_loop3A_557], %broadcast_in_dim3A_60 {add = true} : memref<32800xi32, #tpu.memory_space<vmem>>[vector<16xi32>], vector<16xi32>,
    } {sc.loop_unroll_factor = 8 : i64, sc.parallel_access}
    %parallel_loop3A_182 = arith.constant 0 : i32
    %parallel_loop3A_183 = arith.constant 2048 : i32
    %parallel_loop3A_184 = arith.constant 16 : i32
    scf.for %parallel_loop3A_543 = %parallel_loop3A_182 to %parallel_loop3A_183 step %parallel_loop3A_184  : i32 {
      %parallel_loop3A_544 = arith.index_cast %parallel_loop3A_543 : i32 to index
      %parallel_loop3A_545 = tpu.vector_load %arg7[%parallel_loop3A_544] {strides = array<i32>} : memref<32800xi32, #tpu.memory_space<vmem>>, vector<16xi32>,
      %parallel_loop3A_546 = arith.constant 2049 : i32
      %parallel_loop3A_547 = arith.addi %parallel_loop3A_546, %parallel_loop3A_543 : i32
      %parallel_loop3A_548 = arith.index_cast %parallel_loop3A_547 : i32 to index
      %parallel_loop3A_549 = tpu.vector_load %arg7[%parallel_loop3A_548] {strides = array<i32>} : memref<32800xi32, #tpu.memory_space<vmem>>, vector<16xi32>,
      %parallel_loop3A_550 = arith.addi %parallel_loop3A_545, %parallel_loop3A_549 : vector<16xi32>
      %parallel_loop3A_551 = arith.constant 4098 : i32
      %parallel_loop3A_552 = arith.addi %parallel_loop3A_551, %parallel_loop3A_543 : i32
      %parallel_loop3A_553 = arith.index_cast %parallel_loop3A_552 : i32 to index
      %parallel_loop3A_554 = tpu.vector_load %arg7[%parallel_loop3A_553] {strides = array<i32>} : memref<32800xi32, #tpu.memory_space<vmem>>, vector<16xi32>,
      %parallel_loop3A_555 = arith.addi %parallel_loop3A_550, %parallel_loop3A_554 : vector<16xi32>
      %parallel_loop3A_556 = arith.constant 6147 : i32
      %parallel_loop3A_557 = arith.addi %parallel_loop3A_556, %parallel_loop3A_543 : i32
      %parallel_loop3A_558 = arith.index_cast %parallel_loop3A_557 : i32 to index
      %parallel_loop3A_559 = tpu.vector_load %arg7[%parallel_loop3A_558] {strides = array<i32>} : memref<32800xi32, #tpu.memory_space<vmem>>, vector<16xi32>,
      %parallel_loop3A_560 = arith.addi %parallel_loop3A_555, %parallel_loop3A_559 : vector<16xi32>
      %parallel_loop3A_561 = arith.constant 8196 : i32
      %parallel_loop3A_562 = arith.addi %parallel_loop3A_561, %parallel_loop3A_543 : i32
      %parallel_loop3A_563 = arith.index_cast %parallel_loop3A_562 : i32 to index
      %parallel_loop3A_564 = tpu.vector_load %arg7[%parallel_loop3A_563] {strides = array<i32>} : memref<32800xi32, #tpu.memory_space<vmem>>, vector<16xi32>,
      %parallel_loop3A_565 = arith.addi %parallel_loop3A_560, %parallel_loop3A_564 : vector<16xi32>
      %parallel_loop3A_566 = arith.constant 10245 : i32
      %parallel_loop3A_567 = arith.addi %parallel_loop3A_566, %parallel_loop3A_543 : i32
      %parallel_loop3A_568 = arith.index_cast %parallel_loop3A_567 : i32 to index
      %parallel_loop3A_569 = tpu.vector_load %arg7[%parallel_loop3A_568] {strides = array<i32>} : memref<32800xi32, #tpu.memory_space<vmem>>, vector<16xi32>,
      %parallel_loop3A_570 = arith.addi %parallel_loop3A_565, %parallel_loop3A_569 : vector<16xi32>
      %parallel_loop3A_571 = arith.constant 12294 : i32
      %parallel_loop3A_572 = arith.addi %parallel_loop3A_571, %parallel_loop3A_543 : i32
      %parallel_loop3A_573 = arith.index_cast %parallel_loop3A_572 : i32 to index
      %parallel_loop3A_574 = tpu.vector_load %arg7[%parallel_loop3A_573] {strides = array<i32>} : memref<32800xi32, #tpu.memory_space<vmem>>, vector<16xi32>,
      %parallel_loop3A_575 = arith.addi %parallel_loop3A_570, %parallel_loop3A_574 : vector<16xi32>
      %parallel_loop3A_576 = arith.constant 14343 : i32
      %parallel_loop3A_577 = arith.addi %parallel_loop3A_576, %parallel_loop3A_543 : i32
      %parallel_loop3A_578 = arith.index_cast %parallel_loop3A_577 : i32 to index
      %parallel_loop3A_579 = tpu.vector_load %arg7[%parallel_loop3A_578] {strides = array<i32>} : memref<32800xi32, #tpu.memory_space<vmem>>, vector<16xi32>,
      %parallel_loop3A_580 = arith.addi %parallel_loop3A_575, %parallel_loop3A_579 : vector<16xi32>
      %parallel_loop3A_581 = arith.constant 16392 : i32
      %parallel_loop3A_582 = arith.addi %parallel_loop3A_581, %parallel_loop3A_543 : i32
      %parallel_loop3A_583 = arith.index_cast %parallel_loop3A_582 : i32 to index
      %parallel_loop3A_584 = tpu.vector_load %arg7[%parallel_loop3A_583] {strides = array<i32>} : memref<32800xi32, #tpu.memory_space<vmem>>, vector<16xi32>,
      %parallel_loop3A_585 = arith.addi %parallel_loop3A_580, %parallel_loop3A_584 : vector<16xi32>
      %parallel_loop3A_586 = arith.constant 18441 : i32
      %parallel_loop3A_587 = arith.addi %parallel_loop3A_586, %parallel_loop3A_543 : i32
      %parallel_loop3A_588 = arith.index_cast %parallel_loop3A_587 : i32 to index
      %parallel_loop3A_589 = tpu.vector_load %arg7[%parallel_loop3A_588] {strides = array<i32>} : memref<32800xi32, #tpu.memory_space<vmem>>, vector<16xi32>,
      %parallel_loop3A_590 = arith.addi %parallel_loop3A_585, %parallel_loop3A_589 : vector<16xi32>
      %parallel_loop3A_591 = arith.constant 20490 : i32
      %parallel_loop3A_592 = arith.addi %parallel_loop3A_591, %parallel_loop3A_543 : i32
      %parallel_loop3A_593 = arith.index_cast %parallel_loop3A_592 : i32 to index
      %parallel_loop3A_594 = tpu.vector_load %arg7[%parallel_loop3A_593] {strides = array<i32>} : memref<32800xi32, #tpu.memory_space<vmem>>, vector<16xi32>,
      %parallel_loop3A_595 = arith.addi %parallel_loop3A_590, %parallel_loop3A_594 : vector<16xi32>
      %parallel_loop3A_596 = arith.constant 22539 : i32
      %parallel_loop3A_597 = arith.addi %parallel_loop3A_596, %parallel_loop3A_543 : i32
      %parallel_loop3A_598 = arith.index_cast %parallel_loop3A_597 : i32 to index
      %parallel_loop3A_599 = tpu.vector_load %arg7[%parallel_loop3A_598] {strides = array<i32>} : memref<32800xi32, #tpu.memory_space<vmem>>, vector<16xi32>,
      %parallel_loop3A_600 = arith.addi %parallel_loop3A_595, %parallel_loop3A_599 : vector<16xi32>
      %parallel_loop3A_601 = arith.constant 24588 : i32
      %parallel_loop3A_602 = arith.addi %parallel_loop3A_601, %parallel_loop3A_543 : i32
      %parallel_loop3A_603 = arith.index_cast %parallel_loop3A_602 : i32 to index
      %parallel_loop3A_604 = tpu.vector_load %arg7[%parallel_loop3A_603] {strides = array<i32>} : memref<32800xi32, #tpu.memory_space<vmem>>, vector<16xi32>,
      %parallel_loop3A_605 = arith.addi %parallel_loop3A_600, %parallel_loop3A_604 : vector<16xi32>
      %parallel_loop3A_606 = arith.constant 26637 : i32
      %parallel_loop3A_607 = arith.addi %parallel_loop3A_606, %parallel_loop3A_543 : i32
      %parallel_loop3A_608 = arith.index_cast %parallel_loop3A_607 : i32 to index
      %parallel_loop3A_609 = tpu.vector_load %arg7[%parallel_loop3A_608] {strides = array<i32>} : memref<32800xi32, #tpu.memory_space<vmem>>, vector<16xi32>,
      %parallel_loop3A_610 = arith.addi %parallel_loop3A_605, %parallel_loop3A_609 : vector<16xi32>
      %parallel_loop3A_611 = arith.constant 28686 : i32
      %parallel_loop3A_612 = arith.addi %parallel_loop3A_611, %parallel_loop3A_543 : i32
      %parallel_loop3A_613 = arith.index_cast %parallel_loop3A_612 : i32 to index
      %parallel_loop3A_614 = tpu.vector_load %arg7[%parallel_loop3A_613] {strides = array<i32>} : memref<32800xi32, #tpu.memory_space<vmem>>, vector<16xi32>,
      %parallel_loop3A_615 = arith.addi %parallel_loop3A_610, %parallel_loop3A_614 : vector<16xi32>
      %parallel_loop3A_616 = arith.constant 30735 : i32
      %parallel_loop3A_617 = arith.addi %parallel_loop3A_616, %parallel_loop3A_543 : i32
      %parallel_loop3A_618 = arith.index_cast %parallel_loop3A_617 : i32 to index
      %parallel_loop3A_619 = tpu.vector_load %arg7[%parallel_loop3A_618] {strides = array<i32>} : memref<32800xi32, #tpu.memory_space<vmem>>, vector<16xi32>,
      %parallel_loop3A_620 = arith.addi %parallel_loop3A_615, %parallel_loop3A_619 : vector<16xi32>
      %parallel_loop3A_621 = arith.index_cast %parallel_loop3A_543 : i32 to index
      %parallel_loop3A_622 = tpu.vector_load %arg8[%parallel_loop3A_621] {strides = array<i32>} : memref<2064xi32, #tpu.memory_space<vmem>>, vector<16xi32>,
      tpu.vector_store %arg8[%parallel_loop3A_621], %parallel_loop3A_620 {strides = array<i32>} : memref<2064xi32, #tpu.memory_space<vmem>>, vector<16xi32>,
    } {sc.loop_unroll_factor = 2 : i64, sc.parallel_access}
    "tpu.region"() ({
      %run_scoped3A = tpu.sem_alloc : memref<!tpu.dma_semaphore, #tpu.memory_space<semaphore_mem>>
      %dma_start3A_543 = arith.constant 0 : i32
      %dma_start3A_544 = tpu.memref_slice %arg8[%dma_start3A_543] : memref<2064xi32, #tpu.memory_space<vmem>> -> memref<2048xi32, #tpu.memory_space<vmem>>
      %dma_start3A_545 = arith.constant 0 : i32
      %dma_start3A_546 = tpu.memref_slice %arg14[%arg1, %dma_start3A_545] : memref<16x2048xi32, #tpu.memory_space<vmem_shared>> -> memref<1x2048xi32, #tpu.memory_space<vmem_shared>>
      %dma_start3A_547 = tpu.memref_squeeze %dma_start3A_546 : memref<1x2048xi32, #tpu.memory_space<vmem_shared>> -> memref<2048xi32, #tpu.memory_space<vmem_shared>>
      %dma_start3A_548 = arith.constant 0 : i32
      %dma_start3A_549 = tpu.memref_slice %arg14[%arg1, %dma_start3A_548] : memref<16x2048xi32, #tpu.memory_space<vmem_shared>> -> memref<1x2048xi32, #tpu.memory_space<vmem_shared>>
      %dma_start3A_550 = tpu.memref_squeeze %dma_start3A_549 : memref<1x2048xi32, #tpu.memory_space<vmem_shared>> -> memref<2048xi32, #tpu.memory_space<vmem_shared>>
      %dma_start3A_551 = arith.constant 0 : i32
      %dma_start3A_552 = tpu.memref_slice %arg8[%dma_start3A_551] : memref<2064xi32, #tpu.memory_space<vmem>> -> memref<2048xi32, #tpu.memory_space<vmem>>
      tpu.enqueue_dma source(%dma_start3A_552 : memref<2048xi32, #tpu.memory_space<vmem>>) target(%dma_start3A_550 : memref<2048xi32, #tpu.memory_space<vmem_shared>>) target_semaphore(%run_scoped3A : memref<!tpu.dma_semaphore, #tpu.memory_space<semaphore_mem>>)
      %dma_wait3A_553 = arith.constant 0 : i32
      %dma_wait3A_554 = tpu.memref_slice %arg8[%dma_wait3A_553] : memref<2064xi32, #tpu.memory_space<vmem>> -> memref<2048xi32, #tpu.memory_space<vmem>>
      %dma_wait3A_555 = arith.constant 0 : i32
      %dma_wait3A_556 = tpu.memref_slice %arg14[%arg1, %dma_wait3A_555] : memref<16x2048xi32, #tpu.memory_space<vmem_shared>> -> memref<1x2048xi32, #tpu.memory_space<vmem_shared>>
      %dma_wait3A_557 = tpu.memref_squeeze %dma_wait3A_556 : memref<1x2048xi32, #tpu.memory_space<vmem_shared>> -> memref<2048xi32, #tpu.memory_space<vmem_shared>>
      %dma_wait3A_558 = arith.constant 0 : i32
      %dma_wait3A_559 = tpu.memref_slice %arg14[%arg1, %dma_wait3A_558] : memref<16x2048xi32, #tpu.memory_space<vmem_shared>> -> memref<1x2048xi32, #tpu.memory_space<vmem_shared>>
      %dma_wait3A_560 = tpu.memref_squeeze %dma_wait3A_559 : memref<1x2048xi32, #tpu.memory_space<vmem_shared>> -> memref<2048xi32, #tpu.memory_space<vmem_shared>>
      %dma_wait3A_561 = arith.constant 0 : i32
      %dma_wait3A_562 = tpu.memref_slice %arg8[%dma_wait3A_561] : memref<2064xi32, #tpu.memory_space<vmem>> -> memref<2048xi32, #tpu.memory_space<vmem>>
      tpu.wait_dma2 semaphore(%run_scoped3A : memref<!tpu.dma_semaphore, #tpu.memory_space<semaphore_mem>>) src(%dma_wait3A_562 : memref<2048xi32, #tpu.memory_space<vmem>>) dst(%dma_wait3A_560 : memref<2048xi32, #tpu.memory_space<vmem_shared>>)
      tpu.yield
    }) : () -> ()
    %barrier3A = arith.constant 0 : index
    tpu.barrier barrier_id(%barrier3A)
    %mul3A_185 = arith.constant 4 : i32
    %mul3A_186 = arith.muli %select_n3A_54, %mul3A_185 : i32
    "tpu.region"() ({
      %run_scoped3A = tpu.sem_alloc : memref<!tpu.dma_semaphore, #tpu.memory_space<semaphore_mem>>
      %dma_start3A_543 = arith.constant 0 : i32
      %dma_start3A_544 = tpu.memref_slice %arg14[%mul3A_186, %dma_start3A_543] : memref<16x2048xi32, #tpu.memory_space<vmem_shared>> -> memref<4x2048xi32, #tpu.memory_space<vmem_shared>>
      %dma_start3A_545 = arith.constant 0 : i32
      %dma_start3A_546 = tpu.memref_slice %arg14[%mul3A_186, %dma_start3A_545] : memref<16x2048xi32, #tpu.memory_space<vmem_shared>> -> memref<4x2048xi32, #tpu.memory_space<vmem_shared>>
      tpu.enqueue_dma source(%dma_start3A_546 : memref<4x2048xi32, #tpu.memory_space<vmem_shared>>) target(%arg9 : memref<4x2048xi32, #tpu.memory_space<vmem>>) target_semaphore(%run_scoped3A : memref<!tpu.dma_semaphore, #tpu.memory_space<semaphore_mem>>)
      %dma_wait3A_547 = arith.constant 0 : i32
      %dma_wait3A_548 = tpu.memref_slice %arg14[%mul3A_186, %dma_wait3A_547] : memref<16x2048xi32, #tpu.memory_space<vmem_shared>> -> memref<4x2048xi32, #tpu.memory_space<vmem_shared>>
      %dma_wait3A_549 = arith.constant 0 : i32
      %dma_wait3A_550 = tpu.memref_slice %arg14[%mul3A_186, %dma_wait3A_549] : memref<16x2048xi32, #tpu.memory_space<vmem_shared>> -> memref<4x2048xi32, #tpu.memory_space<vmem_shared>>
      tpu.wait_dma2 semaphore(%run_scoped3A : memref<!tpu.dma_semaphore, #tpu.memory_space<semaphore_mem>>) src(%dma_wait3A_550 : memref<4x2048xi32, #tpu.memory_space<vmem_shared>>) dst(%arg9 : memref<4x2048xi32, #tpu.memory_space<vmem>>)
      tpu.yield
    }) : () -> ()
    %scan3A = arith.constant 0 : i32
    %scan3A_187 = arith.constant 0 : i32
    %scan3A_188 = arith.constant 128 : i32
    %scan3A_189 = arith.addi %scan3A_187, %scan3A_188 : i32
    %scan3A_190 = arith.constant 1 : i32
    %scan3A_191 = scf.for %scan3A_543 = %scan3A_187 to %scan3A_189 step %scan3A_190 iter_args(%scan3A_544 = %scan3A) -> (i32)  : i32 {
      %mul3A_545 = arith.constant 16 : i32
      %mul3A_546 = arith.muli %scan3A_543, %mul3A_545 : i32
      %get3A_547 = arith.constant 0 : i32
      %get3A_548 = arith.index_cast %get3A_547 : i32 to index
      %get3A_549 = arith.index_cast %mul3A_546 : i32 to index
      %get3A_550 = tpu.vector_load %arg9[%get3A_548, %get3A_549] {strides = array<i32>} : memref<4x2048xi32, #tpu.memory_space<vmem>>, vector<16xi32>,
      %get3A_551 = arith.constant 1 : i32
      %get3A_552 = arith.index_cast %get3A_551 : i32 to index
      %get3A_553 = arith.index_cast %mul3A_546 : i32 to index
      %get3A_554 = tpu.vector_load %arg9[%get3A_552, %get3A_553] {strides = array<i32>} : memref<4x2048xi32, #tpu.memory_space<vmem>>, vector<16xi32>,
      %add3A_555 = arith.addi %get3A_550, %get3A_554 : vector<16xi32>
      %get3A_556 = arith.constant 2 : i32
      %get3A_557 = arith.index_cast %get3A_556 : i32 to index
      %get3A_558 = arith.index_cast %mul3A_546 : i32 to index
      %get3A_559 = tpu.vector_load %arg9[%get3A_557, %get3A_558] {strides = array<i32>} : memref<4x2048xi32, #tpu.memory_space<vmem>>, vector<16xi32>,
      %add3A_560 = arith.addi %add3A_555, %get3A_559 : vector<16xi32>
      %get3A_561 = arith.constant 3 : i32
      %get3A_562 = arith.index_cast %get3A_561 : i32 to index
      %get3A_563 = arith.index_cast %mul3A_546 : i32 to index
      %get3A_564 = tpu.vector_load %arg9[%get3A_562, %get3A_563] {strides = array<i32>} : memref<4x2048xi32, #tpu.memory_space<vmem>>, vector<16xi32>,
      %add3A_565 = arith.addi %add3A_560, %get3A_564 : vector<16xi32>
      %swap3A = arith.index_cast %mul3A_546 : i32 to index
      %swap3A_566 = tpu.vector_load %arg8[%swap3A] {strides = array<i32>} : memref<2064xi32, #tpu.memory_space<vmem>>, vector<16xi32>,
      tpu.vector_store %arg8[%swap3A], %add3A_565 {strides = array<i32>} : memref<2064xi32, #tpu.memory_space<vmem>>, vector<16xi32>,
      %scan3A_567 = arith.constant 0 : i32
      scf.yield %scan3A_567 : i32
    }
    %scan3A_192 = arith.constant 128 : i32
    %broadcast_in_dim3A_193 = vector.broadcast %squeeze3A : i32 to vector<16xi32>
    %scan3A_194 = arith.constant 0 : i32
    %scan3A_195 = arith.constant 128 : i32
    %scan3A_196 = arith.addi %scan3A_194, %scan3A_195 : i32
    %scan3A_197 = arith.constant 1 : i32
    %scan3A_198:3 = scf.for %scan3A_543 = %scan3A_194 to %scan3A_196 step %scan3A_197 iter_args(%scan3A_544 = %broadcast_in_dim3A_58, %scan3A_545 = %broadcast_in_dim3A_58, %scan3A_546 = %broadcast_in_dim3A_58) -> (vector<16xi32>, vector<16xi32>, vector<16xi32>)  : i32 {
      %mul3A_547 = arith.constant 16 : i32
      %mul3A_548 = arith.muli %scan3A_543, %mul3A_547 : i32
      %get3A_549 = arith.index_cast %mul3A_548 : i32 to index
      %get3A_550 = tpu.vector_load %arg8[%get3A_549] {strides = array<i32>} : memref<2064xi32, #tpu.memory_space<vmem>>, vector<16xi32>,
      %broadcast_in_dim3A_551 = arith.constant true
      %broadcast_in_dim3A_552 = vector.broadcast %broadcast_in_dim3A_551 : i1 to vector<16xi1>
      %masked_cumsum3A = tpu.scan <sum>, %get3A_550 masked %broadcast_in_dim3A_552 : vector<16xi32>, vector<16xi1> -> vector<16xi32>
      %add3A_553 = arith.addi %masked_cumsum3A, %scan3A_544 : vector<16xi32>
      %le3A = arith.cmpi sle, %add3A_553, %broadcast_in_dim3A_193 : vector<16xi32>
      %jit3A_554 = arith.constant 1 : i32
      %jit3A_555 = arith.constant 0 : i32
      %broadcast_in_dim3A_556 = vector.broadcast %jit3A_554 : i32 to vector<16xi32>
      %broadcast_in_dim3A_557 = vector.broadcast %jit3A_555 : i32 to vector<16xi32>
      %select_n3A_558 = arith.select %le3A, %broadcast_in_dim3A_556, %broadcast_in_dim3A_557 : vector<16xi1>, vector<16xi32>
      %add3A_559 = arith.addi %scan3A_545, %select_n3A_558 : vector<16xi32>
      %jit3A_560 = arith.constant 0 : i32
      %broadcast_in_dim3A_561 = vector.broadcast %jit3A_560 : i32 to vector<16xi32>
      %select_n3A_562 = arith.select %le3A, %add3A_553, %broadcast_in_dim3A_561 : vector<16xi1>, vector<16xi32>
      %max3A = arith.maxsi %scan3A_546, %select_n3A_562 : vector<16xi32>
      %reduce_max3A_563 = arith.constant true
      %reduce_max3A_564 = vector.broadcast %reduce_max3A_563 : i1 to vector<16xi1>
      %reduce_max3A_565 = arith.constant -2147483648 : i32
      %reduce_max3A_566 = vector.broadcast %reduce_max3A_565 : i32 to vector<16xi32>
      %reduce_max3A_567 = arith.xori %add3A_553, %reduce_max3A_566 : vector<16xi32>
      %reduce_max3A_568 = tpu.scan <max>, %reduce_max3A_567 masked %reduce_max3A_564 : vector<16xi32>, vector<16xi1> -> vector<16xi32>
      %reduce_max3A_569 = arith.xori %reduce_max3A_568, %reduce_max3A_566 : vector<16xi32>
      %reduce_max3A_570 = vector.extract %reduce_max3A_569[15] : i32 from vector<16xi32>
      %broadcast_in_dim3A_571 = vector.broadcast %reduce_max3A_570 : i32 to vector<16xi32>
      scf.yield %broadcast_in_dim3A_571, %add3A_559, %max3A : vector<16xi32>, vector<16xi32>, vector<16xi32>
    }
    %scan3A_199 = arith.constant 128 : i32
    %reduce_sum3A = arith.constant true
    %reduce_sum3A_200 = vector.broadcast %reduce_sum3A : i1 to vector<16xi1>
    %reduce_sum3A_201 = tpu.scan <sum>, %scan3A_198#1 masked %reduce_sum3A_200 : vector<16xi32>, vector<16xi1> -> vector<16xi32>
    %reduce_sum3A_202 = vector.extract %reduce_sum3A_201[15] : i32 from vector<16xi32>
    %reduce_max3A = arith.constant true
    %reduce_max3A_203 = vector.broadcast %reduce_max3A : i1 to vector<16xi1>
    %reduce_max3A_204 = arith.constant -2147483648 : i32
    %reduce_max3A_205 = vector.broadcast %reduce_max3A_204 : i32 to vector<16xi32>
    %reduce_max3A_206 = arith.xori %scan3A_198#2, %reduce_max3A_205 : vector<16xi32>
    %reduce_max3A_207 = tpu.scan <max>, %reduce_max3A_206 masked %reduce_max3A_203 : vector<16xi32>, vector<16xi1> -> vector<16xi32>
    %reduce_max3A_208 = arith.xori %reduce_max3A_207, %reduce_max3A_205 : vector<16xi32>
    %reduce_max3A_209 = vector.extract %reduce_max3A_208[15] : i32 from vector<16xi32>
    %sub3A_210 = arith.subi %squeeze3A, %reduce_max3A_209 : i32
    %broadcast_in_dim3A_211 = vector.broadcast %reduce_sum3A_202 : i32 to vector<16xi32>
    %parallel_loop3A_212 = arith.constant 0 : i32
    %parallel_loop3A_213 = arith.constant 32800 : i32
    %parallel_loop3A_214 = arith.constant 16 : i32
    scf.for %parallel_loop3A_543 = %parallel_loop3A_212 to %parallel_loop3A_213 step %parallel_loop3A_214  : i32 {
      %parallel_loop3A_544 = arith.index_cast %parallel_loop3A_543 : i32 to index
      %parallel_loop3A_545 = tpu.vector_load %arg7[%parallel_loop3A_544] {strides = array<i32>} : memref<32800xi32, #tpu.memory_space<vmem>>, vector<16xi32>,
      tpu.vector_store %arg7[%parallel_loop3A_544], %broadcast_in_dim3A_58 {strides = array<i32>} : memref<32800xi32, #tpu.memory_space<vmem>>, vector<16xi32>,
    } {sc.loop_unroll_factor = 8 : i64, sc.parallel_access}
    %mul3A_215 = arith.constant 262144 : i32
    %mul3A_216 = arith.muli %select_n3A_30, %mul3A_215 : i32
    %add3A_217 = arith.constant 0 : i32
    %add3A_218 = arith.addi %mul3A_216, %add3A_217 : i32
    %dma_start3A_219 = tpu.memref_slice %arg2[%add3A, %add3A_218] : memref<8x1048576xf32, #tpu.memory_space<hbm>> -> memref<1x32768xf32, #tpu.memory_space<hbm>>
    %dma_start3A_220 = tpu.memref_squeeze %dma_start3A_219 : memref<1x32768xf32, #tpu.memory_space<hbm>> -> memref<32768xf32, #tpu.memory_space<hbm>>
    %dma_start3A_221 = tpu.memref_slice %arg2[%add3A, %add3A_218] : memref<8x1048576xf32, #tpu.memory_space<hbm>> -> memref<1x32768xf32, #tpu.memory_space<hbm>>
    %dma_start3A_222 = tpu.memref_squeeze %dma_start3A_221 : memref<1x32768xf32, #tpu.memory_space<hbm>> -> memref<32768xf32, #tpu.memory_space<hbm>>
    tpu.enqueue_dma source(%dma_start3A_222 : memref<32768xf32, #tpu.memory_space<hbm>>) target(%arg5 : memref<32768xf32, #tpu.memory_space<vmem>>) target_semaphore(%arg12 : memref<!tpu.dma_semaphore, #tpu.memory_space<semaphore_mem>>)
    %mul3A_223 = arith.constant 262144 : i32
    %mul3A_224 = arith.muli %select_n3A_30, %mul3A_223 : i32
    %add3A_225 = arith.constant 32768 : i32
    %add3A_226 = arith.addi %mul3A_224, %add3A_225 : i32
    %dma_start3A_227 = tpu.memref_slice %arg2[%add3A, %add3A_226] : memref<8x1048576xf32, #tpu.memory_space<hbm>> -> memref<1x32768xf32, #tpu.memory_space<hbm>>
    %dma_start3A_228 = tpu.memref_squeeze %dma_start3A_227 : memref<1x32768xf32, #tpu.memory_space<hbm>> -> memref<32768xf32, #tpu.memory_space<hbm>>
    %dma_start3A_229 = tpu.memref_slice %arg2[%add3A, %add3A_226] : memref<8x1048576xf32, #tpu.memory_space<hbm>> -> memref<1x32768xf32, #tpu.memory_space<hbm>>
    %dma_start3A_230 = tpu.memref_squeeze %dma_start3A_229 : memref<1x32768xf32, #tpu.memory_space<hbm>> -> memref<32768xf32, #tpu.memory_space<hbm>>
    tpu.enqueue_dma source(%dma_start3A_230 : memref<32768xf32, #tpu.memory_space<hbm>>) target(%arg6 : memref<32768xf32, #tpu.memory_space<vmem>>) target_semaphore(%arg13 : memref<!tpu.dma_semaphore, #tpu.memory_space<semaphore_mem>>)
    %dma_wait3A_231 = tpu.memref_slice %arg2[%add3A, %add3A_218] : memref<8x1048576xf32, #tpu.memory_space<hbm>> -> memref<1x32768xf32, #tpu.memory_space<hbm>>
    %dma_wait3A_232 = tpu.memref_squeeze %dma_wait3A_231 : memref<1x32768xf32, #tpu.memory_space<hbm>> -> memref<32768xf32, #tpu.memory_space<hbm>>
    %dma_wait3A_233 = tpu.memref_slice %arg2[%add3A, %add3A_218] : memref<8x1048576xf32, #tpu.memory_space<hbm>> -> memref<1x32768xf32, #tpu.memory_space<hbm>>
    %dma_wait3A_234 = tpu.memref_squeeze %dma_wait3A_233 : memref<1x32768xf32, #tpu.memory_space<hbm>> -> memref<32768xf32, #tpu.memory_space<hbm>>
    tpu.wait_dma2 semaphore(%arg12 : memref<!tpu.dma_semaphore, #tpu.memory_space<semaphore_mem>>) src(%dma_wait3A_234 : memref<32768xf32, #tpu.memory_space<hbm>>) dst(%arg5 : memref<32768xf32, #tpu.memory_space<vmem>>)
    %parallel_loop3A_235 = arith.constant 0 : i32
    %parallel_loop3A_236 = arith.constant 32768 : i32
    %parallel_loop3A_237 = arith.constant 16 : i32
    scf.for %parallel_loop3A_543 = %parallel_loop3A_235 to %parallel_loop3A_236 step %parallel_loop3A_237  : i32 {
      %parallel_loop3A_544 = arith.index_cast %parallel_loop3A_543 : i32 to index
      %parallel_loop3A_545 = tpu.vector_load %arg5[%parallel_loop3A_544] {strides = array<i32>} : memref<32768xf32, #tpu.memory_space<vmem>>, vector<16xf32>,
      %parallel_loop3A_546 = vector.bitcast %parallel_loop3A_545 : vector<16xf32> to vector<16xi32>
      %parallel_loop3A_547 = arith.constant 31 : i32
      %parallel_loop3A_548 = vector.broadcast %parallel_loop3A_547 : i32 to vector<16xi32>
      %parallel_loop3A_549 = arith.shrsi %parallel_loop3A_546, %parallel_loop3A_548 : vector<16xi32>
      %parallel_loop3A_550 = arith.constant -2147483648 : i32
      %parallel_loop3A_551 = vector.broadcast %parallel_loop3A_550 : i32 to vector<16xi32>
      %parallel_loop3A_552 = arith.ori %parallel_loop3A_549, %parallel_loop3A_551 : vector<16xi32>
      %parallel_loop3A_553 = arith.xori %parallel_loop3A_546, %parallel_loop3A_552 : vector<16xi32>
      %parallel_loop3A_554 = arith.constant 10 : i32
      %parallel_loop3A_555 = vector.broadcast %parallel_loop3A_554 : i32 to vector<16xi32>
      %parallel_loop3A_556 = arith.shrui %parallel_loop3A_553, %parallel_loop3A_555 : vector<16xi32>
      %parallel_loop3A_557 = arith.constant 2047 : i32
      %parallel_loop3A_558 = vector.broadcast %parallel_loop3A_557 : i32 to vector<16xi32>
      %parallel_loop3A_559 = arith.andi %parallel_loop3A_556, %parallel_loop3A_558 : vector<16xi32>
      %parallel_loop3A_560 = arith.constant 21 : i32
      %parallel_loop3A_561 = vector.broadcast %parallel_loop3A_560 : i32 to vector<16xi32>
      %parallel_loop3A_562 = arith.shrui %parallel_loop3A_553, %parallel_loop3A_561 : vector<16xi32>
      %parallel_loop3A_563 = arith.cmpi eq, %parallel_loop3A_562, %broadcast_in_dim3A_211 : vector<16xi32>
      %parallel_loop3A_564 = arith.addi %mul3A_57, %parallel_loop3A_559 : vector<16xi32>
      tpu.vector_store_idx %arg7[%parallel_loop3A_564], %broadcast_in_dim3A_60 masked %parallel_loop3A_563 {add = true} : memref<32800xi32, #tpu.memory_space<vmem>>[vector<16xi32>], vector<16xi32>, vector<16xi1>
    } {sc.loop_unroll_factor = 8 : i64, sc.parallel_access}
    %mul3A_238 = arith.constant 262144 : i32
    %mul3A_239 = arith.muli %select_n3A_30, %mul3A_238 : i32
    %add3A_240 = arith.constant 65536 : i32
    %add3A_241 = arith.addi %mul3A_239, %add3A_240 : i32
    %dma_start3A_242 = tpu.memref_slice %arg2[%add3A, %add3A_241] : memref<8x1048576xf32, #tpu.memory_space<hbm>> -> memref<1x32768xf32, #tpu.memory_space<hbm>>
    %dma_start3A_243 = tpu.memref_squeeze %dma_start3A_242 : memref<1x32768xf32, #tpu.memory_space<hbm>> -> memref<32768xf32, #tpu.memory_space<hbm>>
    %dma_start3A_244 = tpu.memref_slice %arg2[%add3A, %add3A_241] : memref<8x1048576xf32, #tpu.memory_space<hbm>> -> memref<1x32768xf32, #tpu.memory_space<hbm>>
    %dma_start3A_245 = tpu.memref_squeeze %dma_start3A_244 : memref<1x32768xf32, #tpu.memory_space<hbm>> -> memref<32768xf32, #tpu.memory_space<hbm>>
    tpu.enqueue_dma source(%dma_start3A_245 : memref<32768xf32, #tpu.memory_space<hbm>>) target(%arg5 : memref<32768xf32, #tpu.memory_space<vmem>>) target_semaphore(%arg12 : memref<!tpu.dma_semaphore, #tpu.memory_space<semaphore_mem>>)
    %dma_wait3A_246 = tpu.memref_slice %arg2[%add3A, %add3A_226] : memref<8x1048576xf32, #tpu.memory_space<hbm>> -> memref<1x32768xf32, #tpu.memory_space<hbm>>
    %dma_wait3A_247 = tpu.memref_squeeze %dma_wait3A_246 : memref<1x32768xf32, #tpu.memory_space<hbm>> -> memref<32768xf32, #tpu.memory_space<hbm>>
    %dma_wait3A_248 = tpu.memref_slice %arg2[%add3A, %add3A_226] : memref<8x1048576xf32, #tpu.memory_space<hbm>> -> memref<1x32768xf32, #tpu.memory_space<hbm>>
    %dma_wait3A_249 = tpu.memref_squeeze %dma_wait3A_248 : memref<1x32768xf32, #tpu.memory_space<hbm>> -> memref<32768xf32, #tpu.memory_space<hbm>>
    tpu.wait_dma2 semaphore(%arg13 : memref<!tpu.dma_semaphore, #tpu.memory_space<semaphore_mem>>) src(%dma_wait3A_249 : memref<32768xf32, #tpu.memory_space<hbm>>) dst(%arg6 : memref<32768xf32, #tpu.memory_space<vmem>>)
    %parallel_loop3A_250 = arith.constant 0 : i32
    %parallel_loop3A_251 = arith.constant 32768 : i32
    %parallel_loop3A_252 = arith.constant 16 : i32
    scf.for %parallel_loop3A_543 = %parallel_loop3A_250 to %parallel_loop3A_251 step %parallel_loop3A_252  : i32 {
      %parallel_loop3A_544 = arith.index_cast %parallel_loop3A_543 : i32 to index
      %parallel_loop3A_545 = tpu.vector_load %arg6[%parallel_loop3A_544] {strides = array<i32>} : memref<32768xf32, #tpu.memory_space<vmem>>, vector<16xf32>,
      %parallel_loop3A_546 = vector.bitcast %parallel_loop3A_545 : vector<16xf32> to vector<16xi32>
      %parallel_loop3A_547 = arith.constant 31 : i32
      %parallel_loop3A_548 = vector.broadcast %parallel_loop3A_547 : i32 to vector<16xi32>
      %parallel_loop3A_549 = arith.shrsi %parallel_loop3A_546, %parallel_loop3A_548 : vector<16xi32>
      %parallel_loop3A_550 = arith.constant -2147483648 : i32
      %parallel_loop3A_551 = vector.broadcast %parallel_loop3A_550 : i32 to vector<16xi32>
      %parallel_loop3A_552 = arith.ori %parallel_loop3A_549, %parallel_loop3A_551 : vector<16xi32>
      %parallel_loop3A_553 = arith.xori %parallel_loop3A_546, %parallel_loop3A_552 : vector<16xi32>
      %parallel_loop3A_554 = arith.constant 10 : i32
      %parallel_loop3A_555 = vector.broadcast %parallel_loop3A_554 : i32 to vector<16xi32>
      %parallel_loop3A_556 = arith.shrui %parallel_loop3A_553, %parallel_loop3A_555 : vector<16xi32>
      %parallel_loop3A_557 = arith.constant 2047 : i32
      %parallel_loop3A_558 = vector.broadcast %parallel_loop3A_557 : i32 to vector<16xi32>
      %parallel_loop3A_559 = arith.andi %parallel_loop3A_556, %parallel_loop3A_558 : vector<16xi32>
      %parallel_loop3A_560 = arith.constant 21 : i32
      %parallel_loop3A_561 = vector.broadcast %parallel_loop3A_560 : i32 to vector<16xi32>
      %parallel_loop3A_562 = arith.shrui %parallel_loop3A_553, %parallel_loop3A_561 : vector<16xi32>
      %parallel_loop3A_563 = arith.cmpi eq, %parallel_loop3A_562, %broadcast_in_dim3A_211 : vector<16xi32>
      %parallel_loop3A_564 = arith.addi %mul3A_57, %parallel_loop3A_559 : vector<16xi32>
      tpu.vector_store_idx %arg7[%parallel_loop3A_564], %broadcast_in_dim3A_60 masked %parallel_loop3A_563 {add = true} : memref<32800xi32, #tpu.memory_space<vmem>>[vector<16xi32>], vector<16xi32>, vector<16xi1>
    } {sc.loop_unroll_factor = 8 : i64, sc.parallel_access}
    %mul3A_253 = arith.constant 262144 : i32
    %mul3A_254 = arith.muli %select_n3A_30, %mul3A_253 : i32
    %add3A_255 = arith.constant 98304 : i32
    %add3A_256 = arith.addi %mul3A_254, %add3A_255 : i32
    %dma_start3A_257 = tpu.memref_slice %arg2[%add3A, %add3A_256] : memref<8x1048576xf32, #tpu.memory_space<hbm>> -> memref<1x32768xf32, #tpu.memory_space<hbm>>
    %dma_start3A_258 = tpu.memref_squeeze %dma_start3A_257 : memref<1x32768xf32, #tpu.memory_space<hbm>> -> memref<32768xf32, #tpu.memory_space<hbm>>
    %dma_start3A_259 = tpu.memref_slice %arg2[%add3A, %add3A_256] : memref<8x1048576xf32, #tpu.memory_space<hbm>> -> memref<1x32768xf32, #tpu.memory_space<hbm>>
    %dma_start3A_260 = tpu.memref_squeeze %dma_start3A_259 : memref<1x32768xf32, #tpu.memory_space<hbm>> -> memref<32768xf32, #tpu.memory_space<hbm>>
    tpu.enqueue_dma source(%dma_start3A_260 : memref<32768xf32, #tpu.memory_space<hbm>>) target(%arg6 : memref<32768xf32, #tpu.memory_space<vmem>>) target_semaphore(%arg13 : memref<!tpu.dma_semaphore, #tpu.memory_space<semaphore_mem>>)
    %dma_wait3A_261 = tpu.memref_slice %arg2[%add3A, %add3A_241] : memref<8x1048576xf32, #tpu.memory_space<hbm>> -> memref<1x32768xf32, #tpu.memory_space<hbm>>
    %dma_wait3A_262 = tpu.memref_squeeze %dma_wait3A_261 : memref<1x32768xf32, #tpu.memory_space<hbm>> -> memref<32768xf32, #tpu.memory_space<hbm>>
    %dma_wait3A_263 = tpu.memref_slice %arg2[%add3A, %add3A_241] : memref<8x1048576xf32, #tpu.memory_space<hbm>> -> memref<1x32768xf32, #tpu.memory_space<hbm>>
    %dma_wait3A_264 = tpu.memref_squeeze %dma_wait3A_263 : memref<1x32768xf32, #tpu.memory_space<hbm>> -> memref<32768xf32, #tpu.memory_space<hbm>>
    tpu.wait_dma2 semaphore(%arg12 : memref<!tpu.dma_semaphore, #tpu.memory_space<semaphore_mem>>) src(%dma_wait3A_264 : memref<32768xf32, #tpu.memory_space<hbm>>) dst(%arg5 : memref<32768xf32, #tpu.memory_space<vmem>>)
    %parallel_loop3A_265 = arith.constant 0 : i32
    %parallel_loop3A_266 = arith.constant 32768 : i32
    %parallel_loop3A_267 = arith.constant 16 : i32
    scf.for %parallel_loop3A_543 = %parallel_loop3A_265 to %parallel_loop3A_266 step %parallel_loop3A_267  : i32 {
      %parallel_loop3A_544 = arith.index_cast %parallel_loop3A_543 : i32 to index
      %parallel_loop3A_545 = tpu.vector_load %arg5[%parallel_loop3A_544] {strides = array<i32>} : memref<32768xf32, #tpu.memory_space<vmem>>, vector<16xf32>,
      %parallel_loop3A_546 = vector.bitcast %parallel_loop3A_545 : vector<16xf32> to vector<16xi32>
      %parallel_loop3A_547 = arith.constant 31 : i32
      %parallel_loop3A_548 = vector.broadcast %parallel_loop3A_547 : i32 to vector<16xi32>
      %parallel_loop3A_549 = arith.shrsi %parallel_loop3A_546, %parallel_loop3A_548 : vector<16xi32>
      %parallel_loop3A_550 = arith.constant -2147483648 : i32
      %parallel_loop3A_551 = vector.broadcast %parallel_loop3A_550 : i32 to vector<16xi32>
      %parallel_loop3A_552 = arith.ori %parallel_loop3A_549, %parallel_loop3A_551 : vector<16xi32>
      %parallel_loop3A_553 = arith.xori %parallel_loop3A_546, %parallel_loop3A_552 : vector<16xi32>
      %parallel_loop3A_554 = arith.constant 10 : i32
      %parallel_loop3A_555 = vector.broadcast %parallel_loop3A_554 : i32 to vector<16xi32>
      %parallel_loop3A_556 = arith.shrui %parallel_loop3A_553, %parallel_loop3A_555 : vector<16xi32>
      %parallel_loop3A_557 = arith.constant 2047 : i32
      %parallel_loop3A_558 = vector.broadcast %parallel_loop3A_557 : i32 to vector<16xi32>
      %parallel_loop3A_559 = arith.andi %parallel_loop3A_556, %parallel_loop3A_558 : vector<16xi32>
      %parallel_loop3A_560 = arith.constant 21 : i32
      %parallel_loop3A_561 = vector.broadcast %parallel_loop3A_560 : i32 to vector<16xi32>
      %parallel_loop3A_562 = arith.shrui %parallel_loop3A_553, %parallel_loop3A_561 : vector<16xi32>
      %parallel_loop3A_563 = arith.cmpi eq, %parallel_loop3A_562, %broadcast_in_dim3A_211 : vector<16xi32>
      %parallel_loop3A_564 = arith.addi %mul3A_57, %parallel_loop3A_559 : vector<16xi32>
      tpu.vector_store_idx %arg7[%parallel_loop3A_564], %broadcast_in_dim3A_60 masked %parallel_loop3A_563 {add = true} : memref<32800xi32, #tpu.memory_space<vmem>>[vector<16xi32>], vector<16xi32>, vector<16xi1>
    } {sc.loop_unroll_factor = 8 : i64, sc.parallel_access}
    %mul3A_268 = arith.constant 262144 : i32
    %mul3A_269 = arith.muli %select_n3A_30, %mul3A_268 : i32
    %add3A_270 = arith.constant 131072 : i32
    %add3A_271 = arith.addi %mul3A_269, %add3A_270 : i32
    %dma_start3A_272 = tpu.memref_slice %arg2[%add3A, %add3A_271] : memref<8x1048576xf32, #tpu.memory_space<hbm>> -> memref<1x32768xf32, #tpu.memory_space<hbm>>
    %dma_start3A_273 = tpu.memref_squeeze %dma_start3A_272 : memref<1x32768xf32, #tpu.memory_space<hbm>> -> memref<32768xf32, #tpu.memory_space<hbm>>
    %dma_start3A_274 = tpu.memref_slice %arg2[%add3A, %add3A_271] : memref<8x1048576xf32, #tpu.memory_space<hbm>> -> memref<1x32768xf32, #tpu.memory_space<hbm>>
    %dma_start3A_275 = tpu.memref_squeeze %dma_start3A_274 : memref<1x32768xf32, #tpu.memory_space<hbm>> -> memref<32768xf32, #tpu.memory_space<hbm>>
    tpu.enqueue_dma source(%dma_start3A_275 : memref<32768xf32, #tpu.memory_space<hbm>>) target(%arg5 : memref<32768xf32, #tpu.memory_space<vmem>>) target_semaphore(%arg12 : memref<!tpu.dma_semaphore, #tpu.memory_space<semaphore_mem>>)
    %dma_wait3A_276 = tpu.memref_slice %arg2[%add3A, %add3A_256] : memref<8x1048576xf32, #tpu.memory_space<hbm>> -> memref<1x32768xf32, #tpu.memory_space<hbm>>
    %dma_wait3A_277 = tpu.memref_squeeze %dma_wait3A_276 : memref<1x32768xf32, #tpu.memory_space<hbm>> -> memref<32768xf32, #tpu.memory_space<hbm>>
    %dma_wait3A_278 = tpu.memref_slice %arg2[%add3A, %add3A_256] : memref<8x1048576xf32, #tpu.memory_space<hbm>> -> memref<1x32768xf32, #tpu.memory_space<hbm>>
    %dma_wait3A_279 = tpu.memref_squeeze %dma_wait3A_278 : memref<1x32768xf32, #tpu.memory_space<hbm>> -> memref<32768xf32, #tpu.memory_space<hbm>>
    tpu.wait_dma2 semaphore(%arg13 : memref<!tpu.dma_semaphore, #tpu.memory_space<semaphore_mem>>) src(%dma_wait3A_279 : memref<32768xf32, #tpu.memory_space<hbm>>) dst(%arg6 : memref<32768xf32, #tpu.memory_space<vmem>>)
    %parallel_loop3A_280 = arith.constant 0 : i32
    %parallel_loop3A_281 = arith.constant 32768 : i32
    %parallel_loop3A_282 = arith.constant 16 : i32
    scf.for %parallel_loop3A_543 = %parallel_loop3A_280 to %parallel_loop3A_281 step %parallel_loop3A_282  : i32 {
      %parallel_loop3A_544 = arith.index_cast %parallel_loop3A_543 : i32 to index
      %parallel_loop3A_545 = tpu.vector_load %arg6[%parallel_loop3A_544] {strides = array<i32>} : memref<32768xf32, #tpu.memory_space<vmem>>, vector<16xf32>,
      %parallel_loop3A_546 = vector.bitcast %parallel_loop3A_545 : vector<16xf32> to vector<16xi32>
      %parallel_loop3A_547 = arith.constant 31 : i32
      %parallel_loop3A_548 = vector.broadcast %parallel_loop3A_547 : i32 to vector<16xi32>
      %parallel_loop3A_549 = arith.shrsi %parallel_loop3A_546, %parallel_loop3A_548 : vector<16xi32>
      %parallel_loop3A_550 = arith.constant -2147483648 : i32
      %parallel_loop3A_551 = vector.broadcast %parallel_loop3A_550 : i32 to vector<16xi32>
      %parallel_loop3A_552 = arith.ori %parallel_loop3A_549, %parallel_loop3A_551 : vector<16xi32>
      %parallel_loop3A_553 = arith.xori %parallel_loop3A_546, %parallel_loop3A_552 : vector<16xi32>
      %parallel_loop3A_554 = arith.constant 10 : i32
      %parallel_loop3A_555 = vector.broadcast %parallel_loop3A_554 : i32 to vector<16xi32>
      %parallel_loop3A_556 = arith.shrui %parallel_loop3A_553, %parallel_loop3A_555 : vector<16xi32>
      %parallel_loop3A_557 = arith.constant 2047 : i32
      %parallel_loop3A_558 = vector.broadcast %parallel_loop3A_557 : i32 to vector<16xi32>
      %parallel_loop3A_559 = arith.andi %parallel_loop3A_556, %parallel_loop3A_558 : vector<16xi32>
      %parallel_loop3A_560 = arith.constant 21 : i32
      %parallel_loop3A_561 = vector.broadcast %parallel_loop3A_560 : i32 to vector<16xi32>
      %parallel_loop3A_562 = arith.shrui %parallel_loop3A_553, %parallel_loop3A_561 : vector<16xi32>
      %parallel_loop3A_563 = arith.cmpi eq, %parallel_loop3A_562, %broadcast_in_dim3A_211 : vector<16xi32>
      %parallel_loop3A_564 = arith.addi %mul3A_57, %parallel_loop3A_559 : vector<16xi32>
      tpu.vector_store_idx %arg7[%parallel_loop3A_564], %broadcast_in_dim3A_60 masked %parallel_loop3A_563 {add = true} : memref<32800xi32, #tpu.memory_space<vmem>>[vector<16xi32>], vector<16xi32>, vector<16xi1>
    } {sc.loop_unroll_factor = 8 : i64, sc.parallel_access}
    %mul3A_283 = arith.constant 262144 : i32
    %mul3A_284 = arith.muli %select_n3A_30, %mul3A_283 : i32
    %add3A_285 = arith.constant 163840 : i32
    %add3A_286 = arith.addi %mul3A_284, %add3A_285 : i32
    %dma_start3A_287 = tpu.memref_slice %arg2[%add3A, %add3A_286] : memref<8x1048576xf32, #tpu.memory_space<hbm>> -> memref<1x32768xf32, #tpu.memory_space<hbm>>
    %dma_start3A_288 = tpu.memref_squeeze %dma_start3A_287 : memref<1x32768xf32, #tpu.memory_space<hbm>> -> memref<32768xf32, #tpu.memory_space<hbm>>
    %dma_start3A_289 = tpu.memref_slice %arg2[%add3A, %add3A_286] : memref<8x1048576xf32, #tpu.memory_space<hbm>> -> memref<1x32768xf32, #tpu.memory_space<hbm>>
    %dma_start3A_290 = tpu.memref_squeeze %dma_start3A_289 : memref<1x32768xf32, #tpu.memory_space<hbm>> -> memref<32768xf32, #tpu.memory_space<hbm>>
    tpu.enqueue_dma source(%dma_start3A_290 : memref<32768xf32, #tpu.memory_space<hbm>>) target(%arg6 : memref<32768xf32, #tpu.memory_space<vmem>>) target_semaphore(%arg13 : memref<!tpu.dma_semaphore, #tpu.memory_space<semaphore_mem>>)
    %dma_wait3A_291 = tpu.memref_slice %arg2[%add3A, %add3A_271] : memref<8x1048576xf32, #tpu.memory_space<hbm>> -> memref<1x32768xf32, #tpu.memory_space<hbm>>
    %dma_wait3A_292 = tpu.memref_squeeze %dma_wait3A_291 : memref<1x32768xf32, #tpu.memory_space<hbm>> -> memref<32768xf32, #tpu.memory_space<hbm>>
    %dma_wait3A_293 = tpu.memref_slice %arg2[%add3A, %add3A_271] : memref<8x1048576xf32, #tpu.memory_space<hbm>> -> memref<1x32768xf32, #tpu.memory_space<hbm>>
    %dma_wait3A_294 = tpu.memref_squeeze %dma_wait3A_293 : memref<1x32768xf32, #tpu.memory_space<hbm>> -> memref<32768xf32, #tpu.memory_space<hbm>>
    tpu.wait_dma2 semaphore(%arg12 : memref<!tpu.dma_semaphore, #tpu.memory_space<semaphore_mem>>) src(%dma_wait3A_294 : memref<32768xf32, #tpu.memory_space<hbm>>) dst(%arg5 : memref<32768xf32, #tpu.memory_space<vmem>>)
    %parallel_loop3A_295 = arith.constant 0 : i32
    %parallel_loop3A_296 = arith.constant 32768 : i32
    %parallel_loop3A_297 = arith.constant 16 : i32
    scf.for %parallel_loop3A_543 = %parallel_loop3A_295 to %parallel_loop3A_296 step %parallel_loop3A_297  : i32 {
      %parallel_loop3A_544 = arith.index_cast %parallel_loop3A_543 : i32 to index
      %parallel_loop3A_545 = tpu.vector_load %arg5[%parallel_loop3A_544] {strides = array<i32>} : memref<32768xf32, #tpu.memory_space<vmem>>, vector<16xf32>,
      %parallel_loop3A_546 = vector.bitcast %parallel_loop3A_545 : vector<16xf32> to vector<16xi32>
      %parallel_loop3A_547 = arith.constant 31 : i32
      %parallel_loop3A_548 = vector.broadcast %parallel_loop3A_547 : i32 to vector<16xi32>
      %parallel_loop3A_549 = arith.shrsi %parallel_loop3A_546, %parallel_loop3A_548 : vector<16xi32>
      %parallel_loop3A_550 = arith.constant -2147483648 : i32
      %parallel_loop3A_551 = vector.broadcast %parallel_loop3A_550 : i32 to vector<16xi32>
      %parallel_loop3A_552 = arith.ori %parallel_loop3A_549, %parallel_loop3A_551 : vector<16xi32>
      %parallel_loop3A_553 = arith.xori %parallel_loop3A_546, %parallel_loop3A_552 : vector<16xi32>
      %parallel_loop3A_554 = arith.constant 10 : i32
      %parallel_loop3A_555 = vector.broadcast %parallel_loop3A_554 : i32 to vector<16xi32>
      %parallel_loop3A_556 = arith.shrui %parallel_loop3A_553, %parallel_loop3A_555 : vector<16xi32>
      %parallel_loop3A_557 = arith.constant 2047 : i32
      %parallel_loop3A_558 = vector.broadcast %parallel_loop3A_557 : i32 to vector<16xi32>
      %parallel_loop3A_559 = arith.andi %parallel_loop3A_556, %parallel_loop3A_558 : vector<16xi32>
      %parallel_loop3A_560 = arith.constant 21 : i32
      %parallel_loop3A_561 = vector.broadcast %parallel_loop3A_560 : i32 to vector<16xi32>
      %parallel_loop3A_562 = arith.shrui %parallel_loop3A_553, %parallel_loop3A_561 : vector<16xi32>
      %parallel_loop3A_563 = arith.cmpi eq, %parallel_loop3A_562, %broadcast_in_dim3A_211 : vector<16xi32>
      %parallel_loop3A_564 = arith.addi %mul3A_57, %parallel_loop3A_559 : vector<16xi32>
      tpu.vector_store_idx %arg7[%parallel_loop3A_564], %broadcast_in_dim3A_60 masked %parallel_loop3A_563 {add = true} : memref<32800xi32, #tpu.memory_space<vmem>>[vector<16xi32>], vector<16xi32>, vector<16xi1>
    } {sc.loop_unroll_factor = 8 : i64, sc.parallel_access}
    %mul3A_298 = arith.constant 262144 : i32
    %mul3A_299 = arith.muli %select_n3A_30, %mul3A_298 : i32
    %add3A_300 = arith.constant 196608 : i32
    %add3A_301 = arith.addi %mul3A_299, %add3A_300 : i32
    %dma_start3A_302 = tpu.memref_slice %arg2[%add3A, %add3A_301] : memref<8x1048576xf32, #tpu.memory_space<hbm>> -> memref<1x32768xf32, #tpu.memory_space<hbm>>
    %dma_start3A_303 = tpu.memref_squeeze %dma_start3A_302 : memref<1x32768xf32, #tpu.memory_space<hbm>> -> memref<32768xf32, #tpu.memory_space<hbm>>
    %dma_start3A_304 = tpu.memref_slice %arg2[%add3A, %add3A_301] : memref<8x1048576xf32, #tpu.memory_space<hbm>> -> memref<1x32768xf32, #tpu.memory_space<hbm>>
    %dma_start3A_305 = tpu.memref_squeeze %dma_start3A_304 : memref<1x32768xf32, #tpu.memory_space<hbm>> -> memref<32768xf32, #tpu.memory_space<hbm>>
    tpu.enqueue_dma source(%dma_start3A_305 : memref<32768xf32, #tpu.memory_space<hbm>>) target(%arg5 : memref<32768xf32, #tpu.memory_space<vmem>>) target_semaphore(%arg12 : memref<!tpu.dma_semaphore, #tpu.memory_space<semaphore_mem>>)
    %dma_wait3A_306 = tpu.memref_slice %arg2[%add3A, %add3A_286] : memref<8x1048576xf32, #tpu.memory_space<hbm>> -> memref<1x32768xf32, #tpu.memory_space<hbm>>
    %dma_wait3A_307 = tpu.memref_squeeze %dma_wait3A_306 : memref<1x32768xf32, #tpu.memory_space<hbm>> -> memref<32768xf32, #tpu.memory_space<hbm>>
    %dma_wait3A_308 = tpu.memref_slice %arg2[%add3A, %add3A_286] : memref<8x1048576xf32, #tpu.memory_space<hbm>> -> memref<1x32768xf32, #tpu.memory_space<hbm>>
    %dma_wait3A_309 = tpu.memref_squeeze %dma_wait3A_308 : memref<1x32768xf32, #tpu.memory_space<hbm>> -> memref<32768xf32, #tpu.memory_space<hbm>>
    tpu.wait_dma2 semaphore(%arg13 : memref<!tpu.dma_semaphore, #tpu.memory_space<semaphore_mem>>) src(%dma_wait3A_309 : memref<32768xf32, #tpu.memory_space<hbm>>) dst(%arg6 : memref<32768xf32, #tpu.memory_space<vmem>>)
    %parallel_loop3A_310 = arith.constant 0 : i32
    %parallel_loop3A_311 = arith.constant 32768 : i32
    %parallel_loop3A_312 = arith.constant 16 : i32
    scf.for %parallel_loop3A_543 = %parallel_loop3A_310 to %parallel_loop3A_311 step %parallel_loop3A_312  : i32 {
      %parallel_loop3A_544 = arith.index_cast %parallel_loop3A_543 : i32 to index
      %parallel_loop3A_545 = tpu.vector_load %arg6[%parallel_loop3A_544] {strides = array<i32>} : memref<32768xf32, #tpu.memory_space<vmem>>, vector<16xf32>,
      %parallel_loop3A_546 = vector.bitcast %parallel_loop3A_545 : vector<16xf32> to vector<16xi32>
      %parallel_loop3A_547 = arith.constant 31 : i32
      %parallel_loop3A_548 = vector.broadcast %parallel_loop3A_547 : i32 to vector<16xi32>
      %parallel_loop3A_549 = arith.shrsi %parallel_loop3A_546, %parallel_loop3A_548 : vector<16xi32>
      %parallel_loop3A_550 = arith.constant -2147483648 : i32
      %parallel_loop3A_551 = vector.broadcast %parallel_loop3A_550 : i32 to vector<16xi32>
      %parallel_loop3A_552 = arith.ori %parallel_loop3A_549, %parallel_loop3A_551 : vector<16xi32>
      %parallel_loop3A_553 = arith.xori %parallel_loop3A_546, %parallel_loop3A_552 : vector<16xi32>
      %parallel_loop3A_554 = arith.constant 10 : i32
      %parallel_loop3A_555 = vector.broadcast %parallel_loop3A_554 : i32 to vector<16xi32>
      %parallel_loop3A_556 = arith.shrui %parallel_loop3A_553, %parallel_loop3A_555 : vector<16xi32>
      %parallel_loop3A_557 = arith.constant 2047 : i32
      %parallel_loop3A_558 = vector.broadcast %parallel_loop3A_557 : i32 to vector<16xi32>
      %parallel_loop3A_559 = arith.andi %parallel_loop3A_556, %parallel_loop3A_558 : vector<16xi32>
      %parallel_loop3A_560 = arith.constant 21 : i32
      %parallel_loop3A_561 = vector.broadcast %parallel_loop3A_560 : i32 to vector<16xi32>
      %parallel_loop3A_562 = arith.shrui %parallel_loop3A_553, %parallel_loop3A_561 : vector<16xi32>
      %parallel_loop3A_563 = arith.cmpi eq, %parallel_loop3A_562, %broadcast_in_dim3A_211 : vector<16xi32>
      %parallel_loop3A_564 = arith.addi %mul3A_57, %parallel_loop3A_559 : vector<16xi32>
      tpu.vector_store_idx %arg7[%parallel_loop3A_564], %broadcast_in_dim3A_60 masked %parallel_loop3A_563 {add = true} : memref<32800xi32, #tpu.memory_space<vmem>>[vector<16xi32>], vector<16xi32>, vector<16xi1>
    } {sc.loop_unroll_factor = 8 : i64, sc.parallel_access}
    %mul3A_313 = arith.constant 262144 : i32
    %mul3A_314 = arith.muli %select_n3A_30, %mul3A_313 : i32
    %add3A_315 = arith.constant 229376 : i32
    %add3A_316 = arith.addi %mul3A_314, %add3A_315 : i32
    %dma_start3A_317 = tpu.memref_slice %arg2[%add3A, %add3A_316] : memref<8x1048576xf32, #tpu.memory_space<hbm>> -> memref<1x32768xf32, #tpu.memory_space<hbm>>
    %dma_start3A_318 = tpu.memref_squeeze %dma_start3A_317 : memref<1x32768xf32, #tpu.memory_space<hbm>> -> memref<32768xf32, #tpu.memory_space<hbm>>
    %dma_start3A_319 = tpu.memref_slice %arg2[%add3A, %add3A_316] : memref<8x1048576xf32, #tpu.memory_space<hbm>> -> memref<1x32768xf32, #tpu.memory_space<hbm>>
    %dma_start3A_320 = tpu.memref_squeeze %dma_start3A_319 : memref<1x32768xf32, #tpu.memory_space<hbm>> -> memref<32768xf32, #tpu.memory_space<hbm>>
    tpu.enqueue_dma source(%dma_start3A_320 : memref<32768xf32, #tpu.memory_space<hbm>>) target(%arg6 : memref<32768xf32, #tpu.memory_space<vmem>>) target_semaphore(%arg13 : memref<!tpu.dma_semaphore, #tpu.memory_space<semaphore_mem>>)
    %dma_wait3A_321 = tpu.memref_slice %arg2[%add3A, %add3A_301] : memref<8x1048576xf32, #tpu.memory_space<hbm>> -> memref<1x32768xf32, #tpu.memory_space<hbm>>
    %dma_wait3A_322 = tpu.memref_squeeze %dma_wait3A_321 : memref<1x32768xf32, #tpu.memory_space<hbm>> -> memref<32768xf32, #tpu.memory_space<hbm>>
    %dma_wait3A_323 = tpu.memref_slice %arg2[%add3A, %add3A_301] : memref<8x1048576xf32, #tpu.memory_space<hbm>> -> memref<1x32768xf32, #tpu.memory_space<hbm>>
    %dma_wait3A_324 = tpu.memref_squeeze %dma_wait3A_323 : memref<1x32768xf32, #tpu.memory_space<hbm>> -> memref<32768xf32, #tpu.memory_space<hbm>>
    tpu.wait_dma2 semaphore(%arg12 : memref<!tpu.dma_semaphore, #tpu.memory_space<semaphore_mem>>) src(%dma_wait3A_324 : memref<32768xf32, #tpu.memory_space<hbm>>) dst(%arg5 : memref<32768xf32, #tpu.memory_space<vmem>>)
    %parallel_loop3A_325 = arith.constant 0 : i32
    %parallel_loop3A_326 = arith.constant 32768 : i32
    %parallel_loop3A_327 = arith.constant 16 : i32
    scf.for %parallel_loop3A_543 = %parallel_loop3A_325 to %parallel_loop3A_326 step %parallel_loop3A_327  : i32 {
      %parallel_loop3A_544 = arith.index_cast %parallel_loop3A_543 : i32 to index
      %parallel_loop3A_545 = tpu.vector_load %arg5[%parallel_loop3A_544] {strides = array<i32>} : memref<32768xf32, #tpu.memory_space<vmem>>, vector<16xf32>,
      %parallel_loop3A_546 = vector.bitcast %parallel_loop3A_545 : vector<16xf32> to vector<16xi32>
      %parallel_loop3A_547 = arith.constant 31 : i32
      %parallel_loop3A_548 = vector.broadcast %parallel_loop3A_547 : i32 to vector<16xi32>
      %parallel_loop3A_549 = arith.shrsi %parallel_loop3A_546, %parallel_loop3A_548 : vector<16xi32>
      %parallel_loop3A_550 = arith.constant -2147483648 : i32
      %parallel_loop3A_551 = vector.broadcast %parallel_loop3A_550 : i32 to vector<16xi32>
      %parallel_loop3A_552 = arith.ori %parallel_loop3A_549, %parallel_loop3A_551 : vector<16xi32>
      %parallel_loop3A_553 = arith.xori %parallel_loop3A_546, %parallel_loop3A_552 : vector<16xi32>
      %parallel_loop3A_554 = arith.constant 10 : i32
      %parallel_loop3A_555 = vector.broadcast %parallel_loop3A_554 : i32 to vector<16xi32>
      %parallel_loop3A_556 = arith.shrui %parallel_loop3A_553, %parallel_loop3A_555 : vector<16xi32>
      %parallel_loop3A_557 = arith.constant 2047 : i32
      %parallel_loop3A_558 = vector.broadcast %parallel_loop3A_557 : i32 to vector<16xi32>
      %parallel_loop3A_559 = arith.andi %parallel_loop3A_556, %parallel_loop3A_558 : vector<16xi32>
      %parallel_loop3A_560 = arith.constant 21 : i32
      %parallel_loop3A_561 = vector.broadcast %parallel_loop3A_560 : i32 to vector<16xi32>
      %parallel_loop3A_562 = arith.shrui %parallel_loop3A_553, %parallel_loop3A_561 : vector<16xi32>
      %parallel_loop3A_563 = arith.cmpi eq, %parallel_loop3A_562, %broadcast_in_dim3A_211 : vector<16xi32>
      %parallel_loop3A_564 = arith.addi %mul3A_57, %parallel_loop3A_559 : vector<16xi32>
      tpu.vector_store_idx %arg7[%parallel_loop3A_564], %broadcast_in_dim3A_60 masked %parallel_loop3A_563 {add = true} : memref<32800xi32, #tpu.memory_space<vmem>>[vector<16xi32>], vector<16xi32>, vector<16xi1>
    } {sc.loop_unroll_factor = 8 : i64, sc.parallel_access}
    %dma_wait3A_328 = tpu.memref_slice %arg2[%add3A, %add3A_316] : memref<8x1048576xf32, #tpu.memory_space<hbm>> -> memref<1x32768xf32, #tpu.memory_space<hbm>>
    %dma_wait3A_329 = tpu.memref_squeeze %dma_wait3A_328 : memref<1x32768xf32, #tpu.memory_space<hbm>> -> memref<32768xf32, #tpu.memory_space<hbm>>
    %dma_wait3A_330 = tpu.memref_slice %arg2[%add3A, %add3A_316] : memref<8x1048576xf32, #tpu.memory_space<hbm>> -> memref<1x32768xf32, #tpu.memory_space<hbm>>
    %dma_wait3A_331 = tpu.memref_squeeze %dma_wait3A_330 : memref<1x32768xf32, #tpu.memory_space<hbm>> -> memref<32768xf32, #tpu.memory_space<hbm>>
    tpu.wait_dma2 semaphore(%arg13 : memref<!tpu.dma_semaphore, #tpu.memory_space<semaphore_mem>>) src(%dma_wait3A_331 : memref<32768xf32, #tpu.memory_space<hbm>>) dst(%arg6 : memref<32768xf32, #tpu.memory_space<vmem>>)
    %parallel_loop3A_332 = arith.constant 0 : i32
    %parallel_loop3A_333 = arith.constant 32768 : i32
    %parallel_loop3A_334 = arith.constant 16 : i32
    scf.for %parallel_loop3A_543 = %parallel_loop3A_332 to %parallel_loop3A_333 step %parallel_loop3A_334  : i32 {
      %parallel_loop3A_544 = arith.index_cast %parallel_loop3A_543 : i32 to index
      %parallel_loop3A_545 = tpu.vector_load %arg6[%parallel_loop3A_544] {strides = array<i32>} : memref<32768xf32, #tpu.memory_space<vmem>>, vector<16xf32>,
      %parallel_loop3A_546 = vector.bitcast %parallel_loop3A_545 : vector<16xf32> to vector<16xi32>
      %parallel_loop3A_547 = arith.constant 31 : i32
      %parallel_loop3A_548 = vector.broadcast %parallel_loop3A_547 : i32 to vector<16xi32>
      %parallel_loop3A_549 = arith.shrsi %parallel_loop3A_546, %parallel_loop3A_548 : vector<16xi32>
      %parallel_loop3A_550 = arith.constant -2147483648 : i32
      %parallel_loop3A_551 = vector.broadcast %parallel_loop3A_550 : i32 to vector<16xi32>
      %parallel_loop3A_552 = arith.ori %parallel_loop3A_549, %parallel_loop3A_551 : vector<16xi32>
      %parallel_loop3A_553 = arith.xori %parallel_loop3A_546, %parallel_loop3A_552 : vector<16xi32>
      %parallel_loop3A_554 = arith.constant 10 : i32
      %parallel_loop3A_555 = vector.broadcast %parallel_loop3A_554 : i32 to vector<16xi32>
      %parallel_loop3A_556 = arith.shrui %parallel_loop3A_553, %parallel_loop3A_555 : vector<16xi32>
      %parallel_loop3A_557 = arith.constant 2047 : i32
      %parallel_loop3A_558 = vector.broadcast %parallel_loop3A_557 : i32 to vector<16xi32>
      %parallel_loop3A_559 = arith.andi %parallel_loop3A_556, %parallel_loop3A_558 : vector<16xi32>
      %parallel_loop3A_560 = arith.constant 21 : i32
      %parallel_loop3A_561 = vector.broadcast %parallel_loop3A_560 : i32 to vector<16xi32>
      %parallel_loop3A_562 = arith.shrui %parallel_loop3A_553, %parallel_loop3A_561 : vector<16xi32>
      %parallel_loop3A_563 = arith.cmpi eq, %parallel_loop3A_562, %broadcast_in_dim3A_211 : vector<16xi32>
      %parallel_loop3A_564 = arith.addi %mul3A_57, %parallel_loop3A_559 : vector<16xi32>
      tpu.vector_store_idx %arg7[%parallel_loop3A_564], %broadcast_in_dim3A_60 masked %parallel_loop3A_563 {add = true} : memref<32800xi32, #tpu.memory_space<vmem>>[vector<16xi32>], vector<16xi32>, vector<16xi1>
    } {sc.loop_unroll_factor = 8 : i64, sc.parallel_access}
    %parallel_loop3A_335 = arith.constant 0 : i32
    %parallel_loop3A_336 = arith.constant 2048 : i32
    %parallel_loop3A_337 = arith.constant 16 : i32
    scf.for %parallel_loop3A_543 = %parallel_loop3A_335 to %parallel_loop3A_336 step %parallel_loop3A_337  : i32 {
      %parallel_loop3A_544 = arith.index_cast %parallel_loop3A_543 : i32 to index
      %parallel_loop3A_545 = tpu.vector_load %arg7[%parallel_loop3A_544] {strides = array<i32>} : memref<32800xi32, #tpu.memory_space<vmem>>, vector<16xi32>,
      %parallel_loop3A_546 = arith.constant 2049 : i32
      %parallel_loop3A_547 = arith.addi %parallel_loop3A_546, %parallel_loop3A_543 : i32
      %parallel_loop3A_548 = arith.index_cast %parallel_loop3A_547 : i32 to index
      %parallel_loop3A_549 = tpu.vector_load %arg7[%parallel_loop3A_548] {strides = array<i32>} : memref<32800xi32, #tpu.memory_space<vmem>>, vector<16xi32>,
      %parallel_loop3A_550 = arith.addi %parallel_loop3A_545, %parallel_loop3A_549 : vector<16xi32>
      %parallel_loop3A_551 = arith.constant 4098 : i32
      %parallel_loop3A_552 = arith.addi %parallel_loop3A_551, %parallel_loop3A_543 : i32
      %parallel_loop3A_553 = arith.index_cast %parallel_loop3A_552 : i32 to index
      %parallel_loop3A_554 = tpu.vector_load %arg7[%parallel_loop3A_553] {strides = array<i32>} : memref<32800xi32, #tpu.memory_space<vmem>>, vector<16xi32>,
      %parallel_loop3A_555 = arith.addi %parallel_loop3A_550, %parallel_loop3A_554 : vector<16xi32>
      %parallel_loop3A_556 = arith.constant 6147 : i32
      %parallel_loop3A_557 = arith.addi %parallel_loop3A_556, %parallel_loop3A_543 : i32
      %parallel_loop3A_558 = arith.index_cast %parallel_loop3A_557 : i32 to index
      %parallel_loop3A_559 = tpu.vector_load %arg7[%parallel_loop3A_558] {strides = array<i32>} : memref<32800xi32, #tpu.memory_space<vmem>>, vector<16xi32>,
      %parallel_loop3A_560 = arith.addi %parallel_loop3A_555, %parallel_loop3A_559 : vector<16xi32>
      %parallel_loop3A_561 = arith.constant 8196 : i32
      %parallel_loop3A_562 = arith.addi %parallel_loop3A_561, %parallel_loop3A_543 : i32
      %parallel_loop3A_563 = arith.index_cast %parallel_loop3A_562 : i32 to index
      %parallel_loop3A_564 = tpu.vector_load %arg7[%parallel_loop3A_563] {strides = array<i32>} : memref<32800xi32, #tpu.memory_space<vmem>>, vector<16xi32>,
      %parallel_loop3A_565 = arith.addi %parallel_loop3A_560, %parallel_loop3A_564 : vector<16xi32>
      %parallel_loop3A_566 = arith.constant 10245 : i32
      %parallel_loop3A_567 = arith.addi %parallel_loop3A_566, %parallel_loop3A_543 : i32
      %parallel_loop3A_568 = arith.index_cast %parallel_loop3A_567 : i32 to index
      %parallel_loop3A_569 = tpu.vector_load %arg7[%parallel_loop3A_568] {strides = array<i32>} : memref<32800xi32, #tpu.memory_space<vmem>>, vector<16xi32>,
      %parallel_loop3A_570 = arith.addi %parallel_loop3A_565, %parallel_loop3A_569 : vector<16xi32>
      %parallel_loop3A_571 = arith.constant 12294 : i32
      %parallel_loop3A_572 = arith.addi %parallel_loop3A_571, %parallel_loop3A_543 : i32
      %parallel_loop3A_573 = arith.index_cast %parallel_loop3A_572 : i32 to index
      %parallel_loop3A_574 = tpu.vector_load %arg7[%parallel_loop3A_573] {strides = array<i32>} : memref<32800xi32, #tpu.memory_space<vmem>>, vector<16xi32>,
      %parallel_loop3A_575 = arith.addi %parallel_loop3A_570, %parallel_loop3A_574 : vector<16xi32>
      %parallel_loop3A_576 = arith.constant 14343 : i32
      %parallel_loop3A_577 = arith.addi %parallel_loop3A_576, %parallel_loop3A_543 : i32
      %parallel_loop3A_578 = arith.index_cast %parallel_loop3A_577 : i32 to index
      %parallel_loop3A_579 = tpu.vector_load %arg7[%parallel_loop3A_578] {strides = array<i32>} : memref<32800xi32, #tpu.memory_space<vmem>>, vector<16xi32>,
      %parallel_loop3A_580 = arith.addi %parallel_loop3A_575, %parallel_loop3A_579 : vector<16xi32>
      %parallel_loop3A_581 = arith.constant 16392 : i32
      %parallel_loop3A_582 = arith.addi %parallel_loop3A_581, %parallel_loop3A_543 : i32
      %parallel_loop3A_583 = arith.index_cast %parallel_loop3A_582 : i32 to index
      %parallel_loop3A_584 = tpu.vector_load %arg7[%parallel_loop3A_583] {strides = array<i32>} : memref<32800xi32, #tpu.memory_space<vmem>>, vector<16xi32>,
      %parallel_loop3A_585 = arith.addi %parallel_loop3A_580, %parallel_loop3A_584 : vector<16xi32>
      %parallel_loop3A_586 = arith.constant 18441 : i32
      %parallel_loop3A_587 = arith.addi %parallel_loop3A_586, %parallel_loop3A_543 : i32
      %parallel_loop3A_588 = arith.index_cast %parallel_loop3A_587 : i32 to index
      %parallel_loop3A_589 = tpu.vector_load %arg7[%parallel_loop3A_588] {strides = array<i32>} : memref<32800xi32, #tpu.memory_space<vmem>>, vector<16xi32>,
      %parallel_loop3A_590 = arith.addi %parallel_loop3A_585, %parallel_loop3A_589 : vector<16xi32>
      %parallel_loop3A_591 = arith.constant 20490 : i32
      %parallel_loop3A_592 = arith.addi %parallel_loop3A_591, %parallel_loop3A_543 : i32
      %parallel_loop3A_593 = arith.index_cast %parallel_loop3A_592 : i32 to index
      %parallel_loop3A_594 = tpu.vector_load %arg7[%parallel_loop3A_593] {strides = array<i32>} : memref<32800xi32, #tpu.memory_space<vmem>>, vector<16xi32>,
      %parallel_loop3A_595 = arith.addi %parallel_loop3A_590, %parallel_loop3A_594 : vector<16xi32>
      %parallel_loop3A_596 = arith.constant 22539 : i32
      %parallel_loop3A_597 = arith.addi %parallel_loop3A_596, %parallel_loop3A_543 : i32
      %parallel_loop3A_598 = arith.index_cast %parallel_loop3A_597 : i32 to index
      %parallel_loop3A_599 = tpu.vector_load %arg7[%parallel_loop3A_598] {strides = array<i32>} : memref<32800xi32, #tpu.memory_space<vmem>>, vector<16xi32>,
      %parallel_loop3A_600 = arith.addi %parallel_loop3A_595, %parallel_loop3A_599 : vector<16xi32>
      %parallel_loop3A_601 = arith.constant 24588 : i32
      %parallel_loop3A_602 = arith.addi %parallel_loop3A_601, %parallel_loop3A_543 : i32
      %parallel_loop3A_603 = arith.index_cast %parallel_loop3A_602 : i32 to index
      %parallel_loop3A_604 = tpu.vector_load %arg7[%parallel_loop3A_603] {strides = array<i32>} : memref<32800xi32, #tpu.memory_space<vmem>>, vector<16xi32>,
      %parallel_loop3A_605 = arith.addi %parallel_loop3A_600, %parallel_loop3A_604 : vector<16xi32>
      %parallel_loop3A_606 = arith.constant 26637 : i32
      %parallel_loop3A_607 = arith.addi %parallel_loop3A_606, %parallel_loop3A_543 : i32
      %parallel_loop3A_608 = arith.index_cast %parallel_loop3A_607 : i32 to index
      %parallel_loop3A_609 = tpu.vector_load %arg7[%parallel_loop3A_608] {strides = array<i32>} : memref<32800xi32, #tpu.memory_space<vmem>>, vector<16xi32>,
      %parallel_loop3A_610 = arith.addi %parallel_loop3A_605, %parallel_loop3A_609 : vector<16xi32>
      %parallel_loop3A_611 = arith.constant 28686 : i32
      %parallel_loop3A_612 = arith.addi %parallel_loop3A_611, %parallel_loop3A_543 : i32
      %parallel_loop3A_613 = arith.index_cast %parallel_loop3A_612 : i32 to index
      %parallel_loop3A_614 = tpu.vector_load %arg7[%parallel_loop3A_613] {strides = array<i32>} : memref<32800xi32, #tpu.memory_space<vmem>>, vector<16xi32>,
      %parallel_loop3A_615 = arith.addi %parallel_loop3A_610, %parallel_loop3A_614 : vector<16xi32>
      %parallel_loop3A_616 = arith.constant 30735 : i32
      %parallel_loop3A_617 = arith.addi %parallel_loop3A_616, %parallel_loop3A_543 : i32
      %parallel_loop3A_618 = arith.index_cast %parallel_loop3A_617 : i32 to index
      %parallel_loop3A_619 = tpu.vector_load %arg7[%parallel_loop3A_618] {strides = array<i32>} : memref<32800xi32, #tpu.memory_space<vmem>>, vector<16xi32>,
      %parallel_loop3A_620 = arith.addi %parallel_loop3A_615, %parallel_loop3A_619 : vector<16xi32>
      %parallel_loop3A_621 = arith.index_cast %parallel_loop3A_543 : i32 to index
      %parallel_loop3A_622 = tpu.vector_load %arg8[%parallel_loop3A_621] {strides = array<i32>} : memref<2064xi32, #tpu.memory_space<vmem>>, vector<16xi32>,
      tpu.vector_store %arg8[%parallel_loop3A_621], %parallel_loop3A_620 {strides = array<i32>} : memref<2064xi32, #tpu.memory_space<vmem>>, vector<16xi32>,
    } {sc.loop_unroll_factor = 2 : i64, sc.parallel_access}
    "tpu.region"() ({
      %run_scoped3A = tpu.sem_alloc : memref<!tpu.dma_semaphore, #tpu.memory_space<semaphore_mem>>
      %dma_start3A_543 = arith.constant 0 : i32
      %dma_start3A_544 = tpu.memref_slice %arg8[%dma_start3A_543] : memref<2064xi32, #tpu.memory_space<vmem>> -> memref<2048xi32, #tpu.memory_space<vmem>>
      %dma_start3A_545 = arith.constant 0 : i32
      %dma_start3A_546 = tpu.memref_slice %arg15[%arg1, %dma_start3A_545] : memref<16x2048xi32, #tpu.memory_space<vmem_shared>> -> memref<1x2048xi32, #tpu.memory_space<vmem_shared>>
      %dma_start3A_547 = tpu.memref_squeeze %dma_start3A_546 : memref<1x2048xi32, #tpu.memory_space<vmem_shared>> -> memref<2048xi32, #tpu.memory_space<vmem_shared>>
      %dma_start3A_548 = arith.constant 0 : i32
      %dma_start3A_549 = tpu.memref_slice %arg15[%arg1, %dma_start3A_548] : memref<16x2048xi32, #tpu.memory_space<vmem_shared>> -> memref<1x2048xi32, #tpu.memory_space<vmem_shared>>
      %dma_start3A_550 = tpu.memref_squeeze %dma_start3A_549 : memref<1x2048xi32, #tpu.memory_space<vmem_shared>> -> memref<2048xi32, #tpu.memory_space<vmem_shared>>
      %dma_start3A_551 = arith.constant 0 : i32
      %dma_start3A_552 = tpu.memref_slice %arg8[%dma_start3A_551] : memref<2064xi32, #tpu.memory_space<vmem>> -> memref<2048xi32, #tpu.memory_space<vmem>>
      tpu.enqueue_dma source(%dma_start3A_552 : memref<2048xi32, #tpu.memory_space<vmem>>) target(%dma_start3A_550 : memref<2048xi32, #tpu.memory_space<vmem_shared>>) target_semaphore(%run_scoped3A : memref<!tpu.dma_semaphore, #tpu.memory_space<semaphore_mem>>)
      %dma_wait3A_553 = arith.constant 0 : i32
      %dma_wait3A_554 = tpu.memref_slice %arg8[%dma_wait3A_553] : memref<2064xi32, #tpu.memory_space<vmem>> -> memref<2048xi32, #tpu.memory_space<vmem>>
      %dma_wait3A_555 = arith.constant 0 : i32
      %dma_wait3A_556 = tpu.memref_slice %arg15[%arg1, %dma_wait3A_555] : memref<16x2048xi32, #tpu.memory_space<vmem_shared>> -> memref<1x2048xi32, #tpu.memory_space<vmem_shared>>
      %dma_wait3A_557 = tpu.memref_squeeze %dma_wait3A_556 : memref<1x2048xi32, #tpu.memory_space<vmem_shared>> -> memref<2048xi32, #tpu.memory_space<vmem_shared>>
      %dma_wait3A_558 = arith.constant 0 : i32
      %dma_wait3A_559 = tpu.memref_slice %arg15[%arg1, %dma_wait3A_558] : memref<16x2048xi32, #tpu.memory_space<vmem_shared>> -> memref<1x2048xi32, #tpu.memory_space<vmem_shared>>
      %dma_wait3A_560 = tpu.memref_squeeze %dma_wait3A_559 : memref<1x2048xi32, #tpu.memory_space<vmem_shared>> -> memref<2048xi32, #tpu.memory_space<vmem_shared>>
      %dma_wait3A_561 = arith.constant 0 : i32
      %dma_wait3A_562 = tpu.memref_slice %arg8[%dma_wait3A_561] : memref<2064xi32, #tpu.memory_space<vmem>> -> memref<2048xi32, #tpu.memory_space<vmem>>
      tpu.wait_dma2 semaphore(%run_scoped3A : memref<!tpu.dma_semaphore, #tpu.memory_space<semaphore_mem>>) src(%dma_wait3A_562 : memref<2048xi32, #tpu.memory_space<vmem>>) dst(%dma_wait3A_560 : memref<2048xi32, #tpu.memory_space<vmem_shared>>)
      tpu.yield
    }) : () -> ()
    %barrier3A_338 = arith.constant 0 : index
    tpu.barrier barrier_id(%barrier3A_338)
    %mul3A_339 = arith.constant 4 : i32
    %mul3A_340 = arith.muli %select_n3A_54, %mul3A_339 : i32
    "tpu.region"() ({
      %run_scoped3A = tpu.sem_alloc : memref<!tpu.dma_semaphore, #tpu.memory_space<semaphore_mem>>
      %dma_start3A_543 = arith.constant 0 : i32
      %dma_start3A_544 = tpu.memref_slice %arg15[%mul3A_340, %dma_start3A_543] : memref<16x2048xi32, #tpu.memory_space<vmem_shared>> -> memref<4x2048xi32, #tpu.memory_space<vmem_shared>>
      %dma_start3A_545 = arith.constant 0 : i32
      %dma_start3A_546 = tpu.memref_slice %arg15[%mul3A_340, %dma_start3A_545] : memref<16x2048xi32, #tpu.memory_space<vmem_shared>> -> memref<4x2048xi32, #tpu.memory_space<vmem_shared>>
      tpu.enqueue_dma source(%dma_start3A_546 : memref<4x2048xi32, #tpu.memory_space<vmem_shared>>) target(%arg9 : memref<4x2048xi32, #tpu.memory_space<vmem>>) target_semaphore(%run_scoped3A : memref<!tpu.dma_semaphore, #tpu.memory_space<semaphore_mem>>)
      %dma_wait3A_547 = arith.constant 0 : i32
      %dma_wait3A_548 = tpu.memref_slice %arg15[%mul3A_340, %dma_wait3A_547] : memref<16x2048xi32, #tpu.memory_space<vmem_shared>> -> memref<4x2048xi32, #tpu.memory_space<vmem_shared>>
      %dma_wait3A_549 = arith.constant 0 : i32
      %dma_wait3A_550 = tpu.memref_slice %arg15[%mul3A_340, %dma_wait3A_549] : memref<16x2048xi32, #tpu.memory_space<vmem_shared>> -> memref<4x2048xi32, #tpu.memory_space<vmem_shared>>
      tpu.wait_dma2 semaphore(%run_scoped3A : memref<!tpu.dma_semaphore, #tpu.memory_space<semaphore_mem>>) src(%dma_wait3A_550 : memref<4x2048xi32, #tpu.memory_space<vmem_shared>>) dst(%arg9 : memref<4x2048xi32, #tpu.memory_space<vmem>>)
      tpu.yield
    }) : () -> ()
    %scan3A_341 = arith.constant 0 : i32
    %scan3A_342 = arith.constant 0 : i32
    %scan3A_343 = arith.constant 128 : i32
    %scan3A_344 = arith.addi %scan3A_342, %scan3A_343 : i32
    %scan3A_345 = arith.constant 1 : i32
    %scan3A_346 = scf.for %scan3A_543 = %scan3A_342 to %scan3A_344 step %scan3A_345 iter_args(%scan3A_544 = %scan3A_341) -> (i32)  : i32 {
      %mul3A_545 = arith.constant 16 : i32
      %mul3A_546 = arith.muli %scan3A_543, %mul3A_545 : i32
      %get3A_547 = arith.constant 0 : i32
      %get3A_548 = arith.index_cast %get3A_547 : i32 to index
      %get3A_549 = arith.index_cast %mul3A_546 : i32 to index
      %get3A_550 = tpu.vector_load %arg9[%get3A_548, %get3A_549] {strides = array<i32>} : memref<4x2048xi32, #tpu.memory_space<vmem>>, vector<16xi32>,
      %get3A_551 = arith.constant 1 : i32
      %get3A_552 = arith.index_cast %get3A_551 : i32 to index
      %get3A_553 = arith.index_cast %mul3A_546 : i32 to index
      %get3A_554 = tpu.vector_load %arg9[%get3A_552, %get3A_553] {strides = array<i32>} : memref<4x2048xi32, #tpu.memory_space<vmem>>, vector<16xi32>,
      %add3A_555 = arith.addi %get3A_550, %get3A_554 : vector<16xi32>
      %get3A_556 = arith.constant 2 : i32
      %get3A_557 = arith.index_cast %get3A_556 : i32 to index
      %get3A_558 = arith.index_cast %mul3A_546 : i32 to index
      %get3A_559 = tpu.vector_load %arg9[%get3A_557, %get3A_558] {strides = array<i32>} : memref<4x2048xi32, #tpu.memory_space<vmem>>, vector<16xi32>,
      %add3A_560 = arith.addi %add3A_555, %get3A_559 : vector<16xi32>
      %get3A_561 = arith.constant 3 : i32
      %get3A_562 = arith.index_cast %get3A_561 : i32 to index
      %get3A_563 = arith.index_cast %mul3A_546 : i32 to index
      %get3A_564 = tpu.vector_load %arg9[%get3A_562, %get3A_563] {strides = array<i32>} : memref<4x2048xi32, #tpu.memory_space<vmem>>, vector<16xi32>,
      %add3A_565 = arith.addi %add3A_560, %get3A_564 : vector<16xi32>
      %swap3A = arith.index_cast %mul3A_546 : i32 to index
      %swap3A_566 = tpu.vector_load %arg8[%swap3A] {strides = array<i32>} : memref<2064xi32, #tpu.memory_space<vmem>>, vector<16xi32>,
      tpu.vector_store %arg8[%swap3A], %add3A_565 {strides = array<i32>} : memref<2064xi32, #tpu.memory_space<vmem>>, vector<16xi32>,
      %scan3A_567 = arith.constant 0 : i32
      scf.yield %scan3A_567 : i32
    }
    %scan3A_347 = arith.constant 128 : i32
    %broadcast_in_dim3A_348 = vector.broadcast %sub3A_210 : i32 to vector<16xi32>
    %scan3A_349 = arith.constant 0 : i32
    %scan3A_350 = arith.constant 128 : i32
    %scan3A_351 = arith.addi %scan3A_349, %scan3A_350 : i32
    %scan3A_352 = arith.constant 1 : i32
    %scan3A_353:3 = scf.for %scan3A_543 = %scan3A_349 to %scan3A_351 step %scan3A_352 iter_args(%scan3A_544 = %broadcast_in_dim3A_58, %scan3A_545 = %broadcast_in_dim3A_58, %scan3A_546 = %broadcast_in_dim3A_58) -> (vector<16xi32>, vector<16xi32>, vector<16xi32>)  : i32 {
      %mul3A_547 = arith.constant 16 : i32
      %mul3A_548 = arith.muli %scan3A_543, %mul3A_547 : i32
      %get3A_549 = arith.index_cast %mul3A_548 : i32 to index
      %get3A_550 = tpu.vector_load %arg8[%get3A_549] {strides = array<i32>} : memref<2064xi32, #tpu.memory_space<vmem>>, vector<16xi32>,
      %broadcast_in_dim3A_551 = arith.constant true
      %broadcast_in_dim3A_552 = vector.broadcast %broadcast_in_dim3A_551 : i1 to vector<16xi1>
      %masked_cumsum3A = tpu.scan <sum>, %get3A_550 masked %broadcast_in_dim3A_552 : vector<16xi32>, vector<16xi1> -> vector<16xi32>
      %add3A_553 = arith.addi %masked_cumsum3A, %scan3A_544 : vector<16xi32>
      %le3A = arith.cmpi sle, %add3A_553, %broadcast_in_dim3A_348 : vector<16xi32>
      %jit3A_554 = arith.constant 1 : i32
      %jit3A_555 = arith.constant 0 : i32
      %broadcast_in_dim3A_556 = vector.broadcast %jit3A_554 : i32 to vector<16xi32>
      %broadcast_in_dim3A_557 = vector.broadcast %jit3A_555 : i32 to vector<16xi32>
      %select_n3A_558 = arith.select %le3A, %broadcast_in_dim3A_556, %broadcast_in_dim3A_557 : vector<16xi1>, vector<16xi32>
      %add3A_559 = arith.addi %scan3A_545, %select_n3A_558 : vector<16xi32>
      %jit3A_560 = arith.constant 0 : i32
      %broadcast_in_dim3A_561 = vector.broadcast %jit3A_560 : i32 to vector<16xi32>
      %select_n3A_562 = arith.select %le3A, %add3A_553, %broadcast_in_dim3A_561 : vector<16xi1>, vector<16xi32>
      %max3A = arith.maxsi %scan3A_546, %select_n3A_562 : vector<16xi32>
      %reduce_max3A_563 = arith.constant true
      %reduce_max3A_564 = vector.broadcast %reduce_max3A_563 : i1 to vector<16xi1>
      %reduce_max3A_565 = arith.constant -2147483648 : i32
      %reduce_max3A_566 = vector.broadcast %reduce_max3A_565 : i32 to vector<16xi32>
      %reduce_max3A_567 = arith.xori %add3A_553, %reduce_max3A_566 : vector<16xi32>
      %reduce_max3A_568 = tpu.scan <max>, %reduce_max3A_567 masked %reduce_max3A_564 : vector<16xi32>, vector<16xi1> -> vector<16xi32>
      %reduce_max3A_569 = arith.xori %reduce_max3A_568, %reduce_max3A_566 : vector<16xi32>
      %reduce_max3A_570 = vector.extract %reduce_max3A_569[15] : i32 from vector<16xi32>
      %broadcast_in_dim3A_571 = vector.broadcast %reduce_max3A_570 : i32 to vector<16xi32>
      scf.yield %broadcast_in_dim3A_571, %add3A_559, %max3A : vector<16xi32>, vector<16xi32>, vector<16xi32>
    }
    %scan3A_354 = arith.constant 128 : i32
    %reduce_sum3A_355 = arith.constant true
    %reduce_sum3A_356 = vector.broadcast %reduce_sum3A_355 : i1 to vector<16xi1>
    %reduce_sum3A_357 = tpu.scan <sum>, %scan3A_353#1 masked %reduce_sum3A_356 : vector<16xi32>, vector<16xi1> -> vector<16xi32>
    %reduce_sum3A_358 = vector.extract %reduce_sum3A_357[15] : i32 from vector<16xi32>
    %reduce_max3A_359 = arith.constant true
    %reduce_max3A_360 = vector.broadcast %reduce_max3A_359 : i1 to vector<16xi1>
    %reduce_max3A_361 = arith.constant -2147483648 : i32
    %reduce_max3A_362 = vector.broadcast %reduce_max3A_361 : i32 to vector<16xi32>
    %reduce_max3A_363 = arith.xori %scan3A_353#2, %reduce_max3A_362 : vector<16xi32>
    %reduce_max3A_364 = tpu.scan <max>, %reduce_max3A_363 masked %reduce_max3A_360 : vector<16xi32>, vector<16xi1> -> vector<16xi32>
    %reduce_max3A_365 = arith.xori %reduce_max3A_364, %reduce_max3A_362 : vector<16xi32>
    %reduce_max3A_366 = vector.extract %reduce_max3A_365[15] : i32 from vector<16xi32>
    %sub3A_367 = arith.subi %sub3A_210, %reduce_max3A_366 : i32
    %mul3A_368 = arith.constant 2048 : i32
    %mul3A_369 = arith.muli %reduce_sum3A_202, %mul3A_368 : i32
    %add3A_370 = arith.addi %mul3A_369, %reduce_sum3A_358 : i32
    %broadcast_in_dim3A_371 = vector.broadcast %add3A_370 : i32 to vector<16xi32>
    %parallel_loop3A_372 = arith.constant 0 : i32
    %parallel_loop3A_373 = arith.constant 32800 : i32
    %parallel_loop3A_374 = arith.constant 16 : i32
    scf.for %parallel_loop3A_543 = %parallel_loop3A_372 to %parallel_loop3A_373 step %parallel_loop3A_374  : i32 {
      %parallel_loop3A_544 = arith.index_cast %parallel_loop3A_543 : i32 to index
      %parallel_loop3A_545 = tpu.vector_load %arg7[%parallel_loop3A_544] {strides = array<i32>} : memref<32800xi32, #tpu.memory_space<vmem>>, vector<16xi32>,
      tpu.vector_store %arg7[%parallel_loop3A_544], %broadcast_in_dim3A_58 {strides = array<i32>} : memref<32800xi32, #tpu.memory_space<vmem>>, vector<16xi32>,
    } {sc.loop_unroll_factor = 8 : i64, sc.parallel_access}
    %mul3A_375 = arith.constant 262144 : i32
    %mul3A_376 = arith.muli %select_n3A_30, %mul3A_375 : i32
    %add3A_377 = arith.constant 0 : i32
    %add3A_378 = arith.addi %mul3A_376, %add3A_377 : i32
    %dma_start3A_379 = tpu.memref_slice %arg2[%add3A, %add3A_378] : memref<8x1048576xf32, #tpu.memory_space<hbm>> -> memref<1x32768xf32, #tpu.memory_space<hbm>>
    %dma_start3A_380 = tpu.memref_squeeze %dma_start3A_379 : memref<1x32768xf32, #tpu.memory_space<hbm>> -> memref<32768xf32, #tpu.memory_space<hbm>>
    %dma_start3A_381 = tpu.memref_slice %arg2[%add3A, %add3A_378] : memref<8x1048576xf32, #tpu.memory_space<hbm>> -> memref<1x32768xf32, #tpu.memory_space<hbm>>
    %dma_start3A_382 = tpu.memref_squeeze %dma_start3A_381 : memref<1x32768xf32, #tpu.memory_space<hbm>> -> memref<32768xf32, #tpu.memory_space<hbm>>
    tpu.enqueue_dma source(%dma_start3A_382 : memref<32768xf32, #tpu.memory_space<hbm>>) target(%arg5 : memref<32768xf32, #tpu.memory_space<vmem>>) target_semaphore(%arg12 : memref<!tpu.dma_semaphore, #tpu.memory_space<semaphore_mem>>)
    %mul3A_383 = arith.constant 262144 : i32
    %mul3A_384 = arith.muli %select_n3A_30, %mul3A_383 : i32
    %add3A_385 = arith.constant 32768 : i32
    %add3A_386 = arith.addi %mul3A_384, %add3A_385 : i32
    %dma_start3A_387 = tpu.memref_slice %arg2[%add3A, %add3A_386] : memref<8x1048576xf32, #tpu.memory_space<hbm>> -> memref<1x32768xf32, #tpu.memory_space<hbm>>
    %dma_start3A_388 = tpu.memref_squeeze %dma_start3A_387 : memref<1x32768xf32, #tpu.memory_space<hbm>> -> memref<32768xf32, #tpu.memory_space<hbm>>
    %dma_start3A_389 = tpu.memref_slice %arg2[%add3A, %add3A_386] : memref<8x1048576xf32, #tpu.memory_space<hbm>> -> memref<1x32768xf32, #tpu.memory_space<hbm>>
    %dma_start3A_390 = tpu.memref_squeeze %dma_start3A_389 : memref<1x32768xf32, #tpu.memory_space<hbm>> -> memref<32768xf32, #tpu.memory_space<hbm>>
    tpu.enqueue_dma source(%dma_start3A_390 : memref<32768xf32, #tpu.memory_space<hbm>>) target(%arg6 : memref<32768xf32, #tpu.memory_space<vmem>>) target_semaphore(%arg13 : memref<!tpu.dma_semaphore, #tpu.memory_space<semaphore_mem>>)
    %dma_wait3A_391 = tpu.memref_slice %arg2[%add3A, %add3A_378] : memref<8x1048576xf32, #tpu.memory_space<hbm>> -> memref<1x32768xf32, #tpu.memory_space<hbm>>
    %dma_wait3A_392 = tpu.memref_squeeze %dma_wait3A_391 : memref<1x32768xf32, #tpu.memory_space<hbm>> -> memref<32768xf32, #tpu.memory_space<hbm>>
    %dma_wait3A_393 = tpu.memref_slice %arg2[%add3A, %add3A_378] : memref<8x1048576xf32, #tpu.memory_space<hbm>> -> memref<1x32768xf32, #tpu.memory_space<hbm>>
    %dma_wait3A_394 = tpu.memref_squeeze %dma_wait3A_393 : memref<1x32768xf32, #tpu.memory_space<hbm>> -> memref<32768xf32, #tpu.memory_space<hbm>>
    tpu.wait_dma2 semaphore(%arg12 : memref<!tpu.dma_semaphore, #tpu.memory_space<semaphore_mem>>) src(%dma_wait3A_394 : memref<32768xf32, #tpu.memory_space<hbm>>) dst(%arg5 : memref<32768xf32, #tpu.memory_space<vmem>>)
    %parallel_loop3A_395 = arith.constant 0 : i32
    %parallel_loop3A_396 = arith.constant 32768 : i32
    %parallel_loop3A_397 = arith.constant 16 : i32
    scf.for %parallel_loop3A_543 = %parallel_loop3A_395 to %parallel_loop3A_396 step %parallel_loop3A_397  : i32 {
      %parallel_loop3A_544 = arith.index_cast %parallel_loop3A_543 : i32 to index
      %parallel_loop3A_545 = tpu.vector_load %arg5[%parallel_loop3A_544] {strides = array<i32>} : memref<32768xf32, #tpu.memory_space<vmem>>, vector<16xf32>,
      %parallel_loop3A_546 = vector.bitcast %parallel_loop3A_545 : vector<16xf32> to vector<16xi32>
      %parallel_loop3A_547 = arith.constant 31 : i32
      %parallel_loop3A_548 = vector.broadcast %parallel_loop3A_547 : i32 to vector<16xi32>
      %parallel_loop3A_549 = arith.shrsi %parallel_loop3A_546, %parallel_loop3A_548 : vector<16xi32>
      %parallel_loop3A_550 = arith.constant -2147483648 : i32
      %parallel_loop3A_551 = vector.broadcast %parallel_loop3A_550 : i32 to vector<16xi32>
      %parallel_loop3A_552 = arith.ori %parallel_loop3A_549, %parallel_loop3A_551 : vector<16xi32>
      %parallel_loop3A_553 = arith.xori %parallel_loop3A_546, %parallel_loop3A_552 : vector<16xi32>
      %parallel_loop3A_554 = arith.constant 1023 : i32
      %parallel_loop3A_555 = vector.broadcast %parallel_loop3A_554 : i32 to vector<16xi32>
      %parallel_loop3A_556 = arith.andi %parallel_loop3A_553, %parallel_loop3A_555 : vector<16xi32>
      %parallel_loop3A_557 = arith.constant 10 : i32
      %parallel_loop3A_558 = vector.broadcast %parallel_loop3A_557 : i32 to vector<16xi32>
      %parallel_loop3A_559 = arith.shrui %parallel_loop3A_553, %parallel_loop3A_558 : vector<16xi32>
      %parallel_loop3A_560 = arith.cmpi eq, %parallel_loop3A_559, %broadcast_in_dim3A_371 : vector<16xi32>
      %parallel_loop3A_561 = arith.addi %mul3A_57, %parallel_loop3A_556 : vector<16xi32>
      tpu.vector_store_idx %arg7[%parallel_loop3A_561], %broadcast_in_dim3A_60 masked %parallel_loop3A_560 {add = true} : memref<32800xi32, #tpu.memory_space<vmem>>[vector<16xi32>], vector<16xi32>, vector<16xi1>
    } {sc.loop_unroll_factor = 8 : i64, sc.parallel_access}
    %mul3A_398 = arith.constant 262144 : i32
    %mul3A_399 = arith.muli %select_n3A_30, %mul3A_398 : i32
    %add3A_400 = arith.constant 65536 : i32
    %add3A_401 = arith.addi %mul3A_399, %add3A_400 : i32
    %dma_start3A_402 = tpu.memref_slice %arg2[%add3A, %add3A_401] : memref<8x1048576xf32, #tpu.memory_space<hbm>> -> memref<1x32768xf32, #tpu.memory_space<hbm>>
    %dma_start3A_403 = tpu.memref_squeeze %dma_start3A_402 : memref<1x32768xf32, #tpu.memory_space<hbm>> -> memref<32768xf32, #tpu.memory_space<hbm>>
    %dma_start3A_404 = tpu.memref_slice %arg2[%add3A, %add3A_401] : memref<8x1048576xf32, #tpu.memory_space<hbm>> -> memref<1x32768xf32, #tpu.memory_space<hbm>>
    %dma_start3A_405 = tpu.memref_squeeze %dma_start3A_404 : memref<1x32768xf32, #tpu.memory_space<hbm>> -> memref<32768xf32, #tpu.memory_space<hbm>>
    tpu.enqueue_dma source(%dma_start3A_405 : memref<32768xf32, #tpu.memory_space<hbm>>) target(%arg5 : memref<32768xf32, #tpu.memory_space<vmem>>) target_semaphore(%arg12 : memref<!tpu.dma_semaphore, #tpu.memory_space<semaphore_mem>>)
    %dma_wait3A_406 = tpu.memref_slice %arg2[%add3A, %add3A_386] : memref<8x1048576xf32, #tpu.memory_space<hbm>> -> memref<1x32768xf32, #tpu.memory_space<hbm>>
    %dma_wait3A_407 = tpu.memref_squeeze %dma_wait3A_406 : memref<1x32768xf32, #tpu.memory_space<hbm>> -> memref<32768xf32, #tpu.memory_space<hbm>>
    %dma_wait3A_408 = tpu.memref_slice %arg2[%add3A, %add3A_386] : memref<8x1048576xf32, #tpu.memory_space<hbm>> -> memref<1x32768xf32, #tpu.memory_space<hbm>>
    %dma_wait3A_409 = tpu.memref_squeeze %dma_wait3A_408 : memref<1x32768xf32, #tpu.memory_space<hbm>> -> memref<32768xf32, #tpu.memory_space<hbm>>
    tpu.wait_dma2 semaphore(%arg13 : memref<!tpu.dma_semaphore, #tpu.memory_space<semaphore_mem>>) src(%dma_wait3A_409 : memref<32768xf32, #tpu.memory_space<hbm>>) dst(%arg6 : memref<32768xf32, #tpu.memory_space<vmem>>)
    %parallel_loop3A_410 = arith.constant 0 : i32
    %parallel_loop3A_411 = arith.constant 32768 : i32
    %parallel_loop3A_412 = arith.constant 16 : i32
    scf.for %parallel_loop3A_543 = %parallel_loop3A_410 to %parallel_loop3A_411 step %parallel_loop3A_412  : i32 {
      %parallel_loop3A_544 = arith.index_cast %parallel_loop3A_543 : i32 to index
      %parallel_loop3A_545 = tpu.vector_load %arg6[%parallel_loop3A_544] {strides = array<i32>} : memref<32768xf32, #tpu.memory_space<vmem>>, vector<16xf32>,
      %parallel_loop3A_546 = vector.bitcast %parallel_loop3A_545 : vector<16xf32> to vector<16xi32>
      %parallel_loop3A_547 = arith.constant 31 : i32
      %parallel_loop3A_548 = vector.broadcast %parallel_loop3A_547 : i32 to vector<16xi32>
      %parallel_loop3A_549 = arith.shrsi %parallel_loop3A_546, %parallel_loop3A_548 : vector<16xi32>
      %parallel_loop3A_550 = arith.constant -2147483648 : i32
      %parallel_loop3A_551 = vector.broadcast %parallel_loop3A_550 : i32 to vector<16xi32>
      %parallel_loop3A_552 = arith.ori %parallel_loop3A_549, %parallel_loop3A_551 : vector<16xi32>
      %parallel_loop3A_553 = arith.xori %parallel_loop3A_546, %parallel_loop3A_552 : vector<16xi32>
      %parallel_loop3A_554 = arith.constant 1023 : i32
      %parallel_loop3A_555 = vector.broadcast %parallel_loop3A_554 : i32 to vector<16xi32>
      %parallel_loop3A_556 = arith.andi %parallel_loop3A_553, %parallel_loop3A_555 : vector<16xi32>
      %parallel_loop3A_557 = arith.constant 10 : i32
      %parallel_loop3A_558 = vector.broadcast %parallel_loop3A_557 : i32 to vector<16xi32>
      %parallel_loop3A_559 = arith.shrui %parallel_loop3A_553, %parallel_loop3A_558 : vector<16xi32>
      %parallel_loop3A_560 = arith.cmpi eq, %parallel_loop3A_559, %broadcast_in_dim3A_371 : vector<16xi32>
      %parallel_loop3A_561 = arith.addi %mul3A_57, %parallel_loop3A_556 : vector<16xi32>
      tpu.vector_store_idx %arg7[%parallel_loop3A_561], %broadcast_in_dim3A_60 masked %parallel_loop3A_560 {add = true} : memref<32800xi32, #tpu.memory_space<vmem>>[vector<16xi32>], vector<16xi32>, vector<16xi1>
    } {sc.loop_unroll_factor = 8 : i64, sc.parallel_access}
    %mul3A_413 = arith.constant 262144 : i32
    %mul3A_414 = arith.muli %select_n3A_30, %mul3A_413 : i32
    %add3A_415 = arith.constant 98304 : i32
    %add3A_416 = arith.addi %mul3A_414, %add3A_415 : i32
    %dma_start3A_417 = tpu.memref_slice %arg2[%add3A, %add3A_416] : memref<8x1048576xf32, #tpu.memory_space<hbm>> -> memref<1x32768xf32, #tpu.memory_space<hbm>>
    %dma_start3A_418 = tpu.memref_squeeze %dma_start3A_417 : memref<1x32768xf32, #tpu.memory_space<hbm>> -> memref<32768xf32, #tpu.memory_space<hbm>>
    %dma_start3A_419 = tpu.memref_slice %arg2[%add3A, %add3A_416] : memref<8x1048576xf32, #tpu.memory_space<hbm>> -> memref<1x32768xf32, #tpu.memory_space<hbm>>
    %dma_start3A_420 = tpu.memref_squeeze %dma_start3A_419 : memref<1x32768xf32, #tpu.memory_space<hbm>> -> memref<32768xf32, #tpu.memory_space<hbm>>
    tpu.enqueue_dma source(%dma_start3A_420 : memref<32768xf32, #tpu.memory_space<hbm>>) target(%arg6 : memref<32768xf32, #tpu.memory_space<vmem>>) target_semaphore(%arg13 : memref<!tpu.dma_semaphore, #tpu.memory_space<semaphore_mem>>)
    %dma_wait3A_421 = tpu.memref_slice %arg2[%add3A, %add3A_401] : memref<8x1048576xf32, #tpu.memory_space<hbm>> -> memref<1x32768xf32, #tpu.memory_space<hbm>>
    %dma_wait3A_422 = tpu.memref_squeeze %dma_wait3A_421 : memref<1x32768xf32, #tpu.memory_space<hbm>> -> memref<32768xf32, #tpu.memory_space<hbm>>
    %dma_wait3A_423 = tpu.memref_slice %arg2[%add3A, %add3A_401] : memref<8x1048576xf32, #tpu.memory_space<hbm>> -> memref<1x32768xf32, #tpu.memory_space<hbm>>
    %dma_wait3A_424 = tpu.memref_squeeze %dma_wait3A_423 : memref<1x32768xf32, #tpu.memory_space<hbm>> -> memref<32768xf32, #tpu.memory_space<hbm>>
    tpu.wait_dma2 semaphore(%arg12 : memref<!tpu.dma_semaphore, #tpu.memory_space<semaphore_mem>>) src(%dma_wait3A_424 : memref<32768xf32, #tpu.memory_space<hbm>>) dst(%arg5 : memref<32768xf32, #tpu.memory_space<vmem>>)
    %parallel_loop3A_425 = arith.constant 0 : i32
    %parallel_loop3A_426 = arith.constant 32768 : i32
    %parallel_loop3A_427 = arith.constant 16 : i32
    scf.for %parallel_loop3A_543 = %parallel_loop3A_425 to %parallel_loop3A_426 step %parallel_loop3A_427  : i32 {
      %parallel_loop3A_544 = arith.index_cast %parallel_loop3A_543 : i32 to index
      %parallel_loop3A_545 = tpu.vector_load %arg5[%parallel_loop3A_544] {strides = array<i32>} : memref<32768xf32, #tpu.memory_space<vmem>>, vector<16xf32>,
      %parallel_loop3A_546 = vector.bitcast %parallel_loop3A_545 : vector<16xf32> to vector<16xi32>
      %parallel_loop3A_547 = arith.constant 31 : i32
      %parallel_loop3A_548 = vector.broadcast %parallel_loop3A_547 : i32 to vector<16xi32>
      %parallel_loop3A_549 = arith.shrsi %parallel_loop3A_546, %parallel_loop3A_548 : vector<16xi32>
      %parallel_loop3A_550 = arith.constant -2147483648 : i32
      %parallel_loop3A_551 = vector.broadcast %parallel_loop3A_550 : i32 to vector<16xi32>
      %parallel_loop3A_552 = arith.ori %parallel_loop3A_549, %parallel_loop3A_551 : vector<16xi32>
      %parallel_loop3A_553 = arith.xori %parallel_loop3A_546, %parallel_loop3A_552 : vector<16xi32>
      %parallel_loop3A_554 = arith.constant 1023 : i32
      %parallel_loop3A_555 = vector.broadcast %parallel_loop3A_554 : i32 to vector<16xi32>
      %parallel_loop3A_556 = arith.andi %parallel_loop3A_553, %parallel_loop3A_555 : vector<16xi32>
      %parallel_loop3A_557 = arith.constant 10 : i32
      %parallel_loop3A_558 = vector.broadcast %parallel_loop3A_557 : i32 to vector<16xi32>
      %parallel_loop3A_559 = arith.shrui %parallel_loop3A_553, %parallel_loop3A_558 : vector<16xi32>
      %parallel_loop3A_560 = arith.cmpi eq, %parallel_loop3A_559, %broadcast_in_dim3A_371 : vector<16xi32>
      %parallel_loop3A_561 = arith.addi %mul3A_57, %parallel_loop3A_556 : vector<16xi32>
      tpu.vector_store_idx %arg7[%parallel_loop3A_561], %broadcast_in_dim3A_60 masked %parallel_loop3A_560 {add = true} : memref<32800xi32, #tpu.memory_space<vmem>>[vector<16xi32>], vector<16xi32>, vector<16xi1>
    } {sc.loop_unroll_factor = 8 : i64, sc.parallel_access}
    %mul3A_428 = arith.constant 262144 : i32
    %mul3A_429 = arith.muli %select_n3A_30, %mul3A_428 : i32
    %add3A_430 = arith.constant 131072 : i32
    %add3A_431 = arith.addi %mul3A_429, %add3A_430 : i32
    %dma_start3A_432 = tpu.memref_slice %arg2[%add3A, %add3A_431] : memref<8x1048576xf32, #tpu.memory_space<hbm>> -> memref<1x32768xf32, #tpu.memory_space<hbm>>
    %dma_start3A_433 = tpu.memref_squeeze %dma_start3A_432 : memref<1x32768xf32, #tpu.memory_space<hbm>> -> memref<32768xf32, #tpu.memory_space<hbm>>
    %dma_start3A_434 = tpu.memref_slice %arg2[%add3A, %add3A_431] : memref<8x1048576xf32, #tpu.memory_space<hbm>> -> memref<1x32768xf32, #tpu.memory_space<hbm>>
    %dma_start3A_435 = tpu.memref_squeeze %dma_start3A_434 : memref<1x32768xf32, #tpu.memory_space<hbm>> -> memref<32768xf32, #tpu.memory_space<hbm>>
    tpu.enqueue_dma source(%dma_start3A_435 : memref<32768xf32, #tpu.memory_space<hbm>>) target(%arg5 : memref<32768xf32, #tpu.memory_space<vmem>>) target_semaphore(%arg12 : memref<!tpu.dma_semaphore, #tpu.memory_space<semaphore_mem>>)
    %dma_wait3A_436 = tpu.memref_slice %arg2[%add3A, %add3A_416] : memref<8x1048576xf32, #tpu.memory_space<hbm>> -> memref<1x32768xf32, #tpu.memory_space<hbm>>
    %dma_wait3A_437 = tpu.memref_squeeze %dma_wait3A_436 : memref<1x32768xf32, #tpu.memory_space<hbm>> -> memref<32768xf32, #tpu.memory_space<hbm>>
    %dma_wait3A_438 = tpu.memref_slice %arg2[%add3A, %add3A_416] : memref<8x1048576xf32, #tpu.memory_space<hbm>> -> memref<1x32768xf32, #tpu.memory_space<hbm>>
    %dma_wait3A_439 = tpu.memref_squeeze %dma_wait3A_438 : memref<1x32768xf32, #tpu.memory_space<hbm>> -> memref<32768xf32, #tpu.memory_space<hbm>>
    tpu.wait_dma2 semaphore(%arg13 : memref<!tpu.dma_semaphore, #tpu.memory_space<semaphore_mem>>) src(%dma_wait3A_439 : memref<32768xf32, #tpu.memory_space<hbm>>) dst(%arg6 : memref<32768xf32, #tpu.memory_space<vmem>>)
    %parallel_loop3A_440 = arith.constant 0 : i32
    %parallel_loop3A_441 = arith.constant 32768 : i32
    %parallel_loop3A_442 = arith.constant 16 : i32
    scf.for %parallel_loop3A_543 = %parallel_loop3A_440 to %parallel_loop3A_441 step %parallel_loop3A_442  : i32 {
      %parallel_loop3A_544 = arith.index_cast %parallel_loop3A_543 : i32 to index
      %parallel_loop3A_545 = tpu.vector_load %arg6[%parallel_loop3A_544] {strides = array<i32>} : memref<32768xf32, #tpu.memory_space<vmem>>, vector<16xf32>,
      %parallel_loop3A_546 = vector.bitcast %parallel_loop3A_545 : vector<16xf32> to vector<16xi32>
      %parallel_loop3A_547 = arith.constant 31 : i32
      %parallel_loop3A_548 = vector.broadcast %parallel_loop3A_547 : i32 to vector<16xi32>
      %parallel_loop3A_549 = arith.shrsi %parallel_loop3A_546, %parallel_loop3A_548 : vector<16xi32>
      %parallel_loop3A_550 = arith.constant -2147483648 : i32
      %parallel_loop3A_551 = vector.broadcast %parallel_loop3A_550 : i32 to vector<16xi32>
      %parallel_loop3A_552 = arith.ori %parallel_loop3A_549, %parallel_loop3A_551 : vector<16xi32>
      %parallel_loop3A_553 = arith.xori %parallel_loop3A_546, %parallel_loop3A_552 : vector<16xi32>
      %parallel_loop3A_554 = arith.constant 1023 : i32
      %parallel_loop3A_555 = vector.broadcast %parallel_loop3A_554 : i32 to vector<16xi32>
      %parallel_loop3A_556 = arith.andi %parallel_loop3A_553, %parallel_loop3A_555 : vector<16xi32>
      %parallel_loop3A_557 = arith.constant 10 : i32
      %parallel_loop3A_558 = vector.broadcast %parallel_loop3A_557 : i32 to vector<16xi32>
      %parallel_loop3A_559 = arith.shrui %parallel_loop3A_553, %parallel_loop3A_558 : vector<16xi32>
      %parallel_loop3A_560 = arith.cmpi eq, %parallel_loop3A_559, %broadcast_in_dim3A_371 : vector<16xi32>
      %parallel_loop3A_561 = arith.addi %mul3A_57, %parallel_loop3A_556 : vector<16xi32>
      tpu.vector_store_idx %arg7[%parallel_loop3A_561], %broadcast_in_dim3A_60 masked %parallel_loop3A_560 {add = true} : memref<32800xi32, #tpu.memory_space<vmem>>[vector<16xi32>], vector<16xi32>, vector<16xi1>
    } {sc.loop_unroll_factor = 8 : i64, sc.parallel_access}
    %mul3A_443 = arith.constant 262144 : i32
    %mul3A_444 = arith.muli %select_n3A_30, %mul3A_443 : i32
    %add3A_445 = arith.constant 163840 : i32
    %add3A_446 = arith.addi %mul3A_444, %add3A_445 : i32
    %dma_start3A_447 = tpu.memref_slice %arg2[%add3A, %add3A_446] : memref<8x1048576xf32, #tpu.memory_space<hbm>> -> memref<1x32768xf32, #tpu.memory_space<hbm>>
    %dma_start3A_448 = tpu.memref_squeeze %dma_start3A_447 : memref<1x32768xf32, #tpu.memory_space<hbm>> -> memref<32768xf32, #tpu.memory_space<hbm>>
    %dma_start3A_449 = tpu.memref_slice %arg2[%add3A, %add3A_446] : memref<8x1048576xf32, #tpu.memory_space<hbm>> -> memref<1x32768xf32, #tpu.memory_space<hbm>>
    %dma_start3A_450 = tpu.memref_squeeze %dma_start3A_449 : memref<1x32768xf32, #tpu.memory_space<hbm>> -> memref<32768xf32, #tpu.memory_space<hbm>>
    tpu.enqueue_dma source(%dma_start3A_450 : memref<32768xf32, #tpu.memory_space<hbm>>) target(%arg6 : memref<32768xf32, #tpu.memory_space<vmem>>) target_semaphore(%arg13 : memref<!tpu.dma_semaphore, #tpu.memory_space<semaphore_mem>>)
    %dma_wait3A_451 = tpu.memref_slice %arg2[%add3A, %add3A_431] : memref<8x1048576xf32, #tpu.memory_space<hbm>> -> memref<1x32768xf32, #tpu.memory_space<hbm>>
    %dma_wait3A_452 = tpu.memref_squeeze %dma_wait3A_451 : memref<1x32768xf32, #tpu.memory_space<hbm>> -> memref<32768xf32, #tpu.memory_space<hbm>>
    %dma_wait3A_453 = tpu.memref_slice %arg2[%add3A, %add3A_431] : memref<8x1048576xf32, #tpu.memory_space<hbm>> -> memref<1x32768xf32, #tpu.memory_space<hbm>>
    %dma_wait3A_454 = tpu.memref_squeeze %dma_wait3A_453 : memref<1x32768xf32, #tpu.memory_space<hbm>> -> memref<32768xf32, #tpu.memory_space<hbm>>
    tpu.wait_dma2 semaphore(%arg12 : memref<!tpu.dma_semaphore, #tpu.memory_space<semaphore_mem>>) src(%dma_wait3A_454 : memref<32768xf32, #tpu.memory_space<hbm>>) dst(%arg5 : memref<32768xf32, #tpu.memory_space<vmem>>)
    %parallel_loop3A_455 = arith.constant 0 : i32
    %parallel_loop3A_456 = arith.constant 32768 : i32
    %parallel_loop3A_457 = arith.constant 16 : i32
    scf.for %parallel_loop3A_543 = %parallel_loop3A_455 to %parallel_loop3A_456 step %parallel_loop3A_457  : i32 {
      %parallel_loop3A_544 = arith.index_cast %parallel_loop3A_543 : i32 to index
      %parallel_loop3A_545 = tpu.vector_load %arg5[%parallel_loop3A_544] {strides = array<i32>} : memref<32768xf32, #tpu.memory_space<vmem>>, vector<16xf32>,
      %parallel_loop3A_546 = vector.bitcast %parallel_loop3A_545 : vector<16xf32> to vector<16xi32>
      %parallel_loop3A_547 = arith.constant 31 : i32
      %parallel_loop3A_548 = vector.broadcast %parallel_loop3A_547 : i32 to vector<16xi32>
      %parallel_loop3A_549 = arith.shrsi %parallel_loop3A_546, %parallel_loop3A_548 : vector<16xi32>
      %parallel_loop3A_550 = arith.constant -2147483648 : i32
      %parallel_loop3A_551 = vector.broadcast %parallel_loop3A_550 : i32 to vector<16xi32>
      %parallel_loop3A_552 = arith.ori %parallel_loop3A_549, %parallel_loop3A_551 : vector<16xi32>
      %parallel_loop3A_553 = arith.xori %parallel_loop3A_546, %parallel_loop3A_552 : vector<16xi32>
      %parallel_loop3A_554 = arith.constant 1023 : i32
      %parallel_loop3A_555 = vector.broadcast %parallel_loop3A_554 : i32 to vector<16xi32>
      %parallel_loop3A_556 = arith.andi %parallel_loop3A_553, %parallel_loop3A_555 : vector<16xi32>
      %parallel_loop3A_557 = arith.constant 10 : i32
      %parallel_loop3A_558 = vector.broadcast %parallel_loop3A_557 : i32 to vector<16xi32>
      %parallel_loop3A_559 = arith.shrui %parallel_loop3A_553, %parallel_loop3A_558 : vector<16xi32>
      %parallel_loop3A_560 = arith.cmpi eq, %parallel_loop3A_559, %broadcast_in_dim3A_371 : vector<16xi32>
      %parallel_loop3A_561 = arith.addi %mul3A_57, %parallel_loop3A_556 : vector<16xi32>
      tpu.vector_store_idx %arg7[%parallel_loop3A_561], %broadcast_in_dim3A_60 masked %parallel_loop3A_560 {add = true} : memref<32800xi32, #tpu.memory_space<vmem>>[vector<16xi32>], vector<16xi32>, vector<16xi1>
    } {sc.loop_unroll_factor = 8 : i64, sc.parallel_access}
    %mul3A_458 = arith.constant 262144 : i32
    %mul3A_459 = arith.muli %select_n3A_30, %mul3A_458 : i32
    %add3A_460 = arith.constant 196608 : i32
    %add3A_461 = arith.addi %mul3A_459, %add3A_460 : i32
    %dma_start3A_462 = tpu.memref_slice %arg2[%add3A, %add3A_461] : memref<8x1048576xf32, #tpu.memory_space<hbm>> -> memref<1x32768xf32, #tpu.memory_space<hbm>>
    %dma_start3A_463 = tpu.memref_squeeze %dma_start3A_462 : memref<1x32768xf32, #tpu.memory_space<hbm>> -> memref<32768xf32, #tpu.memory_space<hbm>>
    %dma_start3A_464 = tpu.memref_slice %arg2[%add3A, %add3A_461] : memref<8x1048576xf32, #tpu.memory_space<hbm>> -> memref<1x32768xf32, #tpu.memory_space<hbm>>
    %dma_start3A_465 = tpu.memref_squeeze %dma_start3A_464 : memref<1x32768xf32, #tpu.memory_space<hbm>> -> memref<32768xf32, #tpu.memory_space<hbm>>
    tpu.enqueue_dma source(%dma_start3A_465 : memref<32768xf32, #tpu.memory_space<hbm>>) target(%arg5 : memref<32768xf32, #tpu.memory_space<vmem>>) target_semaphore(%arg12 : memref<!tpu.dma_semaphore, #tpu.memory_space<semaphore_mem>>)
    %dma_wait3A_466 = tpu.memref_slice %arg2[%add3A, %add3A_446] : memref<8x1048576xf32, #tpu.memory_space<hbm>> -> memref<1x32768xf32, #tpu.memory_space<hbm>>
    %dma_wait3A_467 = tpu.memref_squeeze %dma_wait3A_466 : memref<1x32768xf32, #tpu.memory_space<hbm>> -> memref<32768xf32, #tpu.memory_space<hbm>>
    %dma_wait3A_468 = tpu.memref_slice %arg2[%add3A, %add3A_446] : memref<8x1048576xf32, #tpu.memory_space<hbm>> -> memref<1x32768xf32, #tpu.memory_space<hbm>>
    %dma_wait3A_469 = tpu.memref_squeeze %dma_wait3A_468 : memref<1x32768xf32, #tpu.memory_space<hbm>> -> memref<32768xf32, #tpu.memory_space<hbm>>
    tpu.wait_dma2 semaphore(%arg13 : memref<!tpu.dma_semaphore, #tpu.memory_space<semaphore_mem>>) src(%dma_wait3A_469 : memref<32768xf32, #tpu.memory_space<hbm>>) dst(%arg6 : memref<32768xf32, #tpu.memory_space<vmem>>)
    %parallel_loop3A_470 = arith.constant 0 : i32
    %parallel_loop3A_471 = arith.constant 32768 : i32
    %parallel_loop3A_472 = arith.constant 16 : i32
    scf.for %parallel_loop3A_543 = %parallel_loop3A_470 to %parallel_loop3A_471 step %parallel_loop3A_472  : i32 {
      %parallel_loop3A_544 = arith.index_cast %parallel_loop3A_543 : i32 to index
      %parallel_loop3A_545 = tpu.vector_load %arg6[%parallel_loop3A_544] {strides = array<i32>} : memref<32768xf32, #tpu.memory_space<vmem>>, vector<16xf32>,
      %parallel_loop3A_546 = vector.bitcast %parallel_loop3A_545 : vector<16xf32> to vector<16xi32>
      %parallel_loop3A_547 = arith.constant 31 : i32
      %parallel_loop3A_548 = vector.broadcast %parallel_loop3A_547 : i32 to vector<16xi32>
      %parallel_loop3A_549 = arith.shrsi %parallel_loop3A_546, %parallel_loop3A_548 : vector<16xi32>
      %parallel_loop3A_550 = arith.constant -2147483648 : i32
      %parallel_loop3A_551 = vector.broadcast %parallel_loop3A_550 : i32 to vector<16xi32>
      %parallel_loop3A_552 = arith.ori %parallel_loop3A_549, %parallel_loop3A_551 : vector<16xi32>
      %parallel_loop3A_553 = arith.xori %parallel_loop3A_546, %parallel_loop3A_552 : vector<16xi32>
      %parallel_loop3A_554 = arith.constant 1023 : i32
      %parallel_loop3A_555 = vector.broadcast %parallel_loop3A_554 : i32 to vector<16xi32>
      %parallel_loop3A_556 = arith.andi %parallel_loop3A_553, %parallel_loop3A_555 : vector<16xi32>
      %parallel_loop3A_557 = arith.constant 10 : i32
      %parallel_loop3A_558 = vector.broadcast %parallel_loop3A_557 : i32 to vector<16xi32>
      %parallel_loop3A_559 = arith.shrui %parallel_loop3A_553, %parallel_loop3A_558 : vector<16xi32>
      %parallel_loop3A_560 = arith.cmpi eq, %parallel_loop3A_559, %broadcast_in_dim3A_371 : vector<16xi32>
      %parallel_loop3A_561 = arith.addi %mul3A_57, %parallel_loop3A_556 : vector<16xi32>
      tpu.vector_store_idx %arg7[%parallel_loop3A_561], %broadcast_in_dim3A_60 masked %parallel_loop3A_560 {add = true} : memref<32800xi32, #tpu.memory_space<vmem>>[vector<16xi32>], vector<16xi32>, vector<16xi1>
    } {sc.loop_unroll_factor = 8 : i64, sc.parallel_access}
    %mul3A_473 = arith.constant 262144 : i32
    %mul3A_474 = arith.muli %select_n3A_30, %mul3A_473 : i32
    %add3A_475 = arith.constant 229376 : i32
    %add3A_476 = arith.addi %mul3A_474, %add3A_475 : i32
    %dma_start3A_477 = tpu.memref_slice %arg2[%add3A, %add3A_476] : memref<8x1048576xf32, #tpu.memory_space<hbm>> -> memref<1x32768xf32, #tpu.memory_space<hbm>>
    %dma_start3A_478 = tpu.memref_squeeze %dma_start3A_477 : memref<1x32768xf32, #tpu.memory_space<hbm>> -> memref<32768xf32, #tpu.memory_space<hbm>>
    %dma_start3A_479 = tpu.memref_slice %arg2[%add3A, %add3A_476] : memref<8x1048576xf32, #tpu.memory_space<hbm>> -> memref<1x32768xf32, #tpu.memory_space<hbm>>
    %dma_start3A_480 = tpu.memref_squeeze %dma_start3A_479 : memref<1x32768xf32, #tpu.memory_space<hbm>> -> memref<32768xf32, #tpu.memory_space<hbm>>
    tpu.enqueue_dma source(%dma_start3A_480 : memref<32768xf32, #tpu.memory_space<hbm>>) target(%arg6 : memref<32768xf32, #tpu.memory_space<vmem>>) target_semaphore(%arg13 : memref<!tpu.dma_semaphore, #tpu.memory_space<semaphore_mem>>)
    %dma_wait3A_481 = tpu.memref_slice %arg2[%add3A, %add3A_461] : memref<8x1048576xf32, #tpu.memory_space<hbm>> -> memref<1x32768xf32, #tpu.memory_space<hbm>>
    %dma_wait3A_482 = tpu.memref_squeeze %dma_wait3A_481 : memref<1x32768xf32, #tpu.memory_space<hbm>> -> memref<32768xf32, #tpu.memory_space<hbm>>
    %dma_wait3A_483 = tpu.memref_slice %arg2[%add3A, %add3A_461] : memref<8x1048576xf32, #tpu.memory_space<hbm>> -> memref<1x32768xf32, #tpu.memory_space<hbm>>
    %dma_wait3A_484 = tpu.memref_squeeze %dma_wait3A_483 : memref<1x32768xf32, #tpu.memory_space<hbm>> -> memref<32768xf32, #tpu.memory_space<hbm>>
    tpu.wait_dma2 semaphore(%arg12 : memref<!tpu.dma_semaphore, #tpu.memory_space<semaphore_mem>>) src(%dma_wait3A_484 : memref<32768xf32, #tpu.memory_space<hbm>>) dst(%arg5 : memref<32768xf32, #tpu.memory_space<vmem>>)
    %parallel_loop3A_485 = arith.constant 0 : i32
    %parallel_loop3A_486 = arith.constant 32768 : i32
    %parallel_loop3A_487 = arith.constant 16 : i32
    scf.for %parallel_loop3A_543 = %parallel_loop3A_485 to %parallel_loop3A_486 step %parallel_loop3A_487  : i32 {
      %parallel_loop3A_544 = arith.index_cast %parallel_loop3A_543 : i32 to index
      %parallel_loop3A_545 = tpu.vector_load %arg5[%parallel_loop3A_544] {strides = array<i32>} : memref<32768xf32, #tpu.memory_space<vmem>>, vector<16xf32>,
      %parallel_loop3A_546 = vector.bitcast %parallel_loop3A_545 : vector<16xf32> to vector<16xi32>
      %parallel_loop3A_547 = arith.constant 31 : i32
      %parallel_loop3A_548 = vector.broadcast %parallel_loop3A_547 : i32 to vector<16xi32>
      %parallel_loop3A_549 = arith.shrsi %parallel_loop3A_546, %parallel_loop3A_548 : vector<16xi32>
      %parallel_loop3A_550 = arith.constant -2147483648 : i32
      %parallel_loop3A_551 = vector.broadcast %parallel_loop3A_550 : i32 to vector<16xi32>
      %parallel_loop3A_552 = arith.ori %parallel_loop3A_549, %parallel_loop3A_551 : vector<16xi32>
      %parallel_loop3A_553 = arith.xori %parallel_loop3A_546, %parallel_loop3A_552 : vector<16xi32>
      %parallel_loop3A_554 = arith.constant 1023 : i32
      %parallel_loop3A_555 = vector.broadcast %parallel_loop3A_554 : i32 to vector<16xi32>
      %parallel_loop3A_556 = arith.andi %parallel_loop3A_553, %parallel_loop3A_555 : vector<16xi32>
      %parallel_loop3A_557 = arith.constant 10 : i32
      %parallel_loop3A_558 = vector.broadcast %parallel_loop3A_557 : i32 to vector<16xi32>
      %parallel_loop3A_559 = arith.shrui %parallel_loop3A_553, %parallel_loop3A_558 : vector<16xi32>
      %parallel_loop3A_560 = arith.cmpi eq, %parallel_loop3A_559, %broadcast_in_dim3A_371 : vector<16xi32>
      %parallel_loop3A_561 = arith.addi %mul3A_57, %parallel_loop3A_556 : vector<16xi32>
      tpu.vector_store_idx %arg7[%parallel_loop3A_561], %broadcast_in_dim3A_60 masked %parallel_loop3A_560 {add = true} : memref<32800xi32, #tpu.memory_space<vmem>>[vector<16xi32>], vector<16xi32>, vector<16xi1>
    } {sc.loop_unroll_factor = 8 : i64, sc.parallel_access}
    %dma_wait3A_488 = tpu.memref_slice %arg2[%add3A, %add3A_476] : memref<8x1048576xf32, #tpu.memory_space<hbm>> -> memref<1x32768xf32, #tpu.memory_space<hbm>>
    %dma_wait3A_489 = tpu.memref_squeeze %dma_wait3A_488 : memref<1x32768xf32, #tpu.memory_space<hbm>> -> memref<32768xf32, #tpu.memory_space<hbm>>
    %dma_wait3A_490 = tpu.memref_slice %arg2[%add3A, %add3A_476] : memref<8x1048576xf32, #tpu.memory_space<hbm>> -> memref<1x32768xf32, #tpu.memory_space<hbm>>
    %dma_wait3A_491 = tpu.memref_squeeze %dma_wait3A_490 : memref<1x32768xf32, #tpu.memory_space<hbm>> -> memref<32768xf32, #tpu.memory_space<hbm>>
    tpu.wait_dma2 semaphore(%arg13 : memref<!tpu.dma_semaphore, #tpu.memory_space<semaphore_mem>>) src(%dma_wait3A_491 : memref<32768xf32, #tpu.memory_space<hbm>>) dst(%arg6 : memref<32768xf32, #tpu.memory_space<vmem>>)
    %parallel_loop3A_492 = arith.constant 0 : i32
    %parallel_loop3A_493 = arith.constant 32768 : i32
    %parallel_loop3A_494 = arith.constant 16 : i32
    scf.for %parallel_loop3A_543 = %parallel_loop3A_492 to %parallel_loop3A_493 step %parallel_loop3A_494  : i32 {
      %parallel_loop3A_544 = arith.index_cast %parallel_loop3A_543 : i32 to index
      %parallel_loop3A_545 = tpu.vector_load %arg6[%parallel_loop3A_544] {strides = array<i32>} : memref<32768xf32, #tpu.memory_space<vmem>>, vector<16xf32>,
      %parallel_loop3A_546 = vector.bitcast %parallel_loop3A_545 : vector<16xf32> to vector<16xi32>
      %parallel_loop3A_547 = arith.constant 31 : i32
      %parallel_loop3A_548 = vector.broadcast %parallel_loop3A_547 : i32 to vector<16xi32>
      %parallel_loop3A_549 = arith.shrsi %parallel_loop3A_546, %parallel_loop3A_548 : vector<16xi32>
      %parallel_loop3A_550 = arith.constant -2147483648 : i32
      %parallel_loop3A_551 = vector.broadcast %parallel_loop3A_550 : i32 to vector<16xi32>
      %parallel_loop3A_552 = arith.ori %parallel_loop3A_549, %parallel_loop3A_551 : vector<16xi32>
      %parallel_loop3A_553 = arith.xori %parallel_loop3A_546, %parallel_loop3A_552 : vector<16xi32>
      %parallel_loop3A_554 = arith.constant 1023 : i32
      %parallel_loop3A_555 = vector.broadcast %parallel_loop3A_554 : i32 to vector<16xi32>
      %parallel_loop3A_556 = arith.andi %parallel_loop3A_553, %parallel_loop3A_555 : vector<16xi32>
      %parallel_loop3A_557 = arith.constant 10 : i32
      %parallel_loop3A_558 = vector.broadcast %parallel_loop3A_557 : i32 to vector<16xi32>
      %parallel_loop3A_559 = arith.shrui %parallel_loop3A_553, %parallel_loop3A_558 : vector<16xi32>
      %parallel_loop3A_560 = arith.cmpi eq, %parallel_loop3A_559, %broadcast_in_dim3A_371 : vector<16xi32>
      %parallel_loop3A_561 = arith.addi %mul3A_57, %parallel_loop3A_556 : vector<16xi32>
      tpu.vector_store_idx %arg7[%parallel_loop3A_561], %broadcast_in_dim3A_60 masked %parallel_loop3A_560 {add = true} : memref<32800xi32, #tpu.memory_space<vmem>>[vector<16xi32>], vector<16xi32>, vector<16xi1>
    } {sc.loop_unroll_factor = 8 : i64, sc.parallel_access}
    %parallel_loop3A_495 = arith.constant 0 : i32
    %parallel_loop3A_496 = arith.constant 1024 : i32
    %parallel_loop3A_497 = arith.constant 16 : i32
    scf.for %parallel_loop3A_543 = %parallel_loop3A_495 to %parallel_loop3A_496 step %parallel_loop3A_497  : i32 {
      %parallel_loop3A_544 = arith.index_cast %parallel_loop3A_543 : i32 to index
      %parallel_loop3A_545 = tpu.vector_load %arg7[%parallel_loop3A_544] {strides = array<i32>} : memref<32800xi32, #tpu.memory_space<vmem>>, vector<16xi32>,
      %parallel_loop3A_546 = arith.constant 2049 : i32
      %parallel_loop3A_547 = arith.addi %parallel_loop3A_546, %parallel_loop3A_543 : i32
      %parallel_loop3A_548 = arith.index_cast %parallel_loop3A_547 : i32 to index
      %parallel_loop3A_549 = tpu.vector_load %arg7[%parallel_loop3A_548] {strides = array<i32>} : memref<32800xi32, #tpu.memory_space<vmem>>, vector<16xi32>,
      %parallel_loop3A_550 = arith.addi %parallel_loop3A_545, %parallel_loop3A_549 : vector<16xi32>
      %parallel_loop3A_551 = arith.constant 4098 : i32
      %parallel_loop3A_552 = arith.addi %parallel_loop3A_551, %parallel_loop3A_543 : i32
      %parallel_loop3A_553 = arith.index_cast %parallel_loop3A_552 : i32 to index
      %parallel_loop3A_554 = tpu.vector_load %arg7[%parallel_loop3A_553] {strides = array<i32>} : memref<32800xi32, #tpu.memory_space<vmem>>, vector<16xi32>,
      %parallel_loop3A_555 = arith.addi %parallel_loop3A_550, %parallel_loop3A_554 : vector<16xi32>
      %parallel_loop3A_556 = arith.constant 6147 : i32
      %parallel_loop3A_557 = arith.addi %parallel_loop3A_556, %parallel_loop3A_543 : i32
      %parallel_loop3A_558 = arith.index_cast %parallel_loop3A_557 : i32 to index
      %parallel_loop3A_559 = tpu.vector_load %arg7[%parallel_loop3A_558] {strides = array<i32>} : memref<32800xi32, #tpu.memory_space<vmem>>, vector<16xi32>,
      %parallel_loop3A_560 = arith.addi %parallel_loop3A_555, %parallel_loop3A_559 : vector<16xi32>
      %parallel_loop3A_561 = arith.constant 8196 : i32
      %parallel_loop3A_562 = arith.addi %parallel_loop3A_561, %parallel_loop3A_543 : i32
      %parallel_loop3A_563 = arith.index_cast %parallel_loop3A_562 : i32 to index
      %parallel_loop3A_564 = tpu.vector_load %arg7[%parallel_loop3A_563] {strides = array<i32>} : memref<32800xi32, #tpu.memory_space<vmem>>, vector<16xi32>,
      %parallel_loop3A_565 = arith.addi %parallel_loop3A_560, %parallel_loop3A_564 : vector<16xi32>
      %parallel_loop3A_566 = arith.constant 10245 : i32
      %parallel_loop3A_567 = arith.addi %parallel_loop3A_566, %parallel_loop3A_543 : i32
      %parallel_loop3A_568 = arith.index_cast %parallel_loop3A_567 : i32 to index
      %parallel_loop3A_569 = tpu.vector_load %arg7[%parallel_loop3A_568] {strides = array<i32>} : memref<32800xi32, #tpu.memory_space<vmem>>, vector<16xi32>,
      %parallel_loop3A_570 = arith.addi %parallel_loop3A_565, %parallel_loop3A_569 : vector<16xi32>
      %parallel_loop3A_571 = arith.constant 12294 : i32
      %parallel_loop3A_572 = arith.addi %parallel_loop3A_571, %parallel_loop3A_543 : i32
      %parallel_loop3A_573 = arith.index_cast %parallel_loop3A_572 : i32 to index
      %parallel_loop3A_574 = tpu.vector_load %arg7[%parallel_loop3A_573] {strides = array<i32>} : memref<32800xi32, #tpu.memory_space<vmem>>, vector<16xi32>,
      %parallel_loop3A_575 = arith.addi %parallel_loop3A_570, %parallel_loop3A_574 : vector<16xi32>
      %parallel_loop3A_576 = arith.constant 14343 : i32
      %parallel_loop3A_577 = arith.addi %parallel_loop3A_576, %parallel_loop3A_543 : i32
      %parallel_loop3A_578 = arith.index_cast %parallel_loop3A_577 : i32 to index
      %parallel_loop3A_579 = tpu.vector_load %arg7[%parallel_loop3A_578] {strides = array<i32>} : memref<32800xi32, #tpu.memory_space<vmem>>, vector<16xi32>,
      %parallel_loop3A_580 = arith.addi %parallel_loop3A_575, %parallel_loop3A_579 : vector<16xi32>
      %parallel_loop3A_581 = arith.constant 16392 : i32
      %parallel_loop3A_582 = arith.addi %parallel_loop3A_581, %parallel_loop3A_543 : i32
      %parallel_loop3A_583 = arith.index_cast %parallel_loop3A_582 : i32 to index
      %parallel_loop3A_584 = tpu.vector_load %arg7[%parallel_loop3A_583] {strides = array<i32>} : memref<32800xi32, #tpu.memory_space<vmem>>, vector<16xi32>,
      %parallel_loop3A_585 = arith.addi %parallel_loop3A_580, %parallel_loop3A_584 : vector<16xi32>
      %parallel_loop3A_586 = arith.constant 18441 : i32
      %parallel_loop3A_587 = arith.addi %parallel_loop3A_586, %parallel_loop3A_543 : i32
      %parallel_loop3A_588 = arith.index_cast %parallel_loop3A_587 : i32 to index
      %parallel_loop3A_589 = tpu.vector_load %arg7[%parallel_loop3A_588] {strides = array<i32>} : memref<32800xi32, #tpu.memory_space<vmem>>, vector<16xi32>,
      %parallel_loop3A_590 = arith.addi %parallel_loop3A_585, %parallel_loop3A_589 : vector<16xi32>
      %parallel_loop3A_591 = arith.constant 20490 : i32
      %parallel_loop3A_592 = arith.addi %parallel_loop3A_591, %parallel_loop3A_543 : i32
      %parallel_loop3A_593 = arith.index_cast %parallel_loop3A_592 : i32 to index
      %parallel_loop3A_594 = tpu.vector_load %arg7[%parallel_loop3A_593] {strides = array<i32>} : memref<32800xi32, #tpu.memory_space<vmem>>, vector<16xi32>,
      %parallel_loop3A_595 = arith.addi %parallel_loop3A_590, %parallel_loop3A_594 : vector<16xi32>
      %parallel_loop3A_596 = arith.constant 22539 : i32
      %parallel_loop3A_597 = arith.addi %parallel_loop3A_596, %parallel_loop3A_543 : i32
      %parallel_loop3A_598 = arith.index_cast %parallel_loop3A_597 : i32 to index
      %parallel_loop3A_599 = tpu.vector_load %arg7[%parallel_loop3A_598] {strides = array<i32>} : memref<32800xi32, #tpu.memory_space<vmem>>, vector<16xi32>,
      %parallel_loop3A_600 = arith.addi %parallel_loop3A_595, %parallel_loop3A_599 : vector<16xi32>
      %parallel_loop3A_601 = arith.constant 24588 : i32
      %parallel_loop3A_602 = arith.addi %parallel_loop3A_601, %parallel_loop3A_543 : i32
      %parallel_loop3A_603 = arith.index_cast %parallel_loop3A_602 : i32 to index
      %parallel_loop3A_604 = tpu.vector_load %arg7[%parallel_loop3A_603] {strides = array<i32>} : memref<32800xi32, #tpu.memory_space<vmem>>, vector<16xi32>,
      %parallel_loop3A_605 = arith.addi %parallel_loop3A_600, %parallel_loop3A_604 : vector<16xi32>
      %parallel_loop3A_606 = arith.constant 26637 : i32
      %parallel_loop3A_607 = arith.addi %parallel_loop3A_606, %parallel_loop3A_543 : i32
      %parallel_loop3A_608 = arith.index_cast %parallel_loop3A_607 : i32 to index
      %parallel_loop3A_609 = tpu.vector_load %arg7[%parallel_loop3A_608] {strides = array<i32>} : memref<32800xi32, #tpu.memory_space<vmem>>, vector<16xi32>,
      %parallel_loop3A_610 = arith.addi %parallel_loop3A_605, %parallel_loop3A_609 : vector<16xi32>
      %parallel_loop3A_611 = arith.constant 28686 : i32
      %parallel_loop3A_612 = arith.addi %parallel_loop3A_611, %parallel_loop3A_543 : i32
      %parallel_loop3A_613 = arith.index_cast %parallel_loop3A_612 : i32 to index
      %parallel_loop3A_614 = tpu.vector_load %arg7[%parallel_loop3A_613] {strides = array<i32>} : memref<32800xi32, #tpu.memory_space<vmem>>, vector<16xi32>,
      %parallel_loop3A_615 = arith.addi %parallel_loop3A_610, %parallel_loop3A_614 : vector<16xi32>
      %parallel_loop3A_616 = arith.constant 30735 : i32
      %parallel_loop3A_617 = arith.addi %parallel_loop3A_616, %parallel_loop3A_543 : i32
      %parallel_loop3A_618 = arith.index_cast %parallel_loop3A_617 : i32 to index
      %parallel_loop3A_619 = tpu.vector_load %arg7[%parallel_loop3A_618] {strides = array<i32>} : memref<32800xi32, #tpu.memory_space<vmem>>, vector<16xi32>,
      %parallel_loop3A_620 = arith.addi %parallel_loop3A_615, %parallel_loop3A_619 : vector<16xi32>
      %parallel_loop3A_621 = arith.index_cast %parallel_loop3A_543 : i32 to index
      %parallel_loop3A_622 = tpu.vector_load %arg8[%parallel_loop3A_621] {strides = array<i32>} : memref<2064xi32, #tpu.memory_space<vmem>>, vector<16xi32>,
      tpu.vector_store %arg8[%parallel_loop3A_621], %parallel_loop3A_620 {strides = array<i32>} : memref<2064xi32, #tpu.memory_space<vmem>>, vector<16xi32>,
    } {sc.loop_unroll_factor = 2 : i64, sc.parallel_access}
    "tpu.region"() ({
      %run_scoped3A = tpu.sem_alloc : memref<!tpu.dma_semaphore, #tpu.memory_space<semaphore_mem>>
      %dma_start3A_543 = arith.constant 0 : i32
      %dma_start3A_544 = tpu.memref_slice %arg8[%dma_start3A_543] : memref<2064xi32, #tpu.memory_space<vmem>> -> memref<2048xi32, #tpu.memory_space<vmem>>
      %dma_start3A_545 = arith.constant 0 : i32
      %dma_start3A_546 = tpu.memref_slice %arg16[%arg1, %dma_start3A_545] : memref<16x2048xi32, #tpu.memory_space<vmem_shared>> -> memref<1x2048xi32, #tpu.memory_space<vmem_shared>>
      %dma_start3A_547 = tpu.memref_squeeze %dma_start3A_546 : memref<1x2048xi32, #tpu.memory_space<vmem_shared>> -> memref<2048xi32, #tpu.memory_space<vmem_shared>>
      %dma_start3A_548 = arith.constant 0 : i32
      %dma_start3A_549 = tpu.memref_slice %arg16[%arg1, %dma_start3A_548] : memref<16x2048xi32, #tpu.memory_space<vmem_shared>> -> memref<1x2048xi32, #tpu.memory_space<vmem_shared>>
      %dma_start3A_550 = tpu.memref_squeeze %dma_start3A_549 : memref<1x2048xi32, #tpu.memory_space<vmem_shared>> -> memref<2048xi32, #tpu.memory_space<vmem_shared>>
      %dma_start3A_551 = arith.constant 0 : i32
      %dma_start3A_552 = tpu.memref_slice %arg8[%dma_start3A_551] : memref<2064xi32, #tpu.memory_space<vmem>> -> memref<2048xi32, #tpu.memory_space<vmem>>
      tpu.enqueue_dma source(%dma_start3A_552 : memref<2048xi32, #tpu.memory_space<vmem>>) target(%dma_start3A_550 : memref<2048xi32, #tpu.memory_space<vmem_shared>>) target_semaphore(%run_scoped3A : memref<!tpu.dma_semaphore, #tpu.memory_space<semaphore_mem>>)
      %dma_wait3A_553 = arith.constant 0 : i32
      %dma_wait3A_554 = tpu.memref_slice %arg8[%dma_wait3A_553] : memref<2064xi32, #tpu.memory_space<vmem>> -> memref<2048xi32, #tpu.memory_space<vmem>>
      %dma_wait3A_555 = arith.constant 0 : i32
      %dma_wait3A_556 = tpu.memref_slice %arg16[%arg1, %dma_wait3A_555] : memref<16x2048xi32, #tpu.memory_space<vmem_shared>> -> memref<1x2048xi32, #tpu.memory_space<vmem_shared>>
      %dma_wait3A_557 = tpu.memref_squeeze %dma_wait3A_556 : memref<1x2048xi32, #tpu.memory_space<vmem_shared>> -> memref<2048xi32, #tpu.memory_space<vmem_shared>>
      %dma_wait3A_558 = arith.constant 0 : i32
      %dma_wait3A_559 = tpu.memref_slice %arg16[%arg1, %dma_wait3A_558] : memref<16x2048xi32, #tpu.memory_space<vmem_shared>> -> memref<1x2048xi32, #tpu.memory_space<vmem_shared>>
      %dma_wait3A_560 = tpu.memref_squeeze %dma_wait3A_559 : memref<1x2048xi32, #tpu.memory_space<vmem_shared>> -> memref<2048xi32, #tpu.memory_space<vmem_shared>>
      %dma_wait3A_561 = arith.constant 0 : i32
      %dma_wait3A_562 = tpu.memref_slice %arg8[%dma_wait3A_561] : memref<2064xi32, #tpu.memory_space<vmem>> -> memref<2048xi32, #tpu.memory_space<vmem>>
      tpu.wait_dma2 semaphore(%run_scoped3A : memref<!tpu.dma_semaphore, #tpu.memory_space<semaphore_mem>>) src(%dma_wait3A_562 : memref<2048xi32, #tpu.memory_space<vmem>>) dst(%dma_wait3A_560 : memref<2048xi32, #tpu.memory_space<vmem_shared>>)
      tpu.yield
    }) : () -> ()
    %barrier3A_498 = arith.constant 0 : index
    tpu.barrier barrier_id(%barrier3A_498)
    %mul3A_499 = arith.constant 4 : i32
    %mul3A_500 = arith.muli %select_n3A_54, %mul3A_499 : i32
    "tpu.region"() ({
      %run_scoped3A = tpu.sem_alloc : memref<!tpu.dma_semaphore, #tpu.memory_space<semaphore_mem>>
      %dma_start3A_543 = arith.constant 0 : i32
      %dma_start3A_544 = tpu.memref_slice %arg16[%mul3A_500, %dma_start3A_543] : memref<16x2048xi32, #tpu.memory_space<vmem_shared>> -> memref<4x2048xi32, #tpu.memory_space<vmem_shared>>
      %dma_start3A_545 = arith.constant 0 : i32
      %dma_start3A_546 = tpu.memref_slice %arg16[%mul3A_500, %dma_start3A_545] : memref<16x2048xi32, #tpu.memory_space<vmem_shared>> -> memref<4x2048xi32, #tpu.memory_space<vmem_shared>>
      tpu.enqueue_dma source(%dma_start3A_546 : memref<4x2048xi32, #tpu.memory_space<vmem_shared>>) target(%arg9 : memref<4x2048xi32, #tpu.memory_space<vmem>>) target_semaphore(%run_scoped3A : memref<!tpu.dma_semaphore, #tpu.memory_space<semaphore_mem>>)
      %dma_wait3A_547 = arith.constant 0 : i32
      %dma_wait3A_548 = tpu.memref_slice %arg16[%mul3A_500, %dma_wait3A_547] : memref<16x2048xi32, #tpu.memory_space<vmem_shared>> -> memref<4x2048xi32, #tpu.memory_space<vmem_shared>>
      %dma_wait3A_549 = arith.constant 0 : i32
      %dma_wait3A_550 = tpu.memref_slice %arg16[%mul3A_500, %dma_wait3A_549] : memref<16x2048xi32, #tpu.memory_space<vmem_shared>> -> memref<4x2048xi32, #tpu.memory_space<vmem_shared>>
      tpu.wait_dma2 semaphore(%run_scoped3A : memref<!tpu.dma_semaphore, #tpu.memory_space<semaphore_mem>>) src(%dma_wait3A_550 : memref<4x2048xi32, #tpu.memory_space<vmem_shared>>) dst(%arg9 : memref<4x2048xi32, #tpu.memory_space<vmem>>)
      tpu.yield
    }) : () -> ()
    %scan3A_501 = arith.constant 0 : i32
    %scan3A_502 = arith.constant 0 : i32
    %scan3A_503 = arith.constant 64 : i32
    %scan3A_504 = arith.addi %scan3A_502, %scan3A_503 : i32
    %scan3A_505 = arith.constant 1 : i32
    %scan3A_506 = scf.for %scan3A_543 = %scan3A_502 to %scan3A_504 step %scan3A_505 iter_args(%scan3A_544 = %scan3A_501) -> (i32)  : i32 {
      %mul3A_545 = arith.constant 16 : i32
      %mul3A_546 = arith.muli %scan3A_543, %mul3A_545 : i32
      %get3A_547 = arith.constant 0 : i32
      %get3A_548 = arith.index_cast %get3A_547 : i32 to index
      %get3A_549 = arith.index_cast %mul3A_546 : i32 to index
      %get3A_550 = tpu.vector_load %arg9[%get3A_548, %get3A_549] {strides = array<i32>} : memref<4x2048xi32, #tpu.memory_space<vmem>>, vector<16xi32>,
      %get3A_551 = arith.constant 1 : i32
      %get3A_552 = arith.index_cast %get3A_551 : i32 to index
      %get3A_553 = arith.index_cast %mul3A_546 : i32 to index
      %get3A_554 = tpu.vector_load %arg9[%get3A_552, %get3A_553] {strides = array<i32>} : memref<4x2048xi32, #tpu.memory_space<vmem>>, vector<16xi32>,
      %add3A_555 = arith.addi %get3A_550, %get3A_554 : vector<16xi32>
      %get3A_556 = arith.constant 2 : i32
      %get3A_557 = arith.index_cast %get3A_556 : i32 to index
      %get3A_558 = arith.index_cast %mul3A_546 : i32 to index
      %get3A_559 = tpu.vector_load %arg9[%get3A_557, %get3A_558] {strides = array<i32>} : memref<4x2048xi32, #tpu.memory_space<vmem>>, vector<16xi32>,
      %add3A_560 = arith.addi %add3A_555, %get3A_559 : vector<16xi32>
      %get3A_561 = arith.constant 3 : i32
      %get3A_562 = arith.index_cast %get3A_561 : i32 to index
      %get3A_563 = arith.index_cast %mul3A_546 : i32 to index
      %get3A_564 = tpu.vector_load %arg9[%get3A_562, %get3A_563] {strides = array<i32>} : memref<4x2048xi32, #tpu.memory_space<vmem>>, vector<16xi32>,
      %add3A_565 = arith.addi %add3A_560, %get3A_564 : vector<16xi32>
      %swap3A = arith.index_cast %mul3A_546 : i32 to index
      %swap3A_566 = tpu.vector_load %arg8[%swap3A] {strides = array<i32>} : memref<2064xi32, #tpu.memory_space<vmem>>, vector<16xi32>,
      tpu.vector_store %arg8[%swap3A], %add3A_565 {strides = array<i32>} : memref<2064xi32, #tpu.memory_space<vmem>>, vector<16xi32>,
      %scan3A_567 = arith.constant 0 : i32
      scf.yield %scan3A_567 : i32
    }
    %scan3A_507 = arith.constant 64 : i32
    %broadcast_in_dim3A_508 = vector.broadcast %sub3A_367 : i32 to vector<16xi32>
    %scan3A_509 = arith.constant 0 : i32
    %scan3A_510 = arith.constant 64 : i32
    %scan3A_511 = arith.addi %scan3A_509, %scan3A_510 : i32
    %scan3A_512 = arith.constant 1 : i32
    %scan3A_513:3 = scf.for %scan3A_543 = %scan3A_509 to %scan3A_511 step %scan3A_512 iter_args(%scan3A_544 = %broadcast_in_dim3A_58, %scan3A_545 = %broadcast_in_dim3A_58, %scan3A_546 = %broadcast_in_dim3A_58) -> (vector<16xi32>, vector<16xi32>, vector<16xi32>)  : i32 {
      %mul3A_547 = arith.constant 16 : i32
      %mul3A_548 = arith.muli %scan3A_543, %mul3A_547 : i32
      %get3A_549 = arith.index_cast %mul3A_548 : i32 to index
      %get3A_550 = tpu.vector_load %arg8[%get3A_549] {strides = array<i32>} : memref<2064xi32, #tpu.memory_space<vmem>>, vector<16xi32>,
      %broadcast_in_dim3A_551 = arith.constant true
      %broadcast_in_dim3A_552 = vector.broadcast %broadcast_in_dim3A_551 : i1 to vector<16xi1>
      %masked_cumsum3A = tpu.scan <sum>, %get3A_550 masked %broadcast_in_dim3A_552 : vector<16xi32>, vector<16xi1> -> vector<16xi32>
      %add3A_553 = arith.addi %masked_cumsum3A, %scan3A_544 : vector<16xi32>
      %le3A = arith.cmpi sle, %add3A_553, %broadcast_in_dim3A_508 : vector<16xi32>
      %jit3A_554 = arith.constant 1 : i32
      %jit3A_555 = arith.constant 0 : i32
      %broadcast_in_dim3A_556 = vector.broadcast %jit3A_554 : i32 to vector<16xi32>
      %broadcast_in_dim3A_557 = vector.broadcast %jit3A_555 : i32 to vector<16xi32>
      %select_n3A_558 = arith.select %le3A, %broadcast_in_dim3A_556, %broadcast_in_dim3A_557 : vector<16xi1>, vector<16xi32>
      %add3A_559 = arith.addi %scan3A_545, %select_n3A_558 : vector<16xi32>
      %jit3A_560 = arith.constant 0 : i32
      %broadcast_in_dim3A_561 = vector.broadcast %jit3A_560 : i32 to vector<16xi32>
      %select_n3A_562 = arith.select %le3A, %add3A_553, %broadcast_in_dim3A_561 : vector<16xi1>, vector<16xi32>
      %max3A = arith.maxsi %scan3A_546, %select_n3A_562 : vector<16xi32>
      %reduce_max3A_563 = arith.constant true
      %reduce_max3A_564 = vector.broadcast %reduce_max3A_563 : i1 to vector<16xi1>
      %reduce_max3A_565 = arith.constant -2147483648 : i32
      %reduce_max3A_566 = vector.broadcast %reduce_max3A_565 : i32 to vector<16xi32>
      %reduce_max3A_567 = arith.xori %add3A_553, %reduce_max3A_566 : vector<16xi32>
      %reduce_max3A_568 = tpu.scan <max>, %reduce_max3A_567 masked %reduce_max3A_564 : vector<16xi32>, vector<16xi1> -> vector<16xi32>
      %reduce_max3A_569 = arith.xori %reduce_max3A_568, %reduce_max3A_566 : vector<16xi32>
      %reduce_max3A_570 = vector.extract %reduce_max3A_569[15] : i32 from vector<16xi32>
      %broadcast_in_dim3A_571 = vector.broadcast %reduce_max3A_570 : i32 to vector<16xi32>
      scf.yield %broadcast_in_dim3A_571, %add3A_559, %max3A : vector<16xi32>, vector<16xi32>, vector<16xi32>
    }
    %scan3A_514 = arith.constant 64 : i32
    %reduce_sum3A_515 = arith.constant true
    %reduce_sum3A_516 = vector.broadcast %reduce_sum3A_515 : i1 to vector<16xi1>
    %reduce_sum3A_517 = tpu.scan <sum>, %scan3A_513#1 masked %reduce_sum3A_516 : vector<16xi32>, vector<16xi1> -> vector<16xi32>
    %reduce_sum3A_518 = vector.extract %reduce_sum3A_517[15] : i32 from vector<16xi32>
    %reduce_max3A_519 = arith.constant true
    %reduce_max3A_520 = vector.broadcast %reduce_max3A_519 : i1 to vector<16xi1>
    %reduce_max3A_521 = arith.constant -2147483648 : i32
    %reduce_max3A_522 = vector.broadcast %reduce_max3A_521 : i32 to vector<16xi32>
    %reduce_max3A_523 = arith.xori %scan3A_513#2, %reduce_max3A_522 : vector<16xi32>
    %reduce_max3A_524 = tpu.scan <max>, %reduce_max3A_523 masked %reduce_max3A_520 : vector<16xi32>, vector<16xi1> -> vector<16xi32>
    %reduce_max3A_525 = arith.xori %reduce_max3A_524, %reduce_max3A_522 : vector<16xi32>
    %reduce_max3A_526 = vector.extract %reduce_max3A_525[15] : i32 from vector<16xi32>
    %sub3A_527 = arith.subi %sub3A_367, %reduce_max3A_526 : i32
    %mul3A_528 = arith.constant 2097152 : i32
    %mul3A_529 = arith.muli %reduce_sum3A_202, %mul3A_528 : i32
    %mul3A_530 = arith.constant 1024 : i32
    %mul3A_531 = arith.muli %reduce_sum3A_358, %mul3A_530 : i32
    %add3A_532 = arith.addi %mul3A_529, %mul3A_531 : i32
    %add3A_533 = arith.addi %add3A_532, %reduce_sum3A_518 : i32
    %xor3A = arith.constant -2147483648 : i32
    %xor3A_534 = arith.xori %add3A_533, %xor3A : i32
    %shift_right_arithmetic3A = arith.constant 31 : i32
    %shift_right_arithmetic3A_535 = arith.shrsi %xor3A_534, %shift_right_arithmetic3A : i32
    %and3A_536 = arith.constant 2147483647 : i32
    %and3A_537 = arith.andi %shift_right_arithmetic3A_535, %and3A_536 : i32
    %xor3A_538 = arith.xori %xor3A_534, %and3A_537 : i32
    %broadcast_in_dim3A_539 = vector.broadcast %xor3A_538 : i32 to vector<16xi32>
    %bitcast3A = vector.bitcast %broadcast_in_dim3A_539 : vector<16xi32> to vector<16xf32>
    %eq3A_540 = arith.constant 0 : i32
    %eq3A_541 = arith.cmpi eq, %select_n3A_30, %eq3A_540 : i32
    %convert_element_type3A = arith.extui %eq3A_541 : i1 to i32
    %cond3A = arith.constant 0 : i32
    %cond3A_542 = arith.cmpi ne, %convert_element_type3A, %cond3A : i32
    scf.if %cond3A_542 {
      %swap3A = arith.constant 0 : index
      %swap3A_543 = tpu.vector_load %arg11[%swap3A] {strides = array<i32>} : memref<16xf32, #tpu.memory_space<vmem>>, vector<16xf32>,
      tpu.vector_store %arg11[%swap3A], %bitcast3A {strides = array<i32>} : memref<16xf32, #tpu.memory_space<vmem>>, vector<16xf32>,
      "tpu.region"() ({
        %run_scoped3A = tpu.sem_alloc : memref<!tpu.dma_semaphore, #tpu.memory_space<semaphore_mem>>
        %dma_start3A_544 = arith.constant 0 : i32
        %dma_start3A_545 = tpu.memref_slice %arg4[%add3A, %dma_start3A_544] : memref<8x16xf32, #tpu.memory_space<hbm>> -> memref<1x16xf32, #tpu.memory_space<hbm>>
        %dma_start3A_546 = tpu.memref_squeeze %dma_start3A_545 : memref<1x16xf32, #tpu.memory_space<hbm>> -> memref<16xf32, #tpu.memory_space<hbm>>
        %dma_start3A_547 = arith.constant 0 : i32
        %dma_start3A_548 = tpu.memref_slice %arg4[%add3A, %dma_start3A_547] : memref<8x16xf32, #tpu.memory_space<hbm>> -> memref<1x16xf32, #tpu.memory_space<hbm>>
        %dma_start3A_549 = tpu.memref_squeeze %dma_start3A_548 : memref<1x16xf32, #tpu.memory_space<hbm>> -> memref<16xf32, #tpu.memory_space<hbm>>
        tpu.enqueue_dma source(%arg11 : memref<16xf32, #tpu.memory_space<vmem>>) target(%dma_start3A_549 : memref<16xf32, #tpu.memory_space<hbm>>) target_semaphore(%run_scoped3A : memref<!tpu.dma_semaphore, #tpu.memory_space<semaphore_mem>>)
        %dma_wait3A_550 = arith.constant 0 : i32
        %dma_wait3A_551 = tpu.memref_slice %arg4[%add3A, %dma_wait3A_550] : memref<8x16xf32, #tpu.memory_space<hbm>> -> memref<1x16xf32, #tpu.memory_space<hbm>>
        %dma_wait3A_552 = tpu.memref_squeeze %dma_wait3A_551 : memref<1x16xf32, #tpu.memory_space<hbm>> -> memref<16xf32, #tpu.memory_space<hbm>>
        %dma_wait3A_553 = arith.constant 0 : i32
        %dma_wait3A_554 = tpu.memref_slice %arg4[%add3A, %dma_wait3A_553] : memref<8x16xf32, #tpu.memory_space<hbm>> -> memref<1x16xf32, #tpu.memory_space<hbm>>
        %dma_wait3A_555 = tpu.memref_squeeze %dma_wait3A_554 : memref<1x16xf32, #tpu.memory_space<hbm>> -> memref<16xf32, #tpu.memory_space<hbm>>
        tpu.wait_dma2 semaphore(%run_scoped3A : memref<!tpu.dma_semaphore, #tpu.memory_space<semaphore_mem>>) src(%arg11 : memref<16xf32, #tpu.memory_space<vmem>>) dst(%dma_wait3A_555 : memref<16xf32, #tpu.memory_space<hbm>>)
        tpu.yield
      }) : () -> ()
    } else {
    }
    return
  }
}

module attributes {stable_mosaic.version = 14 : i64} {
  func.func @_mask_body(%arg0: i32, %arg1: memref<8x131072xf32, #tpu.memory_space<vmem>>, %arg2: memref<8x16xf32, #tpu.memory_space<vmem>>, %arg3: memref<8x131072xi32, #tpu.memory_space<vmem>>, %arg4: memref<8x131072xf32, #tpu.memory_space<vmem>>) attributes {dimension_semantics = [#tpu.dimension_semantics<arbitrary>], iteration_bounds = array<i64: 8>, scalar_prefetch = 0 : i64, scratch_operands = 0 : i64, tpu.core_type = #tpu.core_type<tc>, window_params = [{transform_indices = @transform_0, window_bounds = array<i64: 8, 131072>}, {pipeline_mode = #tpu.pipeline_mode<synchronous>, transform_indices = @transform_1, window_bounds = array<i64: 8, 16>}, {transform_indices = @transform_2, window_bounds = array<i64: 8, 131072>}, {transform_indices = @transform_3, window_bounds = array<i64: 8, 131072>}]} {
    %get3A = arith.constant 0 : index
    %get3A_0 = arith.constant 0 : index
    %get3A_1 = vector.load %arg1[%get3A, %get3A_0] : memref<8x131072xf32, #tpu.memory_space<vmem>>, vector<8x131072xf32>
    %get3A_2 = arith.constant 0 : index
    %get3A_3 = arith.constant 0 : index
    %get3A_4 = vector.load %arg2[%get3A_2, %get3A_3] : memref<8x16xf32, #tpu.memory_space<vmem>>, vector<8x1xf32>
    %gt3A = vector.broadcast %get3A_4 : vector<8x1xf32> to vector<8x131072xf32>
    %gt3A_5 = arith.cmpf ogt, %get3A_1, %gt3A : vector<8x131072xf32>
    %swap3A = arith.constant 0 : index
    %swap3A_6 = arith.constant 0 : index
    %swap3A_7 = vector.load %arg3[%swap3A, %swap3A_6] : memref<8x131072xi32, #tpu.memory_space<vmem>>, vector<8x131072xi32>
    %swap3A_8 = arith.extui %gt3A_5 : vector<8x131072xi1> to vector<8x131072xi32>
    %swap3A_9 = arith.constant dense<0> : vector<8x131072xi32>
    %swap3A_10 = arith.cmpi ne, %swap3A_7, %swap3A_9 : vector<8x131072xi32>
    tpu.vector_store %arg3[%swap3A, %swap3A_6], %swap3A_8 {strides = array<i32>} : memref<8x131072xi32, #tpu.memory_space<vmem>>, vector<8x131072xi32>,
    %jit3A = arith.constant 0.000000e+00 : f32
    %broadcast_in_dim3A = vector.broadcast %jit3A : f32 to vector<8x131072xf32>
    %select_n3A = arith.select %gt3A_5, %get3A_1, %broadcast_in_dim3A : vector<8x131072xi1>, vector<8x131072xf32>
    %swap3A_11 = arith.constant 0 : index
    %swap3A_12 = arith.constant 0 : index
    %swap3A_13 = vector.load %arg4[%swap3A_11, %swap3A_12] : memref<8x131072xf32, #tpu.memory_space<vmem>>, vector<8x131072xf32>
    tpu.vector_store %arg4[%swap3A_11, %swap3A_12], %select_n3A {strides = array<i32>} : memref<8x131072xf32, #tpu.memory_space<vmem>>, vector<8x131072xf32>,
    return
  }
  func.func @transform_0(%arg0: i32) -> (i32, i32) {
    %c0_i32 = arith.constant 0 : i32
    %c0_i32_0 = arith.constant 0 : i32
    return %c0_i32, %arg0 : i32, i32
  }
  func.func @transform_1(%arg0: i32) -> (i32, i32) {
    %c0_i32 = arith.constant 0 : i32
    %c0_i32_0 = arith.constant 0 : i32
    %c0_i32_1 = arith.constant 0 : i32
    return %c0_i32, %c0_i32_0 : i32, i32
  }
  func.func @transform_2(%arg0: i32) -> (i32, i32) {
    %c0_i32 = arith.constant 0 : i32
    %c0_i32_0 = arith.constant 0 : i32
    return %c0_i32, %arg0 : i32, i32
  }
  func.func @transform_3(%arg0: i32) -> (i32, i32) {
    %c0_i32 = arith.constant 0 : i32
    %c0_i32_0 = arith.constant 0 : i32
    return %c0_i32, %arg0 : i32, i32
  }
}

</mosaic_0001>

<sc_bundles>
// kernel: _run.4.cloned.1.call-start
scs
__scs_entry_jumppad:
0x0: {  	(pc) =	sbr.rel $0x88, $3  }
0x1: {  	(tag) =	ssettag $0x0;
	lr =	simm.s32 $0x1  }
0x2: {  	[smem:$0x3F9F] =	sst lr;
	_ =	strace $0xD0000000  }
0x3: {  	_ = 	snop  }
0x4: {  	_ = 	snop  }
0x5: {  	_ = 	snop  }
0x6: {  	_ = 	snop  }
0x7: {  	_ = 	snop  }
__scs_overlays_trampoline_lowered:
0x8: {  	[smem:$0x3FAE] =	sst s0  }
0x9: {  	[smem:$0x3FAF] =	sst s1  }
0xa: {  	[smem:$0x3FB0] =	sst s2  }
0xb: {  	[smem:$0x3FB1] =	sst s3  }
0xc: {  	[smem:$0x3FB2] =	sst s4  }
0xd: {  	[smem:$0x3FB3] =	sst s5  }
0xe: {  	[smem:$0x3FB4] =	sst s6  }
0xf: {  	[smem:$0x3FB5] =	sst s7  }
0x10: {  	[smem:$0x3FB6] =	sst s8  }
0x11: {  	[smem:$0x3FB7] =	sst s9;
	s0 =	simm.s32 @!p0 $0x0  }
0x12: {  	s1 =	sld [smem:$0x3F9D];
	s0 =	simm.s32 @p0 $0x1  }
0x13: {  	[smem:$0x3FB8] =	sst s0;
	s0 =	simm.s32 @!p1 $0x0  }
0x14: {  	s2 =	sld [smem:$0x3F9C];
	s0 =	simm.s32 @p1 $0x1  }
0x15: {  	[smem:$0x3FB9] =	sst s0;
	s0 =	simm.s32 @!p2 $0x0  }
0x16: {  	s3 =	sld [smem:$0x3FDB];
	s0 =	simm.s32 @p2 $0x1  }
0x17: {  	s4 =	simm.s32 $0x1BF5;
	[smem:$0x3FBB] =	sst s0  }
0x18: {  	s0 =	sld [smem:$0x3F9E];
	_ =	swait.ge [sflag:s4], $0x0  }
0x19: {  	s7 =	sld [smem:$0x3F9F]  }
0x1a: {  	s8 =	sadd.s32 $0xFFFFE003, lr  }
0x1b: {  	s9 =	sadd.s32 $0xFFFFFEF7, lr;
	s5 =	simm.s32 $0xFFFFFFFF;
	p2 =	slt.u32 s8, $0xFFFFF086  }
0x1c: {  	p1 =	slt.u32 s9, $0xF7A;
	s5 =	simm.s32 @!p2 $0x0  }
0x1d: {  	s5 =	simm.s32 @p1 $0x1;
	p0 =	seq.s32 s7, s2  }
0x1e: {  	s7 =	smul.u32 @!p0 $0xF7A, s2;
	p2 =	seq.s32 @!p0 s5, $0x0  }
0x1f: {  	s9 =	smul.u32 $0xF7A, s1;
	s8 =	simm.s32 @!p0 $0x1BF5;
	p2 =	por !p2, p0  }
0x20: {  	[sflag:s8] =	ssyncset.s32 @!p0 $0xFFFFF086;
	s6 =	sadd.s32 @!p0 s3, s7;
	s7 =	simm.s32 @!p0 $0x108  }
0x21: {  	s3 =	sadd.s32 s3, s9;
	s6 =	sadd.s32 @!p0 $0x88, s6;
	s7 =	simm.s32 @p2 $0x1082  }
0x22: {  	[simem:s7], [sflag:s8] =	dma.local @!p0 [hbm:s6], $0xF7A  }
0x23: {  	s9 =	sor.u32 $0xD0000000, s2;
	s6 =	simm.s32 $0x108;
	_ =	swait.ge @!p0 [sflag:s8], $0x0  }
0x24: {  	s3 =	sadd.s32 $0x88, s3;
	s6 =	simm.s32 @!p1 $0x1082;
	[sflag:s4] =	ssyncset.s32 $0xFFFFF086  }
0x25: {  	[simem:s6], [sflag:s4] =	dma.local [hbm:s3], $0xF7A  }
0x26: {  	[smem:$0x3F9F] =	sst s1;
	(tag) =	ssettag s2;
	_ =	strace s9  }
0x27: {  	s1 =	sld [smem:$0x3FAF]  }
0x28: {  	s2 =	sld [smem:$0x3FB0]  }
0x29: {  	s4 =	sld [smem:$0x3FB2]  }
0x2a: {  	p0 =	seq.s32 s5, $0x0;
	s5 =	sld [smem:$0x3FB3]  }
0x2b: {  	s6 =	sld [smem:$0x3FB4]  }
0x2c: {  	s7 =	sld [smem:$0x3FB5]  }
0x2d: {  	s3 =	simm.s32 $0x108;
	s8 =	sld [smem:$0x3FB6]  }
0x2e: {  	s3 =	simm.s32 @!p0 $0x1082;
	s9 =	sld [smem:$0x3FB7]  }
0x2f: {  	lr =	sadd.s32 s0, s3;
	s0 =	sld [smem:$0x3FAE]  }
0x30: {  	s3 =	sld [smem:$0x3FB1]  }
0x31: {  	[smem:$0x3FBA] =	sst s10  }
0x32: {  	s10 =	sld [smem:$0x3FB8];
	_ =	sdelay $0x3  }
0x33: {  	p0 =	seq.s32 s10, $0x1;
	s10 =	sld [smem:$0x3FBA];
	_ =	sdelay $0x3  }
0x34: {  	[smem:$0x3FBA] =	sst s10  }
0x35: {  	s10 =	sld [smem:$0x3FB9];
	_ =	sdelay $0x3  }
0x36: {  	p1 =	seq.s32 s10, $0x1;
	s10 =	sld [smem:$0x3FBA];
	_ =	sdelay $0x3  }
0x37: {  	[smem:$0x3FBA] =	sst s10  }
0x38: {  	s10 =	sld [smem:$0x3FBB]  }
0x39: {  	_ = 	snop;
	(pc) =	sbr.ind lr, $3  }
0x3a: {  	_ = 	snop  }
0x3b: {  	_ = 	snop  }
0x3c: {  	p2 =	seq.s32 s10, $0x1;
	s10 =	sld [smem:$0x3FBA]  }
0x3d: {  	_ =	shalt  }
0x3e: {  	_ =	shalt  }
0x3f: {  	_ =	shalt  }
0x40: {  	_ =	shalt  }
0x41: {  	_ =	shalt  }
0x42: {  	_ =	shalt  }
0x43: {  	_ =	shalt  }
0x44: {  	_ =	shalt  }
0x45: {  	_ =	shalt  }
0x46: {  	_ =	shalt  }
0x47: {  	_ =	shalt  }
0x48: {  	_ =	shalt  }
0x49: {  	_ =	shalt  }
0x4a: {  	_ =	shalt  }
0x4b: {  	_ =	shalt  }
0x4c: {  	_ =	shalt  }
0x4d: {  	_ =	shalt  }
0x4e: {  	_ =	shalt  }
0x4f: {  	_ =	shalt  }
0x50: {  	_ =	shalt  }
0x51: {  	_ =	shalt  }
0x52: {  	_ =	shalt  }
0x53: {  	_ =	shalt  }
0x54: {  	_ =	shalt  }
0x55: {  	_ =	shalt  }
0x56: {  	_ =	shalt  }
0x57: {  	_ =	shalt  }
0x58: {  	_ =	shalt  }
0x59: {  	_ =	shalt  }
0x5a: {  	_ =	shalt  }
0x5b: {  	_ =	shalt  }
0x5c: {  	_ =	shalt  }
0x5d: {  	_ =	shalt  }
0x5e: {  	_ =	shalt  }
0x5f: {  	_ =	shalt  }
0x60: {  	_ =	shalt  }
0x61: {  	_ =	shalt  }
0x62: {  	_ =	shalt  }
0x63: {  	_ =	shalt  }
0x64: {  	_ =	shalt  }
0x65: {  	_ =	shalt  }
0x66: {  	_ =	shalt  }
0x67: {  	_ =	shalt  }
0x68: {  	_ =	shalt  }
0x69: {  	_ =	shalt  }
0x6a: {  	_ =	shalt  }
0x6b: {  	_ =	shalt  }
0x6c: {  	_ =	shalt  }
0x6d: {  	_ =	shalt  }
0x6e: {  	_ =	shalt  }
0x6f: {  	_ =	shalt  }
0x70: {  	_ =	shalt  }
0x71: {  	_ =	shalt  }
0x72: {  	_ =	shalt  }
0x73: {  	_ =	shalt  }
0x74: {  	_ =	shalt  }
0x75: {  	_ =	shalt  }
0x76: {  	_ =	shalt  }
0x77: {  	_ =	shalt  }
0x78: {  	_ =	shalt  }
0x79: {  	_ =	shalt  }
0x7a: {  	_ =	shalt  }
0x7b: {  	_ =	shalt  }
0x7c: {  	_ =	shalt  }
0x7d: {  	_ =	shalt  }
0x7e: {  	_ =	shalt  }
0x7f: {  	_ =	shalt  }
0x80: {  	_ =	shalt  }
0x81: {  	_ =	shalt  }
0x82: {  	_ =	shalt  }
0x83: {  	_ =	shalt  }
0x84: {  	_ =	shalt  }
0x85: {  	_ =	shalt  }
0x86: {  	_ =	shalt  }
0x87: {  	_ =	shalt  }
.Lfunc_end0:
.L_simem_size_0:
called_computation_lowered:
.L_overlay_start_0:
0x88: {  	s2 =	sld [smem:$0x3FD9]  }
0x89: {  	s3 =	sld [smem:$0x3FFE];
	_ =	sdelay $0x1  }
0x8a: {  	s1 =	srdreg.scid  }
0x8b: {  	s0 =	sand.u32 $0x1, s1  }
0x8c: {  	s15 =	sshll.u32 s0, $0xA;
	s2 =	sadd.s32 s3, s2  }
0x8d: {  	s2 =	sadd.s32 s2, s15  }
0x8e: {  	[smem:$0x3FC6] =	sst s2  }
0x8f: {  	_ = 	snop  }
0x90: {  	s2 =	sld [smem:$0x3FD0];
	_ =	sdelay $0x2  }
0x91: {  	s4 =	simm.s32 $0xA;
	s5 =	simm.s32 $0x10;
	s16 =	sld [smem:$0x3FC9]  }
0x92: {  	[smem:s5], [sflag:s4] =	dma.local [hbm:s2], $0x1  }
0x93: {  	_ =	swait.eq [sflag:s4], $0x1  }
0x94: {  	[sflag:s4] =	ssyncset.done $0x0  }
0x95: {  	s17 =	sld [smem:$0x10];
	[sflag:s4] =	ssyncadd.s32 $0xFFFFFFFF  }
0x96: {  	s18 =	sld [smem:$0x11];
	(tm) =	ssettm $0x1  }
0x97: {  	s19 =	sld [smem:$0x3FFB];
	_ =	sdelay $0x3  }
0x98: {  	_ =	strace s19  }
0x99: {  	s5 =	sld [smem:$0x3FFC];
	_ =	sdelay $0x3  }
0x9a: {  	_ =	strace s5  }
0x9b: {  	s5 =	sld [smem:$0x3FFD];
	_ =	sdelay $0x3  }
0x9c: {  	_ =	strace s5  }
0x9d: {  	_ =	strace $0x8FFFFFFF  }
0x9e: {  	s20 =	sld [smem:$0x3FDB];
	_ =	sdelay $0x1  }
0x9f: {  	s6 =	simm.s32 $_scs_section_size  }
0xa0: {  	s7 =	simm.s32 $_size__tile_overlayer_lowered;
	s8 =	simm.s32 $_tile_overlayer_lowered  }
0xa1: {  	s23 =	simm.s32 $0x1BFF;
	s22 =	sshll.u32 s8, $0x1;
	s5 =	sadd.s32 s6, s20  }
0xa2: {  	s9 =	simm.s32 $0x0;
	s21 =	sshll.u32 s7, $0x1;
	s7 =	sadd.s32 s22, s5  }
0xa3: {  	[timem:s9], [sflag:s23] =	dma.local [hbm:s7], s21  }
0xa4: {  	_ =	swait.ge [sflag:s23], s21  }
0xa5: {  	s6 =	ssub.s32 $0x0, s21;
	[sflag:s23] =	ssyncset.done $0x0  }
0xa6: {  	[sflag:s23] =	ssyncadd.s32 s6;
	_ =	sdelay $0x1  }
0xa7: {  	s24 =	simm.s32 $0x1B8B  }
0xa8: {  	_ =	swait.ge [sflag:s24], $0x1  }
0xa9: {  	[sflag:s24] =	ssyncset.done $0x0  }
0xaa: {  	s25 =	simm.s32 $0x1B8E;
	[sflag:s24] =	ssyncadd.s32 $0xFFFFFFFF  }
0xab: {  	s26 =	simm.s32 $execute0_lowered;
	[smem:$0x3FD2] =	sst s25  }
0xac: {  	s6 =	sshll.u32 s26, $0x1;
	_ =	strace $0x80000046;
	[dreg:$0x1] =	wrdreg $0xFFFFFFFF  }
0xad: {  	s28 =	simm.s32 $_size_execute0_lowered;
	s5 =	sadd.s32 s5, s6;
	[dreg:$0x0] =	wrdreg $0x0  }
0xae: {  	s6 =	sshll.u32 s28, $0x1;
	[dreg:$0x2] =	wrdreg s5  }
0xaf: {  	[dreg:$0x3] =	wrdreg s6  }
0xb0: {  	[dreg:$0x4] =	wrdreg $0xC0  }
0xb1: {  	_ =	task [dreg:s9], $0x5FFFF  }
0xb2: {  	[dreg:$0x1] =	wrdreg $0xFFFFFFFF  }
0xb3: {  	[dreg:$0x0] =	wrdreg $0x60  }
0xb4: {  	[dreg:$0x2] =	wrdreg s16  }
0xb5: {  	[dreg:$0x3] =	wrdreg s18  }
0xb6: {  	[dreg:$0x4] =	wrdreg s17  }
0xb7: {  	[dreg:$0x5] =	wrdreg $0x1AA000  }
0xb8: {  	[dreg:$0x6] =	wrdreg $0x1B2000  }
0xb9: {  	[dreg:$0x7] =	wrdreg $0x1BA000  }
0xba: {  	[dreg:$0x8] =	wrdreg $0x9  }
0xbb: {  	_ =	task.clear_ibuf [dreg:s9], $0x9FFFF;
	_ =	strace $0x90000046  }
0xbc: {  	s29 =	simm.s32 $0x9;
	_ =	strace $0x80000048  }
0xbd: {  	_ =	swait.ge [sflag:s29], $0x1  }
0xbe: {  	[sflag:s29] =	ssyncadd.s32 $0xFFFFFFFF  }
0xbf: {  	_ =	strace $0x90000048  }
0xc0: {  	_ =	sfence  }
0xc1: {  	s30 =	sld [smem:$0x0];
	_ =	sdelay $0x2  }
0xc2: {  	s31 =	sshll.u32 s1, $0xD;
	s1 =	sshrl.u32 s1, $0x2  }
0xc3: {  	s3 =	sand.u32 $0x4000, s31;
	s1 =	sadd.s32 s1, s30  }
0xc4: {  	s0 =	sor.u32 s3, s0;
	s1 =	sshll.u32 s1, $0x11  }
0xc5: {  	s0 =	sor.u32 s1, s0  }
0xc6: {  	s0 =	sadd.s32 $0x8F2B, s0  }
0xc7: {  	[sflag:s0] =	ssyncadd.remote.s32 $0x1  }
0xc8: {  	_ =	sfence.sel $0xFFFF  }
0xc9: {  	[dreg:$0x0] =	wrdreg $0xFFFFFFFF;
	(pc) =	sbr.abs _section_cstart, $3  }
0xca: {  	[dreg:$0x1] =	wrdreg $0xFFFFFFFF  }
0xcb: {  	_ =	task.clear_ibuf [dreg:s9], $0x2FFFF;
	_ =	strace $0x9FFFFFFF  }
0xcc: {  	(tm) =	ssettm $0x7FFFFFFF  }
0xcd: {  	_ =	shalt  }
tec
execute0_lowered:
.L_overlay_start_1:
0x0: {  	(tag) =	ssettag $0x1  }
0x1: {  	s0 =	rddreg [dreg:$0x0]  }
0x2: {  	s1 =	rddreg [dreg:$0x2]  }
0x3: {  	s2 =	rddreg [dreg:$0x3]  }
0x4: {  	s3 =	srdreg.scid;
	s12 =	rddreg [dreg:$0x4]  }
0x5: {  	s7 =	stileid.u32;
	s14 =	rddreg [dreg:$0x5]  }
0x6: {  	s28 =	simm.s32 $0x2;
	s29 =	simm.s32 $0x18080;
	s30 =	simm.s32 $0x200  }
0x7: {  	s31 =	simm.s32 $0x18900;
	s4 =	sand.u32 $0x1, s3;
	s17 =	sshll.u32 s7, $0x5  }
0x8: {  	s13 =	sand.u32 $0x3, s7;
	s9 =	sshll.u32 s7, $0xB;
	s10 =	sshll.u32 s7, $0x7  }
0x9: {  	s5 =	sshll.u32 s4, $0x9;
	s3 =	sand.u32 $0x180, s17;
	s6 =	sshll.u32 s13, $0x15  }
0xa: {  	s18 =	ssub.s32 $0x2, s4;
	s16 =	sor.u32 s10, s9;
	p0 =	sne.s32 s13, $0x0  }
0xb: {  	s15 =	sor.u32 s5, s3;
	s3 =	simm.s32 $0x0;
	s20 =	sshrl.u32 s18, $0x1  }
0xc: {  	s17 =	sand.u32 $0x4380, s16;
	s22 =	sand.u32 $0x4200, s16;
	s5 =	sor.u32 s6, s15  }
0xd: {  	[smem:$0x7FF] =	sst s3;
	s21 =	ssub.s32 s18, s20;
	s18 =	sadd.s32 s17, s2  }
0xe: {  	s2 =	sadd.s32 s22, s2;
	_ =	strace $0x80000047;
	[dreg:$0x7] =	wrdreg s18  }
0xf: {  	s23 =	sadd.s32 s17, s12;
	s24 =	sadd.s32 s22, s12;
	[dreg:$0x8] =	wrdreg s2  }
0x10: {  	s25 =	sadd.s32 s17, s14;
	s17 =	sadd.s32 s22, s14;
	[dreg:$0x9] =	wrdreg s23  }
0x11: {  	s26 =	sshrl.u32 s15, $0x3;
	s22 =	simm.s32 $0x80;
	[dreg:$0xa] =	wrdreg s24  }
0x12: {  	s19 =	sshrl.u32 s5, $0x3;
	[dreg:$0xb] =	wrdreg s25;
	s18 =	sadd.s32 s1, s26  }
0x13: {  	s23 =	simm.s32 $0x400;
	s24 =	simm.s32 $0x8000;
	s25 =	simm.s32 $0x1  }
0x14: {  	s26 =	simm.s32 $0x10000;
	s2 =	simm.s32 $0x0;
	s4 =	sadd.s32 s0, s19  }
0x15: {  	s19 =	smax.u32 s21, $0x1;
	s21 =	simm.s32 $0x3;
	s5 =	sadd.s32 $0x8000, s4  }
0x16: {  	v1 =	vlaneseq.u32;
	s6 =	sadd.s32 $0x10000, s4;
	s7 =	sadd.s32 $0x18000, s4;
	s8 =	sadd.s32 $0x20000, s4  }
0x17: {  	v0 =	vimm.s32 $0x0;
	v2 =	vimm.s32 $0x1;
	v1 =	vmul.u32 $0x801, v1;
	s9 =	sadd.s32 $0x28000, s4;
	s10 =	sadd.s32 $0x30000, s4;
	s11 =	sadd.s32 $0x38000, s4  }
.LBB2_1:
0x18: {  	s0 =	rddreg [dreg:$0x1];
	s1 =	simm.s32 $0x1A900  }
0x19: {  	[tilespmem:s1], [sflag:$0x3] =	stream.linear.gather [hbm4b:s0+s3], $0x80, $0x38;
	[tilespmem:$0x1C200] =	vst v63  }
0x1a: {  	_ =	swait.ge [sflag:s21], $0x80  }
0x1b: {  	[sflag:s21] =	ssyncset.done $0x0  }
0x1c: {  	s0 =	simm.s32 $0x10040;
	[sflag:s21] =	ssyncadd.s32 $0xFFFFFF80  }
0x1d: {  	v3 =	vld [tilespmem:$0x1A900];
	[tilespmem:s0+$0xFFFFFFC0] =	vst v0  }
0x1e: {  	[tilespmem:s0+$0x30] =	vst v0  }
0x1f: {  	[tilespmem:s0+$0x20] =	vst v0  }
0x20: {  	[tilespmem:s0+$0x10] =	vst v0  }
0x21: {  	[tilespmem:s0+$0x0] =	vst v0  }
0x22: {  	[tilespmem:s0+$0xFFFFFFF0] =	vst v0  }
0x23: {  	s13 =	simm.s32 $0x0;
	s1 =	simm.s32 $0x18000;
	[tilespmem:s0+$0xFFFFFFE0] =	vst v0  }
.LBB2_2:
0x24: {  	s13 =	sadd.s32 $0x80, s13;
	[tilespmem:s0+$0xFFFFFFD0] =	vst v0;
	s0 =	sadd.s32 $0x80, s0;
	s12 =	simm.s32 $0x7FF0  }
0x25: {  	[tilespmem:s0+$0xFFFFFFC0] =	vst v0;
	p1 =	slt.u32 s13, $0x7F80  }
0x26: {  	[tilespmem:s0+$0x30] =	vst v0  }
.Ltmp0:
0x27: {  	[tilespmem:s0+$0x20] =	vst v0;
	(pc) =	sbr.rel @p1 .LBB2_2-.Ltmp0, $4  }
0x28: {  	[tilespmem:s0+$0x10] =	vst v0  }
0x29: {  	[tilespmem:s0+$0x0] =	vst v0  }
0x2a: {  	[tilespmem:s0+$0xFFFFFFF0] =	vst v0  }
0x2b: {  	[tilespmem:s0+$0xFFFFFFE0] =	vst v0  }
0x2c: {  	[tilespmem:s0+$0xFFFFFFD0] =	vst v0  }
.LBB2_4:
0x2d: {  	s12 =	sadd.s32 $0x10, s12  }
0x2e: {  	p1 =	slt.u32 s12, $0x8010  }
.Ltmp1:
0x2f: {  	_ = 	snop;
	(pc) =	sbr.rel @p1 .LBB2_4-.Ltmp1, $2  }
0x30: {  	_ =	sdelay $0x2  }
0x31: {  	[tilespmem:s1+$0x0] =	vst v0;
	s1 =	sadd.s32 $0x10, s1  }
0x32: {  	[tilespmem:s3], [sflag:$0x1] =	stream.strided.gather [hbm4b:s4+s22], $0x8000, s23, s22, $0x38;
	[tilespmem:$0x1C200] =	vst v63  }
0x33: {  	_ = 	snop  }
0x34: {  	[tilespmem:s24], [sflag:$0x2] =	stream.strided.gather [hbm4b:s5+s22], $0x8000, s23, s22, $0x38;
	[tilespmem:$0x1C200] =	vst v63  }
0x35: {  	_ =	swait.ge [sflag:s25], $0x8000  }
0x36: {  	[sflag:s25] =	ssyncset.done $0x0  }
0x37: {  	s0 =	simm.s32 $0x40;
	[sflag:s25] =	ssyncadd.s32 $0xFFFF8000  }
0x38: {  	v4 =	vld [tilespmem:s0+$0x30]  }
0x39: {  	v5 =	vld [tilespmem:s0+$0xFFFFFFD0]  }
0x3a: {  	v6 =	vld [tilespmem:s0+$0xFFFFFFE0]  }
0x3b: {  	v7 =	vld [tilespmem:s0+$0xFFFFFFF0]  }
0x3c: {  	v8 =	vld [tilespmem:s0+$0x0];
	_ =	sdelay $0x1  }
0x3d: {  	v9 =	vld [tilespmem:s0+$0x10]  }
0x3e: {  	v12 =	vld [tilespmem:s0+$0x20]  }
0x3f: {  	v13 =	vld [tilespmem:s0+$0xFFFFFFC0];
	v10 =	vshra.s32 v4, $0x1F;
	v11 =	vshra.s32 v5, $0x1F;
	v14 =	vshra.s32 v6, $0x1F  }
0x40: {  	v62 =	vshra.s32 v7, $0x1F;
	v15 =	vshra.s32 v8, $0x1F;
	v10 =	vor.u32 $0x80000000, v10  }
0x41: {  	v11 =	vor.u32 $0x80000000, v11;
	v4 =	vxor.u32 v4, v10;
	v10 =	vor.u32 $0x80000000, v14  }
0x42: {  	v14 =	vor.u32 $0x80000000, v62;
	v11 =	vxor.u32 v5, v11;
	v4 =	vshrl.u32 v4, $0x15  }
0x43: {  	v5 =	vshra.s32 v9, $0x1F;
	v63 =	vxor.u32 v6, v10;
	v16 =	vadd.s32 v1, v4  }
0x44: {  	v6 =	vor.u32 $0x80000000, v5;
	v5 =	vshra.s32 v12, $0x1F;
	v10 =	vshra.s32 v13, $0x1F  }
0x45: {  	v14 =	vxor.u32 v7, v14;
	v4 =	vor.u32 $0x80000000, v15;
	v7 =	vor.u32 $0x80000000, v5  }
0x46: {  	v10 =	vor.u32 $0x80000000, v10;
	v5 =	vxor.u32 v8, v4;
	v4 =	vxor.u32 v9, v6  }
0x47: {  	v8 =	vxor.u32 v13, v10;
	v6 =	vshrl.u32 v11, $0x15;
	v7 =	vxor.u32 v12, v7  }
0x48: {  	s1 =	simm.s32 $0xC0;
	s0 =	simm.s32 $0x0;
	v9 =	vshrl.u32 v63, $0x15;
	v10 =	vshrl.u32 v8, $0x15;
	v8 =	vshrl.u32 v14, $0x15;
	[tilespmem:v16+s26+$0x0] =	vst.idx.add.s32.msk $0xffff, v2  }
.LBB2_6:
0x49: {  	v11 =	vld [tilespmem:s1+$0x30];
	s0 =	sadd.s32 $0x80, s0;
	v5 =	vshrl.u32 v5, $0x15;
	v4 =	vshrl.u32 v4, $0x15;
	v7 =	vshrl.u32 v7, $0x15  }
0x4a: {  	v10 =	vadd.s32 v1, v10;
	v6 =	vadd.s32 v1, v6;
	v9 =	vadd.s32 v1, v9;
	v12 =	vld [tilespmem:s1+$0xFFFFFFD0];
	p1 =	slt.u32 s0, $0x7F80  }
0x4b: {  	v8 =	vadd.s32 v1, v8;
	v5 =	vadd.s32 v1, v5;
	v14 =	vadd.s32 v1, v4;
	v13 =	vld [tilespmem:s1+$0xFFFFFFE0]  }
0x4c: {  	v15 =	vadd.s32 v1, v7;
	v4 =	vld [tilespmem:s1+$0xFFFFFFF0]  }
0x4d: {  	v7 =	vld [tilespmem:s1+$0x0]  }
0x4e: {  	v16 =	vld [tilespmem:s1+$0x10];
	v17 =	vshra.s32 v11, $0x1F  }
0x4f: {  	v18 =	vshra.s32 v12, $0x1F;
	v19 =	vld [tilespmem:s1+$0x20];
	v17 =	vor.u32 $0x80000000, v17  }
0x50: {  	v20 =	vld [tilespmem:s1+$0xFFFFFFC0];
	v18 =	vor.u32 $0x80000000, v18;
	v21 =	vshra.s32 v13, $0x1F;
	v11 =	vxor.u32 v11, v17  }
0x51: {  	v17 =	vor.u32 $0x80000000, v21;
	v21 =	vshra.s32 v4, $0x1F;
	v11 =	vshrl.u32 v11, $0x15;
	[tilespmem:v10+s26+$0x0] =	vst.idx.add.s32.msk $0xffff, v2  }
0x52: {  	v10 =	vor.u32 $0x80000000, v21;
	v21 =	vshra.s32 v7, $0x1F;
	v11 =	vadd.s32 v1, v11;
	[tilespmem:v6+s26+$0x0] =	vst.idx.add.s32.msk $0xffff, v2  }
0x53: {  	v6 =	vxor.u32 v12, v18;
	v12 =	vor.u32 $0x80000000, v21;
	v18 =	vshra.s32 v16, $0x1F;
	[tilespmem:v9+s26+$0x0] =	vst.idx.add.s32.msk $0xffff, v2  }
.Ltmp2:
0x54: {  	v9 =	vxor.u32 v13, v17;
	v13 =	vor.u32 $0x80000000, v18;
	v17 =	vshra.s32 v19, $0x1F;
	[tilespmem:v8+s26+$0x0] =	vst.idx.add.s32.msk $0xffff, v2;
	(pc) =	sbr.rel @p1 .LBB2_6-.Ltmp2, $4  }
0x55: {  	v18 =	vxor.u32 v4, v10;
	v8 =	vshra.s32 v20, $0x1F;
	v10 =	vor.u32 $0x80000000, v17;
	[tilespmem:v5+s26+$0x0] =	vst.idx.add.s32.msk $0xffff, v2  }
0x56: {  	v5 =	vxor.u32 v7, v12;
	v4 =	vxor.u32 v16, v13;
	v8 =	vor.u32 $0x80000000, v8;
	[tilespmem:v14+s26+$0x0] =	vst.idx.add.s32.msk $0xffff, v2  }
0x57: {  	v6 =	vshrl.u32 v6, $0x15;
	v7 =	vxor.u32 v19, v10;
	v8 =	vxor.u32 v20, v8;
	[tilespmem:v11+s26+$0x0] =	vst.idx.add.s32.msk $0xffff, v2  }
0x58: {  	s1 =	sadd.s32 $0x80, s1;
	v9 =	vshrl.u32 v9, $0x15;
	v10 =	vshrl.u32 v8, $0x15;
	v8 =	vshrl.u32 v18, $0x15;
	[tilespmem:v15+s26+$0x0] =	vst.idx.add.s32.msk $0xffff, v2  }
0x59: {  	v10 =	vadd.s32 v1, v10  }
0x5a: {  	v6 =	vadd.s32 v1, v6  }
0x5b: {  	v9 =	vadd.s32 v1, v9  }
0x5c: {  	v5 =	vshrl.u32 v5, $0x15;
	v8 =	vadd.s32 v1, v8  }
0x5d: {  	v4 =	vshrl.u32 v4, $0x15;
	v5 =	vadd.s32 v1, v5  }
0x5e: {  	v7 =	vshrl.u32 v7, $0x15;
	v4 =	vadd.s32 v1, v4;
	[tilespmem:v10+s26+$0x0] =	vst.idx.add.s32.msk $0xffff, v2  }
0x5f: {  	v7 =	vadd.s32 v1, v7;
	[tilespmem:v6+s26+$0x0] =	vst.idx.add.s32.msk $0xffff, v2  }
0x60: {  	[tilespmem:v9+s26+$0x0] =	vst.idx.add.s32.msk $0xffff, v2  }
0x61: {  	[tilespmem:v8+s26+$0x0] =	vst.idx.add.s32.msk $0xffff, v2  }
0x62: {  	[tilespmem:v5+s26+$0x0] =	vst.idx.add.s32.msk $0xffff, v2  }
0x63: {  	[tilespmem:v4+s26+$0x0] =	vst.idx.add.s32.msk $0xffff, v2  }
0x64: {  	[tilespmem:v7+s26+$0x0] =	vst.idx.add.s32.msk $0xffff, v2  }
0x65: {  	[tilespmem:s3], [sflag:$0x1] =	stream.strided.gather [hbm4b:s6+s22], $0x8000, s23, s22, $0x38;
	[tilespmem:$0x1C200] =	vst v63  }
0x66: {  	_ =	swait.ge [sflag:s28], $0x8000  }
0x67: {  	[sflag:s28] =	ssyncset.done $0x0  }
0x68: {  	s0 =	simm.s32 $0x8040;
	[sflag:s28] =	ssyncadd.s32 $0xFFFF8000  }
0x69: {  	v4 =	vld [tilespmem:s0+$0x30]  }
0x6a: {  	v5 =	vld [tilespmem:s0+$0xFFFFFFD0]  }
0x6b: {  	v6 =	vld [tilespmem:s0+$0xFFFFFFE0]  }
0x6c: {  	v7 =	vld [tilespmem:s0+$0xFFFFFFF0]  }
0x6d: {  	v8 =	vld [tilespmem:s0+$0x0];
	_ =	sdelay $0x1  }
0x6e: {  	v9 =	vld [tilespmem:s0+$0x10]  }
0x6f: {  	v12 =	vld [tilespmem:s0+$0x20]  }
0x70: {  	v13 =	vld [tilespmem:s0+$0xFFFFFFC0];
	v10 =	vshra.s32 v4, $0x1F;
	v11 =	vshra.s32 v5, $0x1F;
	v14 =	vshra.s32 v6, $0x1F  }
0x71: {  	v62 =	vshra.s32 v7, $0x1F;
	v15 =	vshra.s32 v8, $0x1F;
	v10 =	vor.u32 $0x80000000, v10  }
0x72: {  	v11 =	vor.u32 $0x80000000, v11;
	v4 =	vxor.u32 v4, v10;
	v10 =	vor.u32 $0x80000000, v14  }
0x73: {  	v14 =	vor.u32 $0x80000000, v62;
	v11 =	vxor.u32 v5, v11;
	v4 =	vshrl.u32 v4, $0x15  }
0x74: {  	v5 =	vshra.s32 v9, $0x1F;
	v63 =	vxor.u32 v6, v10;
	v16 =	vadd.s32 v1, v4  }
0x75: {  	v6 =	vor.u32 $0x80000000, v5;
	v5 =	vshra.s32 v12, $0x1F;
	v10 =	vshra.s32 v13, $0x1F  }
0x76: {  	v14 =	vxor.u32 v7, v14;
	v4 =	vor.u32 $0x80000000, v15;
	v7 =	vor.u32 $0x80000000, v5  }
0x77: {  	v10 =	vor.u32 $0x80000000, v10;
	v5 =	vxor.u32 v8, v4;
	v4 =	vxor.u32 v9, v6  }
0x78: {  	v8 =	vxor.u32 v13, v10;
	v6 =	vshrl.u32 v11, $0x15;
	v7 =	vxor.u32 v12, v7  }
0x79: {  	s1 =	simm.s32 $0x80C0;
	s0 =	simm.s32 $0x0;
	v9 =	vshrl.u32 v63, $0x15;
	v10 =	vshrl.u32 v8, $0x15;
	v8 =	vshrl.u32 v14, $0x15;
	[tilespmem:v16+s26+$0x0] =	vst.idx.add.s32.msk $0xffff, v2  }
.LBB2_8:
0x7a: {  	v11 =	vld [tilespmem:s1+$0x30];
	s0 =	sadd.s32 $0x80, s0;
	v5 =	vshrl.u32 v5, $0x15;
	v4 =	vshrl.u32 v4, $0x15;
	v7 =	vshrl.u32 v7, $0x15  }
0x7b: {  	v10 =	vadd.s32 v1, v10;
	v6 =	vadd.s32 v1, v6;
	v9 =	vadd.s32 v1, v9;
	v12 =	vld [tilespmem:s1+$0xFFFFFFD0];
	p1 =	slt.u32 s0, $0x7F80  }
0x7c: {  	v8 =	vadd.s32 v1, v8;
	v5 =	vadd.s32 v1, v5;
	v14 =	vadd.s32 v1, v4;
	v13 =	vld [tilespmem:s1+$0xFFFFFFE0]  }
0x7d: {  	v15 =	vadd.s32 v1, v7;
	v4 =	vld [tilespmem:s1+$0xFFFFFFF0]  }
0x7e: {  	v7 =	vld [tilespmem:s1+$0x0]  }
0x7f: {  	v16 =	vld [tilespmem:s1+$0x10];
	v17 =	vshra.s32 v11, $0x1F  }
0x80: {  	v18 =	vshra.s32 v12, $0x1F;
	v19 =	vld [tilespmem:s1+$0x20];
	v17 =	vor.u32 $0x80000000, v17  }
0x81: {  	v20 =	vld [tilespmem:s1+$0xFFFFFFC0];
	v18 =	vor.u32 $0x80000000, v18;
	v21 =	vshra.s32 v13, $0x1F;
	v11 =	vxor.u32 v11, v17  }
0x82: {  	v17 =	vor.u32 $0x80000000, v21;
	v21 =	vshra.s32 v4, $0x1F;
	v11 =	vshrl.u32 v11, $0x15;
	[tilespmem:v10+s26+$0x0] =	vst.idx.add.s32.msk $0xffff, v2  }
0x83: {  	v10 =	vor.u32 $0x80000000, v21;
	v21 =	vshra.s32 v7, $0x1F;
	v11 =	vadd.s32 v1, v11;
	[tilespmem:v6+s26+$0x0] =	vst.idx.add.s32.msk $0xffff, v2  }
0x84: {  	v6 =	vxor.u32 v12, v18;
	v12 =	vor.u32 $0x80000000, v21;
	v18 =	vshra.s32 v16, $0x1F;
	[tilespmem:v9+s26+$0x0] =	vst.idx.add.s32.msk $0xffff, v2  }
.Ltmp3:
0x85: {  	v9 =	vxor.u32 v13, v17;
	v13 =	vor.u32 $0x80000000, v18;
	v17 =	vshra.s32 v19, $0x1F;
	[tilespmem:v8+s26+$0x0] =	vst.idx.add.s32.msk $0xffff, v2;
	(pc) =	sbr.rel @p1 .LBB2_8-.Ltmp3, $4  }
0x86: {  	v18 =	vxor.u32 v4, v10;
	v8 =	vshra.s32 v20, $0x1F;
	v10 =	vor.u32 $0x80000000, v17;
	[tilespmem:v5+s26+$0x0] =	vst.idx.add.s32.msk $0xffff, v2  }
0x87: {  	v5 =	vxor.u32 v7, v12;
	v4 =	vxor.u32 v16, v13;
	v8 =	vor.u32 $0x80000000, v8;
	[tilespmem:v14+s26+$0x0] =	vst.idx.add.s32.msk $0xffff, v2  }
0x88: {  	v6 =	vshrl.u32 v6, $0x15;
	v7 =	vxor.u32 v19, v10;
	v8 =	vxor.u32 v20, v8;
	[tilespmem:v11+s26+$0x0] =	vst.idx.add.s32.msk $0xffff, v2  }
0x89: {  	s1 =	sadd.s32 $0x80, s1;
	v9 =	vshrl.u32 v9, $0x15;
	v10 =	vshrl.u32 v8, $0x15;
	v8 =	vshrl.u32 v18, $0x15;
	[tilespmem:v15+s26+$0x0] =	vst.idx.add.s32.msk $0xffff, v2  }
0x8a: {  	v10 =	vadd.s32 v1, v10  }
0x8b: {  	v6 =	vadd.s32 v1, v6  }
0x8c: {  	v9 =	vadd.s32 v1, v9  }
0x8d: {  	v5 =	vshrl.u32 v5, $0x15;
	v8 =	vadd.s32 v1, v8  }
0x8e: {  	v4 =	vshrl.u32 v4, $0x15;
	v5 =	vadd.s32 v1, v5  }
0x8f: {  	v7 =	vshrl.u32 v7, $0x15;
	v4 =	vadd.s32 v1, v4;
	[tilespmem:v10+s26+$0x0] =	vst.idx.add.s32.msk $0xffff, v2  }
0x90: {  	v7 =	vadd.s32 v1, v7;
	[tilespmem:v6+s26+$0x0] =	vst.idx.add.s32.msk $0xffff, v2  }
0x91: {  	[tilespmem:v9+s26+$0x0] =	vst.idx.add.s32.msk $0xffff, v2  }
0x92: {  	[tilespmem:v8+s26+$0x0] =	vst.idx.add.s32.msk $0xffff, v2  }
0x93: {  	[tilespmem:v5+s26+$0x0] =	vst.idx.add.s32.msk $0xffff, v2  }
0x94: {  	[tilespmem:v4+s26+$0x0] =	vst.idx.add.s32.msk $0xffff, v2  }
0x95: {  	[tilespmem:v7+s26+$0x0] =	vst.idx.add.s32.msk $0xffff, v2  }
0x96: {  	[tilespmem:s24], [sflag:$0x2] =	stream.strided.gather [hbm4b:s7+s22], $0x8000, s23, s22, $0x38;
	[tilespmem:$0x1C200] =	vst v63  }
0x97: {  	_ =	swait.ge [sflag:s25], $0x8000  }
0x98: {  	[sflag:s25] =	ssyncset.done $0x0  }
0x99: {  	s0 =	simm.s32 $0x40;
	[sflag:s25] =	ssyncadd.s32 $0xFFFF8000  }
0x9a: {  	v4 =	vld [tilespmem:s0+$0x30]  }
0x9b: {  	v5 =	vld [tilespmem:s0+$0xFFFFFFD0]  }
0x9c: {  	v6 =	vld [tilespmem:s0+$0xFFFFFFE0]  }
0x9d: {  	v7 =	vld [tilespmem:s0+$0xFFFFFFF0]  }
0x9e: {  	v8 =	vld [tilespmem:s0+$0x0];
	_ =	sdelay $0x1  }
0x9f: {  	v9 =	vld [tilespmem:s0+$0x10]  }
0xa0: {  	v12 =	vld [tilespmem:s0+$0x20]  }
0xa1: {  	v13 =	vld [tilespmem:s0+$0xFFFFFFC0];
	v10 =	vshra.s32 v4, $0x1F;
	v11 =	vshra.s32 v5, $0x1F;
	v14 =	vshra.s32 v6, $0x1F  }
0xa2: {  	v62 =	vshra.s32 v7, $0x1F;
	v15 =	vshra.s32 v8, $0x1F;
	v10 =	vor.u32 $0x80000000, v10  }
0xa3: {  	v11 =	vor.u32 $0x80000000, v11;
	v4 =	vxor.u32 v4, v10;
	v10 =	vor.u32 $0x80000000, v14  }
0xa4: {  	v14 =	vor.u32 $0x80000000, v62;
	v11 =	vxor.u32 v5, v11;
	v4 =	vshrl.u32 v4, $0x15  }
0xa5: {  	v5 =	vshra.s32 v9, $0x1F;
	v63 =	vxor.u32 v6, v10;
	v16 =	vadd.s32 v1, v4  }
0xa6: {  	v6 =	vor.u32 $0x80000000, v5;
	v5 =	vshra.s32 v12, $0x1F;
	v10 =	vshra.s32 v13, $0x1F  }
0xa7: {  	v14 =	vxor.u32 v7, v14;
	v4 =	vor.u32 $0x80000000, v15;
	v7 =	vor.u32 $0x80000000, v5  }
0xa8: {  	v10 =	vor.u32 $0x80000000, v10;
	v5 =	vxor.u32 v8, v4;
	v4 =	vxor.u32 v9, v6  }
0xa9: {  	v8 =	vxor.u32 v13, v10;
	v6 =	vshrl.u32 v11, $0x15;
	v7 =	vxor.u32 v12, v7  }
0xaa: {  	s1 =	simm.s32 $0xC0;
	s0 =	simm.s32 $0x0;
	v9 =	vshrl.u32 v63, $0x15;
	v10 =	vshrl.u32 v8, $0x15;
	v8 =	vshrl.u32 v14, $0x15;
	[tilespmem:v16+s26+$0x0] =	vst.idx.add.s32.msk $0xffff, v2  }
.LBB2_10:
0xab: {  	v11 =	vld [tilespmem:s1+$0x30];
	s0 =	sadd.s32 $0x80, s0;
	v5 =	vshrl.u32 v5, $0x15;
	v4 =	vshrl.u32 v4, $0x15;
	v7 =	vshrl.u32 v7, $0x15  }
0xac: {  	v10 =	vadd.s32 v1, v10;
	v6 =	vadd.s32 v1, v6;
	v9 =	vadd.s32 v1, v9;
	v12 =	vld [tilespmem:s1+$0xFFFFFFD0];
	p1 =	slt.u32 s0, $0x7F80  }
0xad: {  	v8 =	vadd.s32 v1, v8;
	v5 =	vadd.s32 v1, v5;
	v14 =	vadd.s32 v1, v4;
	v13 =	vld [tilespmem:s1+$0xFFFFFFE0]  }
0xae: {  	v15 =	vadd.s32 v1, v7;
	v4 =	vld [tilespmem:s1+$0xFFFFFFF0]  }
0xaf: {  	v7 =	vld [tilespmem:s1+$0x0]  }
0xb0: {  	v16 =	vld [tilespmem:s1+$0x10];
	v17 =	vshra.s32 v11, $0x1F  }
0xb1: {  	v18 =	vshra.s32 v12, $0x1F;
	v19 =	vld [tilespmem:s1+$0x20];
	v17 =	vor.u32 $0x80000000, v17  }
0xb2: {  	v20 =	vld [tilespmem:s1+$0xFFFFFFC0];
	v18 =	vor.u32 $0x80000000, v18;
	v21 =	vshra.s32 v13, $0x1F;
	v11 =	vxor.u32 v11, v17  }
0xb3: {  	v17 =	vor.u32 $0x80000000, v21;
	v21 =	vshra.s32 v4, $0x1F;
	v11 =	vshrl.u32 v11, $0x15;
	[tilespmem:v10+s26+$0x0] =	vst.idx.add.s32.msk $0xffff, v2  }
0xb4: {  	v10 =	vor.u32 $0x80000000, v21;
	v21 =	vshra.s32 v7, $0x1F;
	v11 =	vadd.s32 v1, v11;
	[tilespmem:v6+s26+$0x0] =	vst.idx.add.s32.msk $0xffff, v2  }
0xb5: {  	v6 =	vxor.u32 v12, v18;
	v12 =	vor.u32 $0x80000000, v21;
	v18 =	vshra.s32 v16, $0x1F;
	[tilespmem:v9+s26+$0x0] =	vst.idx.add.s32.msk $0xffff, v2  }
.Ltmp4:
0xb6: {  	v9 =	vxor.u32 v13, v17;
	v13 =	vor.u32 $0x80000000, v18;
	v17 =	vshra.s32 v19, $0x1F;
	[tilespmem:v8+s26+$0x0] =	vst.idx.add.s32.msk $0xffff, v2;
	(pc) =	sbr.rel @p1 .LBB2_10-.Ltmp4, $4  }
0xb7: {  	v18 =	vxor.u32 v4, v10;
	v8 =	vshra.s32 v20, $0x1F;
	v10 =	vor.u32 $0x80000000, v17;
	[tilespmem:v5+s26+$0x0] =	vst.idx.add.s32.msk $0xffff, v2  }
0xb8: {  	v5 =	vxor.u32 v7, v12;
	v4 =	vxor.u32 v16, v13;
	v8 =	vor.u32 $0x80000000, v8;
	[tilespmem:v14+s26+$0x0] =	vst.idx.add.s32.msk $0xffff, v2  }
0xb9: {  	v6 =	vshrl.u32 v6, $0x15;
	v7 =	vxor.u32 v19, v10;
	v8 =	vxor.u32 v20, v8;
	[tilespmem:v11+s26+$0x0] =	vst.idx.add.s32.msk $0xffff, v2  }
0xba: {  	s1 =	sadd.s32 $0x80, s1;
	v9 =	vshrl.u32 v9, $0x15;
	v10 =	vshrl.u32 v8, $0x15;
	v8 =	vshrl.u32 v18, $0x15;
	[tilespmem:v15+s26+$0x0] =	vst.idx.add.s32.msk $0xffff, v2  }
0xbb: {  	v10 =	vadd.s32 v1, v10  }
0xbc: {  	v6 =	vadd.s32 v1, v6  }
0xbd: {  	v9 =	vadd.s32 v1, v9  }
0xbe: {  	v5 =	vshrl.u32 v5, $0x15;
	v8 =	vadd.s32 v1, v8  }
0xbf: {  	v4 =	vshrl.u32 v4, $0x15;
	v5 =	vadd.s32 v1, v5  }
0xc0: {  	v7 =	vshrl.u32 v7, $0x15;
	v4 =	vadd.s32 v1, v4;
	[tilespmem:v10+s26+$0x0] =	vst.idx.add.s32.msk $0xffff, v2  }
0xc1: {  	v7 =	vadd.s32 v1, v7;
	[tilespmem:v6+s26+$0x0] =	vst.idx.add.s32.msk $0xffff, v2  }
0xc2: {  	[tilespmem:v9+s26+$0x0] =	vst.idx.add.s32.msk $0xffff, v2  }
0xc3: {  	[tilespmem:v8+s26+$0x0] =	vst.idx.add.s32.msk $0xffff, v2  }
0xc4: {  	[tilespmem:v5+s26+$0x0] =	vst.idx.add.s32.msk $0xffff, v2  }
0xc5: {  	[tilespmem:v4+s26+$0x0] =	vst.idx.add.s32.msk $0xffff, v2  }
0xc6: {  	[tilespmem:v7+s26+$0x0] =	vst.idx.add.s32.msk $0xffff, v2  }
0xc7: {  	[tilespmem:s3], [sflag:$0x1] =	stream.strided.gather [hbm4b:s8+s22], $0x8000, s23, s22, $0x38;
	[tilespmem:$0x1C200] =	vst v63  }
0xc8: {  	_ =	swait.ge [sflag:s28], $0x8000  }
0xc9: {  	[sflag:s28] =	ssyncset.done $0x0  }
0xca: {  	s0 =	simm.s32 $0x8040;
	[sflag:s28] =	ssyncadd.s32 $0xFFFF8000  }
0xcb: {  	v4 =	vld [tilespmem:s0+$0x30]  }
0xcc: {  	v5 =	vld [tilespmem:s0+$0xFFFFFFD0]  }
0xcd: {  	v6 =	vld [tilespmem:s0+$0xFFFFFFE0]  }
0xce: {  	v7 =	vld [tilespmem:s0+$0xFFFFFFF0]  }
0xcf: {  	v8 =	vld [tilespmem:s0+$0x0];
	_ =	sdelay $0x1  }
0xd0: {  	v9 =	vld [tilespmem:s0+$0x10]  }
0xd1: {  	v12 =	vld [tilespmem:s0+$0x20]  }
0xd2: {  	v13 =	vld [tilespmem:s0+$0xFFFFFFC0];
	v10 =	vshra.s32 v4, $0x1F;
	v11 =	vshra.s32 v5, $0x1F;
	v14 =	vshra.s32 v6, $0x1F  }
0xd3: {  	v62 =	vshra.s32 v7, $0x1F;
	v15 =	vshra.s32 v8, $0x1F;
	v10 =	vor.u32 $0x80000000, v10  }
0xd4: {  	v11 =	vor.u32 $0x80000000, v11;
	v4 =	vxor.u32 v4, v10;
	v10 =	vor.u32 $0x80000000, v14  }
0xd5: {  	v14 =	vor.u32 $0x80000000, v62;
	v11 =	vxor.u32 v5, v11;
	v4 =	vshrl.u32 v4, $0x15  }
0xd6: {  	v5 =	vshra.s32 v9, $0x1F;
	v63 =	vxor.u32 v6, v10;
	v16 =	vadd.s32 v1, v4  }
0xd7: {  	v6 =	vor.u32 $0x80000000, v5;
	v5 =	vshra.s32 v12, $0x1F;
	v10 =	vshra.s32 v13, $0x1F  }
0xd8: {  	v14 =	vxor.u32 v7, v14;
	v4 =	vor.u32 $0x80000000, v15;
	v7 =	vor.u32 $0x80000000, v5  }
0xd9: {  	v10 =	vor.u32 $0x80000000, v10;
	v5 =	vxor.u32 v8, v4;
	v4 =	vxor.u32 v9, v6  }
0xda: {  	v8 =	vxor.u32 v13, v10;
	v6 =	vshrl.u32 v11, $0x15;
	v7 =	vxor.u32 v12, v7  }
0xdb: {  	s1 =	simm.s32 $0x80C0;
	s0 =	simm.s32 $0x0;
	v9 =	vshrl.u32 v63, $0x15;
	v10 =	vshrl.u32 v8, $0x15;
	v8 =	vshrl.u32 v14, $0x15;
	[tilespmem:v16+s26+$0x0] =	vst.idx.add.s32.msk $0xffff, v2  }
.LBB2_12:
0xdc: {  	v11 =	vld [tilespmem:s1+$0x30];
	s0 =	sadd.s32 $0x80, s0;
	v5 =	vshrl.u32 v5, $0x15;
	v4 =	vshrl.u32 v4, $0x15;
	v7 =	vshrl.u32 v7, $0x15  }
0xdd: {  	v10 =	vadd.s32 v1, v10;
	v6 =	vadd.s32 v1, v6;
	v9 =	vadd.s32 v1, v9;
	v12 =	vld [tilespmem:s1+$0xFFFFFFD0];
	p1 =	slt.u32 s0, $0x7F80  }
0xde: {  	v8 =	vadd.s32 v1, v8;
	v5 =	vadd.s32 v1, v5;
	v14 =	vadd.s32 v1, v4;
	v13 =	vld [tilespmem:s1+$0xFFFFFFE0]  }
0xdf: {  	v15 =	vadd.s32 v1, v7;
	v4 =	vld [tilespmem:s1+$0xFFFFFFF0]  }
0xe0: {  	v7 =	vld [tilespmem:s1+$0x0]  }
0xe1: {  	v16 =	vld [tilespmem:s1+$0x10];
	v17 =	vshra.s32 v11, $0x1F  }
0xe2: {  	v18 =	vshra.s32 v12, $0x1F;
	v19 =	vld [tilespmem:s1+$0x20];
	v17 =	vor.u32 $0x80000000, v17  }
0xe3: {  	v20 =	vld [tilespmem:s1+$0xFFFFFFC0];
	v18 =	vor.u32 $0x80000000, v18;
	v21 =	vshra.s32 v13, $0x1F;
	v11 =	vxor.u32 v11, v17  }
0xe4: {  	v17 =	vor.u32 $0x80000000, v21;
	v21 =	vshra.s32 v4, $0x1F;
	v11 =	vshrl.u32 v11, $0x15;
	[tilespmem:v10+s26+$0x0] =	vst.idx.add.s32.msk $0xffff, v2  }
0xe5: {  	v10 =	vor.u32 $0x80000000, v21;
	v21 =	vshra.s32 v7, $0x1F;
	v11 =	vadd.s32 v1, v11;
	[tilespmem:v6+s26+$0x0] =	vst.idx.add.s32.msk $0xffff, v2  }
0xe6: {  	v6 =	vxor.u32 v12, v18;
	v12 =	vor.u32 $0x80000000, v21;
	v18 =	vshra.s32 v16, $0x1F;
	[tilespmem:v9+s26+$0x0] =	vst.idx.add.s32.msk $0xffff, v2  }
.Ltmp5:
0xe7: {  	v9 =	vxor.u32 v13, v17;
	v13 =	vor.u32 $0x80000000, v18;
	v17 =	vshra.s32 v19, $0x1F;
	[tilespmem:v8+s26+$0x0] =	vst.idx.add.s32.msk $0xffff, v2;
	(pc) =	sbr.rel @p1 .LBB2_12-.Ltmp5, $4  }
0xe8: {  	v18 =	vxor.u32 v4, v10;
	v8 =	vshra.s32 v20, $0x1F;
	v10 =	vor.u32 $0x80000000, v17;
	[tilespmem:v5+s26+$0x0] =	vst.idx.add.s32.msk $0xffff, v2  }
0xe9: {  	v5 =	vxor.u32 v7, v12;
	v4 =	vxor.u32 v16, v13;
	v8 =	vor.u32 $0x80000000, v8;
	[tilespmem:v14+s26+$0x0] =	vst.idx.add.s32.msk $0xffff, v2  }
0xea: {  	v6 =	vshrl.u32 v6, $0x15;
	v7 =	vxor.u32 v19, v10;
	v8 =	vxor.u32 v20, v8;
	[tilespmem:v11+s26+$0x0] =	vst.idx.add.s32.msk $0xffff, v2  }
0xeb: {  	s1 =	sadd.s32 $0x80, s1;
	v9 =	vshrl.u32 v9, $0x15;
	v10 =	vshrl.u32 v8, $0x15;
	v8 =	vshrl.u32 v18, $0x15;
	[tilespmem:v15+s26+$0x0] =	vst.idx.add.s32.msk $0xffff, v2  }
0xec: {  	v10 =	vadd.s32 v1, v10  }
0xed: {  	v6 =	vadd.s32 v1, v6  }
0xee: {  	v9 =	vadd.s32 v1, v9  }
0xef: {  	v5 =	vshrl.u32 v5, $0x15;
	v8 =	vadd.s32 v1, v8  }
0xf0: {  	v4 =	vshrl.u32 v4, $0x15;
	v5 =	vadd.s32 v1, v5  }
0xf1: {  	v7 =	vshrl.u32 v7, $0x15;
	v4 =	vadd.s32 v1, v4;
	[tilespmem:v10+s26+$0x0] =	vst.idx.add.s32.msk $0xffff, v2  }
0xf2: {  	v7 =	vadd.s32 v1, v7;
	[tilespmem:v6+s26+$0x0] =	vst.idx.add.s32.msk $0xffff, v2  }
0xf3: {  	[tilespmem:v9+s26+$0x0] =	vst.idx.add.s32.msk $0xffff, v2  }
0xf4: {  	[tilespmem:v8+s26+$0x0] =	vst.idx.add.s32.msk $0xffff, v2  }
0xf5: {  	[tilespmem:v5+s26+$0x0] =	vst.idx.add.s32.msk $0xffff, v2  }
0xf6: {  	[tilespmem:v4+s26+$0x0] =	vst.idx.add.s32.msk $0xffff, v2  }
0xf7: {  	[tilespmem:v7+s26+$0x0] =	vst.idx.add.s32.msk $0xffff, v2  }
0xf8: {  	[tilespmem:s24], [sflag:$0x2] =	stream.strided.gather [hbm4b:s9+s22], $0x8000, s23, s22, $0x38;
	[tilespmem:$0x1C200] =	vst v63  }
0xf9: {  	_ =	swait.ge [sflag:s25], $0x8000  }
0xfa: {  	[sflag:s25] =	ssyncset.done $0x0  }
0xfb: {  	s0 =	simm.s32 $0x40;
	[sflag:s25] =	ssyncadd.s32 $0xFFFF8000  }
0xfc: {  	v4 =	vld [tilespmem:s0+$0x30]  }
0xfd: {  	v5 =	vld [tilespmem:s0+$0xFFFFFFD0]  }
0xfe: {  	v6 =	vld [tilespmem:s0+$0xFFFFFFE0]  }
0xff: {  	v7 =	vld [tilespmem:s0+$0xFFFFFFF0]  }
0x100: {  	v8 =	vld [tilespmem:s0+$0x0];
	_ =	sdelay $0x1  }
0x101: {  	v9 =	vld [tilespmem:s0+$0x10]  }
0x102: {  	v12 =	vld [tilespmem:s0+$0x20]  }
0x103: {  	v13 =	vld [tilespmem:s0+$0xFFFFFFC0];
	v10 =	vshra.s32 v4, $0x1F;
	v11 =	vshra.s32 v5, $0x1F;
	v14 =	vshra.s32 v6, $0x1F  }
0x104: {  	v62 =	vshra.s32 v7, $0x1F;
	v15 =	vshra.s32 v8, $0x1F;
	v10 =	vor.u32 $0x80000000, v10  }
0x105: {  	v11 =	vor.u32 $0x80000000, v11;
	v4 =	vxor.u32 v4, v10;
	v10 =	vor.u32 $0x80000000, v14  }
0x106: {  	v14 =	vor.u32 $0x80000000, v62;
	v11 =	vxor.u32 v5, v11;
	v4 =	vshrl.u32 v4, $0x15  }
0x107: {  	v5 =	vshra.s32 v9, $0x1F;
	v63 =	vxor.u32 v6, v10;
	v16 =	vadd.s32 v1, v4  }
0x108: {  	v6 =	vor.u32 $0x80000000, v5;
	v5 =	vshra.s32 v12, $0x1F;
	v10 =	vshra.s32 v13, $0x1F  }
0x109: {  	v14 =	vxor.u32 v7, v14;
	v4 =	vor.u32 $0x80000000, v15;
	v7 =	vor.u32 $0x80000000, v5  }
0x10a: {  	v10 =	vor.u32 $0x80000000, v10;
	v5 =	vxor.u32 v8, v4;
	v4 =	vxor.u32 v9, v6  }
0x10b: {  	v8 =	vxor.u32 v13, v10;
	v6 =	vshrl.u32 v11, $0x15;
	v7 =	vxor.u32 v12, v7  }
0x10c: {  	s1 =	simm.s32 $0xC0;
	s0 =	simm.s32 $0x0;
	v9 =	vshrl.u32 v63, $0x15;
	v10 =	vshrl.u32 v8, $0x15;
	v8 =	vshrl.u32 v14, $0x15;
	[tilespmem:v16+s26+$0x0] =	vst.idx.add.s32.msk $0xffff, v2  }
.LBB2_14:
0x10d: {  	v11 =	vld [tilespmem:s1+$0x30];
	s0 =	sadd.s32 $0x80, s0;
	v5 =	vshrl.u32 v5, $0x15;
	v4 =	vshrl.u32 v4, $0x15;
	v7 =	vshrl.u32 v7, $0x15  }
0x10e: {  	v10 =	vadd.s32 v1, v10;
	v6 =	vadd.s32 v1, v6;
	v9 =	vadd.s32 v1, v9;
	v12 =	vld [tilespmem:s1+$0xFFFFFFD0];
	p1 =	slt.u32 s0, $0x7F80  }
0x10f: {  	v8 =	vadd.s32 v1, v8;
	v5 =	vadd.s32 v1, v5;
	v14 =	vadd.s32 v1, v4;
	v13 =	vld [tilespmem:s1+$0xFFFFFFE0]  }
0x110: {  	v15 =	vadd.s32 v1, v7;
	v4 =	vld [tilespmem:s1+$0xFFFFFFF0]  }
0x111: {  	v7 =	vld [tilespmem:s1+$0x0]  }
0x112: {  	v16 =	vld [tilespmem:s1+$0x10];
	v17 =	vshra.s32 v11, $0x1F  }
0x113: {  	v18 =	vshra.s32 v12, $0x1F;
	v19 =	vld [tilespmem:s1+$0x20];
	v17 =	vor.u32 $0x80000000, v17  }
0x114: {  	v20 =	vld [tilespmem:s1+$0xFFFFFFC0];
	v18 =	vor.u32 $0x80000000, v18;
	v21 =	vshra.s32 v13, $0x1F;
	v11 =	vxor.u32 v11, v17  }
0x115: {  	v17 =	vor.u32 $0x80000000, v21;
	v21 =	vshra.s32 v4, $0x1F;
	v11 =	vshrl.u32 v11, $0x15;
	[tilespmem:v10+s26+$0x0] =	vst.idx.add.s32.msk $0xffff, v2  }
0x116: {  	v10 =	vor.u32 $0x80000000, v21;
	v21 =	vshra.s32 v7, $0x1F;
	v11 =	vadd.s32 v1, v11;
	[tilespmem:v6+s26+$0x0] =	vst.idx.add.s32.msk $0xffff, v2  }
0x117: {  	v6 =	vxor.u32 v12, v18;
	v12 =	vor.u32 $0x80000000, v21;
	v18 =	vshra.s32 v16, $0x1F;
	[tilespmem:v9+s26+$0x0] =	vst.idx.add.s32.msk $0xffff, v2  }
.Ltmp6:
0x118: {  	v9 =	vxor.u32 v13, v17;
	v13 =	vor.u32 $0x80000000, v18;
	v17 =	vshra.s32 v19, $0x1F;
	[tilespmem:v8+s26+$0x0] =	vst.idx.add.s32.msk $0xffff, v2;
	(pc) =	sbr.rel @p1 .LBB2_14-.Ltmp6, $4  }
0x119: {  	v18 =	vxor.u32 v4, v10;
	v8 =	vshra.s32 v20, $0x1F;
	v10 =	vor.u32 $0x80000000, v17;
	[tilespmem:v5+s26+$0x0] =	vst.idx.add.s32.msk $0xffff, v2  }
0x11a: {  	v5 =	vxor.u32 v7, v12;
	v4 =	vxor.u32 v16, v13;
	v8 =	vor.u32 $0x80000000, v8;
	[tilespmem:v14+s26+$0x0] =	vst.idx.add.s32.msk $0xffff, v2  }
0x11b: {  	v6 =	vshrl.u32 v6, $0x15;
	v7 =	vxor.u32 v19, v10;
	v8 =	vxor.u32 v20, v8;
	[tilespmem:v11+s26+$0x0] =	vst.idx.add.s32.msk $0xffff, v2  }
0x11c: {  	s1 =	sadd.s32 $0x80, s1;
	v9 =	vshrl.u32 v9, $0x15;
	v10 =	vshrl.u32 v8, $0x15;
	v8 =	vshrl.u32 v18, $0x15;
	[tilespmem:v15+s26+$0x0] =	vst.idx.add.s32.msk $0xffff, v2  }
0x11d: {  	v10 =	vadd.s32 v1, v10  }
0x11e: {  	v6 =	vadd.s32 v1, v6  }
0x11f: {  	v9 =	vadd.s32 v1, v9  }
0x120: {  	v5 =	vshrl.u32 v5, $0x15;
	v8 =	vadd.s32 v1, v8  }
0x121: {  	v4 =	vshrl.u32 v4, $0x15;
	v5 =	vadd.s32 v1, v5  }
0x122: {  	v7 =	vshrl.u32 v7, $0x15;
	v4 =	vadd.s32 v1, v4;
	[tilespmem:v10+s26+$0x0] =	vst.idx.add.s32.msk $0xffff, v2  }
0x123: {  	v7 =	vadd.s32 v1, v7;
	[tilespmem:v6+s26+$0x0] =	vst.idx.add.s32.msk $0xffff, v2  }
0x124: {  	[tilespmem:v9+s26+$0x0] =	vst.idx.add.s32.msk $0xffff, v2  }
0x125: {  	[tilespmem:v8+s26+$0x0] =	vst.idx.add.s32.msk $0xffff, v2  }
0x126: {  	[tilespmem:v5+s26+$0x0] =	vst.idx.add.s32.msk $0xffff, v2  }
0x127: {  	[tilespmem:v4+s26+$0x0] =	vst.idx.add.s32.msk $0xffff, v2  }
0x128: {  	[tilespmem:v7+s26+$0x0] =	vst.idx.add.s32.msk $0xffff, v2  }
0x129: {  	[tilespmem:s3], [sflag:$0x1] =	stream.strided.gather [hbm4b:s10+s22], $0x8000, s23, s22, $0x38;
	[tilespmem:$0x1C200] =	vst v63  }
0x12a: {  	_ =	swait.ge [sflag:s28], $0x8000  }
0x12b: {  	[sflag:s28] =	ssyncset.done $0x0  }
0x12c: {  	s0 =	simm.s32 $0x8040;
	[sflag:s28] =	ssyncadd.s32 $0xFFFF8000  }
0x12d: {  	v4 =	vld [tilespmem:s0+$0x30]  }
0x12e: {  	v5 =	vld [tilespmem:s0+$0xFFFFFFD0]  }
0x12f: {  	v6 =	vld [tilespmem:s0+$0xFFFFFFE0]  }
0x130: {  	v7 =	vld [tilespmem:s0+$0xFFFFFFF0]  }
0x131: {  	v8 =	vld [tilespmem:s0+$0x0];
	_ =	sdelay $0x1  }
0x132: {  	v9 =	vld [tilespmem:s0+$0x10]  }
0x133: {  	v12 =	vld [tilespmem:s0+$0x20]  }
0x134: {  	v13 =	vld [tilespmem:s0+$0xFFFFFFC0];
	v10 =	vshra.s32 v4, $0x1F;
	v11 =	vshra.s32 v5, $0x1F;
	v14 =	vshra.s32 v6, $0x1F  }
0x135: {  	v62 =	vshra.s32 v7, $0x1F;
	v15 =	vshra.s32 v8, $0x1F;
	v10 =	vor.u32 $0x80000000, v10  }
0x136: {  	v11 =	vor.u32 $0x80000000, v11;
	v4 =	vxor.u32 v4, v10;
	v10 =	vor.u32 $0x80000000, v14  }
0x137: {  	v14 =	vor.u32 $0x80000000, v62;
	v11 =	vxor.u32 v5, v11;
	v4 =	vshrl.u32 v4, $0x15  }
0x138: {  	v5 =	vshra.s32 v9, $0x1F;
	v63 =	vxor.u32 v6, v10;
	v16 =	vadd.s32 v1, v4  }
0x139: {  	v6 =	vor.u32 $0x80000000, v5;
	v5 =	vshra.s32 v12, $0x1F;
	v10 =	vshra.s32 v13, $0x1F  }
0x13a: {  	v14 =	vxor.u32 v7, v14;
	v4 =	vor.u32 $0x80000000, v15;
	v7 =	vor.u32 $0x80000000, v5  }
0x13b: {  	v10 =	vor.u32 $0x80000000, v10;
	v5 =	vxor.u32 v8, v4;
	v4 =	vxor.u32 v9, v6  }
0x13c: {  	v8 =	vxor.u32 v13, v10;
	v6 =	vshrl.u32 v11, $0x15;
	v7 =	vxor.u32 v12, v7  }
0x13d: {  	s1 =	simm.s32 $0x80C0;
	s0 =	simm.s32 $0x0;
	v9 =	vshrl.u32 v63, $0x15;
	v10 =	vshrl.u32 v8, $0x15;
	v8 =	vshrl.u32 v14, $0x15;
	[tilespmem:v16+s26+$0x0] =	vst.idx.add.s32.msk $0xffff, v2  }
.LBB2_16:
0x13e: {  	v11 =	vld [tilespmem:s1+$0x30];
	s0 =	sadd.s32 $0x80, s0;
	v5 =	vshrl.u32 v5, $0x15;
	v4 =	vshrl.u32 v4, $0x15;
	v7 =	vshrl.u32 v7, $0x15  }
0x13f: {  	v10 =	vadd.s32 v1, v10;
	v6 =	vadd.s32 v1, v6;
	v9 =	vadd.s32 v1, v9;
	v12 =	vld [tilespmem:s1+$0xFFFFFFD0];
	p1 =	slt.u32 s0, $0x7F80  }
0x140: {  	v8 =	vadd.s32 v1, v8;
	v5 =	vadd.s32 v1, v5;
	v14 =	vadd.s32 v1, v4;
	v13 =	vld [tilespmem:s1+$0xFFFFFFE0]  }
0x141: {  	v15 =	vadd.s32 v1, v7;
	v4 =	vld [tilespmem:s1+$0xFFFFFFF0]  }
0x142: {  	v7 =	vld [tilespmem:s1+$0x0]  }
0x143: {  	v16 =	vld [tilespmem:s1+$0x10];
	v17 =	vshra.s32 v11, $0x1F  }
0x144: {  	v18 =	vshra.s32 v12, $0x1F;
	v19 =	vld [tilespmem:s1+$0x20];
	v17 =	vor.u32 $0x80000000, v17  }
0x145: {  	v20 =	vld [tilespmem:s1+$0xFFFFFFC0];
	v18 =	vor.u32 $0x80000000, v18;
	v21 =	vshra.s32 v13, $0x1F;
	v11 =	vxor.u32 v11, v17  }
0x146: {  	v17 =	vor.u32 $0x80000000, v21;
	v21 =	vshra.s32 v4, $0x1F;
	v11 =	vshrl.u32 v11, $0x15;
	[tilespmem:v10+s26+$0x0] =	vst.idx.add.s32.msk $0xffff, v2  }
0x147: {  	v10 =	vor.u32 $0x80000000, v21;
	v21 =	vshra.s32 v7, $0x1F;
	v11 =	vadd.s32 v1, v11;
	[tilespmem:v6+s26+$0x0] =	vst.idx.add.s32.msk $0xffff, v2  }
0x148: {  	v6 =	vxor.u32 v12, v18;
	v12 =	vor.u32 $0x80000000, v21;
	v18 =	vshra.s32 v16, $0x1F;
	[tilespmem:v9+s26+$0x0] =	vst.idx.add.s32.msk $0xffff, v2  }
.Ltmp7:
0x149: {  	v9 =	vxor.u32 v13, v17;
	v13 =	vor.u32 $0x80000000, v18;
	v17 =	vshra.s32 v19, $0x1F;
	[tilespmem:v8+s26+$0x0] =	vst.idx.add.s32.msk $0xffff, v2;
	(pc) =	sbr.rel @p1 .LBB2_16-.Ltmp7, $4  }
0x14a: {  	v18 =	vxor.u32 v4, v10;
	v8 =	vshra.s32 v20, $0x1F;
	v10 =	vor.u32 $0x80000000, v17;
	[tilespmem:v5+s26+$0x0] =	vst.idx.add.s32.msk $0xffff, v2  }
0x14b: {  	v5 =	vxor.u32 v7, v12;
	v4 =	vxor.u32 v16, v13;
	v8 =	vor.u32 $0x80000000, v8;
	[tilespmem:v14+s26+$0x0] =	vst.idx.add.s32.msk $0xffff, v2  }
0x14c: {  	v6 =	vshrl.u32 v6, $0x15;
	v7 =	vxor.u32 v19, v10;
	v8 =	vxor.u32 v20, v8;
	[tilespmem:v11+s26+$0x0] =	vst.idx.add.s32.msk $0xffff, v2  }
0x14d: {  	s1 =	sadd.s32 $0x80, s1;
	v9 =	vshrl.u32 v9, $0x15;
	v10 =	vshrl.u32 v8, $0x15;
	v8 =	vshrl.u32 v18, $0x15;
	[tilespmem:v15+s26+$0x0] =	vst.idx.add.s32.msk $0xffff, v2  }
0x14e: {  	v10 =	vadd.s32 v1, v10  }
0x14f: {  	v6 =	vadd.s32 v1, v6  }
0x150: {  	v9 =	vadd.s32 v1, v9  }
0x151: {  	v5 =	vshrl.u32 v5, $0x15;
	v8 =	vadd.s32 v1, v8  }
0x152: {  	v4 =	vshrl.u32 v4, $0x15;
	v5 =	vadd.s32 v1, v5  }
0x153: {  	v7 =	vshrl.u32 v7, $0x15;
	v4 =	vadd.s32 v1, v4;
	[tilespmem:v10+s26+$0x0] =	vst.idx.add.s32.msk $0xffff, v2  }
0x154: {  	v7 =	vadd.s32 v1, v7;
	[tilespmem:v6+s26+$0x0] =	vst.idx.add.s32.msk $0xffff, v2  }
0x155: {  	[tilespmem:v9+s26+$0x0] =	vst.idx.add.s32.msk $0xffff, v2  }
0x156: {  	[tilespmem:v8+s26+$0x0] =	vst.idx.add.s32.msk $0xffff, v2  }
0x157: {  	[tilespmem:v5+s26+$0x0] =	vst.idx.add.s32.msk $0xffff, v2  }
0x158: {  	[tilespmem:v4+s26+$0x0] =	vst.idx.add.s32.msk $0xffff, v2  }
0x159: {  	[tilespmem:v7+s26+$0x0] =	vst.idx.add.s32.msk $0xffff, v2  }
0x15a: {  	[tilespmem:s24], [sflag:$0x2] =	stream.strided.gather [hbm4b:s11+s22], $0x8000, s23, s22, $0x38;
	[tilespmem:$0x1C200] =	vst v63  }
0x15b: {  	_ =	swait.ge [sflag:s25], $0x8000  }
0x15c: {  	[sflag:s25] =	ssyncset.done $0x0  }
0x15d: {  	s0 =	simm.s32 $0x40;
	[sflag:s25] =	ssyncadd.s32 $0xFFFF8000  }
0x15e: {  	v4 =	vld [tilespmem:s0+$0x30]  }
0x15f: {  	v5 =	vld [tilespmem:s0+$0xFFFFFFD0]  }
0x160: {  	v6 =	vld [tilespmem:s0+$0xFFFFFFE0]  }
0x161: {  	v7 =	vld [tilespmem:s0+$0xFFFFFFF0]  }
0x162: {  	v8 =	vld [tilespmem:s0+$0x0];
	_ =	sdelay $0x1  }
0x163: {  	v9 =	vld [tilespmem:s0+$0x10]  }
0x164: {  	v12 =	vld [tilespmem:s0+$0x20]  }
0x165: {  	v13 =	vld [tilespmem:s0+$0xFFFFFFC0];
	v10 =	vshra.s32 v4, $0x1F;
	v11 =	vshra.s32 v5, $0x1F;
	v14 =	vshra.s32 v6, $0x1F  }
0x166: {  	v62 =	vshra.s32 v7, $0x1F;
	v15 =	vshra.s32 v8, $0x1F;
	v10 =	vor.u32 $0x80000000, v10  }
0x167: {  	v11 =	vor.u32 $0x80000000, v11;
	v4 =	vxor.u32 v4, v10;
	v10 =	vor.u32 $0x80000000, v14  }
0x168: {  	v14 =	vor.u32 $0x80000000, v62;
	v11 =	vxor.u32 v5, v11;
	v4 =	vshrl.u32 v4, $0x15  }
0x169: {  	v5 =	vshra.s32 v9, $0x1F;
	v63 =	vxor.u32 v6, v10;
	v16 =	vadd.s32 v1, v4  }
0x16a: {  	v6 =	vor.u32 $0x80000000, v5;
	v5 =	vshra.s32 v12, $0x1F;
	v10 =	vshra.s32 v13, $0x1F  }
0x16b: {  	v14 =	vxor.u32 v7, v14;
	v4 =	vor.u32 $0x80000000, v15;
	v7 =	vor.u32 $0x80000000, v5  }
0x16c: {  	v10 =	vor.u32 $0x80000000, v10;
	v5 =	vxor.u32 v8, v4;
	v4 =	vxor.u32 v9, v6  }
0x16d: {  	v8 =	vxor.u32 v13, v10;
	v6 =	vshrl.u32 v11, $0x15;
	v7 =	vxor.u32 v12, v7  }
0x16e: {  	s1 =	simm.s32 $0xC0;
	s0 =	simm.s32 $0x0;
	v9 =	vshrl.u32 v63, $0x15;
	v10 =	vshrl.u32 v8, $0x15;
	v8 =	vshrl.u32 v14, $0x15;
	[tilespmem:v16+s26+$0x0] =	vst.idx.add.s32.msk $0xffff, v2  }
.LBB2_18:
0x16f: {  	v11 =	vld [tilespmem:s1+$0x30];
	s0 =	sadd.s32 $0x80, s0;
	v5 =	vshrl.u32 v5, $0x15;
	v4 =	vshrl.u32 v4, $0x15;
	v7 =	vshrl.u32 v7, $0x15  }
0x170: {  	v10 =	vadd.s32 v1, v10;
	v6 =	vadd.s32 v1, v6;
	v9 =	vadd.s32 v1, v9;
	v12 =	vld [tilespmem:s1+$0xFFFFFFD0];
	p1 =	slt.u32 s0, $0x7F80  }
0x171: {  	v8 =	vadd.s32 v1, v8;
	v5 =	vadd.s32 v1, v5;
	v14 =	vadd.s32 v1, v4;
	v13 =	vld [tilespmem:s1+$0xFFFFFFE0]  }
0x172: {  	v15 =	vadd.s32 v1, v7;
	v4 =	vld [tilespmem:s1+$0xFFFFFFF0]  }
0x173: {  	v7 =	vld [tilespmem:s1+$0x0]  }
0x174: {  	v16 =	vld [tilespmem:s1+$0x10];
	v17 =	vshra.s32 v11, $0x1F  }
0x175: {  	v18 =	vshra.s32 v12, $0x1F;
	v19 =	vld [tilespmem:s1+$0x20];
	v17 =	vor.u32 $0x80000000, v17  }
0x176: {  	v20 =	vld [tilespmem:s1+$0xFFFFFFC0];
	v18 =	vor.u32 $0x80000000, v18;
	v21 =	vshra.s32 v13, $0x1F;
	v11 =	vxor.u32 v11, v17  }
0x177: {  	v17 =	vor.u32 $0x80000000, v21;
	v21 =	vshra.s32 v4, $0x1F;
	v11 =	vshrl.u32 v11, $0x15;
	[tilespmem:v10+s26+$0x0] =	vst.idx.add.s32.msk $0xffff, v2  }
0x178: {  	v10 =	vor.u32 $0x80000000, v21;
	v21 =	vshra.s32 v7, $0x1F;
	v11 =	vadd.s32 v1, v11;
	[tilespmem:v6+s26+$0x0] =	vst.idx.add.s32.msk $0xffff, v2  }
0x179: {  	v6 =	vxor.u32 v12, v18;
	v12 =	vor.u32 $0x80000000, v21;
	v18 =	vshra.s32 v16, $0x1F;
	[tilespmem:v9+s26+$0x0] =	vst.idx.add.s32.msk $0xffff, v2  }
.Ltmp8:
0x17a: {  	v9 =	vxor.u32 v13, v17;
	v13 =	vor.u32 $0x80000000, v18;
	v17 =	vshra.s32 v19, $0x1F;
	[tilespmem:v8+s26+$0x0] =	vst.idx.add.s32.msk $0xffff, v2;
	(pc) =	sbr.rel @p1 .LBB2_18-.Ltmp8, $4  }
0x17b: {  	v18 =	vxor.u32 v4, v10;
	v8 =	vshra.s32 v20, $0x1F;
	v10 =	vor.u32 $0x80000000, v17;
	[tilespmem:v5+s26+$0x0] =	vst.idx.add.s32.msk $0xffff, v2  }
0x17c: {  	v5 =	vxor.u32 v7, v12;
	v4 =	vxor.u32 v16, v13;
	v8 =	vor.u32 $0x80000000, v8;
	[tilespmem:v14+s26+$0x0] =	vst.idx.add.s32.msk $0xffff, v2  }
0x17d: {  	v6 =	vshrl.u32 v6, $0x15;
	v7 =	vxor.u32 v19, v10;
	v8 =	vxor.u32 v20, v8;
	[tilespmem:v11+s26+$0x0] =	vst.idx.add.s32.msk $0xffff, v2  }
0x17e: {  	s1 =	sadd.s32 $0x80, s1;
	v9 =	vshrl.u32 v9, $0x15;
	v10 =	vshrl.u32 v8, $0x15;
	v8 =	vshrl.u32 v18, $0x15;
	[tilespmem:v15+s26+$0x0] =	vst.idx.add.s32.msk $0xffff, v2  }
0x17f: {  	v10 =	vadd.s32 v1, v10  }
0x180: {  	v6 =	vadd.s32 v1, v6  }
0x181: {  	v9 =	vadd.s32 v1, v9  }
0x182: {  	v5 =	vshrl.u32 v5, $0x15;
	v8 =	vadd.s32 v1, v8  }
0x183: {  	v4 =	vshrl.u32 v4, $0x15;
	v5 =	vadd.s32 v1, v5  }
0x184: {  	v7 =	vshrl.u32 v7, $0x15;
	v4 =	vadd.s32 v1, v4;
	[tilespmem:v10+s26+$0x0] =	vst.idx.add.s32.msk $0xffff, v2  }
0x185: {  	v7 =	vadd.s32 v1, v7;
	[tilespmem:v6+s26+$0x0] =	vst.idx.add.s32.msk $0xffff, v2  }
0x186: {  	[tilespmem:v9+s26+$0x0] =	vst.idx.add.s32.msk $0xffff, v2  }
0x187: {  	[tilespmem:v8+s26+$0x0] =	vst.idx.add.s32.msk $0xffff, v2  }
0x188: {  	[tilespmem:v5+s26+$0x0] =	vst.idx.add.s32.msk $0xffff, v2  }
0x189: {  	[tilespmem:v4+s26+$0x0] =	vst.idx.add.s32.msk $0xffff, v2  }
0x18a: {  	[tilespmem:v7+s26+$0x0] =	vst.idx.add.s32.msk $0xffff, v2  }
0x18b: {  	_ =	swait.ge [sflag:s28], $0x8000  }
0x18c: {  	[sflag:s28] =	ssyncset.done $0x0  }
0x18d: {  	s0 =	simm.s32 $0x8040;
	[sflag:s28] =	ssyncadd.s32 $0xFFFF8000  }
0x18e: {  	v4 =	vld [tilespmem:s0+$0x30]  }
0x18f: {  	v5 =	vld [tilespmem:s0+$0xFFFFFFD0]  }
0x190: {  	v6 =	vld [tilespmem:s0+$0xFFFFFFE0]  }
0x191: {  	v7 =	vld [tilespmem:s0+$0xFFFFFFF0]  }
0x192: {  	v8 =	vld [tilespmem:s0+$0x0];
	_ =	sdelay $0x1  }
0x193: {  	v9 =	vld [tilespmem:s0+$0x10]  }
0x194: {  	v12 =	vld [tilespmem:s0+$0x20]  }
0x195: {  	v13 =	vld [tilespmem:s0+$0xFFFFFFC0];
	v10 =	vshra.s32 v4, $0x1F;
	v11 =	vshra.s32 v5, $0x1F;
	v14 =	vshra.s32 v6, $0x1F  }
0x196: {  	v62 =	vshra.s32 v7, $0x1F;
	v15 =	vshra.s32 v8, $0x1F;
	v10 =	vor.u32 $0x80000000, v10  }
0x197: {  	v11 =	vor.u32 $0x80000000, v11;
	v4 =	vxor.u32 v4, v10;
	v10 =	vor.u32 $0x80000000, v14  }
0x198: {  	v14 =	vor.u32 $0x80000000, v62;
	v11 =	vxor.u32 v5, v11;
	v4 =	vshrl.u32 v4, $0x15  }
0x199: {  	v5 =	vshra.s32 v9, $0x1F;
	v63 =	vxor.u32 v6, v10;
	v16 =	vadd.s32 v1, v4  }
0x19a: {  	v6 =	vor.u32 $0x80000000, v5;
	v5 =	vshra.s32 v12, $0x1F;
	v10 =	vshra.s32 v13, $0x1F  }
0x19b: {  	v14 =	vxor.u32 v7, v14;
	v4 =	vor.u32 $0x80000000, v15;
	v7 =	vor.u32 $0x80000000, v5  }
0x19c: {  	v10 =	vor.u32 $0x80000000, v10;
	v5 =	vxor.u32 v8, v4;
	v4 =	vxor.u32 v9, v6  }
0x19d: {  	v8 =	vxor.u32 v13, v10;
	v6 =	vshrl.u32 v11, $0x15;
	v7 =	vxor.u32 v12, v7  }
0x19e: {  	s1 =	simm.s32 $0x80C0;
	s0 =	simm.s32 $0x0;
	v9 =	vshrl.u32 v63, $0x15;
	v10 =	vshrl.u32 v8, $0x15;
	v8 =	vshrl.u32 v14, $0x15;
	[tilespmem:v16+s26+$0x0] =	vst.idx.add.s32.msk $0xffff, v2  }
.LBB2_20:
0x19f: {  	v11 =	vld [tilespmem:s1+$0x30];
	s0 =	sadd.s32 $0x80, s0;
	v5 =	vshrl.u32 v5, $0x15;
	v4 =	vshrl.u32 v4, $0x15;
	v7 =	vshrl.u32 v7, $0x15  }
0x1a0: {  	v10 =	vadd.s32 v1, v10;
	v6 =	vadd.s32 v1, v6;
	v9 =	vadd.s32 v1, v9;
	v12 =	vld [tilespmem:s1+$0xFFFFFFD0];
	p1 =	slt.u32 s0, $0x7F80  }
0x1a1: {  	v8 =	vadd.s32 v1, v8;
	v5 =	vadd.s32 v1, v5;
	v14 =	vadd.s32 v1, v4;
	v13 =	vld [tilespmem:s1+$0xFFFFFFE0]  }
0x1a2: {  	v15 =	vadd.s32 v1, v7;
	v4 =	vld [tilespmem:s1+$0xFFFFFFF0]  }
0x1a3: {  	v7 =	vld [tilespmem:s1+$0x0]  }
0x1a4: {  	v16 =	vld [tilespmem:s1+$0x10];
	v17 =	vshra.s32 v11, $0x1F  }
0x1a5: {  	v18 =	vshra.s32 v12, $0x1F;
	v19 =	vld [tilespmem:s1+$0x20];
	v17 =	vor.u32 $0x80000000, v17  }
0x1a6: {  	v20 =	vld [tilespmem:s1+$0xFFFFFFC0];
	v18 =	vor.u32 $0x80000000, v18;
	v21 =	vshra.s32 v13, $0x1F;
	v11 =	vxor.u32 v11, v17  }
0x1a7: {  	v17 =	vor.u32 $0x80000000, v21;
	v21 =	vshra.s32 v4, $0x1F;
	v11 =	vshrl.u32 v11, $0x15;
	[tilespmem:v10+s26+$0x0] =	vst.idx.add.s32.msk $0xffff, v2  }
0x1a8: {  	v10 =	vor.u32 $0x80000000, v21;
	v21 =	vshra.s32 v7, $0x1F;
	v11 =	vadd.s32 v1, v11;
	[tilespmem:v6+s26+$0x0] =	vst.idx.add.s32.msk $0xffff, v2  }
0x1a9: {  	v6 =	vxor.u32 v12, v18;
	v12 =	vor.u32 $0x80000000, v21;
	v18 =	vshra.s32 v16, $0x1F;
	[tilespmem:v9+s26+$0x0] =	vst.idx.add.s32.msk $0xffff, v2  }
.Ltmp9:
0x1aa: {  	v9 =	vxor.u32 v13, v17;
	v13 =	vor.u32 $0x80000000, v18;
	v17 =	vshra.s32 v19, $0x1F;
	[tilespmem:v8+s26+$0x0] =	vst.idx.add.s32.msk $0xffff, v2;
	(pc) =	sbr.rel @p1 .LBB2_20-.Ltmp9, $4  }
0x1ab: {  	v18 =	vxor.u32 v4, v10;
	v8 =	vshra.s32 v20, $0x1F;
	v10 =	vor.u32 $0x80000000, v17;
	[tilespmem:v5+s26+$0x0] =	vst.idx.add.s32.msk $0xffff, v2  }
0x1ac: {  	v5 =	vxor.u32 v7, v12;
	v4 =	vxor.u32 v16, v13;
	v8 =	vor.u32 $0x80000000, v8;
	[tilespmem:v14+s26+$0x0] =	vst.idx.add.s32.msk $0xffff, v2  }
0x1ad: {  	v6 =	vshrl.u32 v6, $0x15;
	v7 =	vxor.u32 v19, v10;
	v8 =	vxor.u32 v20, v8;
	[tilespmem:v11+s26+$0x0] =	vst.idx.add.s32.msk $0xffff, v2  }
0x1ae: {  	s1 =	sadd.s32 $0x80, s1;
	v9 =	vshrl.u32 v9, $0x15;
	v10 =	vshrl.u32 v8, $0x15;
	v8 =	vshrl.u32 v18, $0x15;
	[tilespmem:v15+s26+$0x0] =	vst.idx.add.s32.msk $0xffff, v2  }
0x1af: {  	v10 =	vadd.s32 v1, v10  }
0x1b0: {  	v6 =	vadd.s32 v1, v6  }
0x1b1: {  	v9 =	vadd.s32 v1, v9  }
0x1b2: {  	v5 =	vshrl.u32 v5, $0x15;
	v8 =	vadd.s32 v1, v8  }
0x1b3: {  	v4 =	vshrl.u32 v4, $0x15;
	v5 =	vadd.s32 v1, v5  }
0x1b4: {  	v7 =	vshrl.u32 v7, $0x15;
	v4 =	vadd.s32 v1, v4;
	[tilespmem:v10+s26+$0x0] =	vst.idx.add.s32.msk $0xffff, v2  }
0x1b5: {  	v7 =	vadd.s32 v1, v7;
	[tilespmem:v6+s26+$0x0] =	vst.idx.add.s32.msk $0xffff, v2  }
0x1b6: {  	[tilespmem:v9+s26+$0x0] =	vst.idx.add.s32.msk $0xffff, v2  }
0x1b7: {  	[tilespmem:v8+s26+$0x0] =	vst.idx.add.s32.msk $0xffff, v2  }
0x1b8: {  	[tilespmem:v5+s26+$0x0] =	vst.idx.add.s32.msk $0xffff, v2  }
0x1b9: {  	[tilespmem:v4+s26+$0x0] =	vst.idx.add.s32.msk $0xffff, v2  }
0x1ba: {  	s0 =	simm.s32 $0x0;
	[tilespmem:v7+s26+$0x0] =	vst.idx.add.s32.msk $0xffff, v2  }
0x1bb: {  	v4 =	vld [tilespmem:s0+$0x10010]  }
0x1bc: {  	v5 =	vld [tilespmem:s0+$0x10811]  }
0x1bd: {  	v6 =	vld [tilespmem:s0+$0x11012]  }
0x1be: {  	v7 =	vld [tilespmem:s0+$0x11813]  }
0x1bf: {  	v8 =	vld [tilespmem:s0+$0x12014]  }
0x1c0: {  	v9 =	vld [tilespmem:s0+$0x12815]  }
0x1c1: {  	v10 =	vld [tilespmem:s0+$0x13016]  }
0x1c2: {  	v11 =	vld [tilespmem:s0+$0x13817]  }
0x1c3: {  	v12 =	vld [tilespmem:s0+$0x14018]  }
0x1c4: {  	v13 =	vld [tilespmem:s0+$0x14819]  }
0x1c5: {  	v14 =	vld [tilespmem:s0+$0x1501A]  }
0x1c6: {  	v15 =	vld [tilespmem:s0+$0x1581B]  }
0x1c7: {  	v16 =	vld [tilespmem:s0+$0x1601C]  }
0x1c8: {  	v17 =	vld [tilespmem:s0+$0x1681D]  }
0x1c9: {  	v18 =	vld [tilespmem:s0+$0x1701E]  }
0x1ca: {  	v19 =	vld [tilespmem:s0+$0x1781F];
	v4 =	vadd.s32 v4, v5  }
0x1cb: {  	v5 =	vld [tilespmem:s0+$0x10000];
	v4 =	vadd.s32 v6, v4  }
0x1cc: {  	v6 =	vld [tilespmem:s0+$0x10801];
	v4 =	vadd.s32 v7, v4  }
0x1cd: {  	v7 =	vld [tilespmem:s0+$0x11002];
	v4 =	vadd.s32 v8, v4  }
0x1ce: {  	v8 =	vld [tilespmem:s0+$0x11803];
	v4 =	vadd.s32 v9, v4  }
0x1cf: {  	v9 =	vld [tilespmem:s0+$0x12004];
	v4 =	vadd.s32 v10, v4  }
0x1d0: {  	v10 =	vld [tilespmem:s0+$0x12805];
	v4 =	vadd.s32 v11, v4  }
0x1d1: {  	v5 =	vadd.s32 v5, v6;
	v6 =	vld [tilespmem:s0+$0x13006];
	v4 =	vadd.s32 v12, v4  }
0x1d2: {  	v5 =	vadd.s32 v7, v5;
	v7 =	vld [tilespmem:s0+$0x13807];
	v4 =	vadd.s32 v13, v4  }
0x1d3: {  	v5 =	vadd.s32 v8, v5;
	v8 =	vld [tilespmem:s0+$0x14008];
	v4 =	vadd.s32 v14, v4  }
0x1d4: {  	v5 =	vadd.s32 v9, v5;
	v9 =	vld [tilespmem:s0+$0x14809];
	v4 =	vadd.s32 v15, v4  }
0x1d5: {  	v10 =	vadd.s32 v10, v5;
	v5 =	vld [tilespmem:s0+$0x1500A];
	v4 =	vadd.s32 v16, v4  }
0x1d6: {  	v6 =	vadd.s32 v6, v10;
	v11 =	vadd.s32 v17, v4;
	v4 =	vld [tilespmem:s0+$0x1580B]  }
0x1d7: {  	v7 =	vadd.s32 v7, v6;
	v6 =	vld [tilespmem:s0+$0x1600C];
	v10 =	vadd.s32 v18, v11  }
0x1d8: {  	v8 =	vadd.s32 v8, v7;
	v7 =	vld [tilespmem:s0+$0x1680D];
	v10 =	vadd.s32 v19, v10  }
0x1d9: {  	s1 =	simm.s32 $0x0;
	s12 =	simm.s32 $0x80;
	v9 =	vadd.s32 v9, v8;
	v8 =	vld [tilespmem:s0+$0x1700E];
	[tilespmem:s0+$0x18090] =	vst v10  }
.LBB2_22:
0x1da: {  	s13 =	sshra.s32 s12, $0x2;
	v5 =	vadd.s32 v5, v9;
	v9 =	vld [tilespmem:s0+$0x1780F]  }
0x1db: {  	s1 =	sadd.s32 $0x20, s1;
	v10 =	vld [tilespmem:s13+$0x10010];
	v4 =	vadd.s32 v4, v5  }
0x1dc: {  	p1 =	slt.u32 s1, $0x7E0;
	v5 =	vld [tilespmem:s13+$0x10811];
	v4 =	vadd.s32 v6, v4  }
0x1dd: {  	v6 =	vld [tilespmem:s13+$0x11012];
	v4 =	vadd.s32 v7, v4  }
0x1de: {  	v7 =	vld [tilespmem:s13+$0x11813];
	v4 =	vadd.s32 v8, v4  }
0x1df: {  	v8 =	vld [tilespmem:s13+$0x12014];
	v4 =	vadd.s32 v9, v4  }
0x1e0: {  	v9 =	vld [tilespmem:s13+$0x12815];
	[tilespmem:s0+$0x18080] =	vst v4;
	s0 =	smov.u32 s13  }
0x1e1: {  	v4 =	vadd.s32 v10, v5;
	v5 =	vld [tilespmem:s0+$0x13016]  }
0x1e2: {  	v4 =	vadd.s32 v6, v4;
	v6 =	vld [tilespmem:s0+$0x13817]  }
0x1e3: {  	v4 =	vadd.s32 v7, v4;
	v7 =	vld [tilespmem:s0+$0x14018]  }
0x1e4: {  	v4 =	vadd.s32 v8, v4;
	v8 =	vld [tilespmem:s0+$0x14819]  }
0x1e5: {  	v4 =	vadd.s32 v9, v4;
	v9 =	vld [tilespmem:s0+$0x1501A]  }
0x1e6: {  	v4 =	vadd.s32 v5, v4;
	v5 =	vld [tilespmem:s0+$0x1581B]  }
0x1e7: {  	v4 =	vadd.s32 v6, v4;
	v6 =	vld [tilespmem:s0+$0x1601C]  }
0x1e8: {  	v4 =	vadd.s32 v7, v4;
	v7 =	vld [tilespmem:s0+$0x1681D]  }
0x1e9: {  	v4 =	vadd.s32 v8, v4;
	v8 =	vld [tilespmem:s0+$0x1701E]  }
0x1ea: {  	v4 =	vadd.s32 v9, v4;
	v9 =	vld [tilespmem:s0+$0x1781F]  }
0x1eb: {  	v10 =	vld [tilespmem:s0+$0x10000];
	v4 =	vadd.s32 v5, v4  }
0x1ec: {  	v5 =	vld [tilespmem:s0+$0x10801];
	v4 =	vadd.s32 v6, v4  }
0x1ed: {  	v6 =	vld [tilespmem:s0+$0x11002];
	v4 =	vadd.s32 v7, v4  }
0x1ee: {  	v7 =	vld [tilespmem:s0+$0x11803];
	v4 =	vadd.s32 v8, v4  }
0x1ef: {  	v8 =	vld [tilespmem:s0+$0x12004];
	v4 =	vadd.s32 v9, v4  }
0x1f0: {  	v9 =	vld [tilespmem:s0+$0x12805];
	[tilespmem:s0+$0x18090] =	vst v4  }
0x1f1: {  	v4 =	vadd.s32 v10, v5;
	v10 =	vld [tilespmem:s0+$0x13006]  }
0x1f2: {  	v4 =	vadd.s32 v6, v4;
	v6 =	vld [tilespmem:s0+$0x13807]  }
0x1f3: {  	v4 =	vadd.s32 v7, v4;
	v7 =	vld [tilespmem:s0+$0x14008]  }
0x1f4: {  	v4 =	vadd.s32 v8, v4;
	v8 =	vld [tilespmem:s0+$0x14809]  }
.Ltmp10:
0x1f5: {  	v4 =	vadd.s32 v9, v4;
	v5 =	vld [tilespmem:s0+$0x1500A];
	(pc) =	sbr.rel @p1 .LBB2_22-.Ltmp10, $4  }
0x1f6: {  	v9 =	vadd.s32 v10, v4;
	v4 =	vld [tilespmem:s0+$0x1580B]  }
0x1f7: {  	v9 =	vadd.s32 v6, v9;
	v6 =	vld [tilespmem:s0+$0x1600C]  }
0x1f8: {  	v9 =	vadd.s32 v7, v9;
	v7 =	vld [tilespmem:s0+$0x1680D]  }
0x1f9: {  	s12 =	sadd.s32 $0x80, s12;
	v9 =	vadd.s32 v8, v9;
	v8 =	vld [tilespmem:s0+$0x1700E]  }
0x1fa: {  	v5 =	vadd.s32 v5, v9;
	v63 =	vld [tilespmem:s0+$0x1780F]  }
0x1fb: {  	v4 =	vadd.s32 v4, v5  }
0x1fc: {  	v4 =	vadd.s32 v6, v4  }
0x1fd: {  	v4 =	vadd.s32 v7, v4  }
0x1fe: {  	v4 =	vadd.s32 v8, v4  }
0x1ff: {  	v4 =	vadd.s32 v63, v4  }
0x200: {  	[tilespmem:s0+$0x18080] =	vst v4  }
0x201: {  	s0 =	rddreg [dreg:$0x7]  }
0x202: {  	[spmem:s0] =	stream.strided.scatter [tilespmem:s29], [sflag:$0x3], $0x800, s23, s22, $0x38;
	[tilespmem:$0x1C200] =	vst v63  }
0x203: {  	_ =	swait.ge [sflag:s21], $0x800  }
0x204: {  	[sflag:s21] =	ssyncset.done $0x0  }
0x205: {  	[sflag:s21] =	ssyncadd.s32 $0xFFFFF800  }
0x206: {  	[bflag:$0x0] =	sbarrier.arrive $0xFFFF  }
0x207: {  	s16 =	simm.s32 $0x0;
	s15 =	rddreg [dreg:$0x8]  }
0x208: {  	[tilespmem:s31], [sflag:$0x3] =	stream.strided.gather [spmem:s15], $0x2000, s23, s30, $0x38;
	[tilespmem:$0x1C200] =	vst v63  }
0x209: {  	s1 =	sand.u32 $0x70, s16;
	s0 =	sand.u32 $0x1E00, s16;
	_ =	swait.ge [sflag:s21], $0x2000  }
0x20a: {  	s0 =	sor.u32 s1, s0;
	[sflag:s21] =	ssyncset.done $0x0  }
0x20b: {  	s1 =	sadd.s32 $0x18900, s0;
	[sflag:s21] =	ssyncadd.s32 $0xFFFFE000  }
0x20c: {  	v4 =	vld [tilespmem:s1+$0x80]  }
0x20d: {  	v5 =	vld [tilespmem:s0+$0x18900]  }
0x20e: {  	v6 =	vld [tilespmem:s1+$0x100]  }
0x20f: {  	v7 =	vld [tilespmem:s1+$0x180];
	_ =	sdelay $0x2  }
0x210: {  	s20 =	simm.s32 $0x10;
	s0 =	simm.s32 $0x40;
	v4 =	vadd.s32 v5, v4  }
0x211: {  	s1 =	sand.u32 $0x70, s20;
	s12 =	sand.u32 $0x1E00, s0;
	v4 =	vadd.s32 v6, v4  }
0x212: {  	s13 =	simm.s32 $0x0;
	s12 =	sor.u32 s1, s12;
	s1 =	simm.s32 $0x20;
	v4 =	vadd.s32 v7, v4  }
.LBB2_24:
0x213: {  	p1 =	sne.s32 s1, $0x7F0;
	s14 =	sadd.s32 $0x18900, s12;
	[tilespmem:s13+$0x18080] =	vst v4;
	s13 =	smov.u32 s0  }
0x214: {  	v4 =	vld [tilespmem:s14+$0x80]  }
0x215: {  	v5 =	vld [tilespmem:s12+$0x18900]  }
0x216: {  	v6 =	vld [tilespmem:s14+$0x100]  }
0x217: {  	v7 =	vld [tilespmem:s14+$0x180]  }
.Ltmp11:
0x218: {  	(pc) =	sbr.rel @p1 .LBB2_24-.Ltmp11, $4  }
0x219: {  	_ = 	snop  }
0x21a: {  	s0 =	sadd.s32 $0x40, s0;
	v4 =	vadd.s32 v5, v4  }
0x21b: {  	s12 =	sand.u32 $0x70, s1;
	s14 =	sand.u32 $0x1E00, s0;
	v4 =	vadd.s32 v6, v4  }
0x21c: {  	s13 =	sshra.s32 s13, $0x2;
	s1 =	sadd.s32 $0x10, s1;
	s12 =	sor.u32 s12, s14;
	v4 =	vadd.s32 v7, v4  }
0x21d: {  	s1 =	sadd.s32 $0x18900, s12;
	[tilespmem:s13+$0x18080] =	vst v4  }
0x21e: {  	v4 =	vld [tilespmem:s1+$0x80]  }
0x21f: {  	v5 =	vld [tilespmem:s12+$0x18900]  }
0x220: {  	v6 =	vld [tilespmem:s1+$0x100]  }
0x221: {  	v7 =	vld [tilespmem:s1+$0x180];
	_ =	sdelay $0x2  }
0x222: {  	v4 =	vadd.s32 v5, v4  }
0x223: {  	v4 =	vadd.s32 v6, v4  }
0x224: {  	s0 =	sshra.s32 s0, $0x2;
	v4 =	vadd.s32 v7, v4  }
0x225: {  	s15 =	simm.s32 $0x0;
	[tilespmem:s0+$0x18080] =	vst v4  }
0x226: {  	v4 =	vld [tilespmem:s15+$0x18080];
	_ =	sdelay $0x4  }
0x227: {  	(xrf0) =	vadd.scan.msk.s32 $0xffff, v4;
	_ =	sdelay $0x5  }
0x228: {  	v6 =	vimm.s32 $0x0;
	v4, _, _ =	vpop (xrf0)  }
0x229: {  	v5 =	vadd.s32 v6, v4  }
0x22a: {  	v4 =	vxor.u32 $0x80000000, v5  }
0x22b: {  	(xrf0) =	vmax.scan.msk.u32 $0xffff, v4;
	_ =	sdelay $0x5  }
0x22c: {  	v4, _, _ =	vpop (xrf0)  }
0x22d: {  	(v2sf) =	vpush v4, $0xF;
	_ =	sdelay $0x4  }
0x22e: {  	s16 =	simm.s32 $0x10  }
0x22f: {  	v7 =	vld [tilespmem:s16+$0x18080];
	_ =	sdelay $0x4  }
0x230: {  	(xrf0) =	vadd.scan.msk.s32 $0xffff, v7;
	v4 =	vbroadcast v3, $0x0;
	_ =	sdelay $0x1  }
0x231: {  	vm0 =	vle.s32 v5, v4  }
0x232: {  	v8 =	vnsel vm0, $0x0, v5  }
0x233: {  	v5 =	vsel vm0, $0x1, v0;
	vm15 =	vgt.s32 v6, v8;
	s20 =	spop (v2sf)  }
0x234: {  	s0 =	simm.s32 $0x80;
	v5 =	vadd.s32 v5, v6;
	v6 =	vsel vm15, v6, v8;
	s1 =	sxor.u32 $0x80000000, s20  }
.LBB2_26:
0x235: {  	p1 =	sne.s32 s0, $0x1FC0;
	v7, _, _ =	vpop (xrf0);
	v8 =	vmov s1;
	s1 =	smov.u32 s0;
	s0 =	sadd.s32 $0x40, s0  }
0x236: {  	v7 =	vadd.s32 v8, v7  }
0x237: {  	vm0 =	vle.s32 v7, v4;
	v8 =	vxor.u32 $0x80000000, v7  }
0x238: {  	v9 =	vsel vm0, $0x1, v0;
	v7 =	vnsel vm0, $0x0, v7;
	(xrf0) =	vmax.scan.msk.u32 $0xffff, v8  }
0x239: {  	v5 =	vadd.s32 v9, v5;
	vm0 =	vgt.s32 v6, v7  }
0x23a: {  	v6 =	vsel vm0, v6, v7;
	_ =	sdelay $0x3  }
0x23b: {  	v7, _, _ =	vpop (xrf0)  }
0x23c: {  	(v2sf) =	vpush v7, $0xF;
	_ =	sdelay $0x4  }
0x23d: {  	s1 =	sshra.s32 s1, $0x2  }
0x23e: {  	v7 =	vld [tilespmem:s1+$0x18080];
	_ =	sdelay $0x4  }
0x23f: {  	(xrf0) =	vadd.scan.msk.s32 $0xffff, v7  }
.Ltmp12:
0x240: {  	(pc) =	sbr.rel @p1 .LBB2_26-.Ltmp12, $3  }
0x241: {  	_ =	sdelay $0x1  }
0x242: {  	s1 =	spop (v2sf)  }
0x243: {  	s1 =	sxor.u32 $0x80000000, s1  }
0x244: {  	v7, _, _ =	vpop (xrf0);
	v8 =	vmov s1  }
0x245: {  	v7 =	vadd.s32 v8, v7  }
0x246: {  	v8 =	vxor.u32 $0x80000000, v7  }
0x247: {  	(xrf0) =	vmax.scan.msk.u32 $0xffff, v8;
	_ =	sdelay $0x5  }
0x248: {  	v8, _, _ =	vpop (xrf0)  }
0x249: {  	(v2sf) =	vpush v8, $0xF;
	_ =	sdelay $0x7  }
0x24a: {  	s0 =	simm.s32 $0x10040  }
0x24b: {  	[tilespmem:s0+$0xFFFFFFC0] =	vst v0  }
0x24c: {  	[tilespmem:s0+$0x30] =	vst v0  }
0x24d: {  	[tilespmem:s0+$0x20] =	vst v0  }
0x24e: {  	[tilespmem:s0+$0x10] =	vst v0;
	vm0 =	vle.s32 v7, v4  }
0x24f: {  	[tilespmem:s0+$0x0] =	vst v0;
	v7 =	vnsel vm0, $0x0, v7  }
0x250: {  	[tilespmem:s0+$0xFFFFFFF0] =	vst v0;
	v4 =	vsel vm0, $0x1, v0;
	vm15 =	vgt.s32 v6, v7  }
0x251: {  	s1 =	simm.s32 $0x0;
	[tilespmem:s0+$0xFFFFFFE0] =	vst v0;
	v4 =	vadd.s32 v4, v5;
	v5 =	vsel vm15, v6, v7;
	s20 =	spop (v2sf)  }
.LBB2_28:
0x252: {  	s1 =	sadd.s32 $0x80, s1;
	[tilespmem:s0+$0xFFFFFFD0] =	vst v0;
	s0 =	sadd.s32 $0x80, s0  }
0x253: {  	[tilespmem:s0+$0xFFFFFFC0] =	vst v0;
	p1 =	slt.u32 s1, $0x7F80  }
0x254: {  	[tilespmem:s0+$0x30] =	vst v0  }
.Ltmp13:
0x255: {  	[tilespmem:s0+$0x20] =	vst v0;
	(pc) =	sbr.rel @p1 .LBB2_28-.Ltmp13, $4  }
0x256: {  	[tilespmem:s0+$0x10] =	vst v0  }
0x257: {  	[tilespmem:s0+$0x0] =	vst v0  }
0x258: {  	[tilespmem:s0+$0xFFFFFFF0] =	vst v0  }
0x259: {  	s12 =	simm.s32 $0x18000;
	[tilespmem:s0+$0xFFFFFFE0] =	vst v0  }
0x25a: {  	[tilespmem:s0+$0xFFFFFFD0] =	vst v0;
	s0 =	simm.s32 $0x7FF0  }
.LBB2_30:
0x25b: {  	s0 =	sadd.s32 $0x10, s0  }
0x25c: {  	p1 =	slt.u32 s0, $0x8010  }
.Ltmp14:
0x25d: {  	_ = 	snop;
	(pc) =	sbr.rel @p1 .LBB2_30-.Ltmp14, $2  }
0x25e: {  	_ =	sdelay $0x2  }
0x25f: {  	[tilespmem:s12+$0x0] =	vst v0;
	s12 =	sadd.s32 $0x10, s12  }
0x260: {  	(xrf0) =	vadd.scan.msk.s32 $0xffff, v4;
	_ =	sdelay $0x3  }
0x261: {  	[tilespmem:s3], [sflag:$0x1] =	stream.strided.gather [hbm4b:s4+s22], $0x8000, s23, s22, $0x38;
	[tilespmem:$0x1C200] =	vst v63  }
0x262: {  	_ = 	snop  }
0x263: {  	[tilespmem:s24], [sflag:$0x2] =	stream.strided.gather [hbm4b:s5+s22], $0x8000, s23, s22, $0x38;
	v4, _, _ =	vpop (xrf0);
	[tilespmem:$0x1C200] =	vst v63  }
0x264: {  	_ =	swait.ge [sflag:s25], $0x8000  }
0x265: {  	[sflag:s25] =	ssyncset.done $0x0  }
0x266: {  	s0 =	simm.s32 $0x40;
	[sflag:s25] =	ssyncadd.s32 $0xFFFF8000  }
0x267: {  	v7 =	vld [tilespmem:s0+$0x30]  }
0x268: {  	v8 =	vld [tilespmem:s0+$0xFFFFFFD0]  }
0x269: {  	v9 =	vld [tilespmem:s0+$0xFFFFFFE0]  }
0x26a: {  	v11 =	vld [tilespmem:s0+$0x0]  }
0x26b: {  	v16 =	vld [tilespmem:s0+$0xFFFFFFC0];
	_ =	sdelay $0x1  }
0x26c: {  	v10 =	vld [tilespmem:s0+$0xFFFFFFF0]  }
0x26d: {  	v6 =	vbroadcast v4, $0xF  }
0x26e: {  	v13 =	vshra.s32 v7, $0x1F;
	v14 =	vshra.s32 v8, $0x1F;
	v17 =	vshra.s32 v9, $0x1F  }
0x26f: {  	v12 =	vld [tilespmem:s0+$0x10];
	v19 =	vshra.s32 v11, $0x1F;
	v20 =	vshra.s32 v16, $0x1F;
	v13 =	vor.u32 $0x80000000, v13  }
0x270: {  	v15 =	vld [tilespmem:s0+$0x20];
	v14 =	vor.u32 $0x80000000, v14;
	v20 =	vor.u32 $0x80000000, v20;
	v7 =	vxor.u32 v7, v13  }
0x271: {  	v13 =	vshra.s32 v10, $0x1F;
	v22 =	vxor.u32 v8, v14;
	v14 =	vxor.u32 v16, v20  }
0x272: {  	v18 =	vshrl.u32 v7, $0xA;
	v7 =	vshrl.u32 v7, $0x15;
	v13 =	vor.u32 $0x80000000, v13  }
0x273: {  	v20 =	vshrl.u32 v14, $0x15;
	v18 =	vand.u32 $0x7FF, v18;
	vm0 =	veq.s32 v7, v6  }
0x274: {  	v7 =	vor.u32 $0x80000000, v17;
	v17 =	vshra.s32 v12, $0x1F;
	v10 =	vxor.u32 v10, v13  }
0x275: {  	v21 =	vadd.s32 v1, v18;
	v18 =	vor.u32 $0x80000000, v19;
	v19 =	vshra.s32 v15, $0x1F  }
0x276: {  	v17 =	vor.u32 $0x80000000, v17;
	v9 =	vxor.u32 v9, v7;
	v19 =	vor.u32 $0x80000000, v19  }
0x277: {  	v23 =	vxor.u32 v11, v18;
	v11 =	vshrl.u32 v14, $0xA;
	v24 =	vxor.u32 v12, v17  }
0x278: {  	v12 =	vshrl.u32 v22, $0xA;
	v17 =	vshrl.u32 v10, $0xA;
	v18 =	vshrl.u32 v22, $0x15  }
0x279: {  	v16 =	vshrl.u32 v9, $0x15;
	v7 =	vxor.u32 v15, v19;
	v15 =	vshrl.u32 v9, $0xA  }
0x27a: {  	v19 =	vshrl.u32 v23, $0xA;
	v25 =	vshrl.u32 v24, $0xA;
	v13 =	vand.u32 $0x7FF, v11  }
0x27b: {  	v14 =	vand.u32 $0x7FF, v12;
	v11 =	vand.u32 $0x7FF, v17;
	v17 =	vshrl.u32 v10, $0x15  }
0x27c: {  	v8 =	vshrl.u32 v7, $0xA;
	v12 =	vand.u32 $0x7FF, v15;
	v9 =	vand.u32 $0x7FF, v19  }
0x27d: {  	s1 =	simm.s32 $0xC0;
	s0 =	simm.s32 $0x0;
	v19 =	vshrl.u32 v23, $0x15;
	v10 =	vand.u32 $0x7FF, v25;
	v15 =	vshrl.u32 v24, $0x15;
	[tilespmem:v21+s26+$0x0] =	vst.idx.add.s32.msk vm0, v2  }
.LBB2_32:
0x27e: {  	v21 =	vld [tilespmem:s1+$0x30];
	s0 =	sadd.s32 $0x80, s0;
	vm4 =	veq.s32 v20, v6;
	v8 =	vand.u32 $0x7FF, v8;
	v7 =	vshrl.u32 v7, $0x15  }
0x27f: {  	v13 =	vadd.s32 v1, v13;
	vm6 =	veq.s32 v18, v6;
	v14 =	vadd.s32 v1, v14;
	v20 =	vld [tilespmem:s1+$0xFFFFFFD0];
	p1 =	slt.u32 s0, $0x7F80  }
0x280: {  	vm5 =	veq.s32 v16, v6;
	v12 =	vadd.s32 v1, v12;
	vm3 =	veq.s32 v17, v6;
	v18 =	vld [tilespmem:s1+$0xFFFFFFE0]  }
0x281: {  	v11 =	vadd.s32 v1, v11;
	vm2 =	veq.s32 v19, v6;
	v9 =	vadd.s32 v1, v9;
	v16 =	vld [tilespmem:s1+$0xFFFFFFF0]  }
0x282: {  	vm1 =	veq.s32 v15, v6;
	v10 =	vadd.s32 v1, v10;
	vm0 =	veq.s32 v7, v6;
	v17 =	vld [tilespmem:s1+$0x0]  }
0x283: {  	v8 =	vadd.s32 v1, v8;
	v7 =	vld [tilespmem:s1+$0x10];
	v15 =	vshra.s32 v21, $0x1F  }
0x284: {  	v19 =	vshra.s32 v20, $0x1F;
	v22 =	vld [tilespmem:s1+$0x20];
	v15 =	vor.u32 $0x80000000, v15  }
0x285: {  	v23 =	vld [tilespmem:s1+$0xFFFFFFC0];
	v19 =	vor.u32 $0x80000000, v19;
	v24 =	vshra.s32 v18, $0x1F;
	v15 =	vxor.u32 v21, v15  }
0x286: {  	v21 =	vshra.s32 v16, $0x1F;
	v25 =	vshrl.u32 v15, $0xA;
	v15 =	vshrl.u32 v15, $0x15;
	[tilespmem:v13+s26+$0x0] =	vst.idx.add.s32.msk vm4, v2  }
0x287: {  	v13 =	vshra.s32 v17, $0x1F;
	v25 =	vand.u32 $0x7FF, v25;
	vm4 =	veq.s32 v15, v6;
	[tilespmem:v14+s26+$0x0] =	vst.idx.add.s32.msk vm6, v2  }
0x288: {  	v14 =	vor.u32 $0x80000000, v24;
	v15 =	vshra.s32 v7, $0x1F;
	v24 =	vadd.s32 v1, v25;
	[tilespmem:v12+s26+$0x0] =	vst.idx.add.s32.msk vm5, v2  }
0x289: {  	v12 =	vor.u32 $0x80000000, v21;
	v13 =	vor.u32 $0x80000000, v13;
	v21 =	vshra.s32 v22, $0x1F;
	[tilespmem:v11+s26+$0x0] =	vst.idx.add.s32.msk vm3, v2  }
0x28a: {  	v15 =	vor.u32 $0x80000000, v15;
	v11 =	vshra.s32 v23, $0x1F;
	v21 =	vor.u32 $0x80000000, v21;
	[tilespmem:v9+s26+$0x0] =	vst.idx.add.s32.msk vm2, v2  }
0x28b: {  	v9 =	vor.u32 $0x80000000, v11;
	v11 =	vxor.u32 v20, v19;
	v19 =	vxor.u32 v18, v14;
	[tilespmem:v10+s26+$0x0] =	vst.idx.add.s32.msk vm1, v2  }
0x28c: {  	v10 =	vxor.u32 v16, v12;
	v9 =	vxor.u32 v23, v9;
	v23 =	vxor.u32 v17, v13  }
0x28d: {  	v15 =	vxor.u32 v7, v15;
	v7 =	vxor.u32 v22, v21;
	v12 =	vshrl.u32 v9, $0xA;
	[tilespmem:v24+s26+$0x0] =	vst.idx.add.s32.msk vm4, v2  }
0x28e: {  	v14 =	vshrl.u32 v11, $0xA;
	v16 =	vshrl.u32 v19, $0xA;
	v17 =	vshrl.u32 v10, $0xA;
	[tilespmem:v8+s26+$0x0] =	vst.idx.add.s32.msk vm0, v2  }
.Ltmp15:
0x28f: {  	v22 =	vshrl.u32 v15, $0xA;
	v21 =	vshrl.u32 v23, $0xA;
	v8 =	vshrl.u32 v7, $0xA;
	(pc) =	sbr.rel @p1 .LBB2_32-.Ltmp15, $4  }
0x290: {  	v20 =	vshrl.u32 v9, $0x15;
	v14 =	vand.u32 $0x7FF, v14;
	v13 =	vand.u32 $0x7FF, v12  }
0x291: {  	v18 =	vshrl.u32 v11, $0x15;
	v12 =	vand.u32 $0x7FF, v16;
	v16 =	vshrl.u32 v19, $0x15  }
0x292: {  	v11 =	vand.u32 $0x7FF, v17;
	v17 =	vshrl.u32 v10, $0x15;
	v9 =	vand.u32 $0x7FF, v21  }
0x293: {  	s1 =	sadd.s32 $0x80, s1;
	v15 =	vshrl.u32 v15, $0x15;
	v10 =	vand.u32 $0x7FF, v22;
	v19 =	vshrl.u32 v23, $0x15  }
0x294: {  	vm0 =	veq.s32 v20, v6  }
0x295: {  	v13 =	vadd.s32 v1, v13;
	vm1 =	veq.s32 v18, v6  }
0x296: {  	v14 =	vadd.s32 v1, v14;
	vm2 =	veq.s32 v16, v6  }
0x297: {  	v12 =	vadd.s32 v1, v12;
	vm3 =	veq.s32 v17, v6  }
0x298: {  	v11 =	vadd.s32 v1, v11;
	vm4 =	veq.s32 v19, v6  }
0x299: {  	v7 =	vshrl.u32 v7, $0x15;
	v9 =	vadd.s32 v1, v9;
	vm5 =	veq.s32 v15, v6  }
0x29a: {  	v8 =	vand.u32 $0x7FF, v8;
	v10 =	vadd.s32 v1, v10;
	vm6 =	veq.s32 v7, v6;
	[tilespmem:v13+s26+$0x0] =	vst.idx.add.s32.msk vm0, v2  }
0x29b: {  	v7 =	vadd.s32 v1, v8;
	[tilespmem:v14+s26+$0x0] =	vst.idx.add.s32.msk vm1, v2  }
0x29c: {  	[tilespmem:v12+s26+$0x0] =	vst.idx.add.s32.msk vm2, v2  }
0x29d: {  	[tilespmem:v11+s26+$0x0] =	vst.idx.add.s32.msk vm3, v2  }
0x29e: {  	[tilespmem:v9+s26+$0x0] =	vst.idx.add.s32.msk vm4, v2  }
0x29f: {  	[tilespmem:v10+s26+$0x0] =	vst.idx.add.s32.msk vm5, v2  }
0x2a0: {  	[tilespmem:v7+s26+$0x0] =	vst.idx.add.s32.msk vm6, v2  }
0x2a1: {  	[tilespmem:s3], [sflag:$0x1] =	stream.strided.gather [hbm4b:s6+s22], $0x8000, s23, s22, $0x38;
	[tilespmem:$0x1C200] =	vst v63  }
0x2a2: {  	_ =	swait.ge [sflag:s28], $0x8000  }
0x2a3: {  	[sflag:s28] =	ssyncset.done $0x0  }
0x2a4: {  	s0 =	simm.s32 $0x8040;
	[sflag:s28] =	ssyncadd.s32 $0xFFFF8000  }
0x2a5: {  	v7 =	vld [tilespmem:s0+$0x30]  }
0x2a6: {  	v8 =	vld [tilespmem:s0+$0xFFFFFFD0]  }
0x2a7: {  	v9 =	vld [tilespmem:s0+$0xFFFFFFE0]  }
0x2a8: {  	v11 =	vld [tilespmem:s0+$0x0]  }
0x2a9: {  	v16 =	vld [tilespmem:s0+$0xFFFFFFC0];
	_ =	sdelay $0x1  }
0x2aa: {  	v10 =	vld [tilespmem:s0+$0xFFFFFFF0];
	_ =	sdelay $0x1  }
0x2ab: {  	v13 =	vshra.s32 v7, $0x1F;
	v14 =	vshra.s32 v8, $0x1F;
	v17 =	vshra.s32 v9, $0x1F  }
0x2ac: {  	v12 =	vld [tilespmem:s0+$0x10];
	v19 =	vshra.s32 v11, $0x1F;
	v20 =	vshra.s32 v16, $0x1F;
	v13 =	vor.u32 $0x80000000, v13  }
0x2ad: {  	v15 =	vld [tilespmem:s0+$0x20];
	v14 =	vor.u32 $0x80000000, v14;
	v20 =	vor.u32 $0x80000000, v20;
	v7 =	vxor.u32 v7, v13  }
0x2ae: {  	v13 =	vshra.s32 v10, $0x1F;
	v22 =	vxor.u32 v8, v14;
	v14 =	vxor.u32 v16, v20  }
0x2af: {  	v18 =	vshrl.u32 v7, $0xA;
	v7 =	vshrl.u32 v7, $0x15;
	v13 =	vor.u32 $0x80000000, v13  }
0x2b0: {  	v20 =	vshrl.u32 v14, $0x15;
	v18 =	vand.u32 $0x7FF, v18;
	vm15 =	veq.s32 v7, v6  }
0x2b1: {  	v7 =	vor.u32 $0x80000000, v17;
	v17 =	vshra.s32 v12, $0x1F;
	v10 =	vxor.u32 v10, v13  }
0x2b2: {  	v21 =	vadd.s32 v1, v18;
	v18 =	vor.u32 $0x80000000, v19;
	v19 =	vshra.s32 v15, $0x1F  }
0x2b3: {  	v17 =	vor.u32 $0x80000000, v17;
	v9 =	vxor.u32 v9, v7;
	v19 =	vor.u32 $0x80000000, v19  }
0x2b4: {  	v23 =	vxor.u32 v11, v18;
	v11 =	vshrl.u32 v14, $0xA;
	v24 =	vxor.u32 v12, v17  }
0x2b5: {  	v12 =	vshrl.u32 v22, $0xA;
	v17 =	vshrl.u32 v10, $0xA;
	v18 =	vshrl.u32 v22, $0x15  }
0x2b6: {  	v16 =	vshrl.u32 v9, $0x15;
	v7 =	vxor.u32 v15, v19;
	v15 =	vshrl.u32 v9, $0xA  }
0x2b7: {  	v19 =	vshrl.u32 v23, $0xA;
	v25 =	vshrl.u32 v24, $0xA;
	v13 =	vand.u32 $0x7FF, v11  }
0x2b8: {  	v14 =	vand.u32 $0x7FF, v12;
	v11 =	vand.u32 $0x7FF, v17;
	v17 =	vshrl.u32 v10, $0x15  }
0x2b9: {  	v8 =	vshrl.u32 v7, $0xA;
	v12 =	vand.u32 $0x7FF, v15;
	v9 =	vand.u32 $0x7FF, v19  }
0x2ba: {  	s1 =	simm.s32 $0x80C0;
	s0 =	simm.s32 $0x0;
	v19 =	vshrl.u32 v23, $0x15;
	v10 =	vand.u32 $0x7FF, v25;
	v15 =	vshrl.u32 v24, $0x15;
	[tilespmem:v21+s26+$0x0] =	vst.idx.add.s32.msk vm15, v2  }
.LBB2_34:
0x2bb: {  	v21 =	vld [tilespmem:s1+$0x30];
	s0 =	sadd.s32 $0x80, s0;
	vm4 =	veq.s32 v20, v6;
	v8 =	vand.u32 $0x7FF, v8;
	v7 =	vshrl.u32 v7, $0x15  }
0x2bc: {  	v13 =	vadd.s32 v1, v13;
	vm6 =	veq.s32 v18, v6;
	v14 =	vadd.s32 v1, v14;
	v20 =	vld [tilespmem:s1+$0xFFFFFFD0];
	p1 =	slt.u32 s0, $0x7F80  }
0x2bd: {  	vm5 =	veq.s32 v16, v6;
	v12 =	vadd.s32 v1, v12;
	vm3 =	veq.s32 v17, v6;
	v18 =	vld [tilespmem:s1+$0xFFFFFFE0]  }
0x2be: {  	v11 =	vadd.s32 v1, v11;
	vm2 =	veq.s32 v19, v6;
	v9 =	vadd.s32 v1, v9;
	v16 =	vld [tilespmem:s1+$0xFFFFFFF0]  }
0x2bf: {  	vm1 =	veq.s32 v15, v6;
	v10 =	vadd.s32 v1, v10;
	vm0 =	veq.s32 v7, v6;
	v17 =	vld [tilespmem:s1+$0x0]  }
0x2c0: {  	v8 =	vadd.s32 v1, v8;
	v7 =	vld [tilespmem:s1+$0x10];
	v15 =	vshra.s32 v21, $0x1F  }
0x2c1: {  	v19 =	vshra.s32 v20, $0x1F;
	v22 =	vld [tilespmem:s1+$0x20];
	v15 =	vor.u32 $0x80000000, v15  }
0x2c2: {  	v23 =	vld [tilespmem:s1+$0xFFFFFFC0];
	v19 =	vor.u32 $0x80000000, v19;
	v24 =	vshra.s32 v18, $0x1F;
	v15 =	vxor.u32 v21, v15  }
0x2c3: {  	v21 =	vshra.s32 v16, $0x1F;
	v25 =	vshrl.u32 v15, $0xA;
	v15 =	vshrl.u32 v15, $0x15;
	[tilespmem:v13+s26+$0x0] =	vst.idx.add.s32.msk vm4, v2  }
0x2c4: {  	v13 =	vshra.s32 v17, $0x1F;
	v25 =	vand.u32 $0x7FF, v25;
	vm4 =	veq.s32 v15, v6;
	[tilespmem:v14+s26+$0x0] =	vst.idx.add.s32.msk vm6, v2  }
0x2c5: {  	v14 =	vor.u32 $0x80000000, v24;
	v15 =	vshra.s32 v7, $0x1F;
	v24 =	vadd.s32 v1, v25;
	[tilespmem:v12+s26+$0x0] =	vst.idx.add.s32.msk vm5, v2  }
0x2c6: {  	v12 =	vor.u32 $0x80000000, v21;
	v13 =	vor.u32 $0x80000000, v13;
	v21 =	vshra.s32 v22, $0x1F;
	[tilespmem:v11+s26+$0x0] =	vst.idx.add.s32.msk vm3, v2  }
0x2c7: {  	v15 =	vor.u32 $0x80000000, v15;
	v11 =	vshra.s32 v23, $0x1F;
	v21 =	vor.u32 $0x80000000, v21;
	[tilespmem:v9+s26+$0x0] =	vst.idx.add.s32.msk vm2, v2  }
0x2c8: {  	v9 =	vor.u32 $0x80000000, v11;
	v11 =	vxor.u32 v20, v19;
	v19 =	vxor.u32 v18, v14;
	[tilespmem:v10+s26+$0x0] =	vst.idx.add.s32.msk vm1, v2  }
0x2c9: {  	v10 =	vxor.u32 v16, v12;
	v9 =	vxor.u32 v23, v9;
	v23 =	vxor.u32 v17, v13  }
0x2ca: {  	v15 =	vxor.u32 v7, v15;
	v7 =	vxor.u32 v22, v21;
	v12 =	vshrl.u32 v9, $0xA;
	[tilespmem:v24+s26+$0x0] =	vst.idx.add.s32.msk vm4, v2  }
0x2cb: {  	v14 =	vshrl.u32 v11, $0xA;
	v16 =	vshrl.u32 v19, $0xA;
	v17 =	vshrl.u32 v10, $0xA;
	[tilespmem:v8+s26+$0x0] =	vst.idx.add.s32.msk vm0, v2  }
.Ltmp16:
0x2cc: {  	v22 =	vshrl.u32 v15, $0xA;
	v21 =	vshrl.u32 v23, $0xA;
	v8 =	vshrl.u32 v7, $0xA;
	(pc) =	sbr.rel @p1 .LBB2_34-.Ltmp16, $4  }
0x2cd: {  	v20 =	vshrl.u32 v9, $0x15;
	v14 =	vand.u32 $0x7FF, v14;
	v13 =	vand.u32 $0x7FF, v12  }
0x2ce: {  	v18 =	vshrl.u32 v11, $0x15;
	v12 =	vand.u32 $0x7FF, v16;
	v16 =	vshrl.u32 v19, $0x15  }
0x2cf: {  	v11 =	vand.u32 $0x7FF, v17;
	v17 =	vshrl.u32 v10, $0x15;
	v9 =	vand.u32 $0x7FF, v21  }
0x2d0: {  	s1 =	sadd.s32 $0x80, s1;
	v15 =	vshrl.u32 v15, $0x15;
	v10 =	vand.u32 $0x7FF, v22;
	v19 =	vshrl.u32 v23, $0x15  }
0x2d1: {  	vm0 =	veq.s32 v20, v6  }
0x2d2: {  	v13 =	vadd.s32 v1, v13;
	vm1 =	veq.s32 v18, v6  }
0x2d3: {  	v14 =	vadd.s32 v1, v14;
	vm2 =	veq.s32 v16, v6  }
0x2d4: {  	v12 =	vadd.s32 v1, v12;
	vm3 =	veq.s32 v17, v6  }
0x2d5: {  	v11 =	vadd.s32 v1, v11;
	vm4 =	veq.s32 v19, v6  }
0x2d6: {  	v7 =	vshrl.u32 v7, $0x15;
	v9 =	vadd.s32 v1, v9;
	vm5 =	veq.s32 v15, v6  }
0x2d7: {  	v8 =	vand.u32 $0x7FF, v8;
	v10 =	vadd.s32 v1, v10;
	vm6 =	veq.s32 v7, v6;
	[tilespmem:v13+s26+$0x0] =	vst.idx.add.s32.msk vm0, v2  }
0x2d8: {  	v7 =	vadd.s32 v1, v8;
	[tilespmem:v14+s26+$0x0] =	vst.idx.add.s32.msk vm1, v2  }
0x2d9: {  	[tilespmem:v12+s26+$0x0] =	vst.idx.add.s32.msk vm2, v2  }
0x2da: {  	[tilespmem:v11+s26+$0x0] =	vst.idx.add.s32.msk vm3, v2  }
0x2db: {  	[tilespmem:v9+s26+$0x0] =	vst.idx.add.s32.msk vm4, v2  }
0x2dc: {  	[tilespmem:v10+s26+$0x0] =	vst.idx.add.s32.msk vm5, v2  }
0x2dd: {  	[tilespmem:v7+s26+$0x0] =	vst.idx.add.s32.msk vm6, v2  }
0x2de: {  	[tilespmem:s24], [sflag:$0x2] =	stream.strided.gather [hbm4b:s7+s22], $0x8000, s23, s22, $0x38;
	[tilespmem:$0x1C200] =	vst v63  }
0x2df: {  	_ =	swait.ge [sflag:s25], $0x8000  }
0x2e0: {  	[sflag:s25] =	ssyncset.done $0x0  }
0x2e1: {  	s0 =	simm.s32 $0x40;
	[sflag:s25] =	ssyncadd.s32 $0xFFFF8000  }
0x2e2: {  	v7 =	vld [tilespmem:s0+$0x30]  }
0x2e3: {  	v8 =	vld [tilespmem:s0+$0xFFFFFFD0]  }
0x2e4: {  	v9 =	vld [tilespmem:s0+$0xFFFFFFE0]  }
0x2e5: {  	v11 =	vld [tilespmem:s0+$0x0]  }
0x2e6: {  	v16 =	vld [tilespmem:s0+$0xFFFFFFC0];
	_ =	sdelay $0x1  }
0x2e7: {  	v10 =	vld [tilespmem:s0+$0xFFFFFFF0];
	_ =	sdelay $0x1  }
0x2e8: {  	v13 =	vshra.s32 v7, $0x1F;
	v14 =	vshra.s32 v8, $0x1F;
	v17 =	vshra.s32 v9, $0x1F  }
0x2e9: {  	v12 =	vld [tilespmem:s0+$0x10];
	v19 =	vshra.s32 v11, $0x1F;
	v20 =	vshra.s32 v16, $0x1F;
	v13 =	vor.u32 $0x80000000, v13  }
0x2ea: {  	v15 =	vld [tilespmem:s0+$0x20];
	v14 =	vor.u32 $0x80000000, v14;
	v20 =	vor.u32 $0x80000000, v20;
	v7 =	vxor.u32 v7, v13  }
0x2eb: {  	v13 =	vshra.s32 v10, $0x1F;
	v22 =	vxor.u32 v8, v14;
	v14 =	vxor.u32 v16, v20  }
0x2ec: {  	v18 =	vshrl.u32 v7, $0xA;
	v7 =	vshrl.u32 v7, $0x15;
	v13 =	vor.u32 $0x80000000, v13  }
0x2ed: {  	v20 =	vshrl.u32 v14, $0x15;
	v18 =	vand.u32 $0x7FF, v18;
	vm15 =	veq.s32 v7, v6  }
0x2ee: {  	v7 =	vor.u32 $0x80000000, v17;
	v17 =	vshra.s32 v12, $0x1F;
	v10 =	vxor.u32 v10, v13  }
0x2ef: {  	v21 =	vadd.s32 v1, v18;
	v18 =	vor.u32 $0x80000000, v19;
	v19 =	vshra.s32 v15, $0x1F  }
0x2f0: {  	v17 =	vor.u32 $0x80000000, v17;
	v9 =	vxor.u32 v9, v7;
	v19 =	vor.u32 $0x80000000, v19  }
0x2f1: {  	v23 =	vxor.u32 v11, v18;
	v11 =	vshrl.u32 v14, $0xA;
	v24 =	vxor.u32 v12, v17  }
0x2f2: {  	v12 =	vshrl.u32 v22, $0xA;
	v17 =	vshrl.u32 v10, $0xA;
	v18 =	vshrl.u32 v22, $0x15  }
0x2f3: {  	v16 =	vshrl.u32 v9, $0x15;
	v7 =	vxor.u32 v15, v19;
	v15 =	vshrl.u32 v9, $0xA  }
0x2f4: {  	v19 =	vshrl.u32 v23, $0xA;
	v25 =	vshrl.u32 v24, $0xA;
	v13 =	vand.u32 $0x7FF, v11  }
0x2f5: {  	v14 =	vand.u32 $0x7FF, v12;
	v11 =	vand.u32 $0x7FF, v17;
	v17 =	vshrl.u32 v10, $0x15  }
0x2f6: {  	v8 =	vshrl.u32 v7, $0xA;
	v12 =	vand.u32 $0x7FF, v15;
	v9 =	vand.u32 $0x7FF, v19  }
0x2f7: {  	s1 =	simm.s32 $0xC0;
	s0 =	simm.s32 $0x0;
	v19 =	vshrl.u32 v23, $0x15;
	v10 =	vand.u32 $0x7FF, v25;
	v15 =	vshrl.u32 v24, $0x15;
	[tilespmem:v21+s26+$0x0] =	vst.idx.add.s32.msk vm15, v2  }
.LBB2_36:
0x2f8: {  	v21 =	vld [tilespmem:s1+$0x30];
	s0 =	sadd.s32 $0x80, s0;
	vm4 =	veq.s32 v20, v6;
	v8 =	vand.u32 $0x7FF, v8;
	v7 =	vshrl.u32 v7, $0x15  }
0x2f9: {  	v13 =	vadd.s32 v1, v13;
	vm6 =	veq.s32 v18, v6;
	v14 =	vadd.s32 v1, v14;
	v20 =	vld [tilespmem:s1+$0xFFFFFFD0];
	p1 =	slt.u32 s0, $0x7F80  }
0x2fa: {  	vm5 =	veq.s32 v16, v6;
	v12 =	vadd.s32 v1, v12;
	vm3 =	veq.s32 v17, v6;
	v18 =	vld [tilespmem:s1+$0xFFFFFFE0]  }
0x2fb: {  	v11 =	vadd.s32 v1, v11;
	vm2 =	veq.s32 v19, v6;
	v9 =	vadd.s32 v1, v9;
	v16 =	vld [tilespmem:s1+$0xFFFFFFF0]  }
0x2fc: {  	vm1 =	veq.s32 v15, v6;
	v10 =	vadd.s32 v1, v10;
	vm0 =	veq.s32 v7, v6;
	v17 =	vld [tilespmem:s1+$0x0]  }
0x2fd: {  	v8 =	vadd.s32 v1, v8;
	v7 =	vld [tilespmem:s1+$0x10];
	v15 =	vshra.s32 v21, $0x1F  }
0x2fe: {  	v19 =	vshra.s32 v20, $0x1F;
	v22 =	vld [tilespmem:s1+$0x20];
	v15 =	vor.u32 $0x80000000, v15  }
0x2ff: {  	v23 =	vld [tilespmem:s1+$0xFFFFFFC0];
	v19 =	vor.u32 $0x80000000, v19;
	v24 =	vshra.s32 v18, $0x1F;
	v15 =	vxor.u32 v21, v15  }
0x300: {  	v21 =	vshra.s32 v16, $0x1F;
	v25 =	vshrl.u32 v15, $0xA;
	v15 =	vshrl.u32 v15, $0x15;
	[tilespmem:v13+s26+$0x0] =	vst.idx.add.s32.msk vm4, v2  }
0x301: {  	v13 =	vshra.s32 v17, $0x1F;
	v25 =	vand.u32 $0x7FF, v25;
	vm4 =	veq.s32 v15, v6;
	[tilespmem:v14+s26+$0x0] =	vst.idx.add.s32.msk vm6, v2  }
0x302: {  	v14 =	vor.u32 $0x80000000, v24;
	v15 =	vshra.s32 v7, $0x1F;
	v24 =	vadd.s32 v1, v25;
	[tilespmem:v12+s26+$0x0] =	vst.idx.add.s32.msk vm5, v2  }
0x303: {  	v12 =	vor.u32 $0x80000000, v21;
	v13 =	vor.u32 $0x80000000, v13;
	v21 =	vshra.s32 v22, $0x1F;
	[tilespmem:v11+s26+$0x0] =	vst.idx.add.s32.msk vm3, v2  }
0x304: {  	v15 =	vor.u32 $0x80000000, v15;
	v11 =	vshra.s32 v23, $0x1F;
	v21 =	vor.u32 $0x80000000, v21;
	[tilespmem:v9+s26+$0x0] =	vst.idx.add.s32.msk vm2, v2  }
0x305: {  	v9 =	vor.u32 $0x80000000, v11;
	v11 =	vxor.u32 v20, v19;
	v19 =	vxor.u32 v18, v14;
	[tilespmem:v10+s26+$0x0] =	vst.idx.add.s32.msk vm1, v2  }
0x306: {  	v10 =	vxor.u32 v16, v12;
	v9 =	vxor.u32 v23, v9;
	v23 =	vxor.u32 v17, v13  }
0x307: {  	v15 =	vxor.u32 v7, v15;
	v7 =	vxor.u32 v22, v21;
	v12 =	vshrl.u32 v9, $0xA;
	[tilespmem:v24+s26+$0x0] =	vst.idx.add.s32.msk vm4, v2  }
0x308: {  	v14 =	vshrl.u32 v11, $0xA;
	v16 =	vshrl.u32 v19, $0xA;
	v17 =	vshrl.u32 v10, $0xA;
	[tilespmem:v8+s26+$0x0] =	vst.idx.add.s32.msk vm0, v2  }
.Ltmp17:
0x309: {  	v22 =	vshrl.u32 v15, $0xA;
	v21 =	vshrl.u32 v23, $0xA;
	v8 =	vshrl.u32 v7, $0xA;
	(pc) =	sbr.rel @p1 .LBB2_36-.Ltmp17, $4  }
0x30a: {  	v20 =	vshrl.u32 v9, $0x15;
	v14 =	vand.u32 $0x7FF, v14;
	v13 =	vand.u32 $0x7FF, v12  }
0x30b: {  	v18 =	vshrl.u32 v11, $0x15;
	v12 =	vand.u32 $0x7FF, v16;
	v16 =	vshrl.u32 v19, $0x15  }
0x30c: {  	v11 =	vand.u32 $0x7FF, v17;
	v17 =	vshrl.u32 v10, $0x15;
	v9 =	vand.u32 $0x7FF, v21  }
0x30d: {  	s1 =	sadd.s32 $0x80, s1;
	v15 =	vshrl.u32 v15, $0x15;
	v10 =	vand.u32 $0x7FF, v22;
	v19 =	vshrl.u32 v23, $0x15  }
0x30e: {  	vm0 =	veq.s32 v20, v6  }
0x30f: {  	v13 =	vadd.s32 v1, v13;
	vm1 =	veq.s32 v18, v6  }
0x310: {  	v14 =	vadd.s32 v1, v14;
	vm2 =	veq.s32 v16, v6  }
0x311: {  	v12 =	vadd.s32 v1, v12;
	vm3 =	veq.s32 v17, v6  }
0x312: {  	v11 =	vadd.s32 v1, v11;
	vm4 =	veq.s32 v19, v6  }
0x313: {  	v7 =	vshrl.u32 v7, $0x15;
	v9 =	vadd.s32 v1, v9;
	vm5 =	veq.s32 v15, v6  }
0x314: {  	v8 =	vand.u32 $0x7FF, v8;
	v10 =	vadd.s32 v1, v10;
	vm6 =	veq.s32 v7, v6;
	[tilespmem:v13+s26+$0x0] =	vst.idx.add.s32.msk vm0, v2  }
0x315: {  	v7 =	vadd.s32 v1, v8;
	[tilespmem:v14+s26+$0x0] =	vst.idx.add.s32.msk vm1, v2  }
0x316: {  	[tilespmem:v12+s26+$0x0] =	vst.idx.add.s32.msk vm2, v2  }
0x317: {  	[tilespmem:v11+s26+$0x0] =	vst.idx.add.s32.msk vm3, v2  }
0x318: {  	[tilespmem:v9+s26+$0x0] =	vst.idx.add.s32.msk vm4, v2  }
0x319: {  	[tilespmem:v10+s26+$0x0] =	vst.idx.add.s32.msk vm5, v2  }
0x31a: {  	[tilespmem:v7+s26+$0x0] =	vst.idx.add.s32.msk vm6, v2  }
0x31b: {  	[tilespmem:s3], [sflag:$0x1] =	stream.strided.gather [hbm4b:s8+s22], $0x8000, s23, s22, $0x38;
	[tilespmem:$0x1C200] =	vst v63  }
0x31c: {  	_ =	swait.ge [sflag:s28], $0x8000  }
0x31d: {  	[sflag:s28] =	ssyncset.done $0x0  }
0x31e: {  	s0 =	simm.s32 $0x8040;
	[sflag:s28] =	ssyncadd.s32 $0xFFFF8000  }
0x31f: {  	v7 =	vld [tilespmem:s0+$0x30]  }
0x320: {  	v8 =	vld [tilespmem:s0+$0xFFFFFFD0]  }
0x321: {  	v9 =	vld [tilespmem:s0+$0xFFFFFFE0]  }
0x322: {  	v11 =	vld [tilespmem:s0+$0x0]  }
0x323: {  	v16 =	vld [tilespmem:s0+$0xFFFFFFC0];
	_ =	sdelay $0x1  }
0x324: {  	v10 =	vld [tilespmem:s0+$0xFFFFFFF0];
	_ =	sdelay $0x1  }
0x325: {  	v13 =	vshra.s32 v7, $0x1F;
	v14 =	vshra.s32 v8, $0x1F;
	v17 =	vshra.s32 v9, $0x1F  }
0x326: {  	v12 =	vld [tilespmem:s0+$0x10];
	v19 =	vshra.s32 v11, $0x1F;
	v20 =	vshra.s32 v16, $0x1F;
	v13 =	vor.u32 $0x80000000, v13  }
0x327: {  	v15 =	vld [tilespmem:s0+$0x20];
	v14 =	vor.u32 $0x80000000, v14;
	v20 =	vor.u32 $0x80000000, v20;
	v7 =	vxor.u32 v7, v13  }
0x328: {  	v13 =	vshra.s32 v10, $0x1F;
	v22 =	vxor.u32 v8, v14;
	v14 =	vxor.u32 v16, v20  }
0x329: {  	v18 =	vshrl.u32 v7, $0xA;
	v7 =	vshrl.u32 v7, $0x15;
	v13 =	vor.u32 $0x80000000, v13  }
0x32a: {  	v20 =	vshrl.u32 v14, $0x15;
	v18 =	vand.u32 $0x7FF, v18;
	vm15 =	veq.s32 v7, v6  }
0x32b: {  	v7 =	vor.u32 $0x80000000, v17;
	v17 =	vshra.s32 v12, $0x1F;
	v10 =	vxor.u32 v10, v13  }
0x32c: {  	v21 =	vadd.s32 v1, v18;
	v18 =	vor.u32 $0x80000000, v19;
	v19 =	vshra.s32 v15, $0x1F  }
0x32d: {  	v17 =	vor.u32 $0x80000000, v17;
	v9 =	vxor.u32 v9, v7;
	v19 =	vor.u32 $0x80000000, v19  }
0x32e: {  	v23 =	vxor.u32 v11, v18;
	v11 =	vshrl.u32 v14, $0xA;
	v24 =	vxor.u32 v12, v17  }
0x32f: {  	v12 =	vshrl.u32 v22, $0xA;
	v17 =	vshrl.u32 v10, $0xA;
	v18 =	vshrl.u32 v22, $0x15  }
0x330: {  	v16 =	vshrl.u32 v9, $0x15;
	v7 =	vxor.u32 v15, v19;
	v15 =	vshrl.u32 v9, $0xA  }
0x331: {  	v19 =	vshrl.u32 v23, $0xA;
	v25 =	vshrl.u32 v24, $0xA;
	v13 =	vand.u32 $0x7FF, v11  }
0x332: {  	v14 =	vand.u32 $0x7FF, v12;
	v11 =	vand.u32 $0x7FF, v17;
	v17 =	vshrl.u32 v10, $0x15  }
0x333: {  	v8 =	vshrl.u32 v7, $0xA;
	v12 =	vand.u32 $0x7FF, v15;
	v9 =	vand.u32 $0x7FF, v19  }
0x334: {  	s1 =	simm.s32 $0x80C0;
	s0 =	simm.s32 $0x0;
	v19 =	vshrl.u32 v23, $0x15;
	v10 =	vand.u32 $0x7FF, v25;
	v15 =	vshrl.u32 v24, $0x15;
	[tilespmem:v21+s26+$0x0] =	vst.idx.add.s32.msk vm15, v2  }
.LBB2_38:
0x335: {  	v21 =	vld [tilespmem:s1+$0x30];
	s0 =	sadd.s32 $0x80, s0;
	vm4 =	veq.s32 v20, v6;
	v8 =	vand.u32 $0x7FF, v8;
	v7 =	vshrl.u32 v7, $0x15  }
0x336: {  	v13 =	vadd.s32 v1, v13;
	vm6 =	veq.s32 v18, v6;
	v14 =	vadd.s32 v1, v14;
	v20 =	vld [tilespmem:s1+$0xFFFFFFD0];
	p1 =	slt.u32 s0, $0x7F80  }
0x337: {  	vm5 =	veq.s32 v16, v6;
	v12 =	vadd.s32 v1, v12;
	vm3 =	veq.s32 v17, v6;
	v18 =	vld [tilespmem:s1+$0xFFFFFFE0]  }
0x338: {  	v11 =	vadd.s32 v1, v11;
	vm2 =	veq.s32 v19, v6;
	v9 =	vadd.s32 v1, v9;
	v16 =	vld [tilespmem:s1+$0xFFFFFFF0]  }
0x339: {  	vm1 =	veq.s32 v15, v6;
	v10 =	vadd.s32 v1, v10;
	vm0 =	veq.s32 v7, v6;
	v17 =	vld [tilespmem:s1+$0x0]  }
0x33a: {  	v8 =	vadd.s32 v1, v8;
	v7 =	vld [tilespmem:s1+$0x10];
	v15 =	vshra.s32 v21, $0x1F  }
0x33b: {  	v19 =	vshra.s32 v20, $0x1F;
	v22 =	vld [tilespmem:s1+$0x20];
	v15 =	vor.u32 $0x80000000, v15  }
0x33c: {  	v23 =	vld [tilespmem:s1+$0xFFFFFFC0];
	v19 =	vor.u32 $0x80000000, v19;
	v24 =	vshra.s32 v18, $0x1F;
	v15 =	vxor.u32 v21, v15  }
0x33d: {  	v21 =	vshra.s32 v16, $0x1F;
	v25 =	vshrl.u32 v15, $0xA;
	v15 =	vshrl.u32 v15, $0x15;
	[tilespmem:v13+s26+$0x0] =	vst.idx.add.s32.msk vm4, v2  }
0x33e: {  	v13 =	vshra.s32 v17, $0x1F;
	v25 =	vand.u32 $0x7FF, v25;
	vm4 =	veq.s32 v15, v6;
	[tilespmem:v14+s26+$0x0] =	vst.idx.add.s32.msk vm6, v2  }
0x33f: {  	v14 =	vor.u32 $0x80000000, v24;
	v15 =	vshra.s32 v7, $0x1F;
	v24 =	vadd.s32 v1, v25;
	[tilespmem:v12+s26+$0x0] =	vst.idx.add.s32.msk vm5, v2  }
0x340: {  	v12 =	vor.u32 $0x80000000, v21;
	v13 =	vor.u32 $0x80000000, v13;
	v21 =	vshra.s32 v22, $0x1F;
	[tilespmem:v11+s26+$0x0] =	vst.idx.add.s32.msk vm3, v2  }
0x341: {  	v15 =	vor.u32 $0x80000000, v15;
	v11 =	vshra.s32 v23, $0x1F;
	v21 =	vor.u32 $0x80000000, v21;
	[tilespmem:v9+s26+$0x0] =	vst.idx.add.s32.msk vm2, v2  }
0x342: {  	v9 =	vor.u32 $0x80000000, v11;
	v11 =	vxor.u32 v20, v19;
	v19 =	vxor.u32 v18, v14;
	[tilespmem:v10+s26+$0x0] =	vst.idx.add.s32.msk vm1, v2  }
0x343: {  	v10 =	vxor.u32 v16, v12;
	v9 =	vxor.u32 v23, v9;
	v23 =	vxor.u32 v17, v13  }
0x344: {  	v15 =	vxor.u32 v7, v15;
	v7 =	vxor.u32 v22, v21;
	v12 =	vshrl.u32 v9, $0xA;
	[tilespmem:v24+s26+$0x0] =	vst.idx.add.s32.msk vm4, v2  }
0x345: {  	v14 =	vshrl.u32 v11, $0xA;
	v16 =	vshrl.u32 v19, $0xA;
	v17 =	vshrl.u32 v10, $0xA;
	[tilespmem:v8+s26+$0x0] =	vst.idx.add.s32.msk vm0, v2  }
.Ltmp18:
0x346: {  	v22 =	vshrl.u32 v15, $0xA;
	v21 =	vshrl.u32 v23, $0xA;
	v8 =	vshrl.u32 v7, $0xA;
	(pc) =	sbr.rel @p1 .LBB2_38-.Ltmp18, $4  }
0x347: {  	v20 =	vshrl.u32 v9, $0x15;
	v14 =	vand.u32 $0x7FF, v14;
	v13 =	vand.u32 $0x7FF, v12  }
0x348: {  	v18 =	vshrl.u32 v11, $0x15;
	v12 =	vand.u32 $0x7FF, v16;
	v16 =	vshrl.u32 v19, $0x15  }
0x349: {  	v11 =	vand.u32 $0x7FF, v17;
	v17 =	vshrl.u32 v10, $0x15;
	v9 =	vand.u32 $0x7FF, v21  }
0x34a: {  	s1 =	sadd.s32 $0x80, s1;
	v15 =	vshrl.u32 v15, $0x15;
	v10 =	vand.u32 $0x7FF, v22;
	v19 =	vshrl.u32 v23, $0x15  }
0x34b: {  	vm0 =	veq.s32 v20, v6  }
0x34c: {  	v13 =	vadd.s32 v1, v13;
	vm1 =	veq.s32 v18, v6  }
0x34d: {  	v14 =	vadd.s32 v1, v14;
	vm2 =	veq.s32 v16, v6  }
0x34e: {  	v12 =	vadd.s32 v1, v12;
	vm3 =	veq.s32 v17, v6  }
0x34f: {  	v11 =	vadd.s32 v1, v11;
	vm4 =	veq.s32 v19, v6  }
0x350: {  	v7 =	vshrl.u32 v7, $0x15;
	v9 =	vadd.s32 v1, v9;
	vm5 =	veq.s32 v15, v6  }
0x351: {  	v8 =	vand.u32 $0x7FF, v8;
	v10 =	vadd.s32 v1, v10;
	vm6 =	veq.s32 v7, v6;
	[tilespmem:v13+s26+$0x0] =	vst.idx.add.s32.msk vm0, v2  }
0x352: {  	v7 =	vadd.s32 v1, v8;
	[tilespmem:v14+s26+$0x0] =	vst.idx.add.s32.msk vm1, v2  }
0x353: {  	[tilespmem:v12+s26+$0x0] =	vst.idx.add.s32.msk vm2, v2  }
0x354: {  	[tilespmem:v11+s26+$0x0] =	vst.idx.add.s32.msk vm3, v2  }
0x355: {  	[tilespmem:v9+s26+$0x0] =	vst.idx.add.s32.msk vm4, v2  }
0x356: {  	[tilespmem:v10+s26+$0x0] =	vst.idx.add.s32.msk vm5, v2  }
0x357: {  	[tilespmem:v7+s26+$0x0] =	vst.idx.add.s32.msk vm6, v2  }
0x358: {  	[tilespmem:s24], [sflag:$0x2] =	stream.strided.gather [hbm4b:s9+s22], $0x8000, s23, s22, $0x38;
	[tilespmem:$0x1C200] =	vst v63  }
0x359: {  	_ =	swait.ge [sflag:s25], $0x8000  }
0x35a: {  	[sflag:s25] =	ssyncset.done $0x0  }
0x35b: {  	s0 =	simm.s32 $0x40;
	[sflag:s25] =	ssyncadd.s32 $0xFFFF8000  }
0x35c: {  	v7 =	vld [tilespmem:s0+$0x30]  }
0x35d: {  	v8 =	vld [tilespmem:s0+$0xFFFFFFD0]  }
0x35e: {  	v9 =	vld [tilespmem:s0+$0xFFFFFFE0]  }
0x35f: {  	v11 =	vld [tilespmem:s0+$0x0]  }
0x360: {  	v16 =	vld [tilespmem:s0+$0xFFFFFFC0];
	_ =	sdelay $0x1  }
0x361: {  	v10 =	vld [tilespmem:s0+$0xFFFFFFF0];
	_ =	sdelay $0x1  }
0x362: {  	v13 =	vshra.s32 v7, $0x1F;
	v14 =	vshra.s32 v8, $0x1F;
	v17 =	vshra.s32 v9, $0x1F  }
0x363: {  	v12 =	vld [tilespmem:s0+$0x10];
	v19 =	vshra.s32 v11, $0x1F;
	v20 =	vshra.s32 v16, $0x1F;
	v13 =	vor.u32 $0x80000000, v13  }
0x364: {  	v15 =	vld [tilespmem:s0+$0x20];
	v14 =	vor.u32 $0x80000000, v14;
	v20 =	vor.u32 $0x80000000, v20;
	v7 =	vxor.u32 v7, v13  }
0x365: {  	v13 =	vshra.s32 v10, $0x1F;
	v22 =	vxor.u32 v8, v14;
	v14 =	vxor.u32 v16, v20  }
0x366: {  	v18 =	vshrl.u32 v7, $0xA;
	v7 =	vshrl.u32 v7, $0x15;
	v13 =	vor.u32 $0x80000000, v13  }
0x367: {  	v20 =	vshrl.u32 v14, $0x15;
	v18 =	vand.u32 $0x7FF, v18;
	vm15 =	veq.s32 v7, v6  }
0x368: {  	v7 =	vor.u32 $0x80000000, v17;
	v17 =	vshra.s32 v12, $0x1F;
	v10 =	vxor.u32 v10, v13  }
0x369: {  	v21 =	vadd.s32 v1, v18;
	v18 =	vor.u32 $0x80000000, v19;
	v19 =	vshra.s32 v15, $0x1F  }
0x36a: {  	v17 =	vor.u32 $0x80000000, v17;
	v9 =	vxor.u32 v9, v7;
	v19 =	vor.u32 $0x80000000, v19  }
0x36b: {  	v23 =	vxor.u32 v11, v18;
	v11 =	vshrl.u32 v14, $0xA;
	v24 =	vxor.u32 v12, v17  }
0x36c: {  	v12 =	vshrl.u32 v22, $0xA;
	v17 =	vshrl.u32 v10, $0xA;
	v18 =	vshrl.u32 v22, $0x15  }
0x36d: {  	v16 =	vshrl.u32 v9, $0x15;
	v7 =	vxor.u32 v15, v19;
	v15 =	vshrl.u32 v9, $0xA  }
0x36e: {  	v19 =	vshrl.u32 v23, $0xA;
	v25 =	vshrl.u32 v24, $0xA;
	v13 =	vand.u32 $0x7FF, v11  }
0x36f: {  	v14 =	vand.u32 $0x7FF, v12;
	v11 =	vand.u32 $0x7FF, v17;
	v17 =	vshrl.u32 v10, $0x15  }
0x370: {  	v8 =	vshrl.u32 v7, $0xA;
	v12 =	vand.u32 $0x7FF, v15;
	v9 =	vand.u32 $0x7FF, v19  }
0x371: {  	s1 =	simm.s32 $0xC0;
	s0 =	simm.s32 $0x0;
	v19 =	vshrl.u32 v23, $0x15;
	v10 =	vand.u32 $0x7FF, v25;
	v15 =	vshrl.u32 v24, $0x15;
	[tilespmem:v21+s26+$0x0] =	vst.idx.add.s32.msk vm15, v2  }
.LBB2_40:
0x372: {  	v21 =	vld [tilespmem:s1+$0x30];
	s0 =	sadd.s32 $0x80, s0;
	vm4 =	veq.s32 v20, v6;
	v8 =	vand.u32 $0x7FF, v8;
	v7 =	vshrl.u32 v7, $0x15  }
0x373: {  	v13 =	vadd.s32 v1, v13;
	vm6 =	veq.s32 v18, v6;
	v14 =	vadd.s32 v1, v14;
	v20 =	vld [tilespmem:s1+$0xFFFFFFD0];
	p1 =	slt.u32 s0, $0x7F80  }
0x374: {  	vm5 =	veq.s32 v16, v6;
	v12 =	vadd.s32 v1, v12;
	vm3 =	veq.s32 v17, v6;
	v18 =	vld [tilespmem:s1+$0xFFFFFFE0]  }
0x375: {  	v11 =	vadd.s32 v1, v11;
	vm2 =	veq.s32 v19, v6;
	v9 =	vadd.s32 v1, v9;
	v16 =	vld [tilespmem:s1+$0xFFFFFFF0]  }
0x376: {  	vm1 =	veq.s32 v15, v6;
	v10 =	vadd.s32 v1, v10;
	vm0 =	veq.s32 v7, v6;
	v17 =	vld [tilespmem:s1+$0x0]  }
0x377: {  	v8 =	vadd.s32 v1, v8;
	v7 =	vld [tilespmem:s1+$0x10];
	v15 =	vshra.s32 v21, $0x1F  }
0x378: {  	v19 =	vshra.s32 v20, $0x1F;
	v22 =	vld [tilespmem:s1+$0x20];
	v15 =	vor.u32 $0x80000000, v15  }
0x379: {  	v23 =	vld [tilespmem:s1+$0xFFFFFFC0];
	v19 =	vor.u32 $0x80000000, v19;
	v24 =	vshra.s32 v18, $0x1F;
	v15 =	vxor.u32 v21, v15  }
0x37a: {  	v21 =	vshra.s32 v16, $0x1F;
	v25 =	vshrl.u32 v15, $0xA;
	v15 =	vshrl.u32 v15, $0x15;
	[tilespmem:v13+s26+$0x0] =	vst.idx.add.s32.msk vm4, v2  }
0x37b: {  	v13 =	vshra.s32 v17, $0x1F;
	v25 =	vand.u32 $0x7FF, v25;
	vm4 =	veq.s32 v15, v6;
	[tilespmem:v14+s26+$0x0] =	vst.idx.add.s32.msk vm6, v2  }
0x37c: {  	v14 =	vor.u32 $0x80000000, v24;
	v15 =	vshra.s32 v7, $0x1F;
	v24 =	vadd.s32 v1, v25;
	[tilespmem:v12+s26+$0x0] =	vst.idx.add.s32.msk vm5, v2  }
0x37d: {  	v12 =	vor.u32 $0x80000000, v21;
	v13 =	vor.u32 $0x80000000, v13;
	v21 =	vshra.s32 v22, $0x1F;
	[tilespmem:v11+s26+$0x0] =	vst.idx.add.s32.msk vm3, v2  }
0x37e: {  	v15 =	vor.u32 $0x80000000, v15;
	v11 =	vshra.s32 v23, $0x1F;
	v21 =	vor.u32 $0x80000000, v21;
	[tilespmem:v9+s26+$0x0] =	vst.idx.add.s32.msk vm2, v2  }
0x37f: {  	v9 =	vor.u32 $0x80000000, v11;
	v11 =	vxor.u32 v20, v19;
	v19 =	vxor.u32 v18, v14;
	[tilespmem:v10+s26+$0x0] =	vst.idx.add.s32.msk vm1, v2  }
0x380: {  	v10 =	vxor.u32 v16, v12;
	v9 =	vxor.u32 v23, v9;
	v23 =	vxor.u32 v17, v13  }
0x381: {  	v15 =	vxor.u32 v7, v15;
	v7 =	vxor.u32 v22, v21;
	v12 =	vshrl.u32 v9, $0xA;
	[tilespmem:v24+s26+$0x0] =	vst.idx.add.s32.msk vm4, v2  }
0x382: {  	v14 =	vshrl.u32 v11, $0xA;
	v16 =	vshrl.u32 v19, $0xA;
	v17 =	vshrl.u32 v10, $0xA;
	[tilespmem:v8+s26+$0x0] =	vst.idx.add.s32.msk vm0, v2  }
.Ltmp19:
0x383: {  	v22 =	vshrl.u32 v15, $0xA;
	v21 =	vshrl.u32 v23, $0xA;
	v8 =	vshrl.u32 v7, $0xA;
	(pc) =	sbr.rel @p1 .LBB2_40-.Ltmp19, $4  }
0x384: {  	v20 =	vshrl.u32 v9, $0x15;
	v14 =	vand.u32 $0x7FF, v14;
	v13 =	vand.u32 $0x7FF, v12  }
0x385: {  	v18 =	vshrl.u32 v11, $0x15;
	v12 =	vand.u32 $0x7FF, v16;
	v16 =	vshrl.u32 v19, $0x15  }
0x386: {  	v11 =	vand.u32 $0x7FF, v17;
	v17 =	vshrl.u32 v10, $0x15;
	v9 =	vand.u32 $0x7FF, v21  }
0x387: {  	s1 =	sadd.s32 $0x80, s1;
	v15 =	vshrl.u32 v15, $0x15;
	v10 =	vand.u32 $0x7FF, v22;
	v19 =	vshrl.u32 v23, $0x15  }
0x388: {  	vm0 =	veq.s32 v20, v6  }
0x389: {  	v13 =	vadd.s32 v1, v13;
	vm1 =	veq.s32 v18, v6  }
0x38a: {  	v14 =	vadd.s32 v1, v14;
	vm2 =	veq.s32 v16, v6  }
0x38b: {  	v12 =	vadd.s32 v1, v12;
	vm3 =	veq.s32 v17, v6  }
0x38c: {  	v11 =	vadd.s32 v1, v11;
	vm4 =	veq.s32 v19, v6  }
0x38d: {  	v7 =	vshrl.u32 v7, $0x15;
	v9 =	vadd.s32 v1, v9;
	vm5 =	veq.s32 v15, v6  }
0x38e: {  	v8 =	vand.u32 $0x7FF, v8;
	v10 =	vadd.s32 v1, v10;
	vm6 =	veq.s32 v7, v6;
	[tilespmem:v13+s26+$0x0] =	vst.idx.add.s32.msk vm0, v2  }
0x38f: {  	v7 =	vadd.s32 v1, v8;
	[tilespmem:v14+s26+$0x0] =	vst.idx.add.s32.msk vm1, v2  }
0x390: {  	[tilespmem:v12+s26+$0x0] =	vst.idx.add.s32.msk vm2, v2  }
0x391: {  	[tilespmem:v11+s26+$0x0] =	vst.idx.add.s32.msk vm3, v2  }
0x392: {  	[tilespmem:v9+s26+$0x0] =	vst.idx.add.s32.msk vm4, v2  }
0x393: {  	[tilespmem:v10+s26+$0x0] =	vst.idx.add.s32.msk vm5, v2  }
0x394: {  	[tilespmem:v7+s26+$0x0] =	vst.idx.add.s32.msk vm6, v2  }
0x395: {  	[tilespmem:s3], [sflag:$0x1] =	stream.strided.gather [hbm4b:s10+s22], $0x8000, s23, s22, $0x38;
	[tilespmem:$0x1C200] =	vst v63  }
0x396: {  	_ =	swait.ge [sflag:s28], $0x8000  }
0x397: {  	[sflag:s28] =	ssyncset.done $0x0  }
0x398: {  	s0 =	simm.s32 $0x8040;
	[sflag:s28] =	ssyncadd.s32 $0xFFFF8000  }
0x399: {  	v7 =	vld [tilespmem:s0+$0x30]  }
0x39a: {  	v8 =	vld [tilespmem:s0+$0xFFFFFFD0]  }
0x39b: {  	v9 =	vld [tilespmem:s0+$0xFFFFFFE0]  }
0x39c: {  	v11 =	vld [tilespmem:s0+$0x0]  }
0x39d: {  	v16 =	vld [tilespmem:s0+$0xFFFFFFC0];
	_ =	sdelay $0x1  }
0x39e: {  	v10 =	vld [tilespmem:s0+$0xFFFFFFF0];
	_ =	sdelay $0x1  }
0x39f: {  	v13 =	vshra.s32 v7, $0x1F;
	v14 =	vshra.s32 v8, $0x1F;
	v17 =	vshra.s32 v9, $0x1F  }
0x3a0: {  	v12 =	vld [tilespmem:s0+$0x10];
	v19 =	vshra.s32 v11, $0x1F;
	v20 =	vshra.s32 v16, $0x1F;
	v13 =	vor.u32 $0x80000000, v13  }
0x3a1: {  	v15 =	vld [tilespmem:s0+$0x20];
	v14 =	vor.u32 $0x80000000, v14;
	v20 =	vor.u32 $0x80000000, v20;
	v7 =	vxor.u32 v7, v13  }
0x3a2: {  	v13 =	vshra.s32 v10, $0x1F;
	v22 =	vxor.u32 v8, v14;
	v14 =	vxor.u32 v16, v20  }
0x3a3: {  	v18 =	vshrl.u32 v7, $0xA;
	v7 =	vshrl.u32 v7, $0x15;
	v13 =	vor.u32 $0x80000000, v13  }
0x3a4: {  	v20 =	vshrl.u32 v14, $0x15;
	v18 =	vand.u32 $0x7FF, v18;
	vm15 =	veq.s32 v7, v6  }
0x3a5: {  	v7 =	vor.u32 $0x80000000, v17;
	v17 =	vshra.s32 v12, $0x1F;
	v10 =	vxor.u32 v10, v13  }
0x3a6: {  	v21 =	vadd.s32 v1, v18;
	v18 =	vor.u32 $0x80000000, v19;
	v19 =	vshra.s32 v15, $0x1F  }
0x3a7: {  	v17 =	vor.u32 $0x80000000, v17;
	v9 =	vxor.u32 v9, v7;
	v19 =	vor.u32 $0x80000000, v19  }
0x3a8: {  	v23 =	vxor.u32 v11, v18;
	v11 =	vshrl.u32 v14, $0xA;
	v24 =	vxor.u32 v12, v17  }
0x3a9: {  	v12 =	vshrl.u32 v22, $0xA;
	v17 =	vshrl.u32 v10, $0xA;
	v18 =	vshrl.u32 v22, $0x15  }
0x3aa: {  	v16 =	vshrl.u32 v9, $0x15;
	v7 =	vxor.u32 v15, v19;
	v15 =	vshrl.u32 v9, $0xA  }
0x3ab: {  	v19 =	vshrl.u32 v23, $0xA;
	v25 =	vshrl.u32 v24, $0xA;
	v13 =	vand.u32 $0x7FF, v11  }
0x3ac: {  	v14 =	vand.u32 $0x7FF, v12;
	v11 =	vand.u32 $0x7FF, v17;
	v17 =	vshrl.u32 v10, $0x15  }
0x3ad: {  	v8 =	vshrl.u32 v7, $0xA;
	v12 =	vand.u32 $0x7FF, v15;
	v9 =	vand.u32 $0x7FF, v19  }
0x3ae: {  	s1 =	simm.s32 $0x80C0;
	s0 =	simm.s32 $0x0;
	v19 =	vshrl.u32 v23, $0x15;
	v10 =	vand.u32 $0x7FF, v25;
	v15 =	vshrl.u32 v24, $0x15;
	[tilespmem:v21+s26+$0x0] =	vst.idx.add.s32.msk vm15, v2  }
.LBB2_42:
0x3af: {  	v21 =	vld [tilespmem:s1+$0x30];
	s0 =	sadd.s32 $0x80, s0;
	vm4 =	veq.s32 v20, v6;
	v8 =	vand.u32 $0x7FF, v8;
	v7 =	vshrl.u32 v7, $0x15  }
0x3b0: {  	v13 =	vadd.s32 v1, v13;
	vm6 =	veq.s32 v18, v6;
	v14 =	vadd.s32 v1, v14;
	v20 =	vld [tilespmem:s1+$0xFFFFFFD0];
	p1 =	slt.u32 s0, $0x7F80  }
0x3b1: {  	vm5 =	veq.s32 v16, v6;
	v12 =	vadd.s32 v1, v12;
	vm3 =	veq.s32 v17, v6;
	v18 =	vld [tilespmem:s1+$0xFFFFFFE0]  }
0x3b2: {  	v11 =	vadd.s32 v1, v11;
	vm2 =	veq.s32 v19, v6;
	v9 =	vadd.s32 v1, v9;
	v16 =	vld [tilespmem:s1+$0xFFFFFFF0]  }
0x3b3: {  	vm1 =	veq.s32 v15, v6;
	v10 =	vadd.s32 v1, v10;
	vm0 =	veq.s32 v7, v6;
	v17 =	vld [tilespmem:s1+$0x0]  }
0x3b4: {  	v8 =	vadd.s32 v1, v8;
	v7 =	vld [tilespmem:s1+$0x10];
	v15 =	vshra.s32 v21, $0x1F  }
0x3b5: {  	v19 =	vshra.s32 v20, $0x1F;
	v22 =	vld [tilespmem:s1+$0x20];
	v15 =	vor.u32 $0x80000000, v15  }
0x3b6: {  	v23 =	vld [tilespmem:s1+$0xFFFFFFC0];
	v19 =	vor.u32 $0x80000000, v19;
	v24 =	vshra.s32 v18, $0x1F;
	v15 =	vxor.u32 v21, v15  }
0x3b7: {  	v21 =	vshra.s32 v16, $0x1F;
	v25 =	vshrl.u32 v15, $0xA;
	v15 =	vshrl.u32 v15, $0x15;
	[tilespmem:v13+s26+$0x0] =	vst.idx.add.s32.msk vm4, v2  }
0x3b8: {  	v13 =	vshra.s32 v17, $0x1F;
	v25 =	vand.u32 $0x7FF, v25;
	vm4 =	veq.s32 v15, v6;
	[tilespmem:v14+s26+$0x0] =	vst.idx.add.s32.msk vm6, v2  }
0x3b9: {  	v14 =	vor.u32 $0x80000000, v24;
	v15 =	vshra.s32 v7, $0x1F;
	v24 =	vadd.s32 v1, v25;
	[tilespmem:v12+s26+$0x0] =	vst.idx.add.s32.msk vm5, v2  }
0x3ba: {  	v12 =	vor.u32 $0x80000000, v21;
	v13 =	vor.u32 $0x80000000, v13;
	v21 =	vshra.s32 v22, $0x1F;
	[tilespmem:v11+s26+$0x0] =	vst.idx.add.s32.msk vm3, v2  }
0x3bb: {  	v15 =	vor.u32 $0x80000000, v15;
	v11 =	vshra.s32 v23, $0x1F;
	v21 =	vor.u32 $0x80000000, v21;
	[tilespmem:v9+s26+$0x0] =	vst.idx.add.s32.msk vm2, v2  }
0x3bc: {  	v9 =	vor.u32 $0x80000000, v11;
	v11 =	vxor.u32 v20, v19;
	v19 =	vxor.u32 v18, v14;
	[tilespmem:v10+s26+$0x0] =	vst.idx.add.s32.msk vm1, v2  }
0x3bd: {  	v10 =	vxor.u32 v16, v12;
	v9 =	vxor.u32 v23, v9;
	v23 =	vxor.u32 v17, v13  }
0x3be: {  	v15 =	vxor.u32 v7, v15;
	v7 =	vxor.u32 v22, v21;
	v12 =	vshrl.u32 v9, $0xA;
	[tilespmem:v24+s26+$0x0] =	vst.idx.add.s32.msk vm4, v2  }
0x3bf: {  	v14 =	vshrl.u32 v11, $0xA;
	v16 =	vshrl.u32 v19, $0xA;
	v17 =	vshrl.u32 v10, $0xA;
	[tilespmem:v8+s26+$0x0] =	vst.idx.add.s32.msk vm0, v2  }
.Ltmp20:
0x3c0: {  	v22 =	vshrl.u32 v15, $0xA;
	v21 =	vshrl.u32 v23, $0xA;
	v8 =	vshrl.u32 v7, $0xA;
	(pc) =	sbr.rel @p1 .LBB2_42-.Ltmp20, $4  }
0x3c1: {  	v20 =	vshrl.u32 v9, $0x15;
	v14 =	vand.u32 $0x7FF, v14;
	v13 =	vand.u32 $0x7FF, v12  }
0x3c2: {  	v18 =	vshrl.u32 v11, $0x15;
	v12 =	vand.u32 $0x7FF, v16;
	v16 =	vshrl.u32 v19, $0x15  }
0x3c3: {  	v11 =	vand.u32 $0x7FF, v17;
	v17 =	vshrl.u32 v10, $0x15;
	v9 =	vand.u32 $0x7FF, v21  }
0x3c4: {  	s1 =	sadd.s32 $0x80, s1;
	v15 =	vshrl.u32 v15, $0x15;
	v10 =	vand.u32 $0x7FF, v22;
	v19 =	vshrl.u32 v23, $0x15  }
0x3c5: {  	vm0 =	veq.s32 v20, v6  }
0x3c6: {  	v13 =	vadd.s32 v1, v13;
	vm1 =	veq.s32 v18, v6  }
0x3c7: {  	v14 =	vadd.s32 v1, v14;
	vm2 =	veq.s32 v16, v6  }
0x3c8: {  	v12 =	vadd.s32 v1, v12;
	vm3 =	veq.s32 v17, v6  }
0x3c9: {  	v11 =	vadd.s32 v1, v11;
	vm4 =	veq.s32 v19, v6  }
0x3ca: {  	v7 =	vshrl.u32 v7, $0x15;
	v9 =	vadd.s32 v1, v9;
	vm5 =	veq.s32 v15, v6  }
0x3cb: {  	v8 =	vand.u32 $0x7FF, v8;
	v10 =	vadd.s32 v1, v10;
	vm6 =	veq.s32 v7, v6;
	[tilespmem:v13+s26+$0x0] =	vst.idx.add.s32.msk vm0, v2  }
0x3cc: {  	v7 =	vadd.s32 v1, v8;
	[tilespmem:v14+s26+$0x0] =	vst.idx.add.s32.msk vm1, v2  }
0x3cd: {  	[tilespmem:v12+s26+$0x0] =	vst.idx.add.s32.msk vm2, v2  }
0x3ce: {  	[tilespmem:v11+s26+$0x0] =	vst.idx.add.s32.msk vm3, v2  }
0x3cf: {  	[tilespmem:v9+s26+$0x0] =	vst.idx.add.s32.msk vm4, v2  }
0x3d0: {  	[tilespmem:v10+s26+$0x0] =	vst.idx.add.s32.msk vm5, v2  }
0x3d1: {  	[tilespmem:v7+s26+$0x0] =	vst.idx.add.s32.msk vm6, v2  }
0x3d2: {  	[tilespmem:s24], [sflag:$0x2] =	stream.strided.gather [hbm4b:s11+s22], $0x8000, s23, s22, $0x38;
	[tilespmem:$0x1C200] =	vst v63  }
0x3d3: {  	_ =	swait.ge [sflag:s25], $0x8000  }
0x3d4: {  	[sflag:s25] =	ssyncset.done $0x0  }
0x3d5: {  	s0 =	simm.s32 $0x40;
	[sflag:s25] =	ssyncadd.s32 $0xFFFF8000  }
0x3d6: {  	v7 =	vld [tilespmem:s0+$0x30]  }
0x3d7: {  	v8 =	vld [tilespmem:s0+$0xFFFFFFD0]  }
0x3d8: {  	v9 =	vld [tilespmem:s0+$0xFFFFFFE0]  }
0x3d9: {  	v11 =	vld [tilespmem:s0+$0x0]  }
0x3da: {  	v16 =	vld [tilespmem:s0+$0xFFFFFFC0];
	_ =	sdelay $0x1  }
0x3db: {  	v10 =	vld [tilespmem:s0+$0xFFFFFFF0];
	_ =	sdelay $0x1  }
0x3dc: {  	v13 =	vshra.s32 v7, $0x1F;
	v14 =	vshra.s32 v8, $0x1F;
	v17 =	vshra.s32 v9, $0x1F  }
0x3dd: {  	v12 =	vld [tilespmem:s0+$0x10];
	v19 =	vshra.s32 v11, $0x1F;
	v20 =	vshra.s32 v16, $0x1F;
	v13 =	vor.u32 $0x80000000, v13  }
0x3de: {  	v15 =	vld [tilespmem:s0+$0x20];
	v14 =	vor.u32 $0x80000000, v14;
	v20 =	vor.u32 $0x80000000, v20;
	v7 =	vxor.u32 v7, v13  }
0x3df: {  	v13 =	vshra.s32 v10, $0x1F;
	v22 =	vxor.u32 v8, v14;
	v14 =	vxor.u32 v16, v20  }
0x3e0: {  	v18 =	vshrl.u32 v7, $0xA;
	v7 =	vshrl.u32 v7, $0x15;
	v13 =	vor.u32 $0x80000000, v13  }
0x3e1: {  	v20 =	vshrl.u32 v14, $0x15;
	v18 =	vand.u32 $0x7FF, v18;
	vm15 =	veq.s32 v7, v6  }
0x3e2: {  	v7 =	vor.u32 $0x80000000, v17;
	v17 =	vshra.s32 v12, $0x1F;
	v10 =	vxor.u32 v10, v13  }
0x3e3: {  	v21 =	vadd.s32 v1, v18;
	v18 =	vor.u32 $0x80000000, v19;
	v19 =	vshra.s32 v15, $0x1F  }
0x3e4: {  	v17 =	vor.u32 $0x80000000, v17;
	v9 =	vxor.u32 v9, v7;
	v19 =	vor.u32 $0x80000000, v19  }
0x3e5: {  	v23 =	vxor.u32 v11, v18;
	v11 =	vshrl.u32 v14, $0xA;
	v24 =	vxor.u32 v12, v17  }
0x3e6: {  	v12 =	vshrl.u32 v22, $0xA;
	v17 =	vshrl.u32 v10, $0xA;
	v18 =	vshrl.u32 v22, $0x15  }
0x3e7: {  	v16 =	vshrl.u32 v9, $0x15;
	v7 =	vxor.u32 v15, v19;
	v15 =	vshrl.u32 v9, $0xA  }
0x3e8: {  	v19 =	vshrl.u32 v23, $0xA;
	v25 =	vshrl.u32 v24, $0xA;
	v13 =	vand.u32 $0x7FF, v11  }
0x3e9: {  	v14 =	vand.u32 $0x7FF, v12;
	v11 =	vand.u32 $0x7FF, v17;
	v17 =	vshrl.u32 v10, $0x15  }
0x3ea: {  	v8 =	vshrl.u32 v7, $0xA;
	v12 =	vand.u32 $0x7FF, v15;
	v9 =	vand.u32 $0x7FF, v19  }
0x3eb: {  	s1 =	simm.s32 $0xC0;
	s0 =	simm.s32 $0x0;
	v19 =	vshrl.u32 v23, $0x15;
	v10 =	vand.u32 $0x7FF, v25;
	v15 =	vshrl.u32 v24, $0x15;
	[tilespmem:v21+s26+$0x0] =	vst.idx.add.s32.msk vm15, v2  }
.LBB2_44:
0x3ec: {  	v21 =	vld [tilespmem:s1+$0x30];
	s0 =	sadd.s32 $0x80, s0;
	vm4 =	veq.s32 v20, v6;
	v8 =	vand.u32 $0x7FF, v8;
	v7 =	vshrl.u32 v7, $0x15  }
0x3ed: {  	v13 =	vadd.s32 v1, v13;
	vm6 =	veq.s32 v18, v6;
	v14 =	vadd.s32 v1, v14;
	v20 =	vld [tilespmem:s1+$0xFFFFFFD0];
	p1 =	slt.u32 s0, $0x7F80  }
0x3ee: {  	vm5 =	veq.s32 v16, v6;
	v12 =	vadd.s32 v1, v12;
	vm3 =	veq.s32 v17, v6;
	v18 =	vld [tilespmem:s1+$0xFFFFFFE0]  }
0x3ef: {  	v11 =	vadd.s32 v1, v11;
	vm2 =	veq.s32 v19, v6;
	v9 =	vadd.s32 v1, v9;
	v16 =	vld [tilespmem:s1+$0xFFFFFFF0]  }
0x3f0: {  	vm1 =	veq.s32 v15, v6;
	v10 =	vadd.s32 v1, v10;
	vm0 =	veq.s32 v7, v6;
	v17 =	vld [tilespmem:s1+$0x0]  }
0x3f1: {  	v8 =	vadd.s32 v1, v8;
	v7 =	vld [tilespmem:s1+$0x10];
	v15 =	vshra.s32 v21, $0x1F  }
0x3f2: {  	v19 =	vshra.s32 v20, $0x1F;
	v22 =	vld [tilespmem:s1+$0x20];
	v15 =	vor.u32 $0x80000000, v15  }
0x3f3: {  	v23 =	vld [tilespmem:s1+$0xFFFFFFC0];
	v19 =	vor.u32 $0x80000000, v19;
	v24 =	vshra.s32 v18, $0x1F;
	v15 =	vxor.u32 v21, v15  }
0x3f4: {  	v21 =	vshra.s32 v16, $0x1F;
	v25 =	vshrl.u32 v15, $0xA;
	v15 =	vshrl.u32 v15, $0x15;
	[tilespmem:v13+s26+$0x0] =	vst.idx.add.s32.msk vm4, v2  }
0x3f5: {  	v13 =	vshra.s32 v17, $0x1F;
	v25 =	vand.u32 $0x7FF, v25;
	vm4 =	veq.s32 v15, v6;
	[tilespmem:v14+s26+$0x0] =	vst.idx.add.s32.msk vm6, v2  }
0x3f6: {  	v14 =	vor.u32 $0x80000000, v24;
	v15 =	vshra.s32 v7, $0x1F;
	v24 =	vadd.s32 v1, v25;
	[tilespmem:v12+s26+$0x0] =	vst.idx.add.s32.msk vm5, v2  }
0x3f7: {  	v12 =	vor.u32 $0x80000000, v21;
	v13 =	vor.u32 $0x80000000, v13;
	v21 =	vshra.s32 v22, $0x1F;
	[tilespmem:v11+s26+$0x0] =	vst.idx.add.s32.msk vm3, v2  }
0x3f8: {  	v15 =	vor.u32 $0x80000000, v15;
	v11 =	vshra.s32 v23, $0x1F;
	v21 =	vor.u32 $0x80000000, v21;
	[tilespmem:v9+s26+$0x0] =	vst.idx.add.s32.msk vm2, v2  }
0x3f9: {  	v9 =	vor.u32 $0x80000000, v11;
	v11 =	vxor.u32 v20, v19;
	v19 =	vxor.u32 v18, v14;
	[tilespmem:v10+s26+$0x0] =	vst.idx.add.s32.msk vm1, v2  }
0x3fa: {  	v10 =	vxor.u32 v16, v12;
	v9 =	vxor.u32 v23, v9;
	v23 =	vxor.u32 v17, v13  }
0x3fb: {  	v15 =	vxor.u32 v7, v15;
	v7 =	vxor.u32 v22, v21;
	v12 =	vshrl.u32 v9, $0xA;
	[tilespmem:v24+s26+$0x0] =	vst.idx.add.s32.msk vm4, v2  }
0x3fc: {  	v14 =	vshrl.u32 v11, $0xA;
	v16 =	vshrl.u32 v19, $0xA;
	v17 =	vshrl.u32 v10, $0xA;
	[tilespmem:v8+s26+$0x0] =	vst.idx.add.s32.msk vm0, v2  }
.Ltmp21:
0x3fd: {  	v22 =	vshrl.u32 v15, $0xA;
	v21 =	vshrl.u32 v23, $0xA;
	v8 =	vshrl.u32 v7, $0xA;
	(pc) =	sbr.rel @p1 .LBB2_44-.Ltmp21, $4  }
0x3fe: {  	v20 =	vshrl.u32 v9, $0x15;
	v14 =	vand.u32 $0x7FF, v14;
	v13 =	vand.u32 $0x7FF, v12  }
0x3ff: {  	v18 =	vshrl.u32 v11, $0x15;
	v12 =	vand.u32 $0x7FF, v16;
	v16 =	vshrl.u32 v19, $0x15  }
0x400: {  	v11 =	vand.u32 $0x7FF, v17;
	v17 =	vshrl.u32 v10, $0x15;
	v9 =	vand.u32 $0x7FF, v21  }
0x401: {  	s1 =	sadd.s32 $0x80, s1;
	v15 =	vshrl.u32 v15, $0x15;
	v10 =	vand.u32 $0x7FF, v22;
	v19 =	vshrl.u32 v23, $0x15  }
0x402: {  	vm0 =	veq.s32 v20, v6  }
0x403: {  	v13 =	vadd.s32 v1, v13;
	vm1 =	veq.s32 v18, v6  }
0x404: {  	v14 =	vadd.s32 v1, v14;
	vm2 =	veq.s32 v16, v6  }
0x405: {  	v12 =	vadd.s32 v1, v12;
	vm3 =	veq.s32 v17, v6  }
0x406: {  	v11 =	vadd.s32 v1, v11;
	vm4 =	veq.s32 v19, v6  }
0x407: {  	v7 =	vshrl.u32 v7, $0x15;
	v9 =	vadd.s32 v1, v9;
	vm5 =	veq.s32 v15, v6  }
0x408: {  	v8 =	vand.u32 $0x7FF, v8;
	v10 =	vadd.s32 v1, v10;
	vm6 =	veq.s32 v7, v6;
	[tilespmem:v13+s26+$0x0] =	vst.idx.add.s32.msk vm0, v2  }
0x409: {  	v7 =	vadd.s32 v1, v8;
	[tilespmem:v14+s26+$0x0] =	vst.idx.add.s32.msk vm1, v2  }
0x40a: {  	[tilespmem:v12+s26+$0x0] =	vst.idx.add.s32.msk vm2, v2  }
0x40b: {  	[tilespmem:v11+s26+$0x0] =	vst.idx.add.s32.msk vm3, v2  }
0x40c: {  	[tilespmem:v9+s26+$0x0] =	vst.idx.add.s32.msk vm4, v2  }
0x40d: {  	[tilespmem:v10+s26+$0x0] =	vst.idx.add.s32.msk vm5, v2  }
0x40e: {  	[tilespmem:v7+s26+$0x0] =	vst.idx.add.s32.msk vm6, v2  }
0x40f: {  	_ =	swait.ge [sflag:s28], $0x8000  }
0x410: {  	[sflag:s28] =	ssyncset.done $0x0  }
0x411: {  	s0 =	simm.s32 $0x8040;
	[sflag:s28] =	ssyncadd.s32 $0xFFFF8000  }
0x412: {  	v7 =	vld [tilespmem:s0+$0x30]  }
0x413: {  	v8 =	vld [tilespmem:s0+$0xFFFFFFD0]  }
0x414: {  	v9 =	vld [tilespmem:s0+$0xFFFFFFE0]  }
0x415: {  	v11 =	vld [tilespmem:s0+$0x0]  }
0x416: {  	v16 =	vld [tilespmem:s0+$0xFFFFFFC0];
	_ =	sdelay $0x1  }
0x417: {  	v10 =	vld [tilespmem:s0+$0xFFFFFFF0];
	_ =	sdelay $0x1  }
0x418: {  	v13 =	vshra.s32 v7, $0x1F;
	v14 =	vshra.s32 v8, $0x1F;
	v17 =	vshra.s32 v9, $0x1F  }
0x419: {  	v12 =	vld [tilespmem:s0+$0x10];
	v19 =	vshra.s32 v11, $0x1F;
	v20 =	vshra.s32 v16, $0x1F;
	v13 =	vor.u32 $0x80000000, v13  }
0x41a: {  	v15 =	vld [tilespmem:s0+$0x20];
	v14 =	vor.u32 $0x80000000, v14;
	v20 =	vor.u32 $0x80000000, v20;
	v7 =	vxor.u32 v7, v13  }
0x41b: {  	v13 =	vshra.s32 v10, $0x1F;
	v22 =	vxor.u32 v8, v14;
	v14 =	vxor.u32 v16, v20  }
0x41c: {  	v18 =	vshrl.u32 v7, $0xA;
	v7 =	vshrl.u32 v7, $0x15;
	v13 =	vor.u32 $0x80000000, v13  }
0x41d: {  	v20 =	vshrl.u32 v14, $0x15;
	v18 =	vand.u32 $0x7FF, v18;
	vm15 =	veq.s32 v7, v6  }
0x41e: {  	v7 =	vor.u32 $0x80000000, v17;
	v17 =	vshra.s32 v12, $0x1F;
	v10 =	vxor.u32 v10, v13  }
0x41f: {  	v21 =	vadd.s32 v1, v18;
	v18 =	vor.u32 $0x80000000, v19;
	v19 =	vshra.s32 v15, $0x1F  }
0x420: {  	v17 =	vor.u32 $0x80000000, v17;
	v9 =	vxor.u32 v9, v7;
	v19 =	vor.u32 $0x80000000, v19  }
0x421: {  	v23 =	vxor.u32 v11, v18;
	v11 =	vshrl.u32 v14, $0xA;
	v24 =	vxor.u32 v12, v17  }
0x422: {  	v12 =	vshrl.u32 v22, $0xA;
	v17 =	vshrl.u32 v10, $0xA;
	v18 =	vshrl.u32 v22, $0x15  }
0x423: {  	v16 =	vshrl.u32 v9, $0x15;
	v7 =	vxor.u32 v15, v19;
	v15 =	vshrl.u32 v9, $0xA  }
0x424: {  	v19 =	vshrl.u32 v23, $0xA;
	v25 =	vshrl.u32 v24, $0xA;
	v13 =	vand.u32 $0x7FF, v11  }
0x425: {  	v14 =	vand.u32 $0x7FF, v12;
	v11 =	vand.u32 $0x7FF, v17;
	v17 =	vshrl.u32 v10, $0x15  }
0x426: {  	v8 =	vshrl.u32 v7, $0xA;
	v12 =	vand.u32 $0x7FF, v15;
	v9 =	vand.u32 $0x7FF, v19  }
0x427: {  	s1 =	simm.s32 $0x80C0;
	s0 =	simm.s32 $0x0;
	v19 =	vshrl.u32 v23, $0x15;
	v10 =	vand.u32 $0x7FF, v25;
	v15 =	vshrl.u32 v24, $0x15;
	[tilespmem:v21+s26+$0x0] =	vst.idx.add.s32.msk vm15, v2  }
.LBB2_46:
0x428: {  	v21 =	vld [tilespmem:s1+$0x30];
	s0 =	sadd.s32 $0x80, s0;
	vm4 =	veq.s32 v20, v6;
	v8 =	vand.u32 $0x7FF, v8;
	v7 =	vshrl.u32 v7, $0x15  }
0x429: {  	v13 =	vadd.s32 v1, v13;
	vm6 =	veq.s32 v18, v6;
	v14 =	vadd.s32 v1, v14;
	v20 =	vld [tilespmem:s1+$0xFFFFFFD0];
	p1 =	slt.u32 s0, $0x7F80  }
0x42a: {  	vm5 =	veq.s32 v16, v6;
	v12 =	vadd.s32 v1, v12;
	vm3 =	veq.s32 v17, v6;
	v18 =	vld [tilespmem:s1+$0xFFFFFFE0]  }
0x42b: {  	v11 =	vadd.s32 v1, v11;
	vm2 =	veq.s32 v19, v6;
	v9 =	vadd.s32 v1, v9;
	v16 =	vld [tilespmem:s1+$0xFFFFFFF0]  }
0x42c: {  	vm1 =	veq.s32 v15, v6;
	v10 =	vadd.s32 v1, v10;
	vm0 =	veq.s32 v7, v6;
	v17 =	vld [tilespmem:s1+$0x0]  }
0x42d: {  	v8 =	vadd.s32 v1, v8;
	v7 =	vld [tilespmem:s1+$0x10];
	v15 =	vshra.s32 v21, $0x1F  }
0x42e: {  	v19 =	vshra.s32 v20, $0x1F;
	v22 =	vld [tilespmem:s1+$0x20];
	v15 =	vor.u32 $0x80000000, v15  }
0x42f: {  	v23 =	vld [tilespmem:s1+$0xFFFFFFC0];
	v19 =	vor.u32 $0x80000000, v19;
	v24 =	vshra.s32 v18, $0x1F;
	v15 =	vxor.u32 v21, v15  }
0x430: {  	v21 =	vshra.s32 v16, $0x1F;
	v25 =	vshrl.u32 v15, $0xA;
	v15 =	vshrl.u32 v15, $0x15;
	[tilespmem:v13+s26+$0x0] =	vst.idx.add.s32.msk vm4, v2  }
0x431: {  	v13 =	vshra.s32 v17, $0x1F;
	v25 =	vand.u32 $0x7FF, v25;
	vm4 =	veq.s32 v15, v6;
	[tilespmem:v14+s26+$0x0] =	vst.idx.add.s32.msk vm6, v2  }
0x432: {  	v14 =	vor.u32 $0x80000000, v24;
	v15 =	vshra.s32 v7, $0x1F;
	v24 =	vadd.s32 v1, v25;
	[tilespmem:v12+s26+$0x0] =	vst.idx.add.s32.msk vm5, v2  }
0x433: {  	v12 =	vor.u32 $0x80000000, v21;
	v13 =	vor.u32 $0x80000000, v13;
	v21 =	vshra.s32 v22, $0x1F;
	[tilespmem:v11+s26+$0x0] =	vst.idx.add.s32.msk vm3, v2  }
0x434: {  	v15 =	vor.u32 $0x80000000, v15;
	v11 =	vshra.s32 v23, $0x1F;
	v21 =	vor.u32 $0x80000000, v21;
	[tilespmem:v9+s26+$0x0] =	vst.idx.add.s32.msk vm2, v2  }
0x435: {  	v9 =	vor.u32 $0x80000000, v11;
	v11 =	vxor.u32 v20, v19;
	v19 =	vxor.u32 v18, v14;
	[tilespmem:v10+s26+$0x0] =	vst.idx.add.s32.msk vm1, v2  }
0x436: {  	v10 =	vxor.u32 v16, v12;
	v9 =	vxor.u32 v23, v9;
	v23 =	vxor.u32 v17, v13  }
0x437: {  	v15 =	vxor.u32 v7, v15;
	v7 =	vxor.u32 v22, v21;
	v12 =	vshrl.u32 v9, $0xA;
	[tilespmem:v24+s26+$0x0] =	vst.idx.add.s32.msk vm4, v2  }
0x438: {  	v14 =	vshrl.u32 v11, $0xA;
	v16 =	vshrl.u32 v19, $0xA;
	v17 =	vshrl.u32 v10, $0xA;
	[tilespmem:v8+s26+$0x0] =	vst.idx.add.s32.msk vm0, v2  }
.Ltmp22:
0x439: {  	v22 =	vshrl.u32 v15, $0xA;
	v21 =	vshrl.u32 v23, $0xA;
	v8 =	vshrl.u32 v7, $0xA;
	(pc) =	sbr.rel @p1 .LBB2_46-.Ltmp22, $4  }
0x43a: {  	v20 =	vshrl.u32 v9, $0x15;
	v14 =	vand.u32 $0x7FF, v14;
	v13 =	vand.u32 $0x7FF, v12  }
0x43b: {  	v18 =	vshrl.u32 v11, $0x15;
	v12 =	vand.u32 $0x7FF, v16;
	v16 =	vshrl.u32 v19, $0x15  }
0x43c: {  	v11 =	vand.u32 $0x7FF, v17;
	v17 =	vshrl.u32 v10, $0x15;
	v9 =	vand.u32 $0x7FF, v21  }
0x43d: {  	s1 =	sadd.s32 $0x80, s1;
	v15 =	vshrl.u32 v15, $0x15;
	v10 =	vand.u32 $0x7FF, v22;
	v19 =	vshrl.u32 v23, $0x15  }
0x43e: {  	vm0 =	veq.s32 v20, v6  }
0x43f: {  	v13 =	vadd.s32 v1, v13;
	vm1 =	veq.s32 v18, v6  }
0x440: {  	v14 =	vadd.s32 v1, v14;
	vm2 =	veq.s32 v16, v6  }
0x441: {  	v12 =	vadd.s32 v1, v12;
	vm3 =	veq.s32 v17, v6  }
0x442: {  	v11 =	vadd.s32 v1, v11;
	vm4 =	veq.s32 v19, v6  }
0x443: {  	v7 =	vshrl.u32 v7, $0x15;
	v9 =	vadd.s32 v1, v9;
	vm5 =	veq.s32 v15, v6  }
0x444: {  	v8 =	vand.u32 $0x7FF, v8;
	v10 =	vadd.s32 v1, v10;
	vm6 =	veq.s32 v7, v6;
	[tilespmem:v13+s26+$0x0] =	vst.idx.add.s32.msk vm0, v2  }
0x445: {  	v6 =	vadd.s32 v1, v8;
	[tilespmem:v14+s26+$0x0] =	vst.idx.add.s32.msk vm1, v2  }
0x446: {  	[tilespmem:v12+s26+$0x0] =	vst.idx.add.s32.msk vm2, v2  }
0x447: {  	[tilespmem:v11+s26+$0x0] =	vst.idx.add.s32.msk vm3, v2  }
0x448: {  	[tilespmem:v9+s26+$0x0] =	vst.idx.add.s32.msk vm4, v2  }
0x449: {  	[tilespmem:v10+s26+$0x0] =	vst.idx.add.s32.msk vm5, v2  }
0x44a: {  	s0 =	simm.s32 $0x0;
	[tilespmem:v6+s26+$0x0] =	vst.idx.add.s32.msk vm6, v2  }
0x44b: {  	v6 =	vld [tilespmem:s0+$0x10010]  }
0x44c: {  	v7 =	vld [tilespmem:s0+$0x10811]  }
0x44d: {  	v8 =	vld [tilespmem:s0+$0x11012]  }
0x44e: {  	v9 =	vld [tilespmem:s0+$0x11813]  }
0x44f: {  	v10 =	vld [tilespmem:s0+$0x12014]  }
0x450: {  	v11 =	vld [tilespmem:s0+$0x12815]  }
0x451: {  	v12 =	vld [tilespmem:s0+$0x13016]  }
0x452: {  	v13 =	vld [tilespmem:s0+$0x13817]  }
0x453: {  	v14 =	vld [tilespmem:s0+$0x14018]  }
0x454: {  	v55 =	vld [tilespmem:s0+$0x14819]  }
0x455: {  	v56 =	vld [tilespmem:s0+$0x1501A]  }
0x456: {  	v57 =	vld [tilespmem:s0+$0x1581B]  }
0x457: {  	v58 =	vld [tilespmem:s0+$0x1601C]  }
0x458: {  	v59 =	vld [tilespmem:s0+$0x1681D]  }
0x459: {  	v60 =	vld [tilespmem:s0+$0x1701E]  }
0x45a: {  	v21 =	vld [tilespmem:s0+$0x1781F];
	v6 =	vadd.s32 v6, v7  }
0x45b: {  	v7 =	vld [tilespmem:s0+$0x10000];
	v6 =	vadd.s32 v8, v6  }
0x45c: {  	v8 =	vld [tilespmem:s0+$0x10801];
	v6 =	vadd.s32 v9, v6  }
0x45d: {  	v9 =	vld [tilespmem:s0+$0x11002];
	v6 =	vadd.s32 v10, v6  }
0x45e: {  	v10 =	vld [tilespmem:s0+$0x11803];
	v6 =	vadd.s32 v11, v6  }
0x45f: {  	v11 =	vld [tilespmem:s0+$0x12004];
	v6 =	vadd.s32 v12, v6  }
0x460: {  	v61 =	vld [tilespmem:s0+$0x12805];
	v6 =	vadd.s32 v13, v6  }
0x461: {  	v7 =	vadd.s32 v7, v8;
	v8 =	vld [tilespmem:s0+$0x13006];
	v6 =	vadd.s32 v14, v6  }
0x462: {  	v7 =	vadd.s32 v9, v7;
	v9 =	vld [tilespmem:s0+$0x13807];
	v6 =	vadd.s32 v55, v6  }
0x463: {  	v7 =	vadd.s32 v10, v7;
	v10 =	vld [tilespmem:s0+$0x14008];
	v6 =	vadd.s32 v56, v6  }
0x464: {  	v7 =	vadd.s32 v11, v7;
	v11 =	vld [tilespmem:s0+$0x14809];
	v6 =	vadd.s32 v57, v6  }
0x465: {  	v12 =	vadd.s32 v61, v7;
	v7 =	vld [tilespmem:s0+$0x1500A];
	v6 =	vadd.s32 v58, v6  }
0x466: {  	v8 =	vadd.s32 v8, v12;
	v62 =	vadd.s32 v59, v6;
	v6 =	vld [tilespmem:s0+$0x1580B]  }
0x467: {  	v9 =	vadd.s32 v9, v8;
	v8 =	vld [tilespmem:s0+$0x1600C];
	v63 =	vadd.s32 v60, v62  }
0x468: {  	v10 =	vadd.s32 v10, v9;
	v9 =	vld [tilespmem:s0+$0x1680D];
	v12 =	vadd.s32 v21, v63  }
0x469: {  	s1 =	simm.s32 $0x0;
	s12 =	simm.s32 $0x80;
	v11 =	vadd.s32 v11, v10;
	v10 =	vld [tilespmem:s0+$0x1700E];
	[tilespmem:s0+$0x18090] =	vst v12  }
.LBB2_48:
0x46a: {  	s13 =	sshra.s32 s12, $0x2;
	v7 =	vadd.s32 v7, v11;
	v11 =	vld [tilespmem:s0+$0x1780F]  }
0x46b: {  	s1 =	sadd.s32 $0x20, s1;
	v12 =	vld [tilespmem:s13+$0x10010];
	v6 =	vadd.s32 v6, v7  }
0x46c: {  	p1 =	slt.u32 s1, $0x7E0;
	v7 =	vld [tilespmem:s13+$0x10811];
	v6 =	vadd.s32 v8, v6  }
0x46d: {  	v8 =	vld [tilespmem:s13+$0x11012];
	v6 =	vadd.s32 v9, v6  }
0x46e: {  	v9 =	vld [tilespmem:s13+$0x11813];
	v6 =	vadd.s32 v10, v6  }
0x46f: {  	v10 =	vld [tilespmem:s13+$0x12014];
	v6 =	vadd.s32 v11, v6  }
0x470: {  	v11 =	vld [tilespmem:s13+$0x12815];
	[tilespmem:s0+$0x18080] =	vst v6;
	s0 =	smov.u32 s13  }
0x471: {  	v6 =	vadd.s32 v12, v7;
	v7 =	vld [tilespmem:s0+$0x13016]  }
0x472: {  	v6 =	vadd.s32 v8, v6;
	v8 =	vld [tilespmem:s0+$0x13817]  }
0x473: {  	v6 =	vadd.s32 v9, v6;
	v9 =	vld [tilespmem:s0+$0x14018]  }
0x474: {  	v6 =	vadd.s32 v10, v6;
	v10 =	vld [tilespmem:s0+$0x14819]  }
0x475: {  	v6 =	vadd.s32 v11, v6;
	v11 =	vld [tilespmem:s0+$0x1501A]  }
0x476: {  	v6 =	vadd.s32 v7, v6;
	v7 =	vld [tilespmem:s0+$0x1581B]  }
0x477: {  	v6 =	vadd.s32 v8, v6;
	v8 =	vld [tilespmem:s0+$0x1601C]  }
0x478: {  	v6 =	vadd.s32 v9, v6;
	v9 =	vld [tilespmem:s0+$0x1681D]  }
0x479: {  	v6 =	vadd.s32 v10, v6;
	v10 =	vld [tilespmem:s0+$0x1701E]  }
0x47a: {  	v6 =	vadd.s32 v11, v6;
	v11 =	vld [tilespmem:s0+$0x1781F]  }
0x47b: {  	v12 =	vld [tilespmem:s0+$0x10000];
	v6 =	vadd.s32 v7, v6  }
0x47c: {  	v7 =	vld [tilespmem:s0+$0x10801];
	v6 =	vadd.s32 v8, v6  }
0x47d: {  	v8 =	vld [tilespmem:s0+$0x11002];
	v6 =	vadd.s32 v9, v6  }
0x47e: {  	v9 =	vld [tilespmem:s0+$0x11803];
	v6 =	vadd.s32 v10, v6  }
0x47f: {  	v10 =	vld [tilespmem:s0+$0x12004];
	v6 =	vadd.s32 v11, v6  }
0x480: {  	v11 =	vld [tilespmem:s0+$0x12805];
	[tilespmem:s0+$0x18090] =	vst v6  }
0x481: {  	v6 =	vadd.s32 v12, v7;
	v12 =	vld [tilespmem:s0+$0x13006]  }
0x482: {  	v6 =	vadd.s32 v8, v6;
	v8 =	vld [tilespmem:s0+$0x13807]  }
0x483: {  	v6 =	vadd.s32 v9, v6;
	v9 =	vld [tilespmem:s0+$0x14008]  }
0x484: {  	v6 =	vadd.s32 v10, v6;
	v10 =	vld [tilespmem:s0+$0x14809]  }
.Ltmp23:
0x485: {  	v6 =	vadd.s32 v11, v6;
	v7 =	vld [tilespmem:s0+$0x1500A];
	(pc) =	sbr.rel @p1 .LBB2_48-.Ltmp23, $4  }
0x486: {  	v11 =	vadd.s32 v12, v6;
	v6 =	vld [tilespmem:s0+$0x1580B]  }
0x487: {  	v11 =	vadd.s32 v8, v11;
	v8 =	vld [tilespmem:s0+$0x1600C]  }
0x488: {  	v11 =	vadd.s32 v9, v11;
	v9 =	vld [tilespmem:s0+$0x1680D]  }
0x489: {  	s12 =	sadd.s32 $0x80, s12;
	v11 =	vadd.s32 v10, v11;
	v10 =	vld [tilespmem:s0+$0x1700E]  }
0x48a: {  	v7 =	vadd.s32 v7, v11;
	v62 =	vld [tilespmem:s0+$0x1780F]  }
0x48b: {  	v6 =	vadd.s32 v6, v7  }
0x48c: {  	v6 =	vadd.s32 v8, v6  }
0x48d: {  	v6 =	vadd.s32 v9, v6  }
0x48e: {  	v6 =	vadd.s32 v10, v6  }
0x48f: {  	v6 =	vadd.s32 v62, v6  }
0x490: {  	[tilespmem:s0+$0x18080] =	vst v6  }
0x491: {  	s0 =	rddreg [dreg:$0x9]  }
0x492: {  	[spmem:s0] =	stream.strided.scatter [tilespmem:s29], [sflag:$0x3], $0x800, s23, s22, $0x38;
	[tilespmem:$0x1C200] =	vst v63  }
0x493: {  	_ =	swait.ge [sflag:s21], $0x800  }
0x494: {  	[sflag:s21] =	ssyncset.done $0x0  }
0x495: {  	[sflag:s21] =	ssyncadd.s32 $0xFFFFF800  }
0x496: {  	[bflag:$0x0] =	sbarrier.arrive $0xFFFF  }
0x497: {  	s16 =	simm.s32 $0x0;
	s15 =	rddreg [dreg:$0xa]  }
0x498: {  	[tilespmem:s31], [sflag:$0x3] =	stream.strided.gather [spmem:s15], $0x2000, s23, s30, $0x38;
	[tilespmem:$0x1C200] =	vst v63  }
0x499: {  	s1 =	sand.u32 $0x70, s16;
	s0 =	sand.u32 $0x1E00, s16;
	_ =	swait.ge [sflag:s21], $0x2000  }
0x49a: {  	s0 =	sor.u32 s1, s0;
	[sflag:s21] =	ssyncset.done $0x0  }
0x49b: {  	s1 =	sadd.s32 $0x18900, s0;
	[sflag:s21] =	ssyncadd.s32 $0xFFFFE000  }
0x49c: {  	v6 =	vld [tilespmem:s1+$0x80]  }
0x49d: {  	v7 =	vld [tilespmem:s0+$0x18900]  }
0x49e: {  	v8 =	vld [tilespmem:s1+$0x100]  }
0x49f: {  	v63 =	vld [tilespmem:s1+$0x180];
	_ =	sdelay $0x2  }
0x4a0: {  	s20 =	simm.s32 $0x10;
	s0 =	simm.s32 $0x40;
	v6 =	vadd.s32 v7, v6  }
0x4a1: {  	s1 =	sand.u32 $0x70, s20;
	s12 =	sand.u32 $0x1E00, s0;
	v6 =	vadd.s32 v8, v6  }
0x4a2: {  	s13 =	simm.s32 $0x0;
	s12 =	sor.u32 s1, s12;
	s1 =	simm.s32 $0x20;
	v6 =	vadd.s32 v63, v6  }
.LBB2_50:
0x4a3: {  	p1 =	sne.s32 s1, $0x7F0;
	s14 =	sadd.s32 $0x18900, s12;
	[tilespmem:s13+$0x18080] =	vst v6;
	s13 =	smov.u32 s0  }
0x4a4: {  	v6 =	vld [tilespmem:s14+$0x80]  }
0x4a5: {  	v7 =	vld [tilespmem:s12+$0x18900]  }
0x4a6: {  	v8 =	vld [tilespmem:s14+$0x100]  }
0x4a7: {  	v9 =	vld [tilespmem:s14+$0x180]  }
.Ltmp24:
0x4a8: {  	(pc) =	sbr.rel @p1 .LBB2_50-.Ltmp24, $4  }
0x4a9: {  	_ = 	snop  }
0x4aa: {  	s0 =	sadd.s32 $0x40, s0;
	v6 =	vadd.s32 v7, v6  }
0x4ab: {  	s12 =	sand.u32 $0x70, s1;
	s14 =	sand.u32 $0x1E00, s0;
	v6 =	vadd.s32 v8, v6  }
0x4ac: {  	s13 =	sshra.s32 s13, $0x2;
	s1 =	sadd.s32 $0x10, s1;
	s12 =	sor.u32 s12, s14;
	v6 =	vadd.s32 v9, v6  }
0x4ad: {  	s1 =	sadd.s32 $0x18900, s12;
	[tilespmem:s13+$0x18080] =	vst v6  }
0x4ae: {  	v6 =	vld [tilespmem:s1+$0x80]  }
0x4af: {  	v7 =	vld [tilespmem:s12+$0x18900]  }
0x4b0: {  	v8 =	vld [tilespmem:s1+$0x100]  }
0x4b1: {  	v9 =	vld [tilespmem:s1+$0x180];
	_ =	sdelay $0x2  }
0x4b2: {  	v6 =	vadd.s32 v7, v6  }
0x4b3: {  	v6 =	vadd.s32 v8, v6  }
0x4b4: {  	s0 =	sshra.s32 s0, $0x2;
	v6 =	vadd.s32 v9, v6  }
0x4b5: {  	s13 =	simm.s32 $0x0;
	[tilespmem:s0+$0x18080] =	vst v6  }
0x4b6: {  	v6 =	vld [tilespmem:s13+$0x18080];
	_ =	sdelay $0x2  }
0x4b7: {  	v5 =	vxor.u32 $0x80000000, v5  }
0x4b8: {  	(xrf0) =	vmax.scan.msk.u32 $0xffff, v5  }
0x4b9: {  	(xrf0) =	vadd.scan.msk.s32 $0xffff, v6;
	_ =	sdelay $0x4  }
0x4ba: {  	v5, _, _ =	vpop (xrf0)  }
0x4bb: {  	v6 =	vimm.s32 $0x0;
	v7, _, _ =	vpop (xrf0)  }
0x4bc: {  	v7 =	vadd.s32 v6, v7  }
0x4bd: {  	v8 =	vxor.u32 $0x80000000, v7  }
0x4be: {  	(v2sf) =	vpush v3, $0x0;
	(xrf0) =	vmax.scan.msk.u32 $0xffff, v8  }
0x4bf: {  	(v2sf) =	vpush v5, $0xF;
	_ =	sdelay $0x4  }
0x4c0: {  	v3, _, _ =	vpop (xrf0)  }
0x4c1: {  	(v2sf) =	vpush v3, $0xF;
	_ =	sdelay $0x4  }
0x4c2: {  	s16 =	simm.s32 $0x10  }
0x4c3: {  	v8 =	vld [tilespmem:s16+$0x18080];
	_ =	sdelay $0x1  }
0x4c4: {  	s14 =	spop (v2sf)  }
0x4c5: {  	s15 =	spop (v2sf)  }
0x4c6: {  	s1 =	sxor.u32 $0x80000000, s15  }
0x4c7: {  	s0 =	ssub.s32 s14, s1;
	(xrf0) =	vadd.scan.msk.s32 $0xffff, v8  }
0x4c8: {  	v3 =	vmov s0  }
0x4c9: {  	vm0 =	vle.s32 v7, v3  }
0x4ca: {  	v7 =	vnsel vm0, $0x0, v7  }
0x4cb: {  	v5 =	vsel vm0, $0x1, v0;
	vm15 =	vgt.s32 v6, v7;
	s20 =	spop (v2sf)  }
0x4cc: {  	s1 =	simm.s32 $0x80;
	v5 =	vadd.s32 v5, v6;
	v6 =	vsel vm15, v6, v7;
	s12 =	sxor.u32 $0x80000000, s20  }
.LBB2_52:
0x4cd: {  	p1 =	sne.s32 s1, $0x1FC0;
	v7, _, _ =	vpop (xrf0);
	v8 =	vmov s12;
	s12 =	smov.u32 s1;
	s1 =	sadd.s32 $0x40, s1  }
0x4ce: {  	v7 =	vadd.s32 v8, v7  }
0x4cf: {  	vm0 =	vle.s32 v7, v3;
	v8 =	vxor.u32 $0x80000000, v7  }
0x4d0: {  	v9 =	vsel vm0, $0x1, v0;
	v7 =	vnsel vm0, $0x0, v7;
	(xrf0) =	vmax.scan.msk.u32 $0xffff, v8  }
0x4d1: {  	v5 =	vadd.s32 v9, v5;
	vm0 =	vgt.s32 v6, v7  }
0x4d2: {  	v6 =	vsel vm0, v6, v7;
	_ =	sdelay $0x3  }
0x4d3: {  	v7, _, _ =	vpop (xrf0)  }
0x4d4: {  	(v2sf) =	vpush v7, $0xF;
	_ =	sdelay $0x4  }
0x4d5: {  	s12 =	sshra.s32 s12, $0x2  }
0x4d6: {  	v7 =	vld [tilespmem:s12+$0x18080];
	_ =	sdelay $0x4  }
0x4d7: {  	(xrf0) =	vadd.scan.msk.s32 $0xffff, v7  }
.Ltmp25:
0x4d8: {  	(pc) =	sbr.rel @p1 .LBB2_52-.Ltmp25, $3  }
0x4d9: {  	_ =	sdelay $0x1  }
0x4da: {  	s12 =	spop (v2sf)  }
0x4db: {  	s12 =	sxor.u32 $0x80000000, s12  }
0x4dc: {  	v7, _, _ =	vpop (xrf0);
	v8 =	vmov s12  }
0x4dd: {  	v7 =	vadd.s32 v8, v7  }
0x4de: {  	v8 =	vxor.u32 $0x80000000, v7  }
0x4df: {  	(xrf0) =	vmax.scan.msk.u32 $0xffff, v8;
	_ =	sdelay $0x5  }
0x4e0: {  	v8, _, _ =	vpop (xrf0)  }
0x4e1: {  	(v2sf) =	vpush v8, $0xF;
	_ =	sdelay $0x7  }
0x4e2: {  	s1 =	simm.s32 $0x10040  }
0x4e3: {  	[tilespmem:s1+$0xFFFFFFC0] =	vst v0  }
0x4e4: {  	[tilespmem:s1+$0x30] =	vst v0  }
0x4e5: {  	[tilespmem:s1+$0x20] =	vst v0  }
0x4e6: {  	[tilespmem:s1+$0x10] =	vst v0;
	vm0 =	vle.s32 v7, v3  }
0x4e7: {  	[tilespmem:s1+$0x0] =	vst v0;
	v3 =	vnsel vm0, $0x0, v7  }
0x4e8: {  	[tilespmem:s1+$0xFFFFFFF0] =	vst v0;
	v7 =	vsel vm0, $0x1, v0;
	vm15 =	vgt.s32 v6, v3  }
0x4e9: {  	s12 =	simm.s32 $0x0;
	[tilespmem:s1+$0xFFFFFFE0] =	vst v0;
	v5 =	vadd.s32 v7, v5;
	v3 =	vsel vm15, v6, v3;
	s20 =	spop (v2sf)  }
.LBB2_54:
0x4ea: {  	s12 =	sadd.s32 $0x80, s12;
	[tilespmem:s1+$0xFFFFFFD0] =	vst v0;
	s1 =	sadd.s32 $0x80, s1  }
0x4eb: {  	[tilespmem:s1+$0xFFFFFFC0] =	vst v0;
	p1 =	slt.u32 s12, $0x7F80  }
0x4ec: {  	[tilespmem:s1+$0x30] =	vst v0  }
.Ltmp26:
0x4ed: {  	[tilespmem:s1+$0x20] =	vst v0;
	(pc) =	sbr.rel @p1 .LBB2_54-.Ltmp26, $4  }
0x4ee: {  	[tilespmem:s1+$0x10] =	vst v0  }
0x4ef: {  	[tilespmem:s1+$0x0] =	vst v0  }
0x4f0: {  	[tilespmem:s1+$0xFFFFFFF0] =	vst v0  }
0x4f1: {  	s13 =	simm.s32 $0x18000;
	[tilespmem:s1+$0xFFFFFFE0] =	vst v0  }
0x4f2: {  	[tilespmem:s1+$0xFFFFFFD0] =	vst v0;
	s1 =	simm.s32 $0x7FF0  }
.LBB2_56:
0x4f3: {  	s1 =	sadd.s32 $0x10, s1  }
0x4f4: {  	p1 =	slt.u32 s1, $0x8010  }
.Ltmp27:
0x4f5: {  	_ = 	snop;
	(pc) =	sbr.rel @p1 .LBB2_56-.Ltmp27, $2  }
0x4f6: {  	_ =	sdelay $0x2  }
0x4f7: {  	[tilespmem:s13+$0x0] =	vst v0;
	s13 =	sadd.s32 $0x10, s13  }
0x4f8: {  	(xrf0) =	vadd.scan.msk.s32 $0xffff, v5;
	_ =	sdelay $0x5  }
0x4f9: {  	(v2sf) =	vpush v4, $0xF;
	v4, _, _ =	vpop (xrf0)  }
0x4fa: {  	(v2sf) =	vpush v4, $0xF;
	_ =	sdelay $0xa  }
0x4fb: {  	[tilespmem:s3], [sflag:$0x1] =	stream.strided.gather [hbm4b:s4+s22], $0x8000, s23, s22, $0x38;
	[tilespmem:$0x1C200] =	vst v63  }
0x4fc: {  	_ = 	snop  }
0x4fd: {  	[tilespmem:s24], [sflag:$0x2] =	stream.strided.gather [hbm4b:s5+s22], $0x8000, s23, s22, $0x38;
	[tilespmem:$0x1C200] =	vst v63  }
0x4fe: {  	s1 =	spop (v2sf)  }
0x4ff: {  	s20 =	spop (v2sf)  }
0x500: {  	_ =	swait.ge [sflag:s25], $0x8000  }
0x501: {  	[sflag:s25] =	ssyncset.done $0x0  }
0x502: {  	s12 =	simm.s32 $0x40;
	[sflag:s25] =	ssyncadd.s32 $0xFFFF8000  }
0x503: {  	v5 =	vld [tilespmem:s12+$0x30]  }
0x504: {  	v6 =	vld [tilespmem:s12+$0xFFFFFFD0]  }
0x505: {  	v7 =	vld [tilespmem:s12+$0xFFFFFFE0]  }
0x506: {  	v9 =	vld [tilespmem:s12+$0x0]  }
0x507: {  	v14 =	vld [tilespmem:s12+$0xFFFFFFC0]  }
0x508: {  	s13 =	sshll.u32 s1, $0xB  }
0x509: {  	s13 =	sadd.s32 s13, s20;
	v8 =	vld [tilespmem:s12+$0xFFFFFFF0]  }
0x50a: {  	v4 =	vmov s13  }
0x50b: {  	v10 =	vld [tilespmem:s12+$0x10];
	v11 =	vshra.s32 v5, $0x1F;
	v12 =	vshra.s32 v6, $0x1F;
	v15 =	vshra.s32 v7, $0x1F  }
0x50c: {  	v13 =	vld [tilespmem:s12+$0x20];
	v17 =	vshra.s32 v9, $0x1F;
	v19 =	vshra.s32 v14, $0x1F;
	v11 =	vor.u32 $0x80000000, v11  }
0x50d: {  	v12 =	vor.u32 $0x80000000, v12;
	v5 =	vxor.u32 v5, v11;
	v11 =	vor.u32 $0x80000000, v15  }
0x50e: {  	v15 =	vshra.s32 v8, $0x1F;
	v20 =	vxor.u32 v6, v12;
	v6 =	vor.u32 $0x80000000, v19  }
0x50f: {  	v16 =	vshrl.u32 v5, $0xA;
	v5 =	vand.u32 $0x3FF, v5;
	v15 =	vor.u32 $0x80000000, v15  }
0x510: {  	vm0 =	veq.s32 v16, v4;
	v16 =	vshra.s32 v10, $0x1F;
	v18 =	vadd.s32 v1, v5  }
0x511: {  	v5 =	vor.u32 $0x80000000, v17;
	v17 =	vshra.s32 v13, $0x1F;
	v19 =	vxor.u32 v8, v15  }
0x512: {  	v16 =	vor.u32 $0x80000000, v16;
	v12 =	vor.u32 $0x80000000, v17;
	v17 =	vxor.u32 v7, v11  }
0x513: {  	v7 =	vxor.u32 v14, v6;
	v6 =	vxor.u32 v9, v5;
	v11 =	vshrl.u32 v20, $0xA  }
0x514: {  	v5 =	vxor.u32 v10, v16;
	v10 =	vshrl.u32 v7, $0xA;
	v8 =	vxor.u32 v13, v12  }
0x515: {  	v14 =	vshrl.u32 v17, $0xA;
	v12 =	vshrl.u32 v19, $0xA;
	v9 =	vshrl.u32 v6, $0xA  }
0x516: {  	v15 =	vand.u32 $0x3FF, v7;
	v17 =	vand.u32 $0x3FF, v17;
	v16 =	vand.u32 $0x3FF, v19  }
0x517: {  	s13 =	simm.s32 $0xC0;
	s12 =	simm.s32 $0x0;
	v13 =	vshrl.u32 v5, $0xA;
	v7 =	vshrl.u32 v8, $0xA;
	[tilespmem:v18+s26+$0x0] =	vst.idx.add.s32.msk vm0, v2;
	v18 =	vand.u32 $0x3FF, v20  }
.LBB2_58:
0x518: {  	v19 =	vld [tilespmem:s13+$0x30];
	s12 =	sadd.s32 $0x80, s12;
	v6 =	vand.u32 $0x3FF, v6;
	v5 =	vand.u32 $0x3FF, v5;
	v8 =	vand.u32 $0x3FF, v8  }
0x519: {  	vm6 =	veq.s32 v10, v4;
	vm5 =	veq.s32 v11, v4;
	vm4 =	veq.s32 v14, v4;
	v20 =	vld [tilespmem:s13+$0xFFFFFFD0];
	p1 =	slt.u32 s12, $0x7F80  }
0x51a: {  	vm3 =	veq.s32 v12, v4;
	vm2 =	veq.s32 v9, v4;
	vm1 =	veq.s32 v13, v4;
	v10 =	vld [tilespmem:s13+$0xFFFFFFE0]  }
0x51b: {  	v11 =	vadd.s32 v1, v15;
	v12 =	vadd.s32 v1, v18;
	vm0 =	veq.s32 v7, v4;
	v9 =	vld [tilespmem:s13+$0xFFFFFFF0]  }
0x51c: {  	v13 =	vadd.s32 v1, v17;
	v14 =	vadd.s32 v1, v16;
	v6 =	vadd.s32 v1, v6;
	v7 =	vld [tilespmem:s13+$0x0]  }
0x51d: {  	v5 =	vadd.s32 v1, v5;
	v17 =	vadd.s32 v1, v8;
	v15 =	vld [tilespmem:s13+$0x10];
	v16 =	vshra.s32 v19, $0x1F  }
0x51e: {  	v8 =	vshra.s32 v20, $0x1F;
	v18 =	vld [tilespmem:s13+$0x20];
	v16 =	vor.u32 $0x80000000, v16  }
0x51f: {  	v21 =	vld [tilespmem:s13+$0xFFFFFFC0];
	v8 =	vor.u32 $0x80000000, v8;
	v22 =	vshra.s32 v10, $0x1F;
	v16 =	vxor.u32 v19, v16  }
0x520: {  	v19 =	vor.u32 $0x80000000, v22;
	v22 =	vshra.s32 v9, $0x1F;
	v23 =	vshrl.u32 v16, $0xA;
	[tilespmem:v11+s26+$0x0] =	vst.idx.add.s32.msk vm6, v2  }
0x521: {  	v16 =	vand.u32 $0x3FF, v16;
	v11 =	vshra.s32 v7, $0x1F;
	vm6 =	veq.s32 v23, v4;
	[tilespmem:v12+s26+$0x0] =	vst.idx.add.s32.msk vm5, v2  }
0x522: {  	v12 =	vor.u32 $0x80000000, v22;
	v16 =	vadd.s32 v1, v16;
	v22 =	vshra.s32 v15, $0x1F;
	[tilespmem:v13+s26+$0x0] =	vst.idx.add.s32.msk vm4, v2  }
0x523: {  	v11 =	vor.u32 $0x80000000, v11;
	v13 =	vor.u32 $0x80000000, v22;
	v22 =	vshra.s32 v18, $0x1F;
	[tilespmem:v14+s26+$0x0] =	vst.idx.add.s32.msk vm3, v2  }
0x524: {  	v20 =	vxor.u32 v20, v8;
	v14 =	vshra.s32 v21, $0x1F;
	v8 =	vor.u32 $0x80000000, v22;
	[tilespmem:v6+s26+$0x0] =	vst.idx.add.s32.msk vm2, v2  }
0x525: {  	v19 =	vxor.u32 v10, v19;
	v22 =	vxor.u32 v9, v12;
	v6 =	vor.u32 $0x80000000, v14;
	[tilespmem:v5+s26+$0x0] =	vst.idx.add.s32.msk vm1, v2  }
.Ltmp28:
0x526: {  	v5 =	vxor.u32 v15, v13;
	v21 =	vxor.u32 v21, v6;
	v6 =	vxor.u32 v7, v11;
	(pc) =	sbr.rel @p1 .LBB2_58-.Ltmp28, $4  }
0x527: {  	v8 =	vxor.u32 v18, v8;
	v11 =	vshrl.u32 v20, $0xA;
	v10 =	vshrl.u32 v21, $0xA;
	[tilespmem:v16+s26+$0x0] =	vst.idx.add.s32.msk vm6, v2  }
0x528: {  	v14 =	vshrl.u32 v19, $0xA;
	v12 =	vshrl.u32 v22, $0xA;
	v9 =	vshrl.u32 v6, $0xA;
	[tilespmem:v17+s26+$0x0] =	vst.idx.add.s32.msk vm0, v2  }
0x529: {  	v13 =	vshrl.u32 v5, $0xA;
	v7 =	vshrl.u32 v8, $0xA;
	v15 =	vand.u32 $0x3FF, v21  }
0x52a: {  	s13 =	sadd.s32 $0x80, s13;
	v18 =	vand.u32 $0x3FF, v20;
	v16 =	vand.u32 $0x3FF, v22;
	v17 =	vand.u32 $0x3FF, v19  }
0x52b: {  	vm0 =	veq.s32 v10, v4  }
0x52c: {  	vm1 =	veq.s32 v11, v4;
	v10 =	vadd.s32 v1, v15  }
0x52d: {  	vm2 =	veq.s32 v14, v4;
	v11 =	vadd.s32 v1, v18  }
0x52e: {  	vm3 =	veq.s32 v12, v4;
	v12 =	vadd.s32 v1, v17  }
0x52f: {  	v6 =	vand.u32 $0x3FF, v6;
	vm4 =	veq.s32 v9, v4;
	v9 =	vadd.s32 v1, v16  }
0x530: {  	v5 =	vand.u32 $0x3FF, v5;
	vm5 =	veq.s32 v13, v4;
	v6 =	vadd.s32 v1, v6  }
0x531: {  	v8 =	vand.u32 $0x3FF, v8;
	vm6 =	veq.s32 v7, v4;
	v5 =	vadd.s32 v1, v5;
	[tilespmem:v10+s26+$0x0] =	vst.idx.add.s32.msk vm0, v2  }
0x532: {  	v7 =	vadd.s32 v1, v8;
	[tilespmem:v11+s26+$0x0] =	vst.idx.add.s32.msk vm1, v2  }
0x533: {  	[tilespmem:v12+s26+$0x0] =	vst.idx.add.s32.msk vm2, v2  }
0x534: {  	[tilespmem:v9+s26+$0x0] =	vst.idx.add.s32.msk vm3, v2  }
0x535: {  	[tilespmem:v6+s26+$0x0] =	vst.idx.add.s32.msk vm4, v2  }
0x536: {  	[tilespmem:v5+s26+$0x0] =	vst.idx.add.s32.msk vm5, v2  }
0x537: {  	[tilespmem:v7+s26+$0x0] =	vst.idx.add.s32.msk vm6, v2  }
0x538: {  	[tilespmem:s3], [sflag:$0x1] =	stream.strided.gather [hbm4b:s6+s22], $0x8000, s23, s22, $0x38;
	[tilespmem:$0x1C200] =	vst v63  }
0x539: {  	_ =	swait.ge [sflag:s28], $0x8000  }
0x53a: {  	[sflag:s28] =	ssyncset.done $0x0  }
0x53b: {  	s12 =	simm.s32 $0x8040;
	[sflag:s28] =	ssyncadd.s32 $0xFFFF8000  }
0x53c: {  	v5 =	vld [tilespmem:s12+$0x30]  }
0x53d: {  	v6 =	vld [tilespmem:s12+$0xFFFFFFD0]  }
0x53e: {  	v7 =	vld [tilespmem:s12+$0xFFFFFFE0]  }
0x53f: {  	v9 =	vld [tilespmem:s12+$0x0]  }
0x540: {  	v14 =	vld [tilespmem:s12+$0xFFFFFFC0];
	_ =	sdelay $0x1  }
0x541: {  	v8 =	vld [tilespmem:s12+$0xFFFFFFF0];
	_ =	sdelay $0x1  }
0x542: {  	v10 =	vld [tilespmem:s12+$0x10];
	v11 =	vshra.s32 v5, $0x1F;
	v12 =	vshra.s32 v6, $0x1F;
	v15 =	vshra.s32 v7, $0x1F  }
0x543: {  	v13 =	vld [tilespmem:s12+$0x20];
	v17 =	vshra.s32 v9, $0x1F;
	v19 =	vshra.s32 v14, $0x1F;
	v11 =	vor.u32 $0x80000000, v11  }
0x544: {  	v12 =	vor.u32 $0x80000000, v12;
	v5 =	vxor.u32 v5, v11;
	v11 =	vor.u32 $0x80000000, v15  }
0x545: {  	v15 =	vshra.s32 v8, $0x1F;
	v20 =	vxor.u32 v6, v12;
	v6 =	vor.u32 $0x80000000, v19  }
0x546: {  	v16 =	vshrl.u32 v5, $0xA;
	v5 =	vand.u32 $0x3FF, v5;
	v15 =	vor.u32 $0x80000000, v15  }
0x547: {  	vm15 =	veq.s32 v16, v4;
	v16 =	vshra.s32 v10, $0x1F;
	v18 =	vadd.s32 v1, v5  }
0x548: {  	v5 =	vor.u32 $0x80000000, v17;
	v17 =	vshra.s32 v13, $0x1F;
	v19 =	vxor.u32 v8, v15  }
0x549: {  	v16 =	vor.u32 $0x80000000, v16;
	v12 =	vor.u32 $0x80000000, v17;
	v17 =	vxor.u32 v7, v11  }
0x54a: {  	v7 =	vxor.u32 v14, v6;
	v6 =	vxor.u32 v9, v5;
	v11 =	vshrl.u32 v20, $0xA  }
0x54b: {  	v5 =	vxor.u32 v10, v16;
	v10 =	vshrl.u32 v7, $0xA;
	v8 =	vxor.u32 v13, v12  }
0x54c: {  	v14 =	vshrl.u32 v17, $0xA;
	v12 =	vshrl.u32 v19, $0xA;
	v9 =	vshrl.u32 v6, $0xA  }
0x54d: {  	v15 =	vand.u32 $0x3FF, v7;
	v17 =	vand.u32 $0x3FF, v17;
	v16 =	vand.u32 $0x3FF, v19  }
0x54e: {  	s13 =	simm.s32 $0x80C0;
	s12 =	simm.s32 $0x0;
	v13 =	vshrl.u32 v5, $0xA;
	v7 =	vshrl.u32 v8, $0xA;
	[tilespmem:v18+s26+$0x0] =	vst.idx.add.s32.msk vm15, v2;
	v18 =	vand.u32 $0x3FF, v20  }
.LBB2_60:
0x54f: {  	v19 =	vld [tilespmem:s13+$0x30];
	s12 =	sadd.s32 $0x80, s12;
	v6 =	vand.u32 $0x3FF, v6;
	v5 =	vand.u32 $0x3FF, v5;
	v8 =	vand.u32 $0x3FF, v8  }
0x550: {  	vm6 =	veq.s32 v10, v4;
	vm5 =	veq.s32 v11, v4;
	vm4 =	veq.s32 v14, v4;
	v20 =	vld [tilespmem:s13+$0xFFFFFFD0];
	p1 =	slt.u32 s12, $0x7F80  }
0x551: {  	vm3 =	veq.s32 v12, v4;
	vm2 =	veq.s32 v9, v4;
	vm1 =	veq.s32 v13, v4;
	v10 =	vld [tilespmem:s13+$0xFFFFFFE0]  }
0x552: {  	v11 =	vadd.s32 v1, v15;
	v12 =	vadd.s32 v1, v18;
	vm0 =	veq.s32 v7, v4;
	v9 =	vld [tilespmem:s13+$0xFFFFFFF0]  }
0x553: {  	v13 =	vadd.s32 v1, v17;
	v14 =	vadd.s32 v1, v16;
	v6 =	vadd.s32 v1, v6;
	v7 =	vld [tilespmem:s13+$0x0]  }
0x554: {  	v5 =	vadd.s32 v1, v5;
	v17 =	vadd.s32 v1, v8;
	v15 =	vld [tilespmem:s13+$0x10];
	v16 =	vshra.s32 v19, $0x1F  }
0x555: {  	v8 =	vshra.s32 v20, $0x1F;
	v18 =	vld [tilespmem:s13+$0x20];
	v16 =	vor.u32 $0x80000000, v16  }
0x556: {  	v21 =	vld [tilespmem:s13+$0xFFFFFFC0];
	v8 =	vor.u32 $0x80000000, v8;
	v22 =	vshra.s32 v10, $0x1F;
	v16 =	vxor.u32 v19, v16  }
0x557: {  	v19 =	vor.u32 $0x80000000, v22;
	v22 =	vshra.s32 v9, $0x1F;
	v23 =	vshrl.u32 v16, $0xA;
	[tilespmem:v11+s26+$0x0] =	vst.idx.add.s32.msk vm6, v2  }
0x558: {  	v16 =	vand.u32 $0x3FF, v16;
	v11 =	vshra.s32 v7, $0x1F;
	vm6 =	veq.s32 v23, v4;
	[tilespmem:v12+s26+$0x0] =	vst.idx.add.s32.msk vm5, v2  }
0x559: {  	v12 =	vor.u32 $0x80000000, v22;
	v16 =	vadd.s32 v1, v16;
	v22 =	vshra.s32 v15, $0x1F;
	[tilespmem:v13+s26+$0x0] =	vst.idx.add.s32.msk vm4, v2  }
0x55a: {  	v11 =	vor.u32 $0x80000000, v11;
	v13 =	vor.u32 $0x80000000, v22;
	v22 =	vshra.s32 v18, $0x1F;
	[tilespmem:v14+s26+$0x0] =	vst.idx.add.s32.msk vm3, v2  }
0x55b: {  	v20 =	vxor.u32 v20, v8;
	v14 =	vshra.s32 v21, $0x1F;
	v8 =	vor.u32 $0x80000000, v22;
	[tilespmem:v6+s26+$0x0] =	vst.idx.add.s32.msk vm2, v2  }
0x55c: {  	v19 =	vxor.u32 v10, v19;
	v22 =	vxor.u32 v9, v12;
	v6 =	vor.u32 $0x80000000, v14;
	[tilespmem:v5+s26+$0x0] =	vst.idx.add.s32.msk vm1, v2  }
.Ltmp29:
0x55d: {  	v5 =	vxor.u32 v15, v13;
	v21 =	vxor.u32 v21, v6;
	v6 =	vxor.u32 v7, v11;
	(pc) =	sbr.rel @p1 .LBB2_60-.Ltmp29, $4  }
0x55e: {  	v8 =	vxor.u32 v18, v8;
	v11 =	vshrl.u32 v20, $0xA;
	v10 =	vshrl.u32 v21, $0xA;
	[tilespmem:v16+s26+$0x0] =	vst.idx.add.s32.msk vm6, v2  }
0x55f: {  	v14 =	vshrl.u32 v19, $0xA;
	v12 =	vshrl.u32 v22, $0xA;
	v9 =	vshrl.u32 v6, $0xA;
	[tilespmem:v17+s26+$0x0] =	vst.idx.add.s32.msk vm0, v2  }
0x560: {  	v13 =	vshrl.u32 v5, $0xA;
	v7 =	vshrl.u32 v8, $0xA;
	v15 =	vand.u32 $0x3FF, v21  }
0x561: {  	s13 =	sadd.s32 $0x80, s13;
	v18 =	vand.u32 $0x3FF, v20;
	v16 =	vand.u32 $0x3FF, v22;
	v17 =	vand.u32 $0x3FF, v19  }
0x562: {  	vm0 =	veq.s32 v10, v4  }
0x563: {  	vm1 =	veq.s32 v11, v4;
	v10 =	vadd.s32 v1, v15  }
0x564: {  	vm2 =	veq.s32 v14, v4;
	v11 =	vadd.s32 v1, v18  }
0x565: {  	vm3 =	veq.s32 v12, v4;
	v12 =	vadd.s32 v1, v17  }
0x566: {  	v6 =	vand.u32 $0x3FF, v6;
	vm4 =	veq.s32 v9, v4;
	v9 =	vadd.s32 v1, v16  }
0x567: {  	v5 =	vand.u32 $0x3FF, v5;
	vm5 =	veq.s32 v13, v4;
	v6 =	vadd.s32 v1, v6  }
0x568: {  	v8 =	vand.u32 $0x3FF, v8;
	vm6 =	veq.s32 v7, v4;
	v5 =	vadd.s32 v1, v5;
	[tilespmem:v10+s26+$0x0] =	vst.idx.add.s32.msk vm0, v2  }
0x569: {  	v7 =	vadd.s32 v1, v8;
	[tilespmem:v11+s26+$0x0] =	vst.idx.add.s32.msk vm1, v2  }
0x56a: {  	[tilespmem:v12+s26+$0x0] =	vst.idx.add.s32.msk vm2, v2  }
0x56b: {  	[tilespmem:v9+s26+$0x0] =	vst.idx.add.s32.msk vm3, v2  }
0x56c: {  	[tilespmem:v6+s26+$0x0] =	vst.idx.add.s32.msk vm4, v2  }
0x56d: {  	[tilespmem:v5+s26+$0x0] =	vst.idx.add.s32.msk vm5, v2  }
0x56e: {  	[tilespmem:v7+s26+$0x0] =	vst.idx.add.s32.msk vm6, v2  }
0x56f: {  	[tilespmem:s24], [sflag:$0x2] =	stream.strided.gather [hbm4b:s7+s22], $0x8000, s23, s22, $0x38;
	[tilespmem:$0x1C200] =	vst v63  }
0x570: {  	_ =	swait.ge [sflag:s25], $0x8000  }
0x571: {  	[sflag:s25] =	ssyncset.done $0x0  }
0x572: {  	s12 =	simm.s32 $0x40;
	[sflag:s25] =	ssyncadd.s32 $0xFFFF8000  }
0x573: {  	v5 =	vld [tilespmem:s12+$0x30]  }
0x574: {  	v6 =	vld [tilespmem:s12+$0xFFFFFFD0]  }
0x575: {  	v7 =	vld [tilespmem:s12+$0xFFFFFFE0]  }
0x576: {  	v9 =	vld [tilespmem:s12+$0x0]  }
0x577: {  	v14 =	vld [tilespmem:s12+$0xFFFFFFC0];
	_ =	sdelay $0x1  }
0x578: {  	v8 =	vld [tilespmem:s12+$0xFFFFFFF0];
	_ =	sdelay $0x1  }
0x579: {  	v10 =	vld [tilespmem:s12+$0x10];
	v11 =	vshra.s32 v5, $0x1F;
	v12 =	vshra.s32 v6, $0x1F;
	v15 =	vshra.s32 v7, $0x1F  }
0x57a: {  	v13 =	vld [tilespmem:s12+$0x20];
	v17 =	vshra.s32 v9, $0x1F;
	v19 =	vshra.s32 v14, $0x1F;
	v11 =	vor.u32 $0x80000000, v11  }
0x57b: {  	v12 =	vor.u32 $0x80000000, v12;
	v5 =	vxor.u32 v5, v11;
	v11 =	vor.u32 $0x80000000, v15  }
0x57c: {  	v15 =	vshra.s32 v8, $0x1F;
	v20 =	vxor.u32 v6, v12;
	v6 =	vor.u32 $0x80000000, v19  }
0x57d: {  	v16 =	vshrl.u32 v5, $0xA;
	v5 =	vand.u32 $0x3FF, v5;
	v15 =	vor.u32 $0x80000000, v15  }
0x57e: {  	vm15 =	veq.s32 v16, v4;
	v16 =	vshra.s32 v10, $0x1F;
	v18 =	vadd.s32 v1, v5  }
0x57f: {  	v5 =	vor.u32 $0x80000000, v17;
	v17 =	vshra.s32 v13, $0x1F;
	v19 =	vxor.u32 v8, v15  }
0x580: {  	v16 =	vor.u32 $0x80000000, v16;
	v12 =	vor.u32 $0x80000000, v17;
	v17 =	vxor.u32 v7, v11  }
0x581: {  	v7 =	vxor.u32 v14, v6;
	v6 =	vxor.u32 v9, v5;
	v11 =	vshrl.u32 v20, $0xA  }
0x582: {  	v5 =	vxor.u32 v10, v16;
	v10 =	vshrl.u32 v7, $0xA;
	v8 =	vxor.u32 v13, v12  }
0x583: {  	v14 =	vshrl.u32 v17, $0xA;
	v12 =	vshrl.u32 v19, $0xA;
	v9 =	vshrl.u32 v6, $0xA  }
0x584: {  	v15 =	vand.u32 $0x3FF, v7;
	v17 =	vand.u32 $0x3FF, v17;
	v16 =	vand.u32 $0x3FF, v19  }
0x585: {  	s13 =	simm.s32 $0xC0;
	s12 =	simm.s32 $0x0;
	v13 =	vshrl.u32 v5, $0xA;
	v7 =	vshrl.u32 v8, $0xA;
	[tilespmem:v18+s26+$0x0] =	vst.idx.add.s32.msk vm15, v2;
	v18 =	vand.u32 $0x3FF, v20  }
.LBB2_62:
0x586: {  	v19 =	vld [tilespmem:s13+$0x30];
	s12 =	sadd.s32 $0x80, s12;
	v6 =	vand.u32 $0x3FF, v6;
	v5 =	vand.u32 $0x3FF, v5;
	v8 =	vand.u32 $0x3FF, v8  }
0x587: {  	vm6 =	veq.s32 v10, v4;
	vm5 =	veq.s32 v11, v4;
	vm4 =	veq.s32 v14, v4;
	v20 =	vld [tilespmem:s13+$0xFFFFFFD0];
	p1 =	slt.u32 s12, $0x7F80  }
0x588: {  	vm3 =	veq.s32 v12, v4;
	vm2 =	veq.s32 v9, v4;
	vm1 =	veq.s32 v13, v4;
	v10 =	vld [tilespmem:s13+$0xFFFFFFE0]  }
0x589: {  	v11 =	vadd.s32 v1, v15;
	v12 =	vadd.s32 v1, v18;
	vm0 =	veq.s32 v7, v4;
	v9 =	vld [tilespmem:s13+$0xFFFFFFF0]  }
0x58a: {  	v13 =	vadd.s32 v1, v17;
	v14 =	vadd.s32 v1, v16;
	v6 =	vadd.s32 v1, v6;
	v7 =	vld [tilespmem:s13+$0x0]  }
0x58b: {  	v5 =	vadd.s32 v1, v5;
	v17 =	vadd.s32 v1, v8;
	v15 =	vld [tilespmem:s13+$0x10];
	v16 =	vshra.s32 v19, $0x1F  }
0x58c: {  	v8 =	vshra.s32 v20, $0x1F;
	v18 =	vld [tilespmem:s13+$0x20];
	v16 =	vor.u32 $0x80000000, v16  }
0x58d: {  	v21 =	vld [tilespmem:s13+$0xFFFFFFC0];
	v8 =	vor.u32 $0x80000000, v8;
	v22 =	vshra.s32 v10, $0x1F;
	v16 =	vxor.u32 v19, v16  }
0x58e: {  	v19 =	vor.u32 $0x80000000, v22;
	v22 =	vshra.s32 v9, $0x1F;
	v23 =	vshrl.u32 v16, $0xA;
	[tilespmem:v11+s26+$0x0] =	vst.idx.add.s32.msk vm6, v2  }
0x58f: {  	v16 =	vand.u32 $0x3FF, v16;
	v11 =	vshra.s32 v7, $0x1F;
	vm6 =	veq.s32 v23, v4;
	[tilespmem:v12+s26+$0x0] =	vst.idx.add.s32.msk vm5, v2  }
0x590: {  	v12 =	vor.u32 $0x80000000, v22;
	v16 =	vadd.s32 v1, v16;
	v22 =	vshra.s32 v15, $0x1F;
	[tilespmem:v13+s26+$0x0] =	vst.idx.add.s32.msk vm4, v2  }
0x591: {  	v11 =	vor.u32 $0x80000000, v11;
	v13 =	vor.u32 $0x80000000, v22;
	v22 =	vshra.s32 v18, $0x1F;
	[tilespmem:v14+s26+$0x0] =	vst.idx.add.s32.msk vm3, v2  }
0x592: {  	v20 =	vxor.u32 v20, v8;
	v14 =	vshra.s32 v21, $0x1F;
	v8 =	vor.u32 $0x80000000, v22;
	[tilespmem:v6+s26+$0x0] =	vst.idx.add.s32.msk vm2, v2  }
0x593: {  	v19 =	vxor.u32 v10, v19;
	v22 =	vxor.u32 v9, v12;
	v6 =	vor.u32 $0x80000000, v14;
	[tilespmem:v5+s26+$0x0] =	vst.idx.add.s32.msk vm1, v2  }
.Ltmp30:
0x594: {  	v5 =	vxor.u32 v15, v13;
	v21 =	vxor.u32 v21, v6;
	v6 =	vxor.u32 v7, v11;
	(pc) =	sbr.rel @p1 .LBB2_62-.Ltmp30, $4  }
0x595: {  	v8 =	vxor.u32 v18, v8;
	v11 =	vshrl.u32 v20, $0xA;
	v10 =	vshrl.u32 v21, $0xA;
	[tilespmem:v16+s26+$0x0] =	vst.idx.add.s32.msk vm6, v2  }
0x596: {  	v14 =	vshrl.u32 v19, $0xA;
	v12 =	vshrl.u32 v22, $0xA;
	v9 =	vshrl.u32 v6, $0xA;
	[tilespmem:v17+s26+$0x0] =	vst.idx.add.s32.msk vm0, v2  }
0x597: {  	v13 =	vshrl.u32 v5, $0xA;
	v7 =	vshrl.u32 v8, $0xA;
	v15 =	vand.u32 $0x3FF, v21  }
0x598: {  	s13 =	sadd.s32 $0x80, s13;
	v18 =	vand.u32 $0x3FF, v20;
	v16 =	vand.u32 $0x3FF, v22;
	v17 =	vand.u32 $0x3FF, v19  }
0x599: {  	vm0 =	veq.s32 v10, v4  }
0x59a: {  	vm1 =	veq.s32 v11, v4;
	v10 =	vadd.s32 v1, v15  }
0x59b: {  	vm2 =	veq.s32 v14, v4;
	v11 =	vadd.s32 v1, v18  }
0x59c: {  	vm3 =	veq.s32 v12, v4;
	v12 =	vadd.s32 v1, v17  }
0x59d: {  	v6 =	vand.u32 $0x3FF, v6;
	vm4 =	veq.s32 v9, v4;
	v9 =	vadd.s32 v1, v16  }
0x59e: {  	v5 =	vand.u32 $0x3FF, v5;
	vm5 =	veq.s32 v13, v4;
	v6 =	vadd.s32 v1, v6  }
0x59f: {  	v8 =	vand.u32 $0x3FF, v8;
	vm6 =	veq.s32 v7, v4;
	v5 =	vadd.s32 v1, v5;
	[tilespmem:v10+s26+$0x0] =	vst.idx.add.s32.msk vm0, v2  }
0x5a0: {  	v7 =	vadd.s32 v1, v8;
	[tilespmem:v11+s26+$0x0] =	vst.idx.add.s32.msk vm1, v2  }
0x5a1: {  	[tilespmem:v12+s26+$0x0] =	vst.idx.add.s32.msk vm2, v2  }
0x5a2: {  	[tilespmem:v9+s26+$0x0] =	vst.idx.add.s32.msk vm3, v2  }
0x5a3: {  	[tilespmem:v6+s26+$0x0] =	vst.idx.add.s32.msk vm4, v2  }
0x5a4: {  	[tilespmem:v5+s26+$0x0] =	vst.idx.add.s32.msk vm5, v2  }
0x5a5: {  	[tilespmem:v7+s26+$0x0] =	vst.idx.add.s32.msk vm6, v2  }
0x5a6: {  	[tilespmem:s3], [sflag:$0x1] =	stream.strided.gather [hbm4b:s8+s22], $0x8000, s23, s22, $0x38;
	[tilespmem:$0x1C200] =	vst v63  }
0x5a7: {  	_ =	swait.ge [sflag:s28], $0x8000  }
0x5a8: {  	[sflag:s28] =	ssyncset.done $0x0  }
0x5a9: {  	s12 =	simm.s32 $0x8040;
	[sflag:s28] =	ssyncadd.s32 $0xFFFF8000  }
0x5aa: {  	v5 =	vld [tilespmem:s12+$0x30]  }
0x5ab: {  	v6 =	vld [tilespmem:s12+$0xFFFFFFD0]  }
0x5ac: {  	v7 =	vld [tilespmem:s12+$0xFFFFFFE0]  }
0x5ad: {  	v9 =	vld [tilespmem:s12+$0x0]  }
0x5ae: {  	v14 =	vld [tilespmem:s12+$0xFFFFFFC0];
	_ =	sdelay $0x1  }
0x5af: {  	v8 =	vld [tilespmem:s12+$0xFFFFFFF0];
	_ =	sdelay $0x1  }
0x5b0: {  	v10 =	vld [tilespmem:s12+$0x10];
	v11 =	vshra.s32 v5, $0x1F;
	v12 =	vshra.s32 v6, $0x1F;
	v15 =	vshra.s32 v7, $0x1F  }
0x5b1: {  	v13 =	vld [tilespmem:s12+$0x20];
	v17 =	vshra.s32 v9, $0x1F;
	v19 =	vshra.s32 v14, $0x1F;
	v11 =	vor.u32 $0x80000000, v11  }
0x5b2: {  	v12 =	vor.u32 $0x80000000, v12;
	v5 =	vxor.u32 v5, v11;
	v11 =	vor.u32 $0x80000000, v15  }
0x5b3: {  	v15 =	vshra.s32 v8, $0x1F;
	v20 =	vxor.u32 v6, v12;
	v6 =	vor.u32 $0x80000000, v19  }
0x5b4: {  	v16 =	vshrl.u32 v5, $0xA;
	v5 =	vand.u32 $0x3FF, v5;
	v15 =	vor.u32 $0x80000000, v15  }
0x5b5: {  	vm15 =	veq.s32 v16, v4;
	v16 =	vshra.s32 v10, $0x1F;
	v18 =	vadd.s32 v1, v5  }
0x5b6: {  	v5 =	vor.u32 $0x80000000, v17;
	v17 =	vshra.s32 v13, $0x1F;
	v19 =	vxor.u32 v8, v15  }
0x5b7: {  	v16 =	vor.u32 $0x80000000, v16;
	v12 =	vor.u32 $0x80000000, v17;
	v17 =	vxor.u32 v7, v11  }
0x5b8: {  	v7 =	vxor.u32 v14, v6;
	v6 =	vxor.u32 v9, v5;
	v11 =	vshrl.u32 v20, $0xA  }
0x5b9: {  	v5 =	vxor.u32 v10, v16;
	v10 =	vshrl.u32 v7, $0xA;
	v8 =	vxor.u32 v13, v12  }
0x5ba: {  	v14 =	vshrl.u32 v17, $0xA;
	v12 =	vshrl.u32 v19, $0xA;
	v9 =	vshrl.u32 v6, $0xA  }
0x5bb: {  	v15 =	vand.u32 $0x3FF, v7;
	v17 =	vand.u32 $0x3FF, v17;
	v16 =	vand.u32 $0x3FF, v19  }
0x5bc: {  	s13 =	simm.s32 $0x80C0;
	s12 =	simm.s32 $0x0;
	v13 =	vshrl.u32 v5, $0xA;
	v7 =	vshrl.u32 v8, $0xA;
	[tilespmem:v18+s26+$0x0] =	vst.idx.add.s32.msk vm15, v2;
	v18 =	vand.u32 $0x3FF, v20  }
.LBB2_64:
0x5bd: {  	v19 =	vld [tilespmem:s13+$0x30];
	s12 =	sadd.s32 $0x80, s12;
	v6 =	vand.u32 $0x3FF, v6;
	v5 =	vand.u32 $0x3FF, v5;
	v8 =	vand.u32 $0x3FF, v8  }
0x5be: {  	vm6 =	veq.s32 v10, v4;
	vm5 =	veq.s32 v11, v4;
	vm4 =	veq.s32 v14, v4;
	v20 =	vld [tilespmem:s13+$0xFFFFFFD0];
	p1 =	slt.u32 s12, $0x7F80  }
0x5bf: {  	vm3 =	veq.s32 v12, v4;
	vm2 =	veq.s32 v9, v4;
	vm1 =	veq.s32 v13, v4;
	v10 =	vld [tilespmem:s13+$0xFFFFFFE0]  }
0x5c0: {  	v11 =	vadd.s32 v1, v15;
	v12 =	vadd.s32 v1, v18;
	vm0 =	veq.s32 v7, v4;
	v9 =	vld [tilespmem:s13+$0xFFFFFFF0]  }
0x5c1: {  	v13 =	vadd.s32 v1, v17;
	v14 =	vadd.s32 v1, v16;
	v6 =	vadd.s32 v1, v6;
	v7 =	vld [tilespmem:s13+$0x0]  }
0x5c2: {  	v5 =	vadd.s32 v1, v5;
	v17 =	vadd.s32 v1, v8;
	v15 =	vld [tilespmem:s13+$0x10];
	v16 =	vshra.s32 v19, $0x1F  }
0x5c3: {  	v8 =	vshra.s32 v20, $0x1F;
	v18 =	vld [tilespmem:s13+$0x20];
	v16 =	vor.u32 $0x80000000, v16  }
0x5c4: {  	v21 =	vld [tilespmem:s13+$0xFFFFFFC0];
	v8 =	vor.u32 $0x80000000, v8;
	v22 =	vshra.s32 v10, $0x1F;
	v16 =	vxor.u32 v19, v16  }
0x5c5: {  	v19 =	vor.u32 $0x80000000, v22;
	v22 =	vshra.s32 v9, $0x1F;
	v23 =	vshrl.u32 v16, $0xA;
	[tilespmem:v11+s26+$0x0] =	vst.idx.add.s32.msk vm6, v2  }
0x5c6: {  	v16 =	vand.u32 $0x3FF, v16;
	v11 =	vshra.s32 v7, $0x1F;
	vm6 =	veq.s32 v23, v4;
	[tilespmem:v12+s26+$0x0] =	vst.idx.add.s32.msk vm5, v2  }
0x5c7: {  	v12 =	vor.u32 $0x80000000, v22;
	v16 =	vadd.s32 v1, v16;
	v22 =	vshra.s32 v15, $0x1F;
	[tilespmem:v13+s26+$0x0] =	vst.idx.add.s32.msk vm4, v2  }
0x5c8: {  	v11 =	vor.u32 $0x80000000, v11;
	v13 =	vor.u32 $0x80000000, v22;
	v22 =	vshra.s32 v18, $0x1F;
	[tilespmem:v14+s26+$0x0] =	vst.idx.add.s32.msk vm3, v2  }
0x5c9: {  	v20 =	vxor.u32 v20, v8;
	v14 =	vshra.s32 v21, $0x1F;
	v8 =	vor.u32 $0x80000000, v22;
	[tilespmem:v6+s26+$0x0] =	vst.idx.add.s32.msk vm2, v2  }
0x5ca: {  	v19 =	vxor.u32 v10, v19;
	v22 =	vxor.u32 v9, v12;
	v6 =	vor.u32 $0x80000000, v14;
	[tilespmem:v5+s26+$0x0] =	vst.idx.add.s32.msk vm1, v2  }
.Ltmp31:
0x5cb: {  	v5 =	vxor.u32 v15, v13;
	v21 =	vxor.u32 v21, v6;
	v6 =	vxor.u32 v7, v11;
	(pc) =	sbr.rel @p1 .LBB2_64-.Ltmp31, $4  }
0x5cc: {  	v8 =	vxor.u32 v18, v8;
	v11 =	vshrl.u32 v20, $0xA;
	v10 =	vshrl.u32 v21, $0xA;
	[tilespmem:v16+s26+$0x0] =	vst.idx.add.s32.msk vm6, v2  }
0x5cd: {  	v14 =	vshrl.u32 v19, $0xA;
	v12 =	vshrl.u32 v22, $0xA;
	v9 =	vshrl.u32 v6, $0xA;
	[tilespmem:v17+s26+$0x0] =	vst.idx.add.s32.msk vm0, v2  }
0x5ce: {  	v13 =	vshrl.u32 v5, $0xA;
	v7 =	vshrl.u32 v8, $0xA;
	v15 =	vand.u32 $0x3FF, v21  }
0x5cf: {  	s13 =	sadd.s32 $0x80, s13;
	v18 =	vand.u32 $0x3FF, v20;
	v16 =	vand.u32 $0x3FF, v22;
	v17 =	vand.u32 $0x3FF, v19  }
0x5d0: {  	vm0 =	veq.s32 v10, v4  }
0x5d1: {  	vm1 =	veq.s32 v11, v4;
	v10 =	vadd.s32 v1, v15  }
0x5d2: {  	vm2 =	veq.s32 v14, v4;
	v11 =	vadd.s32 v1, v18  }
0x5d3: {  	vm3 =	veq.s32 v12, v4;
	v12 =	vadd.s32 v1, v17  }
0x5d4: {  	v6 =	vand.u32 $0x3FF, v6;
	vm4 =	veq.s32 v9, v4;
	v9 =	vadd.s32 v1, v16  }
0x5d5: {  	v5 =	vand.u32 $0x3FF, v5;
	vm5 =	veq.s32 v13, v4;
	v6 =	vadd.s32 v1, v6  }
0x5d6: {  	v8 =	vand.u32 $0x3FF, v8;
	vm6 =	veq.s32 v7, v4;
	v5 =	vadd.s32 v1, v5;
	[tilespmem:v10+s26+$0x0] =	vst.idx.add.s32.msk vm0, v2  }
0x5d7: {  	v7 =	vadd.s32 v1, v8;
	[tilespmem:v11+s26+$0x0] =	vst.idx.add.s32.msk vm1, v2  }
0x5d8: {  	[tilespmem:v12+s26+$0x0] =	vst.idx.add.s32.msk vm2, v2  }
0x5d9: {  	[tilespmem:v9+s26+$0x0] =	vst.idx.add.s32.msk vm3, v2  }
0x5da: {  	[tilespmem:v6+s26+$0x0] =	vst.idx.add.s32.msk vm4, v2  }
0x5db: {  	[tilespmem:v5+s26+$0x0] =	vst.idx.add.s32.msk vm5, v2  }
0x5dc: {  	[tilespmem:v7+s26+$0x0] =	vst.idx.add.s32.msk vm6, v2  }
0x5dd: {  	[tilespmem:s24], [sflag:$0x2] =	stream.strided.gather [hbm4b:s9+s22], $0x8000, s23, s22, $0x38;
	[tilespmem:$0x1C200] =	vst v63  }
0x5de: {  	_ =	swait.ge [sflag:s25], $0x8000  }
0x5df: {  	[sflag:s25] =	ssyncset.done $0x0  }
0x5e0: {  	s12 =	simm.s32 $0x40;
	[sflag:s25] =	ssyncadd.s32 $0xFFFF8000  }
0x5e1: {  	v5 =	vld [tilespmem:s12+$0x30]  }
0x5e2: {  	v6 =	vld [tilespmem:s12+$0xFFFFFFD0]  }
0x5e3: {  	v7 =	vld [tilespmem:s12+$0xFFFFFFE0]  }
0x5e4: {  	v9 =	vld [tilespmem:s12+$0x0]  }
0x5e5: {  	v14 =	vld [tilespmem:s12+$0xFFFFFFC0];
	_ =	sdelay $0x1  }
0x5e6: {  	v8 =	vld [tilespmem:s12+$0xFFFFFFF0];
	_ =	sdelay $0x1  }
0x5e7: {  	v10 =	vld [tilespmem:s12+$0x10];
	v11 =	vshra.s32 v5, $0x1F;
	v12 =	vshra.s32 v6, $0x1F;
	v15 =	vshra.s32 v7, $0x1F  }
0x5e8: {  	v13 =	vld [tilespmem:s12+$0x20];
	v17 =	vshra.s32 v9, $0x1F;
	v19 =	vshra.s32 v14, $0x1F;
	v11 =	vor.u32 $0x80000000, v11  }
0x5e9: {  	v12 =	vor.u32 $0x80000000, v12;
	v5 =	vxor.u32 v5, v11;
	v11 =	vor.u32 $0x80000000, v15  }
0x5ea: {  	v15 =	vshra.s32 v8, $0x1F;
	v20 =	vxor.u32 v6, v12;
	v6 =	vor.u32 $0x80000000, v19  }
0x5eb: {  	v16 =	vshrl.u32 v5, $0xA;
	v5 =	vand.u32 $0x3FF, v5;
	v15 =	vor.u32 $0x80000000, v15  }
0x5ec: {  	vm15 =	veq.s32 v16, v4;
	v16 =	vshra.s32 v10, $0x1F;
	v18 =	vadd.s32 v1, v5  }
0x5ed: {  	v5 =	vor.u32 $0x80000000, v17;
	v17 =	vshra.s32 v13, $0x1F;
	v19 =	vxor.u32 v8, v15  }
0x5ee: {  	v16 =	vor.u32 $0x80000000, v16;
	v12 =	vor.u32 $0x80000000, v17;
	v17 =	vxor.u32 v7, v11  }
0x5ef: {  	v7 =	vxor.u32 v14, v6;
	v6 =	vxor.u32 v9, v5;
	v11 =	vshrl.u32 v20, $0xA  }
0x5f0: {  	v5 =	vxor.u32 v10, v16;
	v10 =	vshrl.u32 v7, $0xA;
	v8 =	vxor.u32 v13, v12  }
0x5f1: {  	v14 =	vshrl.u32 v17, $0xA;
	v12 =	vshrl.u32 v19, $0xA;
	v9 =	vshrl.u32 v6, $0xA  }
0x5f2: {  	v15 =	vand.u32 $0x3FF, v7;
	v17 =	vand.u32 $0x3FF, v17;
	v16 =	vand.u32 $0x3FF, v19  }
0x5f3: {  	s13 =	simm.s32 $0xC0;
	s12 =	simm.s32 $0x0;
	v13 =	vshrl.u32 v5, $0xA;
	v7 =	vshrl.u32 v8, $0xA;
	[tilespmem:v18+s26+$0x0] =	vst.idx.add.s32.msk vm15, v2;
	v18 =	vand.u32 $0x3FF, v20  }
.LBB2_66:
0x5f4: {  	v19 =	vld [tilespmem:s13+$0x30];
	s12 =	sadd.s32 $0x80, s12;
	v6 =	vand.u32 $0x3FF, v6;
	v5 =	vand.u32 $0x3FF, v5;
	v8 =	vand.u32 $0x3FF, v8  }
0x5f5: {  	vm6 =	veq.s32 v10, v4;
	vm5 =	veq.s32 v11, v4;
	vm4 =	veq.s32 v14, v4;
	v20 =	vld [tilespmem:s13+$0xFFFFFFD0];
	p1 =	slt.u32 s12, $0x7F80  }
0x5f6: {  	vm3 =	veq.s32 v12, v4;
	vm2 =	veq.s32 v9, v4;
	vm1 =	veq.s32 v13, v4;
	v10 =	vld [tilespmem:s13+$0xFFFFFFE0]  }
0x5f7: {  	v11 =	vadd.s32 v1, v15;
	v12 =	vadd.s32 v1, v18;
	vm0 =	veq.s32 v7, v4;
	v9 =	vld [tilespmem:s13+$0xFFFFFFF0]  }
0x5f8: {  	v13 =	vadd.s32 v1, v17;
	v14 =	vadd.s32 v1, v16;
	v6 =	vadd.s32 v1, v6;
	v7 =	vld [tilespmem:s13+$0x0]  }
0x5f9: {  	v5 =	vadd.s32 v1, v5;
	v17 =	vadd.s32 v1, v8;
	v15 =	vld [tilespmem:s13+$0x10];
	v16 =	vshra.s32 v19, $0x1F  }
0x5fa: {  	v8 =	vshra.s32 v20, $0x1F;
	v18 =	vld [tilespmem:s13+$0x20];
	v16 =	vor.u32 $0x80000000, v16  }
0x5fb: {  	v21 =	vld [tilespmem:s13+$0xFFFFFFC0];
	v8 =	vor.u32 $0x80000000, v8;
	v22 =	vshra.s32 v10, $0x1F;
	v16 =	vxor.u32 v19, v16  }
0x5fc: {  	v19 =	vor.u32 $0x80000000, v22;
	v22 =	vshra.s32 v9, $0x1F;
	v23 =	vshrl.u32 v16, $0xA;
	[tilespmem:v11+s26+$0x0] =	vst.idx.add.s32.msk vm6, v2  }
0x5fd: {  	v16 =	vand.u32 $0x3FF, v16;
	v11 =	vshra.s32 v7, $0x1F;
	vm6 =	veq.s32 v23, v4;
	[tilespmem:v12+s26+$0x0] =	vst.idx.add.s32.msk vm5, v2  }
0x5fe: {  	v12 =	vor.u32 $0x80000000, v22;
	v16 =	vadd.s32 v1, v16;
	v22 =	vshra.s32 v15, $0x1F;
	[tilespmem:v13+s26+$0x0] =	vst.idx.add.s32.msk vm4, v2  }
0x5ff: {  	v11 =	vor.u32 $0x80000000, v11;
	v13 =	vor.u32 $0x80000000, v22;
	v22 =	vshra.s32 v18, $0x1F;
	[tilespmem:v14+s26+$0x0] =	vst.idx.add.s32.msk vm3, v2  }
0x600: {  	v20 =	vxor.u32 v20, v8;
	v14 =	vshra.s32 v21, $0x1F;
	v8 =	vor.u32 $0x80000000, v22;
	[tilespmem:v6+s26+$0x0] =	vst.idx.add.s32.msk vm2, v2  }
0x601: {  	v19 =	vxor.u32 v10, v19;
	v22 =	vxor.u32 v9, v12;
	v6 =	vor.u32 $0x80000000, v14;
	[tilespmem:v5+s26+$0x0] =	vst.idx.add.s32.msk vm1, v2  }
.Ltmp32:
0x602: {  	v5 =	vxor.u32 v15, v13;
	v21 =	vxor.u32 v21, v6;
	v6 =	vxor.u32 v7, v11;
	(pc) =	sbr.rel @p1 .LBB2_66-.Ltmp32, $4  }
0x603: {  	v8 =	vxor.u32 v18, v8;
	v11 =	vshrl.u32 v20, $0xA;
	v10 =	vshrl.u32 v21, $0xA;
	[tilespmem:v16+s26+$0x0] =	vst.idx.add.s32.msk vm6, v2  }
0x604: {  	v14 =	vshrl.u32 v19, $0xA;
	v12 =	vshrl.u32 v22, $0xA;
	v9 =	vshrl.u32 v6, $0xA;
	[tilespmem:v17+s26+$0x0] =	vst.idx.add.s32.msk vm0, v2  }
0x605: {  	v13 =	vshrl.u32 v5, $0xA;
	v7 =	vshrl.u32 v8, $0xA;
	v15 =	vand.u32 $0x3FF, v21  }
0x606: {  	s13 =	sadd.s32 $0x80, s13;
	v18 =	vand.u32 $0x3FF, v20;
	v16 =	vand.u32 $0x3FF, v22;
	v17 =	vand.u32 $0x3FF, v19  }
0x607: {  	vm0 =	veq.s32 v10, v4  }
0x608: {  	vm1 =	veq.s32 v11, v4;
	v10 =	vadd.s32 v1, v15  }
0x609: {  	vm2 =	veq.s32 v14, v4;
	v11 =	vadd.s32 v1, v18  }
0x60a: {  	vm3 =	veq.s32 v12, v4;
	v12 =	vadd.s32 v1, v17  }
0x60b: {  	v6 =	vand.u32 $0x3FF, v6;
	vm4 =	veq.s32 v9, v4;
	v9 =	vadd.s32 v1, v16  }
0x60c: {  	v5 =	vand.u32 $0x3FF, v5;
	vm5 =	veq.s32 v13, v4;
	v6 =	vadd.s32 v1, v6  }
0x60d: {  	v8 =	vand.u32 $0x3FF, v8;
	vm6 =	veq.s32 v7, v4;
	v5 =	vadd.s32 v1, v5;
	[tilespmem:v10+s26+$0x0] =	vst.idx.add.s32.msk vm0, v2  }
0x60e: {  	v7 =	vadd.s32 v1, v8;
	[tilespmem:v11+s26+$0x0] =	vst.idx.add.s32.msk vm1, v2  }
0x60f: {  	[tilespmem:v12+s26+$0x0] =	vst.idx.add.s32.msk vm2, v2  }
0x610: {  	[tilespmem:v9+s26+$0x0] =	vst.idx.add.s32.msk vm3, v2  }
0x611: {  	[tilespmem:v6+s26+$0x0] =	vst.idx.add.s32.msk vm4, v2  }
0x612: {  	[tilespmem:v5+s26+$0x0] =	vst.idx.add.s32.msk vm5, v2  }
0x613: {  	[tilespmem:v7+s26+$0x0] =	vst.idx.add.s32.msk vm6, v2  }
0x614: {  	[tilespmem:s3], [sflag:$0x1] =	stream.strided.gather [hbm4b:s10+s22], $0x8000, s23, s22, $0x38;
	[tilespmem:$0x1C200] =	vst v63  }
0x615: {  	_ =	swait.ge [sflag:s28], $0x8000  }
0x616: {  	[sflag:s28] =	ssyncset.done $0x0  }
0x617: {  	s12 =	simm.s32 $0x8040;
	[sflag:s28] =	ssyncadd.s32 $0xFFFF8000  }
0x618: {  	v5 =	vld [tilespmem:s12+$0x30]  }
0x619: {  	v6 =	vld [tilespmem:s12+$0xFFFFFFD0]  }
0x61a: {  	v7 =	vld [tilespmem:s12+$0xFFFFFFE0]  }
0x61b: {  	v9 =	vld [tilespmem:s12+$0x0]  }
0x61c: {  	v14 =	vld [tilespmem:s12+$0xFFFFFFC0];
	_ =	sdelay $0x1  }
0x61d: {  	v8 =	vld [tilespmem:s12+$0xFFFFFFF0];
	_ =	sdelay $0x1  }
0x61e: {  	v10 =	vld [tilespmem:s12+$0x10];
	v11 =	vshra.s32 v5, $0x1F;
	v12 =	vshra.s32 v6, $0x1F;
	v15 =	vshra.s32 v7, $0x1F  }
0x61f: {  	v13 =	vld [tilespmem:s12+$0x20];
	v17 =	vshra.s32 v9, $0x1F;
	v19 =	vshra.s32 v14, $0x1F;
	v11 =	vor.u32 $0x80000000, v11  }
0x620: {  	v12 =	vor.u32 $0x80000000, v12;
	v5 =	vxor.u32 v5, v11;
	v11 =	vor.u32 $0x80000000, v15  }
0x621: {  	v15 =	vshra.s32 v8, $0x1F;
	v20 =	vxor.u32 v6, v12;
	v6 =	vor.u32 $0x80000000, v19  }
0x622: {  	v16 =	vshrl.u32 v5, $0xA;
	v5 =	vand.u32 $0x3FF, v5;
	v15 =	vor.u32 $0x80000000, v15  }
0x623: {  	vm15 =	veq.s32 v16, v4;
	v16 =	vshra.s32 v10, $0x1F;
	v18 =	vadd.s32 v1, v5  }
0x624: {  	v5 =	vor.u32 $0x80000000, v17;
	v17 =	vshra.s32 v13, $0x1F;
	v19 =	vxor.u32 v8, v15  }
0x625: {  	v16 =	vor.u32 $0x80000000, v16;
	v12 =	vor.u32 $0x80000000, v17;
	v17 =	vxor.u32 v7, v11  }
0x626: {  	v7 =	vxor.u32 v14, v6;
	v6 =	vxor.u32 v9, v5;
	v11 =	vshrl.u32 v20, $0xA  }
0x627: {  	v5 =	vxor.u32 v10, v16;
	v10 =	vshrl.u32 v7, $0xA;
	v8 =	vxor.u32 v13, v12  }
0x628: {  	v14 =	vshrl.u32 v17, $0xA;
	v12 =	vshrl.u32 v19, $0xA;
	v9 =	vshrl.u32 v6, $0xA  }
0x629: {  	v15 =	vand.u32 $0x3FF, v7;
	v17 =	vand.u32 $0x3FF, v17;
	v16 =	vand.u32 $0x3FF, v19  }
0x62a: {  	s13 =	simm.s32 $0x80C0;
	s12 =	simm.s32 $0x0;
	v13 =	vshrl.u32 v5, $0xA;
	v7 =	vshrl.u32 v8, $0xA;
	[tilespmem:v18+s26+$0x0] =	vst.idx.add.s32.msk vm15, v2;
	v18 =	vand.u32 $0x3FF, v20  }
.LBB2_68:
0x62b: {  	v19 =	vld [tilespmem:s13+$0x30];
	s12 =	sadd.s32 $0x80, s12;
	v6 =	vand.u32 $0x3FF, v6;
	v5 =	vand.u32 $0x3FF, v5;
	v8 =	vand.u32 $0x3FF, v8  }
0x62c: {  	vm6 =	veq.s32 v10, v4;
	vm5 =	veq.s32 v11, v4;
	vm4 =	veq.s32 v14, v4;
	v20 =	vld [tilespmem:s13+$0xFFFFFFD0];
	p1 =	slt.u32 s12, $0x7F80  }
0x62d: {  	vm3 =	veq.s32 v12, v4;
	vm2 =	veq.s32 v9, v4;
	vm1 =	veq.s32 v13, v4;
	v10 =	vld [tilespmem:s13+$0xFFFFFFE0]  }
0x62e: {  	v11 =	vadd.s32 v1, v15;
	v12 =	vadd.s32 v1, v18;
	vm0 =	veq.s32 v7, v4;
	v9 =	vld [tilespmem:s13+$0xFFFFFFF0]  }
0x62f: {  	v13 =	vadd.s32 v1, v17;
	v14 =	vadd.s32 v1, v16;
	v6 =	vadd.s32 v1, v6;
	v7 =	vld [tilespmem:s13+$0x0]  }
0x630: {  	v5 =	vadd.s32 v1, v5;
	v17 =	vadd.s32 v1, v8;
	v15 =	vld [tilespmem:s13+$0x10];
	v16 =	vshra.s32 v19, $0x1F  }
0x631: {  	v8 =	vshra.s32 v20, $0x1F;
	v18 =	vld [tilespmem:s13+$0x20];
	v16 =	vor.u32 $0x80000000, v16  }
0x632: {  	v21 =	vld [tilespmem:s13+$0xFFFFFFC0];
	v8 =	vor.u32 $0x80000000, v8;
	v22 =	vshra.s32 v10, $0x1F;
	v16 =	vxor.u32 v19, v16  }
0x633: {  	v19 =	vor.u32 $0x80000000, v22;
	v22 =	vshra.s32 v9, $0x1F;
	v23 =	vshrl.u32 v16, $0xA;
	[tilespmem:v11+s26+$0x0] =	vst.idx.add.s32.msk vm6, v2  }
0x634: {  	v16 =	vand.u32 $0x3FF, v16;
	v11 =	vshra.s32 v7, $0x1F;
	vm6 =	veq.s32 v23, v4;
	[tilespmem:v12+s26+$0x0] =	vst.idx.add.s32.msk vm5, v2  }
0x635: {  	v12 =	vor.u32 $0x80000000, v22;
	v16 =	vadd.s32 v1, v16;
	v22 =	vshra.s32 v15, $0x1F;
	[tilespmem:v13+s26+$0x0] =	vst.idx.add.s32.msk vm4, v2  }
0x636: {  	v11 =	vor.u32 $0x80000000, v11;
	v13 =	vor.u32 $0x80000000, v22;
	v22 =	vshra.s32 v18, $0x1F;
	[tilespmem:v14+s26+$0x0] =	vst.idx.add.s32.msk vm3, v2  }
0x637: {  	v20 =	vxor.u32 v20, v8;
	v14 =	vshra.s32 v21, $0x1F;
	v8 =	vor.u32 $0x80000000, v22;
	[tilespmem:v6+s26+$0x0] =	vst.idx.add.s32.msk vm2, v2  }
0x638: {  	v19 =	vxor.u32 v10, v19;
	v22 =	vxor.u32 v9, v12;
	v6 =	vor.u32 $0x80000000, v14;
	[tilespmem:v5+s26+$0x0] =	vst.idx.add.s32.msk vm1, v2  }
.Ltmp33:
0x639: {  	v5 =	vxor.u32 v15, v13;
	v21 =	vxor.u32 v21, v6;
	v6 =	vxor.u32 v7, v11;
	(pc) =	sbr.rel @p1 .LBB2_68-.Ltmp33, $4  }
0x63a: {  	v8 =	vxor.u32 v18, v8;
	v11 =	vshrl.u32 v20, $0xA;
	v10 =	vshrl.u32 v21, $0xA;
	[tilespmem:v16+s26+$0x0] =	vst.idx.add.s32.msk vm6, v2  }
0x63b: {  	v14 =	vshrl.u32 v19, $0xA;
	v12 =	vshrl.u32 v22, $0xA;
	v9 =	vshrl.u32 v6, $0xA;
	[tilespmem:v17+s26+$0x0] =	vst.idx.add.s32.msk vm0, v2  }
0x63c: {  	v13 =	vshrl.u32 v5, $0xA;
	v7 =	vshrl.u32 v8, $0xA;
	v15 =	vand.u32 $0x3FF, v21  }
0x63d: {  	s13 =	sadd.s32 $0x80, s13;
	v18 =	vand.u32 $0x3FF, v20;
	v16 =	vand.u32 $0x3FF, v22;
	v17 =	vand.u32 $0x3FF, v19  }
0x63e: {  	vm0 =	veq.s32 v10, v4  }
0x63f: {  	vm1 =	veq.s32 v11, v4;
	v10 =	vadd.s32 v1, v15  }
0x640: {  	vm2 =	veq.s32 v14, v4;
	v11 =	vadd.s32 v1, v18  }
0x641: {  	vm3 =	veq.s32 v12, v4;
	v12 =	vadd.s32 v1, v17  }
0x642: {  	v6 =	vand.u32 $0x3FF, v6;
	vm4 =	veq.s32 v9, v4;
	v9 =	vadd.s32 v1, v16  }
0x643: {  	v5 =	vand.u32 $0x3FF, v5;
	vm5 =	veq.s32 v13, v4;
	v6 =	vadd.s32 v1, v6  }
0x644: {  	v8 =	vand.u32 $0x3FF, v8;
	vm6 =	veq.s32 v7, v4;
	v5 =	vadd.s32 v1, v5;
	[tilespmem:v10+s26+$0x0] =	vst.idx.add.s32.msk vm0, v2  }
0x645: {  	v7 =	vadd.s32 v1, v8;
	[tilespmem:v11+s26+$0x0] =	vst.idx.add.s32.msk vm1, v2  }
0x646: {  	[tilespmem:v12+s26+$0x0] =	vst.idx.add.s32.msk vm2, v2  }
0x647: {  	[tilespmem:v9+s26+$0x0] =	vst.idx.add.s32.msk vm3, v2  }
0x648: {  	[tilespmem:v6+s26+$0x0] =	vst.idx.add.s32.msk vm4, v2  }
0x649: {  	[tilespmem:v5+s26+$0x0] =	vst.idx.add.s32.msk vm5, v2  }
0x64a: {  	[tilespmem:v7+s26+$0x0] =	vst.idx.add.s32.msk vm6, v2  }
0x64b: {  	[tilespmem:s24], [sflag:$0x2] =	stream.strided.gather [hbm4b:s11+s22], $0x8000, s23, s22, $0x38;
	[tilespmem:$0x1C200] =	vst v63  }
0x64c: {  	_ =	swait.ge [sflag:s25], $0x8000  }
0x64d: {  	[sflag:s25] =	ssyncset.done $0x0  }
0x64e: {  	s12 =	simm.s32 $0x40;
	[sflag:s25] =	ssyncadd.s32 $0xFFFF8000  }
0x64f: {  	v5 =	vld [tilespmem:s12+$0x30]  }
0x650: {  	v6 =	vld [tilespmem:s12+$0xFFFFFFD0]  }
0x651: {  	v7 =	vld [tilespmem:s12+$0xFFFFFFE0]  }
0x652: {  	v9 =	vld [tilespmem:s12+$0x0]  }
0x653: {  	v14 =	vld [tilespmem:s12+$0xFFFFFFC0];
	_ =	sdelay $0x1  }
0x654: {  	v8 =	vld [tilespmem:s12+$0xFFFFFFF0];
	_ =	sdelay $0x1  }
0x655: {  	v10 =	vld [tilespmem:s12+$0x10];
	v11 =	vshra.s32 v5, $0x1F;
	v12 =	vshra.s32 v6, $0x1F;
	v15 =	vshra.s32 v7, $0x1F  }
0x656: {  	v13 =	vld [tilespmem:s12+$0x20];
	v17 =	vshra.s32 v9, $0x1F;
	v19 =	vshra.s32 v14, $0x1F;
	v11 =	vor.u32 $0x80000000, v11  }
0x657: {  	v12 =	vor.u32 $0x80000000, v12;
	v5 =	vxor.u32 v5, v11;
	v11 =	vor.u32 $0x80000000, v15  }
0x658: {  	v15 =	vshra.s32 v8, $0x1F;
	v20 =	vxor.u32 v6, v12;
	v6 =	vor.u32 $0x80000000, v19  }
0x659: {  	v16 =	vshrl.u32 v5, $0xA;
	v5 =	vand.u32 $0x3FF, v5;
	v15 =	vor.u32 $0x80000000, v15  }
0x65a: {  	vm15 =	veq.s32 v16, v4;
	v16 =	vshra.s32 v10, $0x1F;
	v18 =	vadd.s32 v1, v5  }
0x65b: {  	v5 =	vor.u32 $0x80000000, v17;
	v17 =	vshra.s32 v13, $0x1F;
	v19 =	vxor.u32 v8, v15  }
0x65c: {  	v16 =	vor.u32 $0x80000000, v16;
	v12 =	vor.u32 $0x80000000, v17;
	v17 =	vxor.u32 v7, v11  }
0x65d: {  	v7 =	vxor.u32 v14, v6;
	v6 =	vxor.u32 v9, v5;
	v11 =	vshrl.u32 v20, $0xA  }
0x65e: {  	v5 =	vxor.u32 v10, v16;
	v10 =	vshrl.u32 v7, $0xA;
	v8 =	vxor.u32 v13, v12  }
0x65f: {  	v14 =	vshrl.u32 v17, $0xA;
	v12 =	vshrl.u32 v19, $0xA;
	v9 =	vshrl.u32 v6, $0xA  }
0x660: {  	v15 =	vand.u32 $0x3FF, v7;
	v17 =	vand.u32 $0x3FF, v17;
	v16 =	vand.u32 $0x3FF, v19  }
0x661: {  	s13 =	simm.s32 $0xC0;
	s12 =	simm.s32 $0x0;
	v13 =	vshrl.u32 v5, $0xA;
	v7 =	vshrl.u32 v8, $0xA;
	[tilespmem:v18+s26+$0x0] =	vst.idx.add.s32.msk vm15, v2;
	v18 =	vand.u32 $0x3FF, v20  }
.LBB2_70:
0x662: {  	v19 =	vld [tilespmem:s13+$0x30];
	s12 =	sadd.s32 $0x80, s12;
	v6 =	vand.u32 $0x3FF, v6;
	v5 =	vand.u32 $0x3FF, v5;
	v8 =	vand.u32 $0x3FF, v8  }
0x663: {  	vm6 =	veq.s32 v10, v4;
	vm5 =	veq.s32 v11, v4;
	vm4 =	veq.s32 v14, v4;
	v20 =	vld [tilespmem:s13+$0xFFFFFFD0];
	p1 =	slt.u32 s12, $0x7F80  }
0x664: {  	vm3 =	veq.s32 v12, v4;
	vm2 =	veq.s32 v9, v4;
	vm1 =	veq.s32 v13, v4;
	v10 =	vld [tilespmem:s13+$0xFFFFFFE0]  }
0x665: {  	v11 =	vadd.s32 v1, v15;
	v12 =	vadd.s32 v1, v18;
	vm0 =	veq.s32 v7, v4;
	v9 =	vld [tilespmem:s13+$0xFFFFFFF0]  }
0x666: {  	v13 =	vadd.s32 v1, v17;
	v14 =	vadd.s32 v1, v16;
	v6 =	vadd.s32 v1, v6;
	v7 =	vld [tilespmem:s13+$0x0]  }
0x667: {  	v5 =	vadd.s32 v1, v5;
	v17 =	vadd.s32 v1, v8;
	v15 =	vld [tilespmem:s13+$0x10];
	v16 =	vshra.s32 v19, $0x1F  }
0x668: {  	v8 =	vshra.s32 v20, $0x1F;
	v18 =	vld [tilespmem:s13+$0x20];
	v16 =	vor.u32 $0x80000000, v16  }
0x669: {  	v21 =	vld [tilespmem:s13+$0xFFFFFFC0];
	v8 =	vor.u32 $0x80000000, v8;
	v22 =	vshra.s32 v10, $0x1F;
	v16 =	vxor.u32 v19, v16  }
0x66a: {  	v19 =	vor.u32 $0x80000000, v22;
	v22 =	vshra.s32 v9, $0x1F;
	v23 =	vshrl.u32 v16, $0xA;
	[tilespmem:v11+s26+$0x0] =	vst.idx.add.s32.msk vm6, v2  }
0x66b: {  	v16 =	vand.u32 $0x3FF, v16;
	v11 =	vshra.s32 v7, $0x1F;
	vm6 =	veq.s32 v23, v4;
	[tilespmem:v12+s26+$0x0] =	vst.idx.add.s32.msk vm5, v2  }
0x66c: {  	v12 =	vor.u32 $0x80000000, v22;
	v16 =	vadd.s32 v1, v16;
	v22 =	vshra.s32 v15, $0x1F;
	[tilespmem:v13+s26+$0x0] =	vst.idx.add.s32.msk vm4, v2  }
0x66d: {  	v11 =	vor.u32 $0x80000000, v11;
	v13 =	vor.u32 $0x80000000, v22;
	v22 =	vshra.s32 v18, $0x1F;
	[tilespmem:v14+s26+$0x0] =	vst.idx.add.s32.msk vm3, v2  }
0x66e: {  	v20 =	vxor.u32 v20, v8;
	v14 =	vshra.s32 v21, $0x1F;
	v8 =	vor.u32 $0x80000000, v22;
	[tilespmem:v6+s26+$0x0] =	vst.idx.add.s32.msk vm2, v2  }
0x66f: {  	v19 =	vxor.u32 v10, v19;
	v22 =	vxor.u32 v9, v12;
	v6 =	vor.u32 $0x80000000, v14;
	[tilespmem:v5+s26+$0x0] =	vst.idx.add.s32.msk vm1, v2  }
.Ltmp34:
0x670: {  	v5 =	vxor.u32 v15, v13;
	v21 =	vxor.u32 v21, v6;
	v6 =	vxor.u32 v7, v11;
	(pc) =	sbr.rel @p1 .LBB2_70-.Ltmp34, $4  }
0x671: {  	v8 =	vxor.u32 v18, v8;
	v11 =	vshrl.u32 v20, $0xA;
	v10 =	vshrl.u32 v21, $0xA;
	[tilespmem:v16+s26+$0x0] =	vst.idx.add.s32.msk vm6, v2  }
0x672: {  	v14 =	vshrl.u32 v19, $0xA;
	v12 =	vshrl.u32 v22, $0xA;
	v9 =	vshrl.u32 v6, $0xA;
	[tilespmem:v17+s26+$0x0] =	vst.idx.add.s32.msk vm0, v2  }
0x673: {  	v13 =	vshrl.u32 v5, $0xA;
	v7 =	vshrl.u32 v8, $0xA;
	v15 =	vand.u32 $0x3FF, v21  }
0x674: {  	s13 =	sadd.s32 $0x80, s13;
	v18 =	vand.u32 $0x3FF, v20;
	v16 =	vand.u32 $0x3FF, v22;
	v17 =	vand.u32 $0x3FF, v19  }
0x675: {  	vm0 =	veq.s32 v10, v4  }
0x676: {  	vm1 =	veq.s32 v11, v4;
	v10 =	vadd.s32 v1, v15  }
0x677: {  	vm2 =	veq.s32 v14, v4;
	v11 =	vadd.s32 v1, v18  }
0x678: {  	vm3 =	veq.s32 v12, v4;
	v12 =	vadd.s32 v1, v17  }
0x679: {  	v6 =	vand.u32 $0x3FF, v6;
	vm4 =	veq.s32 v9, v4;
	v9 =	vadd.s32 v1, v16  }
0x67a: {  	v5 =	vand.u32 $0x3FF, v5;
	vm5 =	veq.s32 v13, v4;
	v6 =	vadd.s32 v1, v6  }
0x67b: {  	v8 =	vand.u32 $0x3FF, v8;
	vm6 =	veq.s32 v7, v4;
	v5 =	vadd.s32 v1, v5;
	[tilespmem:v10+s26+$0x0] =	vst.idx.add.s32.msk vm0, v2  }
0x67c: {  	v7 =	vadd.s32 v1, v8;
	[tilespmem:v11+s26+$0x0] =	vst.idx.add.s32.msk vm1, v2  }
0x67d: {  	[tilespmem:v12+s26+$0x0] =	vst.idx.add.s32.msk vm2, v2  }
0x67e: {  	[tilespmem:v9+s26+$0x0] =	vst.idx.add.s32.msk vm3, v2  }
0x67f: {  	[tilespmem:v6+s26+$0x0] =	vst.idx.add.s32.msk vm4, v2  }
0x680: {  	[tilespmem:v5+s26+$0x0] =	vst.idx.add.s32.msk vm5, v2  }
0x681: {  	[tilespmem:v7+s26+$0x0] =	vst.idx.add.s32.msk vm6, v2  }
0x682: {  	_ =	swait.ge [sflag:s28], $0x8000  }
0x683: {  	[sflag:s28] =	ssyncset.done $0x0  }
0x684: {  	s12 =	simm.s32 $0x8040;
	[sflag:s28] =	ssyncadd.s32 $0xFFFF8000  }
0x685: {  	v5 =	vld [tilespmem:s12+$0x30]  }
0x686: {  	v6 =	vld [tilespmem:s12+$0xFFFFFFD0]  }
0x687: {  	v7 =	vld [tilespmem:s12+$0xFFFFFFE0]  }
0x688: {  	v9 =	vld [tilespmem:s12+$0x0]  }
0x689: {  	v14 =	vld [tilespmem:s12+$0xFFFFFFC0];
	_ =	sdelay $0x1  }
0x68a: {  	v8 =	vld [tilespmem:s12+$0xFFFFFFF0];
	_ =	sdelay $0x1  }
0x68b: {  	v10 =	vld [tilespmem:s12+$0x10];
	v11 =	vshra.s32 v5, $0x1F;
	v12 =	vshra.s32 v6, $0x1F;
	v15 =	vshra.s32 v7, $0x1F  }
0x68c: {  	v13 =	vld [tilespmem:s12+$0x20];
	v17 =	vshra.s32 v9, $0x1F;
	v19 =	vshra.s32 v14, $0x1F;
	v11 =	vor.u32 $0x80000000, v11  }
0x68d: {  	v12 =	vor.u32 $0x80000000, v12;
	v5 =	vxor.u32 v5, v11;
	v11 =	vor.u32 $0x80000000, v15  }
0x68e: {  	v15 =	vshra.s32 v8, $0x1F;
	v20 =	vxor.u32 v6, v12;
	v6 =	vor.u32 $0x80000000, v19  }
0x68f: {  	v16 =	vshrl.u32 v5, $0xA;
	v5 =	vand.u32 $0x3FF, v5;
	v15 =	vor.u32 $0x80000000, v15  }
0x690: {  	vm15 =	veq.s32 v16, v4;
	v16 =	vshra.s32 v10, $0x1F;
	v18 =	vadd.s32 v1, v5  }
0x691: {  	v5 =	vor.u32 $0x80000000, v17;
	v17 =	vshra.s32 v13, $0x1F;
	v19 =	vxor.u32 v8, v15  }
0x692: {  	v16 =	vor.u32 $0x80000000, v16;
	v12 =	vor.u32 $0x80000000, v17;
	v17 =	vxor.u32 v7, v11  }
0x693: {  	v7 =	vxor.u32 v14, v6;
	v6 =	vxor.u32 v9, v5;
	v11 =	vshrl.u32 v20, $0xA  }
0x694: {  	v5 =	vxor.u32 v10, v16;
	v10 =	vshrl.u32 v7, $0xA;
	v8 =	vxor.u32 v13, v12  }
0x695: {  	v14 =	vshrl.u32 v17, $0xA;
	v12 =	vshrl.u32 v19, $0xA;
	v9 =	vshrl.u32 v6, $0xA  }
0x696: {  	v15 =	vand.u32 $0x3FF, v7;
	v17 =	vand.u32 $0x3FF, v17;
	v16 =	vand.u32 $0x3FF, v19  }
0x697: {  	s13 =	simm.s32 $0x80C0;
	s12 =	simm.s32 $0x0;
	v13 =	vshrl.u32 v5, $0xA;
	v7 =	vshrl.u32 v8, $0xA;
	[tilespmem:v18+s26+$0x0] =	vst.idx.add.s32.msk vm15, v2;
	v18 =	vand.u32 $0x3FF, v20  }
.LBB2_72:
0x698: {  	v19 =	vld [tilespmem:s13+$0x30];
	s12 =	sadd.s32 $0x80, s12;
	v6 =	vand.u32 $0x3FF, v6;
	v5 =	vand.u32 $0x3FF, v5;
	v8 =	vand.u32 $0x3FF, v8  }
0x699: {  	vm6 =	veq.s32 v10, v4;
	vm5 =	veq.s32 v11, v4;
	vm4 =	veq.s32 v14, v4;
	v20 =	vld [tilespmem:s13+$0xFFFFFFD0];
	p1 =	slt.u32 s12, $0x7F80  }
0x69a: {  	vm3 =	veq.s32 v12, v4;
	vm2 =	veq.s32 v9, v4;
	vm1 =	veq.s32 v13, v4;
	v10 =	vld [tilespmem:s13+$0xFFFFFFE0]  }
0x69b: {  	v11 =	vadd.s32 v1, v15;
	v12 =	vadd.s32 v1, v18;
	vm0 =	veq.s32 v7, v4;
	v9 =	vld [tilespmem:s13+$0xFFFFFFF0]  }
0x69c: {  	v13 =	vadd.s32 v1, v17;
	v14 =	vadd.s32 v1, v16;
	v6 =	vadd.s32 v1, v6;
	v7 =	vld [tilespmem:s13+$0x0]  }
0x69d: {  	v5 =	vadd.s32 v1, v5;
	v17 =	vadd.s32 v1, v8;
	v15 =	vld [tilespmem:s13+$0x10];
	v16 =	vshra.s32 v19, $0x1F  }
0x69e: {  	v8 =	vshra.s32 v20, $0x1F;
	v18 =	vld [tilespmem:s13+$0x20];
	v16 =	vor.u32 $0x80000000, v16  }
0x69f: {  	v21 =	vld [tilespmem:s13+$0xFFFFFFC0];
	v8 =	vor.u32 $0x80000000, v8;
	v22 =	vshra.s32 v10, $0x1F;
	v16 =	vxor.u32 v19, v16  }
0x6a0: {  	v19 =	vor.u32 $0x80000000, v22;
	v22 =	vshra.s32 v9, $0x1F;
	v23 =	vshrl.u32 v16, $0xA;
	[tilespmem:v11+s26+$0x0] =	vst.idx.add.s32.msk vm6, v2  }
0x6a1: {  	v16 =	vand.u32 $0x3FF, v16;
	v11 =	vshra.s32 v7, $0x1F;
	vm6 =	veq.s32 v23, v4;
	[tilespmem:v12+s26+$0x0] =	vst.idx.add.s32.msk vm5, v2  }
0x6a2: {  	v12 =	vor.u32 $0x80000000, v22;
	v16 =	vadd.s32 v1, v16;
	v22 =	vshra.s32 v15, $0x1F;
	[tilespmem:v13+s26+$0x0] =	vst.idx.add.s32.msk vm4, v2  }
0x6a3: {  	v11 =	vor.u32 $0x80000000, v11;
	v13 =	vor.u32 $0x80000000, v22;
	v22 =	vshra.s32 v18, $0x1F;
	[tilespmem:v14+s26+$0x0] =	vst.idx.add.s32.msk vm3, v2  }
0x6a4: {  	v20 =	vxor.u32 v20, v8;
	v14 =	vshra.s32 v21, $0x1F;
	v8 =	vor.u32 $0x80000000, v22;
	[tilespmem:v6+s26+$0x0] =	vst.idx.add.s32.msk vm2, v2  }
0x6a5: {  	v19 =	vxor.u32 v10, v19;
	v22 =	vxor.u32 v9, v12;
	v6 =	vor.u32 $0x80000000, v14;
	[tilespmem:v5+s26+$0x0] =	vst.idx.add.s32.msk vm1, v2  }
.Ltmp35:
0x6a6: {  	v5 =	vxor.u32 v15, v13;
	v21 =	vxor.u32 v21, v6;
	v6 =	vxor.u32 v7, v11;
	(pc) =	sbr.rel @p1 .LBB2_72-.Ltmp35, $4  }
0x6a7: {  	v8 =	vxor.u32 v18, v8;
	v11 =	vshrl.u32 v20, $0xA;
	v10 =	vshrl.u32 v21, $0xA;
	[tilespmem:v16+s26+$0x0] =	vst.idx.add.s32.msk vm6, v2  }
0x6a8: {  	v14 =	vshrl.u32 v19, $0xA;
	v12 =	vshrl.u32 v22, $0xA;
	v9 =	vshrl.u32 v6, $0xA;
	[tilespmem:v17+s26+$0x0] =	vst.idx.add.s32.msk vm0, v2  }
0x6a9: {  	v13 =	vshrl.u32 v5, $0xA;
	v7 =	vshrl.u32 v8, $0xA;
	v15 =	vand.u32 $0x3FF, v21  }
0x6aa: {  	s13 =	sadd.s32 $0x80, s13;
	v18 =	vand.u32 $0x3FF, v20;
	v16 =	vand.u32 $0x3FF, v22;
	v17 =	vand.u32 $0x3FF, v19  }
0x6ab: {  	vm0 =	veq.s32 v10, v4  }
0x6ac: {  	vm1 =	veq.s32 v11, v4;
	v10 =	vadd.s32 v1, v15  }
0x6ad: {  	vm2 =	veq.s32 v14, v4;
	v11 =	vadd.s32 v1, v18  }
0x6ae: {  	vm3 =	veq.s32 v12, v4;
	v57 =	vadd.s32 v1, v17  }
0x6af: {  	v6 =	vand.u32 $0x3FF, v6;
	vm4 =	veq.s32 v9, v4;
	v9 =	vadd.s32 v1, v16  }
0x6b0: {  	v5 =	vand.u32 $0x3FF, v5;
	vm5 =	veq.s32 v13, v4;
	v6 =	vadd.s32 v1, v6  }
0x6b1: {  	v8 =	vand.u32 $0x3FF, v8;
	vm6 =	veq.s32 v7, v4;
	v4 =	vadd.s32 v1, v5;
	[tilespmem:v10+s26+$0x0] =	vst.idx.add.s32.msk vm0, v2  }
0x6b2: {  	v5 =	vadd.s32 v1, v8;
	[tilespmem:v11+s26+$0x0] =	vst.idx.add.s32.msk vm1, v2  }
0x6b3: {  	[tilespmem:v57+s26+$0x0] =	vst.idx.add.s32.msk vm2, v2  }
0x6b4: {  	[tilespmem:v9+s26+$0x0] =	vst.idx.add.s32.msk vm3, v2  }
0x6b5: {  	[tilespmem:v6+s26+$0x0] =	vst.idx.add.s32.msk vm4, v2  }
0x6b6: {  	[tilespmem:v4+s26+$0x0] =	vst.idx.add.s32.msk vm5, v2  }
0x6b7: {  	s12 =	simm.s32 $0x0;
	[tilespmem:v5+s26+$0x0] =	vst.idx.add.s32.msk vm6, v2  }
0x6b8: {  	v4 =	vld [tilespmem:s12+$0x10010]  }
0x6b9: {  	v5 =	vld [tilespmem:s12+$0x10811]  }
0x6ba: {  	v6 =	vld [tilespmem:s12+$0x11012]  }
0x6bb: {  	v7 =	vld [tilespmem:s12+$0x11813]  }
0x6bc: {  	v8 =	vld [tilespmem:s12+$0x12014]  }
0x6bd: {  	v9 =	vld [tilespmem:s12+$0x12815]  }
0x6be: {  	v10 =	vld [tilespmem:s12+$0x13016]  }
0x6bf: {  	v11 =	vld [tilespmem:s12+$0x13817]  }
0x6c0: {  	v12 =	vld [tilespmem:s12+$0x14018]  }
0x6c1: {  	v58 =	vld [tilespmem:s12+$0x14819]  }
0x6c2: {  	v59 =	vld [tilespmem:s12+$0x1501A]  }
0x6c3: {  	v60 =	vld [tilespmem:s12+$0x1581B]  }
0x6c4: {  	v61 =	vld [tilespmem:s12+$0x1601C]  }
0x6c5: {  	v62 =	vld [tilespmem:s12+$0x1681D]  }
0x6c6: {  	v63 =	vld [tilespmem:s12+$0x1701E]  }
0x6c7: {  	v19 =	vld [tilespmem:s12+$0x1781F];
	v4 =	vadd.s32 v4, v5  }
0x6c8: {  	v5 =	vld [tilespmem:s12+$0x10000];
	v4 =	vadd.s32 v6, v4  }
0x6c9: {  	v6 =	vld [tilespmem:s12+$0x10801];
	v4 =	vadd.s32 v7, v4  }
0x6ca: {  	v7 =	vld [tilespmem:s12+$0x11002];
	v4 =	vadd.s32 v8, v4  }
0x6cb: {  	v8 =	vld [tilespmem:s12+$0x11803];
	v4 =	vadd.s32 v9, v4  }
0x6cc: {  	v9 =	vld [tilespmem:s12+$0x12004];
	v4 =	vadd.s32 v10, v4  }
0x6cd: {  	v10 =	vld [tilespmem:s12+$0x12805];
	v4 =	vadd.s32 v11, v4  }
0x6ce: {  	v5 =	vadd.s32 v5, v6;
	v6 =	vld [tilespmem:s12+$0x13006];
	v4 =	vadd.s32 v12, v4  }
0x6cf: {  	v5 =	vadd.s32 v7, v5;
	v7 =	vld [tilespmem:s12+$0x13807];
	v4 =	vadd.s32 v58, v4  }
0x6d0: {  	v5 =	vadd.s32 v8, v5;
	v8 =	vld [tilespmem:s12+$0x14008];
	v4 =	vadd.s32 v59, v4  }
0x6d1: {  	v5 =	vadd.s32 v9, v5;
	v9 =	vld [tilespmem:s12+$0x14809];
	v4 =	vadd.s32 v60, v4  }
0x6d2: {  	v10 =	vadd.s32 v10, v5;
	v5 =	vld [tilespmem:s12+$0x1500A];
	v4 =	vadd.s32 v61, v4  }
0x6d3: {  	v6 =	vadd.s32 v6, v10;
	v11 =	vadd.s32 v62, v4;
	v4 =	vld [tilespmem:s12+$0x1580B]  }
0x6d4: {  	v7 =	vadd.s32 v7, v6;
	v6 =	vld [tilespmem:s12+$0x1600C];
	v10 =	vadd.s32 v63, v11  }
0x6d5: {  	v8 =	vadd.s32 v8, v7;
	v7 =	vld [tilespmem:s12+$0x1680D];
	v10 =	vadd.s32 v19, v10  }
0x6d6: {  	s13 =	simm.s32 $0x0;
	s14 =	simm.s32 $0x80;
	v9 =	vadd.s32 v9, v8;
	v8 =	vld [tilespmem:s12+$0x1700E];
	[tilespmem:s12+$0x18090] =	vst v10  }
.LBB2_74:
0x6d7: {  	s15 =	sshra.s32 s14, $0x2;
	v5 =	vadd.s32 v5, v9;
	v9 =	vld [tilespmem:s12+$0x1780F]  }
0x6d8: {  	s13 =	sadd.s32 $0x20, s13;
	v10 =	vld [tilespmem:s15+$0x10010];
	v4 =	vadd.s32 v4, v5  }
0x6d9: {  	p1 =	slt.u32 s13, $0x3E0;
	v5 =	vld [tilespmem:s15+$0x10811];
	v4 =	vadd.s32 v6, v4  }
0x6da: {  	v6 =	vld [tilespmem:s15+$0x11012];
	v4 =	vadd.s32 v7, v4  }
0x6db: {  	v7 =	vld [tilespmem:s15+$0x11813];
	v4 =	vadd.s32 v8, v4  }
0x6dc: {  	v8 =	vld [tilespmem:s15+$0x12014];
	v4 =	vadd.s32 v9, v4  }
0x6dd: {  	v9 =	vld [tilespmem:s15+$0x12815];
	[tilespmem:s12+$0x18080] =	vst v4;
	s12 =	smov.u32 s15  }
0x6de: {  	v4 =	vadd.s32 v10, v5;
	v5 =	vld [tilespmem:s12+$0x13016]  }
0x6df: {  	v4 =	vadd.s32 v6, v4;
	v6 =	vld [tilespmem:s12+$0x13817]  }
0x6e0: {  	v4 =	vadd.s32 v7, v4;
	v7 =	vld [tilespmem:s12+$0x14018]  }
0x6e1: {  	v4 =	vadd.s32 v8, v4;
	v8 =	vld [tilespmem:s12+$0x14819]  }
0x6e2: {  	v4 =	vadd.s32 v9, v4;
	v9 =	vld [tilespmem:s12+$0x1501A]  }
0x6e3: {  	v4 =	vadd.s32 v5, v4;
	v5 =	vld [tilespmem:s12+$0x1581B]  }
0x6e4: {  	v4 =	vadd.s32 v6, v4;
	v6 =	vld [tilespmem:s12+$0x1601C]  }
0x6e5: {  	v4 =	vadd.s32 v7, v4;
	v7 =	vld [tilespmem:s12+$0x1681D]  }
0x6e6: {  	v4 =	vadd.s32 v8, v4;
	v8 =	vld [tilespmem:s12+$0x1701E]  }
0x6e7: {  	v4 =	vadd.s32 v9, v4;
	v9 =	vld [tilespmem:s12+$0x1781F]  }
0x6e8: {  	v10 =	vld [tilespmem:s12+$0x10000];
	v4 =	vadd.s32 v5, v4  }
0x6e9: {  	v5 =	vld [tilespmem:s12+$0x10801];
	v4 =	vadd.s32 v6, v4  }
0x6ea: {  	v6 =	vld [tilespmem:s12+$0x11002];
	v4 =	vadd.s32 v7, v4  }
0x6eb: {  	v7 =	vld [tilespmem:s12+$0x11803];
	v4 =	vadd.s32 v8, v4  }
0x6ec: {  	v8 =	vld [tilespmem:s12+$0x12004];
	v4 =	vadd.s32 v9, v4  }
0x6ed: {  	v9 =	vld [tilespmem:s12+$0x12805];
	[tilespmem:s12+$0x18090] =	vst v4  }
0x6ee: {  	v4 =	vadd.s32 v10, v5;
	v10 =	vld [tilespmem:s12+$0x13006]  }
0x6ef: {  	v4 =	vadd.s32 v6, v4;
	v6 =	vld [tilespmem:s12+$0x13807]  }
0x6f0: {  	v4 =	vadd.s32 v7, v4;
	v7 =	vld [tilespmem:s12+$0x14008]  }
0x6f1: {  	v4 =	vadd.s32 v8, v4;
	v8 =	vld [tilespmem:s12+$0x14809]  }
.Ltmp36:
0x6f2: {  	v4 =	vadd.s32 v9, v4;
	v5 =	vld [tilespmem:s12+$0x1500A];
	(pc) =	sbr.rel @p1 .LBB2_74-.Ltmp36, $4  }
0x6f3: {  	v9 =	vadd.s32 v10, v4;
	v4 =	vld [tilespmem:s12+$0x1580B]  }
0x6f4: {  	v9 =	vadd.s32 v6, v9;
	v6 =	vld [tilespmem:s12+$0x1600C]  }
0x6f5: {  	v9 =	vadd.s32 v7, v9;
	v7 =	vld [tilespmem:s12+$0x1680D]  }
0x6f6: {  	s14 =	sadd.s32 $0x80, s14;
	v9 =	vadd.s32 v8, v9;
	v8 =	vld [tilespmem:s12+$0x1700E]  }
0x6f7: {  	v5 =	vadd.s32 v5, v9;
	v63 =	vld [tilespmem:s12+$0x1780F]  }
0x6f8: {  	v4 =	vadd.s32 v4, v5  }
0x6f9: {  	v4 =	vadd.s32 v6, v4  }
0x6fa: {  	v4 =	vadd.s32 v7, v4  }
0x6fb: {  	v4 =	vadd.s32 v8, v4  }
0x6fc: {  	v4 =	vadd.s32 v63, v4  }
0x6fd: {  	[tilespmem:s12+$0x18080] =	vst v4  }
0x6fe: {  	s12 =	rddreg [dreg:$0xb]  }
0x6ff: {  	[spmem:s12] =	stream.strided.scatter [tilespmem:s29], [sflag:$0x3], $0x800, s23, s22, $0x38;
	[tilespmem:$0x1C200] =	vst v63  }
0x700: {  	_ =	swait.ge [sflag:s21], $0x800  }
0x701: {  	[sflag:s21] =	ssyncset.done $0x0  }
0x702: {  	[sflag:s21] =	ssyncadd.s32 $0xFFFFF800  }
0x703: {  	s15 =	simm.s32 $0x0;
	[bflag:$0x0] =	sbarrier.arrive $0xFFFF  }
0x704: {  	[tilespmem:s31], [sflag:$0x3] =	stream.strided.gather [spmem:s17], $0x2000, s23, s30, $0x38;
	[tilespmem:$0x1C200] =	vst v63  }
0x705: {  	s13 =	sand.u32 $0x70, s15;
	s12 =	sand.u32 $0xE00, s15;
	_ =	swait.ge [sflag:s21], $0x2000  }
0x706: {  	s12 =	sor.u32 s13, s12;
	[sflag:s21] =	ssyncset.done $0x0  }
0x707: {  	s13 =	sadd.s32 $0x18900, s12;
	[sflag:s21] =	ssyncadd.s32 $0xFFFFE000  }
0x708: {  	v4 =	vld [tilespmem:s13+$0x80]  }
0x709: {  	v5 =	vld [tilespmem:s12+$0x18900]  }
0x70a: {  	v6 =	vld [tilespmem:s13+$0x100]  }
0x70b: {  	v7 =	vld [tilespmem:s13+$0x180];
	_ =	sdelay $0x2  }
0x70c: {  	s16 =	simm.s32 $0x10;
	s12 =	simm.s32 $0x40;
	v4 =	vadd.s32 v5, v4  }
0x70d: {  	s13 =	sand.u32 $0x70, s16;
	s14 =	sand.u32 $0xE00, s12;
	v4 =	vadd.s32 v6, v4  }
0x70e: {  	s15 =	simm.s32 $0x0;
	s14 =	sor.u32 s13, s14;
	s13 =	simm.s32 $0x20;
	v4 =	vadd.s32 v7, v4  }
.LBB2_76:
0x70f: {  	p1 =	sne.s32 s13, $0x3F0;
	s16 =	sadd.s32 $0x18900, s14;
	[tilespmem:s15+$0x18080] =	vst v4;
	s15 =	smov.u32 s12  }
0x710: {  	v4 =	vld [tilespmem:s16+$0x80]  }
0x711: {  	v5 =	vld [tilespmem:s14+$0x18900]  }
0x712: {  	v6 =	vld [tilespmem:s16+$0x100]  }
0x713: {  	v7 =	vld [tilespmem:s16+$0x180]  }
.Ltmp37:
0x714: {  	(pc) =	sbr.rel @p1 .LBB2_76-.Ltmp37, $4  }
0x715: {  	_ = 	snop  }
0x716: {  	s12 =	sadd.s32 $0x40, s12;
	v4 =	vadd.s32 v5, v4  }
0x717: {  	s14 =	sand.u32 $0x70, s13;
	s16 =	sand.u32 $0xE00, s12;
	v4 =	vadd.s32 v6, v4  }
0x718: {  	s15 =	sshra.s32 s15, $0x2;
	s13 =	sadd.s32 $0x10, s13;
	s14 =	sor.u32 s14, s16;
	v4 =	vadd.s32 v7, v4  }
0x719: {  	s13 =	sadd.s32 $0x18900, s14;
	[tilespmem:s15+$0x18080] =	vst v4  }
0x71a: {  	v4 =	vld [tilespmem:s13+$0x80]  }
0x71b: {  	v5 =	vld [tilespmem:s14+$0x18900]  }
0x71c: {  	v6 =	vld [tilespmem:s13+$0x100]  }
0x71d: {  	v7 =	vld [tilespmem:s13+$0x180]  }
0x71e: {  	v3 =	vxor.u32 $0x80000000, v3  }
0x71f: {  	(xrf0) =	vmax.scan.msk.u32 $0xffff, v3  }
0x720: {  	v3 =	vadd.s32 v5, v4  }
0x721: {  	v3 =	vadd.s32 v6, v3  }
0x722: {  	v3 =	vadd.s32 v7, v3;
	_ =	sdelay $0x1  }
0x723: {  	s12 =	sshra.s32 s12, $0x2  }
0x724: {  	s15 =	simm.s32 $0x0;
	[tilespmem:s12+$0x18080] =	vst v3;
	v3, _, _ =	vpop (xrf0)  }
0x725: {  	(v2sf) =	vpush v3, $0xF;
	v3 =	vld [tilespmem:s15+$0x18080];
	_ =	sdelay $0x4  }
0x726: {  	(xrf0) =	vadd.scan.msk.s32 $0xffff, v3;
	_ =	sdelay $0x5  }
0x727: {  	v4 =	vimm.s32 $0x0;
	v3, _, _ =	vpop (xrf0)  }
0x728: {  	v5 =	vadd.s32 v4, v3  }
0x729: {  	v3 =	vxor.u32 $0x80000000, v5  }
0x72a: {  	(xrf0) =	vmax.scan.msk.u32 $0xffff, v3;
	_ =	sdelay $0x5  }
0x72b: {  	s16 =	spop (v2sf);
	v6, _, _ =	vpop (xrf0)  }
0x72c: {  	s12 =	sxor.u32 $0x80000000, s16;
	(v2sf) =	vpush v6, $0xF  }
0x72d: {  	s0 =	ssub.s32 s0, s12  }
0x72e: {  	v3 =	vmov s0  }
0x72f: {  	vm0 =	vle.s32 v5, v3  }
0x730: {  	v5 =	vsel vm0, $0x1, v0  }
0x731: {  	s12 =	simm.s32 $0x10;
	s0 =	simm.s32 $0x80;
	v4 =	vadd.s32 v5, v4  }
.LBB2_78:
0x732: {  	p1 =	sne.s32 s0, $0xFC0;
	v5 =	vld [tilespmem:s12+$0x18080];
	_ =	sdelay $0x4  }
0x733: {  	(xrf0) =	vadd.scan.msk.s32 $0xffff, v5;
	_ =	sdelay $0x3  }
0x734: {  	s12 =	spop (v2sf)  }
0x735: {  	s12 =	sxor.u32 $0x80000000, s12  }
0x736: {  	v5, _, _ =	vpop (xrf0);
	v6 =	vmov s12  }
0x737: {  	v5 =	vadd.s32 v6, v5  }
0x738: {  	vm0 =	vle.s32 v5, v3;
	v5 =	vxor.u32 $0x80000000, v5  }
0x739: {  	v6 =	vsel vm0, $0x1, v0;
	(xrf0) =	vmax.scan.msk.u32 $0xffff, v5  }
0x73a: {  	v4 =	vadd.s32 v6, v4;
	_ =	sdelay $0x4  }
0x73b: {  	v5, _, _ =	vpop (xrf0)  }
0x73c: {  	(v2sf) =	vpush v5, $0xF  }
.Ltmp38:
0x73d: {  	(pc) =	sbr.rel @p1 .LBB2_78-.Ltmp38, $2  }
0x73e: {  	_ =	sdelay $0x2  }
0x73f: {  	s12 =	sshra.s32 s0, $0x2;
	s0 =	sadd.s32 $0x40, s0  }
0x740: {  	v5 =	vld [tilespmem:s12+$0x18080];
	_ =	sdelay $0x4  }
0x741: {  	(xrf0) =	vadd.scan.msk.s32 $0xffff, v5;
	_ =	sdelay $0x3  }
0x742: {  	s0 =	spop (v2sf)  }
0x743: {  	s0 =	sxor.u32 $0x80000000, s0  }
0x744: {  	v5, _, _ =	vpop (xrf0);
	v6 =	vmov s0  }
0x745: {  	v5 =	vadd.s32 v6, v5  }
0x746: {  	vm0 =	vle.s32 v5, v3  }
0x747: {  	v3 =	vxor.u32 $0x80000000, v5;
	v63 =	vsel vm0, $0x1, v0  }
0x748: {  	(xrf0) =	vmax.scan.msk.u32 $0xffff, v3;
	v3 =	vadd.s32 v63, v4  }
0x749: {  	(xrf0) =	vadd.scan.msk.s32 @!p0 $0xffff, v3;
	_ =	sdelay $0x4  }
0x74a: {  	v3, _, _ =	vpop (xrf0)  }
0x74b: {  	(v2sf) =	vpush v3, $0xF;
	v3, _, _ =	vpop @!p0 (xrf0)  }
0x74c: {  	(v2sf) =	vpush @!p0 v3, $0xF;
	_ =	sdelay $0xd  }
0x74d: {  	s0 =	sshll.u32 @!p0 s1, $0x15;
	s1 =	sshll.u32 @!p0 s20, $0xA;
	s16 =	spop (v2sf)  }
0x74e: {  	s0 =	sadd.s32 @!p0 s0, s1;
	s1 =	spop @!p0 (v2sf)  }
0x74f: {  	s0 =	sadd.s32 @!p0 s1, s0  }
0x750: {  	p1 =	slt.s32 @!p0 s0, $0x0  }
0x751: {  	s1 =	simm.s32 @!p0 $0x0;
	p1 =	por !p1, p0  }
0x752: {  	s1 =	simm.s32 @p1 $0x7FFFFFFF  }
0x753: {  	s0 =	sxor.u32 @!p0 s1, s0  }
0x754: {  	s0 =	sxor.u32 @!p0 $0x80000000, s0  }
0x755: {  	v3 =	vmov @!p0 s0  }
0x756: {  	v3 =	vbroadcast @!p0 v3, $0x0  }
0x757: {  	s2 =	sadd.s32 $0x1, s2  }
0x758: {  	p1 =	sne.s32 s2, s19;
	s1 =	simm.s32 @!p0 $0x1A980;
	s0 =	simm.s32 @!p0 $0x0;
	[tilespmem:$0x1A980] =	vst @!p0 v3  }
0x759: {  	[hbm4b:s18+s0] =	stream.linear.scatter @!p0 [tilespmem:s1], [sflag:$0x3], $0x80, $0x38;
	[tilespmem:$0x1C200] =	vst v63  }
.Ltmp39:
0x75a: {  	_ = 	snop;
	(pc) =	sbr.rel @p1 .LBB2_1-.Ltmp39, $4  }
0x75b: {  	s0 =	simm.s32 @!p0 $0x3  }
0x75c: {  	_ =	swait.ge @!p0 [sflag:s0], $0x80  }
0x75d: {  	[sflag:s0] =	ssyncset.done @!p0 $0x0  }
0x75e: {  	[sflag:s0] =	ssyncadd.s32 @!p0 $0xFFFFFF80  }
0x75f: {  	_ =	sfence.sel $0x180000  }
0x760: {  	[bflag:$0x0] =	sbarrier.arrive $0xFFFF  }
0x761: {  	_ =	strace $0x90000047  }
0x762: {  	s0 =	stileid.u32;
	[bflag:$0x2] =	sbarrier.arrive $0xFFFF  }
0x763: {  	p0 =	sne.s32 s0, $0x0;
	s0 =	rddreg [dreg:$0x6]  }
0x764: {  	s0 =	sadd.s32 @!p0 $0x100000, s0  }
0x765: {  	[sflag:s0] =	ssyncadd.tile.s32 @!p0 $0x1;
	_ =	shalt  }
.Lfunc_end2:
_tile_overlayer_lowered:
.L_overlay_start_2:
0x766: {  	(tag) =	ssettag $0x2  }
0x767: {  	s0 =	rddreg [dreg:$0x0];
	s2 =	stileid.u32  }
0x768: {  	s1 =	rddreg [dreg:$0x1];
	p0 =	sne.s32 s2, $0x0  }
0x769: {  	s3 =	rddreg [dreg:$0x2];
	[bflag:$0x3] =	sbarrier.arrive $0xFFFF;
	s2 =	simm.s32 @!p0 $0x1C03  }
0x76a: {  	[timem:s3], [sflag:s2] =	dma.local @!p0 [hbm:s0], s1  }
0x76b: {  	s0 =	simm.s32 @!p0 $0x3  }
0x76c: {  	_ =	swait.ge @!p0 [sflag:s0], s1  }
0x76d: {  	s1 =	ssub.s32 @!p0 $0x0, s1;
	[sflag:s0] =	ssyncset.done @!p0 $0x0  }
0x76e: {  	[sflag:s0] =	ssyncadd.s32 @!p0 s1  }
0x76f: {  	[bflag:$0x3] =	sbarrier.arrive $0xFFFF  }
0x770: {  	_ =	shalt  }

</sc_bundles>
